<compile_context>
chip_gen: v7x
topology: tpu7x:2x2x1
jax: 0.10.2.dev20260603
libtpu: 0.0.44.dev20260713+nightly
codegen_flags: <defaults>
</compile_context>

<pallas_src>
import functools

import jax
import jax.numpy as jnp
from jax import lax
from jax.experimental import pallas as pl
from jax.experimental.pallas import tpu as pltpu
from jax.experimental.pallas import tpu_sc as plsc

N = 10000
D = 128
HD = D // 2
NC = 2
NS = 16
NW = NC * NS
N_PAD = 10112
RPT = N_PAD // NS
CH = 128
E_PAD = 327680
NCHUNK_D = 80
NCHUNK_A = 160
G = 4
NGRP_D = NCHUNK_D // G
NGRP_A = NCHUNK_A // G

BM = 632
GRID_M = N_PAD // BM



def _sc_deg_body(dst_hbm, ones_hbm, zeros_hbm, out_hbm,
                 di0, di1, ones_v, acc_sh, id0, id1, s0, s1, s2, s3):
    c = lax.axis_index("c")
    s = lax.axis_index("s")
    wid = c * NS + s
    dib = (di0, di1)
    idsem = (id0, id1)
    ss = (s0, s1, s2, s3)
    tile_dst = dst_hbm.at[wid]
    pltpu.sync_copy(ones_hbm, ones_v)
    pltpu.sync_copy(zeros_hbm.at[pl.ds(s * RPT, RPT)],
                    acc_sh.at[pl.ds(s * RPT, RPT)])
    pltpu.sync_copy(tile_dst.at[pl.ds(0, G)], dib[0])
    pltpu.async_copy(tile_dst.at[pl.ds(G, G)], dib[1], idsem[1])
    plsc.subcore_barrier()

    def body(jp, carry):
        for k in range(2):
            jg = jp * 2 + k
            cur, nxt = k, 1 - k

            @pl.when(jg + 1 < NGRP_D)
            def _():
                pltpu.make_async_copy(tile_dst.at[pl.ds(0, G)],
                                      dib[nxt], idsem[nxt]).wait()

            for b in range(G):
                pltpu.async_copy(ones_v, acc_sh.at[dib[cur].at[b]],
                                 ss[b], add=True)
            for b in range(G):
                pltpu.make_async_copy(ones_v, acc_sh.at[dib[cur].at[0]],
                                      ss[b]).wait()

            @pl.when(jg + 2 < NGRP_D)
            def _(jg=jg, cur=cur):
                pltpu.async_copy(tile_dst.at[pl.ds((jg + 2) * G, G)],
                                 dib[cur], idsem[cur])
        return carry

    lax.fori_loop(0, NGRP_D // 2, body, 0)
    plsc.subcore_barrier()
    pltpu.sync_copy(acc_sh.at[pl.ds(s * RPT, RPT)],
                    out_hbm.at[pl.ds(c * N_PAD + s * RPT, RPT)])


_sc_deg = pl.kernel(
    _sc_deg_body,
    out_type=jax.ShapeDtypeStruct((NC * N_PAD, 16), jnp.float32),
    mesh=plsc.VectorSubcoreMesh(core_axis_name="c", subcore_axis_name="s"),
    scratch_types=[
        pltpu.VMEM((G, CH), jnp.int32),
        pltpu.VMEM((G, CH), jnp.int32),
        pltpu.VMEM((CH, 16), jnp.float32),
        pltpu.VMEM_SHARED((N_PAD, 16), jnp.float32),
        pltpu.SemaphoreType.DMA,
        pltpu.SemaphoreType.DMA,
        pltpu.SemaphoreType.DMA,
        pltpu.SemaphoreType.DMA,
        pltpu.SemaphoreType.DMA,
        pltpu.SemaphoreType.DMA,
    ],
    compiler_params=pltpu.CompilerParams(use_tc_tiling_on_sc=False),
)


def _sc_agg_body(y_hbm, src_hbm, dst_hbm, zeros_hbm, out_hbm,
                 si0, si1, di0, di1,
                 ra0, ra1, ra2, ra3, rb0, rb1, rb2, rb3, acc_sh,
                 is0, is1, id0, id1,
                 ga0, ga1, ga2, ga3, gb0, gb1, gb2, gb3,
                 sa0, sa1, sa2, sa3, sb0, sb1, sb2, sb3):
    c = lax.axis_index("c")
    s = lax.axis_index("s")
    sib = (si0, si1)
    dib = (di0, di1)
    isem = (is0, is1)
    idsem = (id0, id1)
    rows = ((ra0, ra1, ra2, ra3), (rb0, rb1, rb2, rb3))
    gsem = ((ga0, ga1, ga2, ga3), (gb0, gb1, gb2, gb3))
    ssem = ((sa0, sa1, sa2, sa3), (sb0, sb1, sb2, sb3))
    tile_src = src_hbm.at[c].at[s]
    tile_dst = dst_hbm.at[s]
    pltpu.sync_copy(zeros_hbm.at[pl.ds(s * RPT, RPT)],
                    acc_sh.at[pl.ds(s * RPT, RPT)])
    pltpu.sync_copy(tile_src.at[pl.ds(0, G)], sib[0])
    pltpu.sync_copy(tile_dst.at[pl.ds(0, G)], dib[0])
    pltpu.async_copy(tile_src.at[pl.ds(G, G)], sib[1], isem[1])
    plsc.subcore_barrier()

    for b in range(G):
        pltpu.async_copy(y_hbm.at[sib[0].at[b]], rows[0][b], gsem[0][b])

    def body(jp, carry):
        for k in range(2):
            jg = jp * 2 + k
            cur, nxt = k, 1 - k

            @pl.when(jg >= 1)
            def _():
                pltpu.make_async_copy(tile_dst.at[pl.ds(0, G)],
                                      dib[cur], idsem[cur]).wait()

            @pl.when(jg + 1 < NGRP_A)
            def _():
                pltpu.make_async_copy(tile_src.at[pl.ds(0, G)],
                                      sib[nxt], isem[nxt]).wait()

            for b in range(G):
                pltpu.make_async_copy(y_hbm.at[sib[cur].at[b]],
                                      rows[k][b], gsem[k][b]).wait()
                pltpu.async_copy(rows[k][b], acc_sh.at[dib[cur].at[b]],
                                 ssem[k][b], add=True)

                @pl.when(jg >= 1)
                def _(b=b):
                    pltpu.make_async_copy(rows[nxt][b],
                                          acc_sh.at[dib[cur].at[0]],
                                          ssem[nxt][b]).wait()

                @pl.when(jg + 1 < NGRP_A)
                def _(b=b):
                    pltpu.async_copy(y_hbm.at[sib[nxt].at[b]],
                                     rows[nxt][b], gsem[nxt][b])

            @pl.when(jg + 2 < NGRP_A)
            def _(jg=jg, cur=cur):
                pltpu.async_copy(tile_src.at[pl.ds((jg + 2) * G, G)],
                                 sib[cur], isem[cur])

            @pl.when(jg + 1 < NGRP_A)
            def _(jg=jg, nxt=nxt):
                pltpu.async_copy(tile_dst.at[pl.ds((jg + 1) * G, G)],
                                 dib[nxt], idsem[nxt])
        return carry

    lax.fori_loop(0, NGRP_A // 2, body, 0)
    for b in range(G):
        pltpu.make_async_copy(rows[1][b], acc_sh.at[dib[0].at[0]],
                              ssem[1][b]).wait()
    plsc.subcore_barrier()
    pltpu.sync_copy(acc_sh.at[pl.ds(s * RPT, RPT)],
                    out_hbm.at[pl.ds(c * N_PAD + s * RPT, RPT)])


_sc_agg = pl.kernel(
    _sc_agg_body,
    out_type=jax.ShapeDtypeStruct((NC * N_PAD, HD), jnp.float32),
    mesh=plsc.VectorSubcoreMesh(core_axis_name="c", subcore_axis_name="s"),
    scratch_types=[
        pltpu.VMEM((G, CH), jnp.int32),
        pltpu.VMEM((G, CH), jnp.int32),
        pltpu.VMEM((G, CH), jnp.int32),
        pltpu.VMEM((G, CH), jnp.int32),
        pltpu.VMEM((CH, HD), jnp.float32),
        pltpu.VMEM((CH, HD), jnp.float32),
        pltpu.VMEM((CH, HD), jnp.float32),
        pltpu.VMEM((CH, HD), jnp.float32),
        pltpu.VMEM((CH, HD), jnp.float32),
        pltpu.VMEM((CH, HD), jnp.float32),
        pltpu.VMEM((CH, HD), jnp.float32),
        pltpu.VMEM((CH, HD), jnp.float32),
        pltpu.VMEM_SHARED((N_PAD, HD), jnp.float32),
        pltpu.SemaphoreType.DMA,
        pltpu.SemaphoreType.DMA,
        pltpu.SemaphoreType.DMA,
        pltpu.SemaphoreType.DMA,
        pltpu.SemaphoreType.DMA,
        pltpu.SemaphoreType.DMA,
        pltpu.SemaphoreType.DMA,
        pltpu.SemaphoreType.DMA,
        pltpu.SemaphoreType.DMA,
        pltpu.SemaphoreType.DMA,
        pltpu.SemaphoreType.DMA,
        pltpu.SemaphoreType.DMA,
        pltpu.SemaphoreType.DMA,
        pltpu.SemaphoreType.DMA,
        pltpu.SemaphoreType.DMA,
        pltpu.SemaphoreType.DMA,
        pltpu.SemaphoreType.DMA,
        pltpu.SemaphoreType.DMA,
        pltpu.SemaphoreType.DMA,
        pltpu.SemaphoreType.DMA,
    ],
    compiler_params=pltpu.CompilerParams(use_tc_tiling_on_sc=False),
)



def _dis_block(d0_ref, d1_ref):
    return lax.rsqrt(d0_ref[...][:, 0:1] + d1_ref[...][:, 0:1] + 1.0)


def _tc_l1_body(x_ref, w_ref, d0_ref, d1_ref, y_ref):
    dis = _dis_block(d0_ref, d1_ref)
    y_ref[...] = dis * jnp.dot(x_ref[...], w_ref[...],
                               preferred_element_type=jnp.float32)


def _tc_mid_body(alo_ref, ahi_ref, yp_ref, d0_ref, d1_ref, b_ref, w_ref,
                 y_ref):
    dis = _dis_block(d0_ref, d1_ref)
    agg = jnp.concatenate([alo_ref[...], ahi_ref[...]], axis=1)
    pre = dis * (agg + yp_ref[...]) + b_ref[...]
    h = jax.nn.sigmoid(pre)
    y_ref[...] = dis * jnp.dot(h, w_ref[...],
                               preferred_element_type=jnp.float32)


def _tc_fin_body(alo_ref, ahi_ref, yp_ref, d0_ref, d1_ref, b_ref, out_ref):
    dis = _dis_block(d0_ref, d1_ref)
    agg = jnp.concatenate([alo_ref[...], ahi_ref[...]], axis=1)
    out_ref[...] = dis * (agg + yp_ref[...]) + b_ref[...]


_row_spec = pl.BlockSpec((BM, D), lambda m: (m, 0))
_alo_spec = pl.BlockSpec((BM, HD), lambda m: (m, 0))
_ahi_spec = pl.BlockSpec((BM, HD), lambda m: (GRID_M + m, 0))
_deg_spec = pl.BlockSpec((BM, 16), lambda m: (m, 0))
_w_spec = pl.BlockSpec((D, D), lambda m: (0, 0))
_b_spec = pl.BlockSpec((1, D), lambda m: (0, 0))
_out_sds = jax.ShapeDtypeStruct((N_PAD, D), jnp.float32)

_tc_l1 = pl.pallas_call(
    _tc_l1_body,
    grid=(GRID_M,),
    in_specs=[_row_spec, _w_spec, _deg_spec, _deg_spec],
    out_specs=_row_spec,
    out_shape=_out_sds,
)

_tc_mid = pl.pallas_call(
    _tc_mid_body,
    grid=(GRID_M,),
    in_specs=[_alo_spec, _ahi_spec, _row_spec, _deg_spec, _deg_spec,
              _b_spec, _w_spec],
    out_specs=_row_spec,
    out_shape=_out_sds,
)

_tc_fin = pl.pallas_call(
    _tc_fin_body,
    grid=(GRID_M,),
    in_specs=[_alo_spec, _ahi_spec, _row_spec, _deg_spec, _deg_spec, _b_spec],
    out_specs=_row_spec,
    out_shape=_out_sds,
)



def kernel(x, edge_index, edge_attr, W1, b1, W2, b2, W3, b3):
    src = edge_index[0].astype(jnp.int32)
    dst = edge_index[1].astype(jnp.int32)
    pad = E_PAD - src.shape[0]
    ar = jnp.arange(pad, dtype=jnp.int32)
    src_f = jnp.concatenate([src, ar % N])
    dst_f = jnp.concatenate([dst, N + (ar % (N_PAD - N))])
    dst_deg = dst_f.reshape(NW, NCHUNK_D, CH)
    src2 = src_f * 2
    srcx = jnp.stack([src2, src2 + 1]).reshape(NC, NS, NCHUNK_A, CH)
    dstx = dst_f.reshape(NS, NCHUNK_A, CH)

    ones16 = jnp.ones((CH, 16), jnp.float32)
    zeros16 = jnp.zeros((N_PAD, 16), jnp.float32)
    zerosH = jnp.zeros((N_PAD, HD), jnp.float32)
    x_pad = jnp.concatenate(
        [x, jnp.zeros((N_PAD - N, D), jnp.float32)], axis=0)

    degp = _sc_deg(dst_deg, ones16, zeros16)
    deg0 = degp[:N_PAD]
    deg1 = degp[N_PAD:]

    b1r = b1.reshape(1, D)
    b2r = b2.reshape(1, D)
    b3r = b3.reshape(1, D)

    y1 = _tc_l1(x_pad, W1, deg0, deg1)
    acc = _sc_agg(y1.reshape(NC * N_PAD, HD), srcx, dstx, zerosH)
    y2 = _tc_mid(acc, acc, y1, deg0, deg1, b1r, W2)
    acc = _sc_agg(y2.reshape(NC * N_PAD, HD), srcx, dstx, zerosH)
    y3 = _tc_mid(acc, acc, y2, deg0, deg1, b2r, W3)
    acc = _sc_agg(y3.reshape(NC * N_PAD, HD), srcx, dstx, zerosH)
    out = _tc_fin(acc, acc, y3, deg0, deg1, b3r)
    return out[:N]

# --- scband reference (transcript-rebuilt; emitter-appended) ---
"""Pipeline reference for scband-gcn-90718299226513 (READ-ONLY COPY).

The authoritative reference and input builder live on the scoring server;
editing this copy changes nothing except your own understanding.
"""

import jax, jax.numpy as jnp
import numpy as np

N_NODES = 10000
N_EDGES = 320000
D_IN = 128
D_HID = 128
D_OUT = 128
D_EDGE = 16


def gcn_conv(x, edge_index, W, b):
    # Faithful PyG-style GCNConv: add self-loops, symmetric normalization,
    # linear transform, scatter-add aggregation, bias.
    num_nodes = x.shape[0]
    src = edge_index[0]
    dst = edge_index[1]
    loop = jnp.arange(num_nodes, dtype=src.dtype)
    src = jnp.concatenate([src, loop])
    dst = jnp.concatenate([dst, loop])
    ones = jnp.ones(src.shape[0], dtype=x.dtype)
    deg = jnp.zeros((num_nodes,), dtype=x.dtype).at[dst].add(ones)
    deg_inv_sqrt = jnp.where(deg > 0, 1.0 / jnp.sqrt(deg), 0.0)
    norm = deg_inv_sqrt[src] * deg_inv_sqrt[dst]
    xw = x @ W
    msg = xw[src] * norm[:, None]
    out = jnp.zeros((num_nodes, W.shape[1]), dtype=x.dtype).at[dst].add(msg)
    return out + b


def setup_inputs(seed: int = 0) -> dict:
    key = jax.random.key(seed)
    ks = jax.random.split(key, 9)
    x = jax.random.normal(ks[0], (N_NODES, D_IN), dtype=jnp.float32)
    edge_index = jax.random.randint(ks[1], (2, N_EDGES), 0, N_NODES, dtype=jnp.int64)
    edge_attr = jax.random.normal(ks[2], (N_EDGES, D_EDGE), dtype=jnp.float32)
    s1 = 1.0 / np.sqrt(D_IN)
    s2 = 1.0 / np.sqrt(D_HID)
    W1 = jax.random.uniform(ks[3], (D_IN, D_HID), minval=-s1, maxval=s1, dtype=jnp.float32)
    b1 = jnp.zeros((D_HID,), dtype=jnp.float32)
    W2 = jax.random.uniform(ks[4], (D_HID, D_HID), minval=-s2, maxval=s2, dtype=jnp.float32)
    b2 = jnp.zeros((D_HID,), dtype=jnp.float32)
    W3 = jax.random.uniform(ks[5], (D_HID, D_OUT), minval=-s2, maxval=s2, dtype=jnp.float32)
    b3 = jnp.zeros((D_OUT,), dtype=jnp.float32)
    return {"x": x, "edge_index": edge_index, "edge_attr": edge_attr,
            "W1": W1, "b1": b1, "W2": W2, "b2": b2, "W3": W3, "b3": b3}


def reference(x, edge_index, edge_attr, W1, b1, W2, b2, W3, b3):
    # edge_attr is accepted by the original forward signature but unused.
    h = gcn_conv(x, edge_index, W1, b1)
    h = jax.nn.sigmoid(h)
    h = gcn_conv(h, edge_index, W2, b2)
    h = jax.nn.sigmoid(h)
    h = gcn_conv(h, edge_index, W3, b3)
    return h

if __name__ == "__main__":
    import jax
    _d = setup_inputs()
    print(jax.jit(kernel)(*tuple(_d.values())))

</pallas_src>

<mosaic_0001>
#map = affine_map<(d0, d1) -> (0, 0)>
#map1 = affine_map<(d0, d1) -> (0, 0, 0, 0)>
#map2 = affine_map<(d0, d1) -> (0, 0, 0)>
module attributes {stable_mosaic.version = 14 : i64} {
  func.func @_sc_agg_body(%arg0: i32, %arg1: i32, %arg2: memref<20224x64xf32, #tpu.memory_space<hbm>>, %arg3: memref<2x16x160x128xi32, #tpu.memory_space<hbm>>, %arg4: memref<16x160x128xi32, #tpu.memory_space<hbm>>, %arg5: memref<10112x64xf32, #tpu.memory_space<hbm>>, %arg6: memref<20224x64xf32, #tpu.memory_space<hbm>>, %arg7: memref<4x128xi32, #tpu.memory_space<vmem>>, %arg8: memref<4x128xi32, #tpu.memory_space<vmem>>, %arg9: memref<4x128xi32, #tpu.memory_space<vmem>>, %arg10: memref<4x128xi32, #tpu.memory_space<vmem>>, %arg11: memref<128x64xf32, #tpu.memory_space<vmem>>, %arg12: memref<128x64xf32, #tpu.memory_space<vmem>>, %arg13: memref<128x64xf32, #tpu.memory_space<vmem>>, %arg14: memref<128x64xf32, #tpu.memory_space<vmem>>, %arg15: memref<128x64xf32, #tpu.memory_space<vmem>>, %arg16: memref<128x64xf32, #tpu.memory_space<vmem>>, %arg17: memref<128x64xf32, #tpu.memory_space<vmem>>, %arg18: memref<128x64xf32, #tpu.memory_space<vmem>>, %arg19: memref<10112x64xf32, #tpu.memory_space<vmem_shared>>, %arg20: memref<!tpu.dma_semaphore, #tpu.memory_space<semaphore_mem>>, %arg21: memref<!tpu.dma_semaphore, #tpu.memory_space<semaphore_mem>>, %arg22: memref<!tpu.dma_semaphore, #tpu.memory_space<semaphore_mem>>, %arg23: memref<!tpu.dma_semaphore, #tpu.memory_space<semaphore_mem>>, %arg24: memref<!tpu.dma_semaphore, #tpu.memory_space<semaphore_mem>>, %arg25: memref<!tpu.dma_semaphore, #tpu.memory_space<semaphore_mem>>, %arg26: memref<!tpu.dma_semaphore, #tpu.memory_space<semaphore_mem>>, %arg27: memref<!tpu.dma_semaphore, #tpu.memory_space<semaphore_mem>>, %arg28: memref<!tpu.dma_semaphore, #tpu.memory_space<semaphore_mem>>, %arg29: memref<!tpu.dma_semaphore, #tpu.memory_space<semaphore_mem>>, %arg30: memref<!tpu.dma_semaphore, #tpu.memory_space<semaphore_mem>>, %arg31: memref<!tpu.dma_semaphore, #tpu.memory_space<semaphore_mem>>, %arg32: memref<!tpu.dma_semaphore, #tpu.memory_space<semaphore_mem>>, %arg33: memref<!tpu.dma_semaphore, #tpu.memory_space<semaphore_mem>>, %arg34: memref<!tpu.dma_semaphore, #tpu.memory_space<semaphore_mem>>, %arg35: memref<!tpu.dma_semaphore, #tpu.memory_space<semaphore_mem>>, %arg36: memref<!tpu.dma_semaphore, #tpu.memory_space<semaphore_mem>>, %arg37: memref<!tpu.dma_semaphore, #tpu.memory_space<semaphore_mem>>, %arg38: memref<!tpu.dma_semaphore, #tpu.memory_space<semaphore_mem>>, %arg39: memref<!tpu.dma_semaphore, #tpu.memory_space<semaphore_mem>>) attributes {dimension_semantics = [#tpu.dimension_semantics<core_parallel>, #tpu.dimension_semantics<subcore_parallel>], iteration_bounds = array<i64: 2, 16>, scalar_prefetch = 0 : i64, scratch_operands = 33 : i64, tpu.core_type = #tpu.core_type<sc_vector_subcore>, window_params = [{transform_indices = #map}, {transform_indices = #map1}, {transform_indices = #map2}, {transform_indices = #map}, {transform_indices = #map}]} {
    %mul3A = arith.constant 632 : i32
    %mul3A_0 = arith.muli %arg1, %mul3A : i32
    %mul3A_1 = arith.constant 632 : i32
    %mul3A_2 = arith.muli %arg1, %mul3A_1 : i32
    "tpu.region"() ({
      %run_scoped3A = tpu.sem_alloc : memref<!tpu.dma_semaphore, #tpu.memory_space<semaphore_mem>>
      %dma_start3A_93 = arith.constant 0 : i32
      %dma_start3A_94 = tpu.memref_slice %arg19[%mul3A_2, %dma_start3A_93] : memref<10112x64xf32, #tpu.memory_space<vmem_shared>> -> memref<632x64xf32, #tpu.memory_space<vmem_shared>>
      %dma_start3A_95 = arith.constant 0 : i32
      %dma_start3A_96 = tpu.memref_slice %arg5[%mul3A_0, %dma_start3A_95] : memref<10112x64xf32, #tpu.memory_space<hbm>> -> memref<632x64xf32, #tpu.memory_space<hbm>>
      tpu.enqueue_dma source(%dma_start3A_96 : memref<632x64xf32, #tpu.memory_space<hbm>>) target(%dma_start3A_94 : memref<632x64xf32, #tpu.memory_space<vmem_shared>>) target_semaphore(%run_scoped3A : memref<!tpu.dma_semaphore, #tpu.memory_space<semaphore_mem>>)
      %dma_wait3A_97 = arith.constant 0 : i32
      %dma_wait3A_98 = tpu.memref_slice %arg19[%mul3A_2, %dma_wait3A_97] : memref<10112x64xf32, #tpu.memory_space<vmem_shared>> -> memref<632x64xf32, #tpu.memory_space<vmem_shared>>
      %dma_wait3A_99 = arith.constant 0 : i32
      %dma_wait3A_100 = tpu.memref_slice %arg5[%mul3A_0, %dma_wait3A_99] : memref<10112x64xf32, #tpu.memory_space<hbm>> -> memref<632x64xf32, #tpu.memory_space<hbm>>
      tpu.wait_dma2 semaphore(%run_scoped3A : memref<!tpu.dma_semaphore, #tpu.memory_space<semaphore_mem>>) src(%dma_wait3A_100 : memref<632x64xf32, #tpu.memory_space<hbm>>) dst(%dma_wait3A_98 : memref<632x64xf32, #tpu.memory_space<vmem_shared>>)
      tpu.yield
    }) : () -> ()
    "tpu.region"() ({
      %run_scoped3A = tpu.sem_alloc : memref<!tpu.dma_semaphore, #tpu.memory_space<semaphore_mem>>
      %dma_start3A_93 = arith.constant 0 : i32
      %dma_start3A_94 = arith.constant 0 : i32
      %dma_start3A_95 = arith.constant 0 : i32
      %dma_start3A_96 = tpu.memref_slice %arg3[%arg0, %dma_start3A_93, %dma_start3A_94, %dma_start3A_95] : memref<2x16x160x128xi32, #tpu.memory_space<hbm>> -> memref<1x16x160x128xi32, #tpu.memory_space<hbm>>
      %dma_start3A_97 = tpu.memref_squeeze %dma_start3A_96 : memref<1x16x160x128xi32, #tpu.memory_space<hbm>> -> memref<16x160x128xi32, #tpu.memory_space<hbm>>
      %dma_start3A_98 = arith.constant 0 : i32
      %dma_start3A_99 = arith.constant 0 : i32
      %dma_start3A_100 = tpu.memref_slice %dma_start3A_97[%arg1, %dma_start3A_98, %dma_start3A_99] : memref<16x160x128xi32, #tpu.memory_space<hbm>> -> memref<1x160x128xi32, #tpu.memory_space<hbm>>
      %dma_start3A_101 = tpu.memref_squeeze %dma_start3A_100 : memref<1x160x128xi32, #tpu.memory_space<hbm>> -> memref<160x128xi32, #tpu.memory_space<hbm>>
      %dma_start3A_102 = arith.constant 0 : i32
      %dma_start3A_103 = arith.constant 0 : i32
      %dma_start3A_104 = tpu.memref_slice %dma_start3A_101[%dma_start3A_102, %dma_start3A_103] : memref<160x128xi32, #tpu.memory_space<hbm>> -> memref<4x128xi32, #tpu.memory_space<hbm>>
      %dma_start3A_105 = arith.constant 0 : i32
      %dma_start3A_106 = arith.constant 0 : i32
      %dma_start3A_107 = arith.constant 0 : i32
      %dma_start3A_108 = tpu.memref_slice %arg3[%arg0, %dma_start3A_105, %dma_start3A_106, %dma_start3A_107] : memref<2x16x160x128xi32, #tpu.memory_space<hbm>> -> memref<1x16x160x128xi32, #tpu.memory_space<hbm>>
      %dma_start3A_109 = tpu.memref_squeeze %dma_start3A_108 : memref<1x16x160x128xi32, #tpu.memory_space<hbm>> -> memref<16x160x128xi32, #tpu.memory_space<hbm>>
      %dma_start3A_110 = arith.constant 0 : i32
      %dma_start3A_111 = arith.constant 0 : i32
      %dma_start3A_112 = tpu.memref_slice %dma_start3A_109[%arg1, %dma_start3A_110, %dma_start3A_111] : memref<16x160x128xi32, #tpu.memory_space<hbm>> -> memref<1x160x128xi32, #tpu.memory_space<hbm>>
      %dma_start3A_113 = tpu.memref_squeeze %dma_start3A_112 : memref<1x160x128xi32, #tpu.memory_space<hbm>> -> memref<160x128xi32, #tpu.memory_space<hbm>>
      %dma_start3A_114 = arith.constant 0 : i32
      %dma_start3A_115 = arith.constant 0 : i32
      %dma_start3A_116 = tpu.memref_slice %dma_start3A_113[%dma_start3A_114, %dma_start3A_115] : memref<160x128xi32, #tpu.memory_space<hbm>> -> memref<4x128xi32, #tpu.memory_space<hbm>>
      tpu.enqueue_dma source(%dma_start3A_116 : memref<4x128xi32, #tpu.memory_space<hbm>>) target(%arg7 : memref<4x128xi32, #tpu.memory_space<vmem>>) target_semaphore(%run_scoped3A : memref<!tpu.dma_semaphore, #tpu.memory_space<semaphore_mem>>)
      %dma_wait3A_117 = arith.constant 0 : i32
      %dma_wait3A_118 = arith.constant 0 : i32
      %dma_wait3A_119 = arith.constant 0 : i32
      %dma_wait3A_120 = tpu.memref_slice %arg3[%arg0, %dma_wait3A_117, %dma_wait3A_118, %dma_wait3A_119] : memref<2x16x160x128xi32, #tpu.memory_space<hbm>> -> memref<1x16x160x128xi32, #tpu.memory_space<hbm>>
      %dma_wait3A_121 = tpu.memref_squeeze %dma_wait3A_120 : memref<1x16x160x128xi32, #tpu.memory_space<hbm>> -> memref<16x160x128xi32, #tpu.memory_space<hbm>>
      %dma_wait3A_122 = arith.constant 0 : i32
      %dma_wait3A_123 = arith.constant 0 : i32
      %dma_wait3A_124 = tpu.memref_slice %dma_wait3A_121[%arg1, %dma_wait3A_122, %dma_wait3A_123] : memref<16x160x128xi32, #tpu.memory_space<hbm>> -> memref<1x160x128xi32, #tpu.memory_space<hbm>>
      %dma_wait3A_125 = tpu.memref_squeeze %dma_wait3A_124 : memref<1x160x128xi32, #tpu.memory_space<hbm>> -> memref<160x128xi32, #tpu.memory_space<hbm>>
      %dma_wait3A_126 = arith.constant 0 : i32
      %dma_wait3A_127 = arith.constant 0 : i32
      %dma_wait3A_128 = tpu.memref_slice %dma_wait3A_125[%dma_wait3A_126, %dma_wait3A_127] : memref<160x128xi32, #tpu.memory_space<hbm>> -> memref<4x128xi32, #tpu.memory_space<hbm>>
      %dma_wait3A_129 = arith.constant 0 : i32
      %dma_wait3A_130 = arith.constant 0 : i32
      %dma_wait3A_131 = arith.constant 0 : i32
      %dma_wait3A_132 = tpu.memref_slice %arg3[%arg0, %dma_wait3A_129, %dma_wait3A_130, %dma_wait3A_131] : memref<2x16x160x128xi32, #tpu.memory_space<hbm>> -> memref<1x16x160x128xi32, #tpu.memory_space<hbm>>
      %dma_wait3A_133 = tpu.memref_squeeze %dma_wait3A_132 : memref<1x16x160x128xi32, #tpu.memory_space<hbm>> -> memref<16x160x128xi32, #tpu.memory_space<hbm>>
      %dma_wait3A_134 = arith.constant 0 : i32
      %dma_wait3A_135 = arith.constant 0 : i32
      %dma_wait3A_136 = tpu.memref_slice %dma_wait3A_133[%arg1, %dma_wait3A_134, %dma_wait3A_135] : memref<16x160x128xi32, #tpu.memory_space<hbm>> -> memref<1x160x128xi32, #tpu.memory_space<hbm>>
      %dma_wait3A_137 = tpu.memref_squeeze %dma_wait3A_136 : memref<1x160x128xi32, #tpu.memory_space<hbm>> -> memref<160x128xi32, #tpu.memory_space<hbm>>
      %dma_wait3A_138 = arith.constant 0 : i32
      %dma_wait3A_139 = arith.constant 0 : i32
      %dma_wait3A_140 = tpu.memref_slice %dma_wait3A_137[%dma_wait3A_138, %dma_wait3A_139] : memref<160x128xi32, #tpu.memory_space<hbm>> -> memref<4x128xi32, #tpu.memory_space<hbm>>
      tpu.wait_dma2 semaphore(%run_scoped3A : memref<!tpu.dma_semaphore, #tpu.memory_space<semaphore_mem>>) src(%dma_wait3A_140 : memref<4x128xi32, #tpu.memory_space<hbm>>) dst(%arg7 : memref<4x128xi32, #tpu.memory_space<vmem>>)
      tpu.yield
    }) : () -> ()
    "tpu.region"() ({
      %run_scoped3A = tpu.sem_alloc : memref<!tpu.dma_semaphore, #tpu.memory_space<semaphore_mem>>
      %dma_start3A_93 = arith.constant 0 : i32
      %dma_start3A_94 = arith.constant 0 : i32
      %dma_start3A_95 = tpu.memref_slice %arg4[%arg1, %dma_start3A_93, %dma_start3A_94] : memref<16x160x128xi32, #tpu.memory_space<hbm>> -> memref<1x160x128xi32, #tpu.memory_space<hbm>>
      %dma_start3A_96 = tpu.memref_squeeze %dma_start3A_95 : memref<1x160x128xi32, #tpu.memory_space<hbm>> -> memref<160x128xi32, #tpu.memory_space<hbm>>
      %dma_start3A_97 = arith.constant 0 : i32
      %dma_start3A_98 = arith.constant 0 : i32
      %dma_start3A_99 = tpu.memref_slice %dma_start3A_96[%dma_start3A_97, %dma_start3A_98] : memref<160x128xi32, #tpu.memory_space<hbm>> -> memref<4x128xi32, #tpu.memory_space<hbm>>
      %dma_start3A_100 = arith.constant 0 : i32
      %dma_start3A_101 = arith.constant 0 : i32
      %dma_start3A_102 = tpu.memref_slice %arg4[%arg1, %dma_start3A_100, %dma_start3A_101] : memref<16x160x128xi32, #tpu.memory_space<hbm>> -> memref<1x160x128xi32, #tpu.memory_space<hbm>>
      %dma_start3A_103 = tpu.memref_squeeze %dma_start3A_102 : memref<1x160x128xi32, #tpu.memory_space<hbm>> -> memref<160x128xi32, #tpu.memory_space<hbm>>
      %dma_start3A_104 = arith.constant 0 : i32
      %dma_start3A_105 = arith.constant 0 : i32
      %dma_start3A_106 = tpu.memref_slice %dma_start3A_103[%dma_start3A_104, %dma_start3A_105] : memref<160x128xi32, #tpu.memory_space<hbm>> -> memref<4x128xi32, #tpu.memory_space<hbm>>
      tpu.enqueue_dma source(%dma_start3A_106 : memref<4x128xi32, #tpu.memory_space<hbm>>) target(%arg9 : memref<4x128xi32, #tpu.memory_space<vmem>>) target_semaphore(%run_scoped3A : memref<!tpu.dma_semaphore, #tpu.memory_space<semaphore_mem>>)
      %dma_wait3A_107 = arith.constant 0 : i32
      %dma_wait3A_108 = arith.constant 0 : i32
      %dma_wait3A_109 = tpu.memref_slice %arg4[%arg1, %dma_wait3A_107, %dma_wait3A_108] : memref<16x160x128xi32, #tpu.memory_space<hbm>> -> memref<1x160x128xi32, #tpu.memory_space<hbm>>
      %dma_wait3A_110 = tpu.memref_squeeze %dma_wait3A_109 : memref<1x160x128xi32, #tpu.memory_space<hbm>> -> memref<160x128xi32, #tpu.memory_space<hbm>>
      %dma_wait3A_111 = arith.constant 0 : i32
      %dma_wait3A_112 = arith.constant 0 : i32
      %dma_wait3A_113 = tpu.memref_slice %dma_wait3A_110[%dma_wait3A_111, %dma_wait3A_112] : memref<160x128xi32, #tpu.memory_space<hbm>> -> memref<4x128xi32, #tpu.memory_space<hbm>>
      %dma_wait3A_114 = arith.constant 0 : i32
      %dma_wait3A_115 = arith.constant 0 : i32
      %dma_wait3A_116 = tpu.memref_slice %arg4[%arg1, %dma_wait3A_114, %dma_wait3A_115] : memref<16x160x128xi32, #tpu.memory_space<hbm>> -> memref<1x160x128xi32, #tpu.memory_space<hbm>>
      %dma_wait3A_117 = tpu.memref_squeeze %dma_wait3A_116 : memref<1x160x128xi32, #tpu.memory_space<hbm>> -> memref<160x128xi32, #tpu.memory_space<hbm>>
      %dma_wait3A_118 = arith.constant 0 : i32
      %dma_wait3A_119 = arith.constant 0 : i32
      %dma_wait3A_120 = tpu.memref_slice %dma_wait3A_117[%dma_wait3A_118, %dma_wait3A_119] : memref<160x128xi32, #tpu.memory_space<hbm>> -> memref<4x128xi32, #tpu.memory_space<hbm>>
      tpu.wait_dma2 semaphore(%run_scoped3A : memref<!tpu.dma_semaphore, #tpu.memory_space<semaphore_mem>>) src(%dma_wait3A_120 : memref<4x128xi32, #tpu.memory_space<hbm>>) dst(%arg9 : memref<4x128xi32, #tpu.memory_space<vmem>>)
      tpu.yield
    }) : () -> ()
    %dma_start3A = arith.constant 0 : i32
    %dma_start3A_3 = arith.constant 0 : i32
    %dma_start3A_4 = arith.constant 0 : i32
    %dma_start3A_5 = tpu.memref_slice %arg3[%arg0, %dma_start3A, %dma_start3A_3, %dma_start3A_4] : memref<2x16x160x128xi32, #tpu.memory_space<hbm>> -> memref<1x16x160x128xi32, #tpu.memory_space<hbm>>
    %dma_start3A_6 = tpu.memref_squeeze %dma_start3A_5 : memref<1x16x160x128xi32, #tpu.memory_space<hbm>> -> memref<16x160x128xi32, #tpu.memory_space<hbm>>
    %dma_start3A_7 = arith.constant 0 : i32
    %dma_start3A_8 = arith.constant 0 : i32
    %dma_start3A_9 = tpu.memref_slice %dma_start3A_6[%arg1, %dma_start3A_7, %dma_start3A_8] : memref<16x160x128xi32, #tpu.memory_space<hbm>> -> memref<1x160x128xi32, #tpu.memory_space<hbm>>
    %dma_start3A_10 = tpu.memref_squeeze %dma_start3A_9 : memref<1x160x128xi32, #tpu.memory_space<hbm>> -> memref<160x128xi32, #tpu.memory_space<hbm>>
    %dma_start3A_11 = arith.constant 4 : i32
    %dma_start3A_12 = arith.constant 0 : i32
    %dma_start3A_13 = tpu.memref_slice %dma_start3A_10[%dma_start3A_11, %dma_start3A_12] : memref<160x128xi32, #tpu.memory_space<hbm>> -> memref<4x128xi32, #tpu.memory_space<hbm>>
    %dma_start3A_14 = arith.constant 0 : i32
    %dma_start3A_15 = arith.constant 0 : i32
    %dma_start3A_16 = arith.constant 0 : i32
    %dma_start3A_17 = tpu.memref_slice %arg3[%arg0, %dma_start3A_14, %dma_start3A_15, %dma_start3A_16] : memref<2x16x160x128xi32, #tpu.memory_space<hbm>> -> memref<1x16x160x128xi32, #tpu.memory_space<hbm>>
    %dma_start3A_18 = tpu.memref_squeeze %dma_start3A_17 : memref<1x16x160x128xi32, #tpu.memory_space<hbm>> -> memref<16x160x128xi32, #tpu.memory_space<hbm>>
    %dma_start3A_19 = arith.constant 0 : i32
    %dma_start3A_20 = arith.constant 0 : i32
    %dma_start3A_21 = tpu.memref_slice %dma_start3A_18[%arg1, %dma_start3A_19, %dma_start3A_20] : memref<16x160x128xi32, #tpu.memory_space<hbm>> -> memref<1x160x128xi32, #tpu.memory_space<hbm>>
    %dma_start3A_22 = tpu.memref_squeeze %dma_start3A_21 : memref<1x160x128xi32, #tpu.memory_space<hbm>> -> memref<160x128xi32, #tpu.memory_space<hbm>>
    %dma_start3A_23 = arith.constant 4 : i32
    %dma_start3A_24 = arith.constant 0 : i32
    %dma_start3A_25 = tpu.memref_slice %dma_start3A_22[%dma_start3A_23, %dma_start3A_24] : memref<160x128xi32, #tpu.memory_space<hbm>> -> memref<4x128xi32, #tpu.memory_space<hbm>>
    tpu.enqueue_dma source(%dma_start3A_25 : memref<4x128xi32, #tpu.memory_space<hbm>>) target(%arg8 : memref<4x128xi32, #tpu.memory_space<vmem>>) target_semaphore(%arg21 : memref<!tpu.dma_semaphore, #tpu.memory_space<semaphore_mem>>)
    %barrier3A = arith.constant 0 : index
    tpu.barrier barrier_id(%barrier3A)
    %dma_start3A_26 = arith.constant 0 : i32
    %dma_start3A_27 = arith.constant 0 : i32
    %dma_start3A_28 = tpu.memref_slice %arg7[%dma_start3A_26, %dma_start3A_27] : memref<4x128xi32, #tpu.memory_space<vmem>> -> memref<1x128xi32, #tpu.memory_space<vmem>>
    %dma_start3A_29 = tpu.memref_squeeze %dma_start3A_28 : memref<1x128xi32, #tpu.memory_space<vmem>> -> memref<128xi32, #tpu.memory_space<vmem>>
    %dma_start3A_30 = arith.constant 0 : i32
    %dma_start3A_31 = arith.constant 0 : i32
    %dma_start3A_32 = tpu.memref_slice %arg2[%dma_start3A_30, %dma_start3A_31] : memref<20224x64xf32, #tpu.memory_space<hbm>> -> memref<20224x64xf32, #tpu.memory_space<hbm>>
    tpu.enqueue_indirect_dma source(%dma_start3A_32 : memref<20224x64xf32, #tpu.memory_space<hbm>>) target(%arg11 : memref<128x64xf32, #tpu.memory_space<vmem>>) offsets(%dma_start3A_29 : memref<128xi32, #tpu.memory_space<vmem>>) semaphore(%arg24 : memref<!tpu.dma_semaphore, #tpu.memory_space<semaphore_mem>>)
    %dma_start3A_33 = arith.constant 1 : i32
    %dma_start3A_34 = arith.constant 0 : i32
    %dma_start3A_35 = tpu.memref_slice %arg7[%dma_start3A_33, %dma_start3A_34] : memref<4x128xi32, #tpu.memory_space<vmem>> -> memref<1x128xi32, #tpu.memory_space<vmem>>
    %dma_start3A_36 = tpu.memref_squeeze %dma_start3A_35 : memref<1x128xi32, #tpu.memory_space<vmem>> -> memref<128xi32, #tpu.memory_space<vmem>>
    %dma_start3A_37 = arith.constant 0 : i32
    %dma_start3A_38 = arith.constant 0 : i32
    %dma_start3A_39 = tpu.memref_slice %arg2[%dma_start3A_37, %dma_start3A_38] : memref<20224x64xf32, #tpu.memory_space<hbm>> -> memref<20224x64xf32, #tpu.memory_space<hbm>>
    tpu.enqueue_indirect_dma source(%dma_start3A_39 : memref<20224x64xf32, #tpu.memory_space<hbm>>) target(%arg12 : memref<128x64xf32, #tpu.memory_space<vmem>>) offsets(%dma_start3A_36 : memref<128xi32, #tpu.memory_space<vmem>>) semaphore(%arg25 : memref<!tpu.dma_semaphore, #tpu.memory_space<semaphore_mem>>)
    %dma_start3A_40 = arith.constant 2 : i32
    %dma_start3A_41 = arith.constant 0 : i32
    %dma_start3A_42 = tpu.memref_slice %arg7[%dma_start3A_40, %dma_start3A_41] : memref<4x128xi32, #tpu.memory_space<vmem>> -> memref<1x128xi32, #tpu.memory_space<vmem>>
    %dma_start3A_43 = tpu.memref_squeeze %dma_start3A_42 : memref<1x128xi32, #tpu.memory_space<vmem>> -> memref<128xi32, #tpu.memory_space<vmem>>
    %dma_start3A_44 = arith.constant 0 : i32
    %dma_start3A_45 = arith.constant 0 : i32
    %dma_start3A_46 = tpu.memref_slice %arg2[%dma_start3A_44, %dma_start3A_45] : memref<20224x64xf32, #tpu.memory_space<hbm>> -> memref<20224x64xf32, #tpu.memory_space<hbm>>
    tpu.enqueue_indirect_dma source(%dma_start3A_46 : memref<20224x64xf32, #tpu.memory_space<hbm>>) target(%arg13 : memref<128x64xf32, #tpu.memory_space<vmem>>) offsets(%dma_start3A_43 : memref<128xi32, #tpu.memory_space<vmem>>) semaphore(%arg26 : memref<!tpu.dma_semaphore, #tpu.memory_space<semaphore_mem>>)
    %dma_start3A_47 = arith.constant 3 : i32
    %dma_start3A_48 = arith.constant 0 : i32
    %dma_start3A_49 = tpu.memref_slice %arg7[%dma_start3A_47, %dma_start3A_48] : memref<4x128xi32, #tpu.memory_space<vmem>> -> memref<1x128xi32, #tpu.memory_space<vmem>>
    %dma_start3A_50 = tpu.memref_squeeze %dma_start3A_49 : memref<1x128xi32, #tpu.memory_space<vmem>> -> memref<128xi32, #tpu.memory_space<vmem>>
    %dma_start3A_51 = arith.constant 0 : i32
    %dma_start3A_52 = arith.constant 0 : i32
    %dma_start3A_53 = tpu.memref_slice %arg2[%dma_start3A_51, %dma_start3A_52] : memref<20224x64xf32, #tpu.memory_space<hbm>> -> memref<20224x64xf32, #tpu.memory_space<hbm>>
    tpu.enqueue_indirect_dma source(%dma_start3A_53 : memref<20224x64xf32, #tpu.memory_space<hbm>>) target(%arg14 : memref<128x64xf32, #tpu.memory_space<vmem>>) offsets(%dma_start3A_50 : memref<128xi32, #tpu.memory_space<vmem>>) semaphore(%arg27 : memref<!tpu.dma_semaphore, #tpu.memory_space<semaphore_mem>>)
    %scan3A = arith.constant 0 : i32
    %scan3A_54 = arith.constant 0 : i32
    %scan3A_55 = arith.constant 20 : i32
    %scan3A_56 = arith.addi %scan3A_54, %scan3A_55 : i32
    %scan3A_57 = arith.constant 1 : i32
    scf.for %scan3A_93 = %scan3A_54 to %scan3A_56 step %scan3A_57  : i32 {
      %mul3A_94 = arith.constant 2 : i32
      %mul3A_95 = arith.muli %scan3A_93, %mul3A_94 : i32
      %add3A_96 = arith.constant 0 : i32
      %add3A_97 = arith.addi %mul3A_95, %add3A_96 : i32
      %ge3A = arith.constant 1 : i32
      %ge3A_98 = arith.cmpi sge, %add3A_97, %ge3A : i32
      %convert_element_type3A = arith.extui %ge3A_98 : i1 to i32
      %cond3A = arith.constant 0 : i32
      %cond3A_99 = arith.cmpi ne, %convert_element_type3A, %cond3A : i32
      scf.if %cond3A_99 {
        %dma_wait3A_358 = arith.constant 0 : i32
        %dma_wait3A_359 = arith.constant 0 : i32
        %dma_wait3A_360 = tpu.memref_slice %arg4[%arg1, %dma_wait3A_358, %dma_wait3A_359] : memref<16x160x128xi32, #tpu.memory_space<hbm>> -> memref<1x160x128xi32, #tpu.memory_space<hbm>>
        %dma_wait3A_361 = tpu.memref_squeeze %dma_wait3A_360 : memref<1x160x128xi32, #tpu.memory_space<hbm>> -> memref<160x128xi32, #tpu.memory_space<hbm>>
        %dma_wait3A_362 = arith.constant 0 : i32
        %dma_wait3A_363 = arith.constant 0 : i32
        %dma_wait3A_364 = tpu.memref_slice %dma_wait3A_361[%dma_wait3A_362, %dma_wait3A_363] : memref<160x128xi32, #tpu.memory_space<hbm>> -> memref<4x128xi32, #tpu.memory_space<hbm>>
        %dma_wait3A_365 = arith.constant 0 : i32
        %dma_wait3A_366 = arith.constant 0 : i32
        %dma_wait3A_367 = tpu.memref_slice %arg4[%arg1, %dma_wait3A_365, %dma_wait3A_366] : memref<16x160x128xi32, #tpu.memory_space<hbm>> -> memref<1x160x128xi32, #tpu.memory_space<hbm>>
        %dma_wait3A_368 = tpu.memref_squeeze %dma_wait3A_367 : memref<1x160x128xi32, #tpu.memory_space<hbm>> -> memref<160x128xi32, #tpu.memory_space<hbm>>
        %dma_wait3A_369 = arith.constant 0 : i32
        %dma_wait3A_370 = arith.constant 0 : i32
        %dma_wait3A_371 = tpu.memref_slice %dma_wait3A_368[%dma_wait3A_369, %dma_wait3A_370] : memref<160x128xi32, #tpu.memory_space<hbm>> -> memref<4x128xi32, #tpu.memory_space<hbm>>
        tpu.wait_dma2 semaphore(%arg22 : memref<!tpu.dma_semaphore, #tpu.memory_space<semaphore_mem>>) src(%dma_wait3A_371 : memref<4x128xi32, #tpu.memory_space<hbm>>) dst(%arg9 : memref<4x128xi32, #tpu.memory_space<vmem>>)
      } else {
      }
      %add3A_100 = arith.constant 1 : i32
      %add3A_101 = arith.addi %add3A_97, %add3A_100 : i32
      %lt3A = arith.constant 40 : i32
      %lt3A_102 = arith.cmpi slt, %add3A_101, %lt3A : i32
      %convert_element_type3A_103 = arith.extui %lt3A_102 : i1 to i32
      %cond3A_104 = arith.constant 0 : i32
      %cond3A_105 = arith.cmpi ne, %convert_element_type3A_103, %cond3A_104 : i32
      scf.if %cond3A_105 {
        %dma_wait3A_358 = arith.constant 0 : i32
        %dma_wait3A_359 = arith.constant 0 : i32
        %dma_wait3A_360 = arith.constant 0 : i32
        %dma_wait3A_361 = tpu.memref_slice %arg3[%arg0, %dma_wait3A_358, %dma_wait3A_359, %dma_wait3A_360] : memref<2x16x160x128xi32, #tpu.memory_space<hbm>> -> memref<1x16x160x128xi32, #tpu.memory_space<hbm>>
        %dma_wait3A_362 = tpu.memref_squeeze %dma_wait3A_361 : memref<1x16x160x128xi32, #tpu.memory_space<hbm>> -> memref<16x160x128xi32, #tpu.memory_space<hbm>>
        %dma_wait3A_363 = arith.constant 0 : i32
        %dma_wait3A_364 = arith.constant 0 : i32
        %dma_wait3A_365 = tpu.memref_slice %dma_wait3A_362[%arg1, %dma_wait3A_363, %dma_wait3A_364] : memref<16x160x128xi32, #tpu.memory_space<hbm>> -> memref<1x160x128xi32, #tpu.memory_space<hbm>>
        %dma_wait3A_366 = tpu.memref_squeeze %dma_wait3A_365 : memref<1x160x128xi32, #tpu.memory_space<hbm>> -> memref<160x128xi32, #tpu.memory_space<hbm>>
        %dma_wait3A_367 = arith.constant 0 : i32
        %dma_wait3A_368 = arith.constant 0 : i32
        %dma_wait3A_369 = tpu.memref_slice %dma_wait3A_366[%dma_wait3A_367, %dma_wait3A_368] : memref<160x128xi32, #tpu.memory_space<hbm>> -> memref<4x128xi32, #tpu.memory_space<hbm>>
        %dma_wait3A_370 = arith.constant 0 : i32
        %dma_wait3A_371 = arith.constant 0 : i32
        %dma_wait3A_372 = arith.constant 0 : i32
        %dma_wait3A_373 = tpu.memref_slice %arg3[%arg0, %dma_wait3A_370, %dma_wait3A_371, %dma_wait3A_372] : memref<2x16x160x128xi32, #tpu.memory_space<hbm>> -> memref<1x16x160x128xi32, #tpu.memory_space<hbm>>
        %dma_wait3A_374 = tpu.memref_squeeze %dma_wait3A_373 : memref<1x16x160x128xi32, #tpu.memory_space<hbm>> -> memref<16x160x128xi32, #tpu.memory_space<hbm>>
        %dma_wait3A_375 = arith.constant 0 : i32
        %dma_wait3A_376 = arith.constant 0 : i32
        %dma_wait3A_377 = tpu.memref_slice %dma_wait3A_374[%arg1, %dma_wait3A_375, %dma_wait3A_376] : memref<16x160x128xi32, #tpu.memory_space<hbm>> -> memref<1x160x128xi32, #tpu.memory_space<hbm>>
        %dma_wait3A_378 = tpu.memref_squeeze %dma_wait3A_377 : memref<1x160x128xi32, #tpu.memory_space<hbm>> -> memref<160x128xi32, #tpu.memory_space<hbm>>
        %dma_wait3A_379 = arith.constant 0 : i32
        %dma_wait3A_380 = arith.constant 0 : i32
        %dma_wait3A_381 = tpu.memref_slice %dma_wait3A_378[%dma_wait3A_379, %dma_wait3A_380] : memref<160x128xi32, #tpu.memory_space<hbm>> -> memref<4x128xi32, #tpu.memory_space<hbm>>
        tpu.wait_dma2 semaphore(%arg21 : memref<!tpu.dma_semaphore, #tpu.memory_space<semaphore_mem>>) src(%dma_wait3A_381 : memref<4x128xi32, #tpu.memory_space<hbm>>) dst(%arg8 : memref<4x128xi32, #tpu.memory_space<vmem>>)
      } else {
      }
      %dma_wait3A_106 = arith.constant 0 : i32
      %dma_wait3A_107 = arith.constant 0 : i32
      %dma_wait3A_108 = tpu.memref_slice %arg7[%dma_wait3A_106, %dma_wait3A_107] : memref<4x128xi32, #tpu.memory_space<vmem>> -> memref<1x128xi32, #tpu.memory_space<vmem>>
      %dma_wait3A_109 = tpu.memref_squeeze %dma_wait3A_108 : memref<1x128xi32, #tpu.memory_space<vmem>> -> memref<128xi32, #tpu.memory_space<vmem>>
      %dma_wait3A_110 = arith.constant 0 : i32
      %dma_wait3A_111 = arith.constant 0 : i32
      %dma_wait3A_112 = tpu.memref_slice %arg2[%dma_wait3A_110, %dma_wait3A_111] : memref<20224x64xf32, #tpu.memory_space<hbm>> -> memref<20224x64xf32, #tpu.memory_space<hbm>>
      tpu.wait_indirect_dma semaphore(%arg24 : memref<!tpu.dma_semaphore, #tpu.memory_space<semaphore_mem>>) src(%dma_wait3A_112 : memref<20224x64xf32, #tpu.memory_space<hbm>>) dst(%arg11 : memref<128x64xf32, #tpu.memory_space<vmem>>)
      %dma_start3A_113 = arith.constant 0 : i32
      %dma_start3A_114 = arith.constant 0 : i32
      %dma_start3A_115 = tpu.memref_slice %arg9[%dma_start3A_113, %dma_start3A_114] : memref<4x128xi32, #tpu.memory_space<vmem>> -> memref<1x128xi32, #tpu.memory_space<vmem>>
      %dma_start3A_116 = tpu.memref_squeeze %dma_start3A_115 : memref<1x128xi32, #tpu.memory_space<vmem>> -> memref<128xi32, #tpu.memory_space<vmem>>
      %dma_start3A_117 = arith.constant 0 : i32
      %dma_start3A_118 = arith.constant 0 : i32
      %dma_start3A_119 = tpu.memref_slice %arg19[%dma_start3A_117, %dma_start3A_118] : memref<10112x64xf32, #tpu.memory_space<vmem_shared>> -> memref<10112x64xf32, #tpu.memory_space<vmem_shared>>
      tpu.enqueue_indirect_dma source(%arg11 : memref<128x64xf32, #tpu.memory_space<vmem>>) target(%dma_start3A_119 : memref<10112x64xf32, #tpu.memory_space<vmem_shared>>) offsets(%dma_start3A_116 : memref<128xi32, #tpu.memory_space<vmem>>) semaphore(%arg32 : memref<!tpu.dma_semaphore, #tpu.memory_space<semaphore_mem>>) {add = true}
      %ge3A_120 = arith.constant 1 : i32
      %ge3A_121 = arith.cmpi sge, %add3A_97, %ge3A_120 : i32
      %convert_element_type3A_122 = arith.extui %ge3A_121 : i1 to i32
      %cond3A_123 = arith.constant 0 : i32
      %cond3A_124 = arith.cmpi ne, %convert_element_type3A_122, %cond3A_123 : i32
      scf.if %cond3A_124 {
        %dma_wait3A_358 = arith.constant 0 : i32
        %dma_wait3A_359 = arith.constant 0 : i32
        %dma_wait3A_360 = tpu.memref_slice %arg9[%dma_wait3A_358, %dma_wait3A_359] : memref<4x128xi32, #tpu.memory_space<vmem>> -> memref<1x128xi32, #tpu.memory_space<vmem>>
        %dma_wait3A_361 = tpu.memref_squeeze %dma_wait3A_360 : memref<1x128xi32, #tpu.memory_space<vmem>> -> memref<128xi32, #tpu.memory_space<vmem>>
        %dma_wait3A_362 = arith.constant 0 : i32
        %dma_wait3A_363 = arith.constant 0 : i32
        %dma_wait3A_364 = tpu.memref_slice %arg19[%dma_wait3A_362, %dma_wait3A_363] : memref<10112x64xf32, #tpu.memory_space<vmem_shared>> -> memref<10112x64xf32, #tpu.memory_space<vmem_shared>>
        tpu.wait_indirect_dma semaphore(%arg36 : memref<!tpu.dma_semaphore, #tpu.memory_space<semaphore_mem>>) src(%arg15 : memref<128x64xf32, #tpu.memory_space<vmem>>) dst(%dma_wait3A_364 : memref<10112x64xf32, #tpu.memory_space<vmem_shared>>)
      } else {
      }
      %add3A_125 = arith.constant 1 : i32
      %add3A_126 = arith.addi %add3A_97, %add3A_125 : i32
      %lt3A_127 = arith.constant 40 : i32
      %lt3A_128 = arith.cmpi slt, %add3A_126, %lt3A_127 : i32
      %convert_element_type3A_129 = arith.extui %lt3A_128 : i1 to i32
      %cond3A_130 = arith.constant 0 : i32
      %cond3A_131 = arith.cmpi ne, %convert_element_type3A_129, %cond3A_130 : i32
      scf.if %cond3A_131 {
        %dma_start3A_358 = arith.constant 0 : i32
        %dma_start3A_359 = arith.constant 0 : i32
        %dma_start3A_360 = tpu.memref_slice %arg8[%dma_start3A_358, %dma_start3A_359] : memref<4x128xi32, #tpu.memory_space<vmem>> -> memref<1x128xi32, #tpu.memory_space<vmem>>
        %dma_start3A_361 = tpu.memref_squeeze %dma_start3A_360 : memref<1x128xi32, #tpu.memory_space<vmem>> -> memref<128xi32, #tpu.memory_space<vmem>>
        %dma_start3A_362 = arith.constant 0 : i32
        %dma_start3A_363 = arith.constant 0 : i32
        %dma_start3A_364 = tpu.memref_slice %arg2[%dma_start3A_362, %dma_start3A_363] : memref<20224x64xf32, #tpu.memory_space<hbm>> -> memref<20224x64xf32, #tpu.memory_space<hbm>>
        tpu.enqueue_indirect_dma source(%dma_start3A_364 : memref<20224x64xf32, #tpu.memory_space<hbm>>) target(%arg15 : memref<128x64xf32, #tpu.memory_space<vmem>>) offsets(%dma_start3A_361 : memref<128xi32, #tpu.memory_space<vmem>>) semaphore(%arg28 : memref<!tpu.dma_semaphore, #tpu.memory_space<semaphore_mem>>)
      } else {
      }
      %dma_wait3A_132 = arith.constant 1 : i32
      %dma_wait3A_133 = arith.constant 0 : i32
      %dma_wait3A_134 = tpu.memref_slice %arg7[%dma_wait3A_132, %dma_wait3A_133] : memref<4x128xi32, #tpu.memory_space<vmem>> -> memref<1x128xi32, #tpu.memory_space<vmem>>
      %dma_wait3A_135 = tpu.memref_squeeze %dma_wait3A_134 : memref<1x128xi32, #tpu.memory_space<vmem>> -> memref<128xi32, #tpu.memory_space<vmem>>
      %dma_wait3A_136 = arith.constant 0 : i32
      %dma_wait3A_137 = arith.constant 0 : i32
      %dma_wait3A_138 = tpu.memref_slice %arg2[%dma_wait3A_136, %dma_wait3A_137] : memref<20224x64xf32, #tpu.memory_space<hbm>> -> memref<20224x64xf32, #tpu.memory_space<hbm>>
      tpu.wait_indirect_dma semaphore(%arg25 : memref<!tpu.dma_semaphore, #tpu.memory_space<semaphore_mem>>) src(%dma_wait3A_138 : memref<20224x64xf32, #tpu.memory_space<hbm>>) dst(%arg12 : memref<128x64xf32, #tpu.memory_space<vmem>>)
      %dma_start3A_139 = arith.constant 1 : i32
      %dma_start3A_140 = arith.constant 0 : i32
      %dma_start3A_141 = tpu.memref_slice %arg9[%dma_start3A_139, %dma_start3A_140] : memref<4x128xi32, #tpu.memory_space<vmem>> -> memref<1x128xi32, #tpu.memory_space<vmem>>
      %dma_start3A_142 = tpu.memref_squeeze %dma_start3A_141 : memref<1x128xi32, #tpu.memory_space<vmem>> -> memref<128xi32, #tpu.memory_space<vmem>>
      %dma_start3A_143 = arith.constant 0 : i32
      %dma_start3A_144 = arith.constant 0 : i32
      %dma_start3A_145 = tpu.memref_slice %arg19[%dma_start3A_143, %dma_start3A_144] : memref<10112x64xf32, #tpu.memory_space<vmem_shared>> -> memref<10112x64xf32, #tpu.memory_space<vmem_shared>>
      tpu.enqueue_indirect_dma source(%arg12 : memref<128x64xf32, #tpu.memory_space<vmem>>) target(%dma_start3A_145 : memref<10112x64xf32, #tpu.memory_space<vmem_shared>>) offsets(%dma_start3A_142 : memref<128xi32, #tpu.memory_space<vmem>>) semaphore(%arg33 : memref<!tpu.dma_semaphore, #tpu.memory_space<semaphore_mem>>) {add = true}
      %ge3A_146 = arith.constant 1 : i32
      %ge3A_147 = arith.cmpi sge, %add3A_97, %ge3A_146 : i32
      %convert_element_type3A_148 = arith.extui %ge3A_147 : i1 to i32
      %cond3A_149 = arith.constant 0 : i32
      %cond3A_150 = arith.cmpi ne, %convert_element_type3A_148, %cond3A_149 : i32
      scf.if %cond3A_150 {
        %dma_wait3A_358 = arith.constant 0 : i32
        %dma_wait3A_359 = arith.constant 0 : i32
        %dma_wait3A_360 = tpu.memref_slice %arg9[%dma_wait3A_358, %dma_wait3A_359] : memref<4x128xi32, #tpu.memory_space<vmem>> -> memref<1x128xi32, #tpu.memory_space<vmem>>
        %dma_wait3A_361 = tpu.memref_squeeze %dma_wait3A_360 : memref<1x128xi32, #tpu.memory_space<vmem>> -> memref<128xi32, #tpu.memory_space<vmem>>
        %dma_wait3A_362 = arith.constant 0 : i32
        %dma_wait3A_363 = arith.constant 0 : i32
        %dma_wait3A_364 = tpu.memref_slice %arg19[%dma_wait3A_362, %dma_wait3A_363] : memref<10112x64xf32, #tpu.memory_space<vmem_shared>> -> memref<10112x64xf32, #tpu.memory_space<vmem_shared>>
        tpu.wait_indirect_dma semaphore(%arg37 : memref<!tpu.dma_semaphore, #tpu.memory_space<semaphore_mem>>) src(%arg16 : memref<128x64xf32, #tpu.memory_space<vmem>>) dst(%dma_wait3A_364 : memref<10112x64xf32, #tpu.memory_space<vmem_shared>>)
      } else {
      }
      %add3A_151 = arith.constant 1 : i32
      %add3A_152 = arith.addi %add3A_97, %add3A_151 : i32
      %lt3A_153 = arith.constant 40 : i32
      %lt3A_154 = arith.cmpi slt, %add3A_152, %lt3A_153 : i32
      %convert_element_type3A_155 = arith.extui %lt3A_154 : i1 to i32
      %cond3A_156 = arith.constant 0 : i32
      %cond3A_157 = arith.cmpi ne, %convert_element_type3A_155, %cond3A_156 : i32
      scf.if %cond3A_157 {
        %dma_start3A_358 = arith.constant 1 : i32
        %dma_start3A_359 = arith.constant 0 : i32
        %dma_start3A_360 = tpu.memref_slice %arg8[%dma_start3A_358, %dma_start3A_359] : memref<4x128xi32, #tpu.memory_space<vmem>> -> memref<1x128xi32, #tpu.memory_space<vmem>>
        %dma_start3A_361 = tpu.memref_squeeze %dma_start3A_360 : memref<1x128xi32, #tpu.memory_space<vmem>> -> memref<128xi32, #tpu.memory_space<vmem>>
        %dma_start3A_362 = arith.constant 0 : i32
        %dma_start3A_363 = arith.constant 0 : i32
        %dma_start3A_364 = tpu.memref_slice %arg2[%dma_start3A_362, %dma_start3A_363] : memref<20224x64xf32, #tpu.memory_space<hbm>> -> memref<20224x64xf32, #tpu.memory_space<hbm>>
        tpu.enqueue_indirect_dma source(%dma_start3A_364 : memref<20224x64xf32, #tpu.memory_space<hbm>>) target(%arg16 : memref<128x64xf32, #tpu.memory_space<vmem>>) offsets(%dma_start3A_361 : memref<128xi32, #tpu.memory_space<vmem>>) semaphore(%arg29 : memref<!tpu.dma_semaphore, #tpu.memory_space<semaphore_mem>>)
      } else {
      }
      %dma_wait3A_158 = arith.constant 2 : i32
      %dma_wait3A_159 = arith.constant 0 : i32
      %dma_wait3A_160 = tpu.memref_slice %arg7[%dma_wait3A_158, %dma_wait3A_159] : memref<4x128xi32, #tpu.memory_space<vmem>> -> memref<1x128xi32, #tpu.memory_space<vmem>>
      %dma_wait3A_161 = tpu.memref_squeeze %dma_wait3A_160 : memref<1x128xi32, #tpu.memory_space<vmem>> -> memref<128xi32, #tpu.memory_space<vmem>>
      %dma_wait3A_162 = arith.constant 0 : i32
      %dma_wait3A_163 = arith.constant 0 : i32
      %dma_wait3A_164 = tpu.memref_slice %arg2[%dma_wait3A_162, %dma_wait3A_163] : memref<20224x64xf32, #tpu.memory_space<hbm>> -> memref<20224x64xf32, #tpu.memory_space<hbm>>
      tpu.wait_indirect_dma semaphore(%arg26 : memref<!tpu.dma_semaphore, #tpu.memory_space<semaphore_mem>>) src(%dma_wait3A_164 : memref<20224x64xf32, #tpu.memory_space<hbm>>) dst(%arg13 : memref<128x64xf32, #tpu.memory_space<vmem>>)
      %dma_start3A_165 = arith.constant 2 : i32
      %dma_start3A_166 = arith.constant 0 : i32
      %dma_start3A_167 = tpu.memref_slice %arg9[%dma_start3A_165, %dma_start3A_166] : memref<4x128xi32, #tpu.memory_space<vmem>> -> memref<1x128xi32, #tpu.memory_space<vmem>>
      %dma_start3A_168 = tpu.memref_squeeze %dma_start3A_167 : memref<1x128xi32, #tpu.memory_space<vmem>> -> memref<128xi32, #tpu.memory_space<vmem>>
      %dma_start3A_169 = arith.constant 0 : i32
      %dma_start3A_170 = arith.constant 0 : i32
      %dma_start3A_171 = tpu.memref_slice %arg19[%dma_start3A_169, %dma_start3A_170] : memref<10112x64xf32, #tpu.memory_space<vmem_shared>> -> memref<10112x64xf32, #tpu.memory_space<vmem_shared>>
      tpu.enqueue_indirect_dma source(%arg13 : memref<128x64xf32, #tpu.memory_space<vmem>>) target(%dma_start3A_171 : memref<10112x64xf32, #tpu.memory_space<vmem_shared>>) offsets(%dma_start3A_168 : memref<128xi32, #tpu.memory_space<vmem>>) semaphore(%arg34 : memref<!tpu.dma_semaphore, #tpu.memory_space<semaphore_mem>>) {add = true}
      %ge3A_172 = arith.constant 1 : i32
      %ge3A_173 = arith.cmpi sge, %add3A_97, %ge3A_172 : i32
      %convert_element_type3A_174 = arith.extui %ge3A_173 : i1 to i32
      %cond3A_175 = arith.constant 0 : i32
      %cond3A_176 = arith.cmpi ne, %convert_element_type3A_174, %cond3A_175 : i32
      scf.if %cond3A_176 {
        %dma_wait3A_358 = arith.constant 0 : i32
        %dma_wait3A_359 = arith.constant 0 : i32
        %dma_wait3A_360 = tpu.memref_slice %arg9[%dma_wait3A_358, %dma_wait3A_359] : memref<4x128xi32, #tpu.memory_space<vmem>> -> memref<1x128xi32, #tpu.memory_space<vmem>>
        %dma_wait3A_361 = tpu.memref_squeeze %dma_wait3A_360 : memref<1x128xi32, #tpu.memory_space<vmem>> -> memref<128xi32, #tpu.memory_space<vmem>>
        %dma_wait3A_362 = arith.constant 0 : i32
        %dma_wait3A_363 = arith.constant 0 : i32
        %dma_wait3A_364 = tpu.memref_slice %arg19[%dma_wait3A_362, %dma_wait3A_363] : memref<10112x64xf32, #tpu.memory_space<vmem_shared>> -> memref<10112x64xf32, #tpu.memory_space<vmem_shared>>
        tpu.wait_indirect_dma semaphore(%arg38 : memref<!tpu.dma_semaphore, #tpu.memory_space<semaphore_mem>>) src(%arg17 : memref<128x64xf32, #tpu.memory_space<vmem>>) dst(%dma_wait3A_364 : memref<10112x64xf32, #tpu.memory_space<vmem_shared>>)
      } else {
      }
      %add3A_177 = arith.constant 1 : i32
      %add3A_178 = arith.addi %add3A_97, %add3A_177 : i32
      %lt3A_179 = arith.constant 40 : i32
      %lt3A_180 = arith.cmpi slt, %add3A_178, %lt3A_179 : i32
      %convert_element_type3A_181 = arith.extui %lt3A_180 : i1 to i32
      %cond3A_182 = arith.constant 0 : i32
      %cond3A_183 = arith.cmpi ne, %convert_element_type3A_181, %cond3A_182 : i32
      scf.if %cond3A_183 {
        %dma_start3A_358 = arith.constant 2 : i32
        %dma_start3A_359 = arith.constant 0 : i32
        %dma_start3A_360 = tpu.memref_slice %arg8[%dma_start3A_358, %dma_start3A_359] : memref<4x128xi32, #tpu.memory_space<vmem>> -> memref<1x128xi32, #tpu.memory_space<vmem>>
        %dma_start3A_361 = tpu.memref_squeeze %dma_start3A_360 : memref<1x128xi32, #tpu.memory_space<vmem>> -> memref<128xi32, #tpu.memory_space<vmem>>
        %dma_start3A_362 = arith.constant 0 : i32
        %dma_start3A_363 = arith.constant 0 : i32
        %dma_start3A_364 = tpu.memref_slice %arg2[%dma_start3A_362, %dma_start3A_363] : memref<20224x64xf32, #tpu.memory_space<hbm>> -> memref<20224x64xf32, #tpu.memory_space<hbm>>
        tpu.enqueue_indirect_dma source(%dma_start3A_364 : memref<20224x64xf32, #tpu.memory_space<hbm>>) target(%arg17 : memref<128x64xf32, #tpu.memory_space<vmem>>) offsets(%dma_start3A_361 : memref<128xi32, #tpu.memory_space<vmem>>) semaphore(%arg30 : memref<!tpu.dma_semaphore, #tpu.memory_space<semaphore_mem>>)
      } else {
      }
      %dma_wait3A_184 = arith.constant 3 : i32
      %dma_wait3A_185 = arith.constant 0 : i32
      %dma_wait3A_186 = tpu.memref_slice %arg7[%dma_wait3A_184, %dma_wait3A_185] : memref<4x128xi32, #tpu.memory_space<vmem>> -> memref<1x128xi32, #tpu.memory_space<vmem>>
      %dma_wait3A_187 = tpu.memref_squeeze %dma_wait3A_186 : memref<1x128xi32, #tpu.memory_space<vmem>> -> memref<128xi32, #tpu.memory_space<vmem>>
      %dma_wait3A_188 = arith.constant 0 : i32
      %dma_wait3A_189 = arith.constant 0 : i32
      %dma_wait3A_190 = tpu.memref_slice %arg2[%dma_wait3A_188, %dma_wait3A_189] : memref<20224x64xf32, #tpu.memory_space<hbm>> -> memref<20224x64xf32, #tpu.memory_space<hbm>>
      tpu.wait_indirect_dma semaphore(%arg27 : memref<!tpu.dma_semaphore, #tpu.memory_space<semaphore_mem>>) src(%dma_wait3A_190 : memref<20224x64xf32, #tpu.memory_space<hbm>>) dst(%arg14 : memref<128x64xf32, #tpu.memory_space<vmem>>)
      %dma_start3A_191 = arith.constant 3 : i32
      %dma_start3A_192 = arith.constant 0 : i32
      %dma_start3A_193 = tpu.memref_slice %arg9[%dma_start3A_191, %dma_start3A_192] : memref<4x128xi32, #tpu.memory_space<vmem>> -> memref<1x128xi32, #tpu.memory_space<vmem>>
      %dma_start3A_194 = tpu.memref_squeeze %dma_start3A_193 : memref<1x128xi32, #tpu.memory_space<vmem>> -> memref<128xi32, #tpu.memory_space<vmem>>
      %dma_start3A_195 = arith.constant 0 : i32
      %dma_start3A_196 = arith.constant 0 : i32
      %dma_start3A_197 = tpu.memref_slice %arg19[%dma_start3A_195, %dma_start3A_196] : memref<10112x64xf32, #tpu.memory_space<vmem_shared>> -> memref<10112x64xf32, #tpu.memory_space<vmem_shared>>
      tpu.enqueue_indirect_dma source(%arg14 : memref<128x64xf32, #tpu.memory_space<vmem>>) target(%dma_start3A_197 : memref<10112x64xf32, #tpu.memory_space<vmem_shared>>) offsets(%dma_start3A_194 : memref<128xi32, #tpu.memory_space<vmem>>) semaphore(%arg35 : memref<!tpu.dma_semaphore, #tpu.memory_space<semaphore_mem>>) {add = true}
      %ge3A_198 = arith.constant 1 : i32
      %ge3A_199 = arith.cmpi sge, %add3A_97, %ge3A_198 : i32
      %convert_element_type3A_200 = arith.extui %ge3A_199 : i1 to i32
      %cond3A_201 = arith.constant 0 : i32
      %cond3A_202 = arith.cmpi ne, %convert_element_type3A_200, %cond3A_201 : i32
      scf.if %cond3A_202 {
        %dma_wait3A_358 = arith.constant 0 : i32
        %dma_wait3A_359 = arith.constant 0 : i32
        %dma_wait3A_360 = tpu.memref_slice %arg9[%dma_wait3A_358, %dma_wait3A_359] : memref<4x128xi32, #tpu.memory_space<vmem>> -> memref<1x128xi32, #tpu.memory_space<vmem>>
        %dma_wait3A_361 = tpu.memref_squeeze %dma_wait3A_360 : memref<1x128xi32, #tpu.memory_space<vmem>> -> memref<128xi32, #tpu.memory_space<vmem>>
        %dma_wait3A_362 = arith.constant 0 : i32
        %dma_wait3A_363 = arith.constant 0 : i32
        %dma_wait3A_364 = tpu.memref_slice %arg19[%dma_wait3A_362, %dma_wait3A_363] : memref<10112x64xf32, #tpu.memory_space<vmem_shared>> -> memref<10112x64xf32, #tpu.memory_space<vmem_shared>>
        tpu.wait_indirect_dma semaphore(%arg39 : memref<!tpu.dma_semaphore, #tpu.memory_space<semaphore_mem>>) src(%arg18 : memref<128x64xf32, #tpu.memory_space<vmem>>) dst(%dma_wait3A_364 : memref<10112x64xf32, #tpu.memory_space<vmem_shared>>)
      } else {
      }
      %add3A_203 = arith.constant 1 : i32
      %add3A_204 = arith.addi %add3A_97, %add3A_203 : i32
      %lt3A_205 = arith.constant 40 : i32
      %lt3A_206 = arith.cmpi slt, %add3A_204, %lt3A_205 : i32
      %convert_element_type3A_207 = arith.extui %lt3A_206 : i1 to i32
      %cond3A_208 = arith.constant 0 : i32
      %cond3A_209 = arith.cmpi ne, %convert_element_type3A_207, %cond3A_208 : i32
      scf.if %cond3A_209 {
        %dma_start3A_358 = arith.constant 3 : i32
        %dma_start3A_359 = arith.constant 0 : i32
        %dma_start3A_360 = tpu.memref_slice %arg8[%dma_start3A_358, %dma_start3A_359] : memref<4x128xi32, #tpu.memory_space<vmem>> -> memref<1x128xi32, #tpu.memory_space<vmem>>
        %dma_start3A_361 = tpu.memref_squeeze %dma_start3A_360 : memref<1x128xi32, #tpu.memory_space<vmem>> -> memref<128xi32, #tpu.memory_space<vmem>>
        %dma_start3A_362 = arith.constant 0 : i32
        %dma_start3A_363 = arith.constant 0 : i32
        %dma_start3A_364 = tpu.memref_slice %arg2[%dma_start3A_362, %dma_start3A_363] : memref<20224x64xf32, #tpu.memory_space<hbm>> -> memref<20224x64xf32, #tpu.memory_space<hbm>>
        tpu.enqueue_indirect_dma source(%dma_start3A_364 : memref<20224x64xf32, #tpu.memory_space<hbm>>) target(%arg18 : memref<128x64xf32, #tpu.memory_space<vmem>>) offsets(%dma_start3A_361 : memref<128xi32, #tpu.memory_space<vmem>>) semaphore(%arg31 : memref<!tpu.dma_semaphore, #tpu.memory_space<semaphore_mem>>)
      } else {
      }
      %add3A_210 = arith.constant 2 : i32
      %add3A_211 = arith.addi %add3A_97, %add3A_210 : i32
      %lt3A_212 = arith.constant 40 : i32
      %lt3A_213 = arith.cmpi slt, %add3A_211, %lt3A_212 : i32
      %convert_element_type3A_214 = arith.extui %lt3A_213 : i1 to i32
      %cond3A_215 = arith.constant 0 : i32
      %cond3A_216 = arith.cmpi ne, %convert_element_type3A_214, %cond3A_215 : i32
      scf.if %cond3A_216 {
        %add3A_358 = arith.constant 2 : i32
        %add3A_359 = arith.addi %add3A_97, %add3A_358 : i32
        %mul3A_360 = arith.constant 4 : i32
        %mul3A_361 = arith.muli %add3A_359, %mul3A_360 : i32
        %dma_start3A_362 = arith.constant 0 : i32
        %dma_start3A_363 = arith.constant 0 : i32
        %dma_start3A_364 = arith.constant 0 : i32
        %dma_start3A_365 = tpu.memref_slice %arg3[%arg0, %dma_start3A_362, %dma_start3A_363, %dma_start3A_364] : memref<2x16x160x128xi32, #tpu.memory_space<hbm>> -> memref<1x16x160x128xi32, #tpu.memory_space<hbm>>
        %dma_start3A_366 = tpu.memref_squeeze %dma_start3A_365 : memref<1x16x160x128xi32, #tpu.memory_space<hbm>> -> memref<16x160x128xi32, #tpu.memory_space<hbm>>
        %dma_start3A_367 = arith.constant 0 : i32
        %dma_start3A_368 = arith.constant 0 : i32
        %dma_start3A_369 = tpu.memref_slice %dma_start3A_366[%arg1, %dma_start3A_367, %dma_start3A_368] : memref<16x160x128xi32, #tpu.memory_space<hbm>> -> memref<1x160x128xi32, #tpu.memory_space<hbm>>
        %dma_start3A_370 = tpu.memref_squeeze %dma_start3A_369 : memref<1x160x128xi32, #tpu.memory_space<hbm>> -> memref<160x128xi32, #tpu.memory_space<hbm>>
        %dma_start3A_371 = arith.constant 0 : i32
        %dma_start3A_372 = tpu.memref_slice %dma_start3A_370[%mul3A_361, %dma_start3A_371] : memref<160x128xi32, #tpu.memory_space<hbm>> -> memref<4x128xi32, #tpu.memory_space<hbm>>
        %dma_start3A_373 = arith.constant 0 : i32
        %dma_start3A_374 = arith.constant 0 : i32
        %dma_start3A_375 = arith.constant 0 : i32
        %dma_start3A_376 = tpu.memref_slice %arg3[%arg0, %dma_start3A_373, %dma_start3A_374, %dma_start3A_375] : memref<2x16x160x128xi32, #tpu.memory_space<hbm>> -> memref<1x16x160x128xi32, #tpu.memory_space<hbm>>
        %dma_start3A_377 = tpu.memref_squeeze %dma_start3A_376 : memref<1x16x160x128xi32, #tpu.memory_space<hbm>> -> memref<16x160x128xi32, #tpu.memory_space<hbm>>
        %dma_start3A_378 = arith.constant 0 : i32
        %dma_start3A_379 = arith.constant 0 : i32
        %dma_start3A_380 = tpu.memref_slice %dma_start3A_377[%arg1, %dma_start3A_378, %dma_start3A_379] : memref<16x160x128xi32, #tpu.memory_space<hbm>> -> memref<1x160x128xi32, #tpu.memory_space<hbm>>
        %dma_start3A_381 = tpu.memref_squeeze %dma_start3A_380 : memref<1x160x128xi32, #tpu.memory_space<hbm>> -> memref<160x128xi32, #tpu.memory_space<hbm>>
        %dma_start3A_382 = arith.constant 0 : i32
        %dma_start3A_383 = tpu.memref_slice %dma_start3A_381[%mul3A_361, %dma_start3A_382] : memref<160x128xi32, #tpu.memory_space<hbm>> -> memref<4x128xi32, #tpu.memory_space<hbm>>
        tpu.enqueue_dma source(%dma_start3A_383 : memref<4x128xi32, #tpu.memory_space<hbm>>) target(%arg7 : memref<4x128xi32, #tpu.memory_space<vmem>>) target_semaphore(%arg20 : memref<!tpu.dma_semaphore, #tpu.memory_space<semaphore_mem>>)
      } else {
      }
      %add3A_217 = arith.constant 1 : i32
      %add3A_218 = arith.addi %add3A_97, %add3A_217 : i32
      %lt3A_219 = arith.constant 40 : i32
      %lt3A_220 = arith.cmpi slt, %add3A_218, %lt3A_219 : i32
      %convert_element_type3A_221 = arith.extui %lt3A_220 : i1 to i32
      %cond3A_222 = arith.constant 0 : i32
      %cond3A_223 = arith.cmpi ne, %convert_element_type3A_221, %cond3A_222 : i32
      scf.if %cond3A_223 {
        %add3A_358 = arith.constant 1 : i32
        %add3A_359 = arith.addi %add3A_97, %add3A_358 : i32
        %mul3A_360 = arith.constant 4 : i32
        %mul3A_361 = arith.muli %add3A_359, %mul3A_360 : i32
        %dma_start3A_362 = arith.constant 0 : i32
        %dma_start3A_363 = arith.constant 0 : i32
        %dma_start3A_364 = tpu.memref_slice %arg4[%arg1, %dma_start3A_362, %dma_start3A_363] : memref<16x160x128xi32, #tpu.memory_space<hbm>> -> memref<1x160x128xi32, #tpu.memory_space<hbm>>
        %dma_start3A_365 = tpu.memref_squeeze %dma_start3A_364 : memref<1x160x128xi32, #tpu.memory_space<hbm>> -> memref<160x128xi32, #tpu.memory_space<hbm>>
        %dma_start3A_366 = arith.constant 0 : i32
        %dma_start3A_367 = tpu.memref_slice %dma_start3A_365[%mul3A_361, %dma_start3A_366] : memref<160x128xi32, #tpu.memory_space<hbm>> -> memref<4x128xi32, #tpu.memory_space<hbm>>
        %dma_start3A_368 = arith.constant 0 : i32
        %dma_start3A_369 = arith.constant 0 : i32
        %dma_start3A_370 = tpu.memref_slice %arg4[%arg1, %dma_start3A_368, %dma_start3A_369] : memref<16x160x128xi32, #tpu.memory_space<hbm>> -> memref<1x160x128xi32, #tpu.memory_space<hbm>>
        %dma_start3A_371 = tpu.memref_squeeze %dma_start3A_370 : memref<1x160x128xi32, #tpu.memory_space<hbm>> -> memref<160x128xi32, #tpu.memory_space<hbm>>
        %dma_start3A_372 = arith.constant 0 : i32
        %dma_start3A_373 = tpu.memref_slice %dma_start3A_371[%mul3A_361, %dma_start3A_372] : memref<160x128xi32, #tpu.memory_space<hbm>> -> memref<4x128xi32, #tpu.memory_space<hbm>>
        tpu.enqueue_dma source(%dma_start3A_373 : memref<4x128xi32, #tpu.memory_space<hbm>>) target(%arg10 : memref<4x128xi32, #tpu.memory_space<vmem>>) target_semaphore(%arg23 : memref<!tpu.dma_semaphore, #tpu.memory_space<semaphore_mem>>)
      } else {
      }
      %mul3A_224 = arith.constant 2 : i32
      %mul3A_225 = arith.muli %scan3A_93, %mul3A_224 : i32
      %add3A_226 = arith.constant 1 : i32
      %add3A_227 = arith.addi %mul3A_225, %add3A_226 : i32
      %ge3A_228 = arith.constant 1 : i32
      %ge3A_229 = arith.cmpi sge, %add3A_227, %ge3A_228 : i32
      %convert_element_type3A_230 = arith.extui %ge3A_229 : i1 to i32
      %cond3A_231 = arith.constant 0 : i32
      %cond3A_232 = arith.cmpi ne, %convert_element_type3A_230, %cond3A_231 : i32
      scf.if %cond3A_232 {
        %dma_wait3A_358 = arith.constant 0 : i32
        %dma_wait3A_359 = arith.constant 0 : i32
        %dma_wait3A_360 = tpu.memref_slice %arg4[%arg1, %dma_wait3A_358, %dma_wait3A_359] : memref<16x160x128xi32, #tpu.memory_space<hbm>> -> memref<1x160x128xi32, #tpu.memory_space<hbm>>
        %dma_wait3A_361 = tpu.memref_squeeze %dma_wait3A_360 : memref<1x160x128xi32, #tpu.memory_space<hbm>> -> memref<160x128xi32, #tpu.memory_space<hbm>>
        %dma_wait3A_362 = arith.constant 0 : i32
        %dma_wait3A_363 = arith.constant 0 : i32
        %dma_wait3A_364 = tpu.memref_slice %dma_wait3A_361[%dma_wait3A_362, %dma_wait3A_363] : memref<160x128xi32, #tpu.memory_space<hbm>> -> memref<4x128xi32, #tpu.memory_space<hbm>>
        %dma_wait3A_365 = arith.constant 0 : i32
        %dma_wait3A_366 = arith.constant 0 : i32
        %dma_wait3A_367 = tpu.memref_slice %arg4[%arg1, %dma_wait3A_365, %dma_wait3A_366] : memref<16x160x128xi32, #tpu.memory_space<hbm>> -> memref<1x160x128xi32, #tpu.memory_space<hbm>>
        %dma_wait3A_368 = tpu.memref_squeeze %dma_wait3A_367 : memref<1x160x128xi32, #tpu.memory_space<hbm>> -> memref<160x128xi32, #tpu.memory_space<hbm>>
        %dma_wait3A_369 = arith.constant 0 : i32
        %dma_wait3A_370 = arith.constant 0 : i32
        %dma_wait3A_371 = tpu.memref_slice %dma_wait3A_368[%dma_wait3A_369, %dma_wait3A_370] : memref<160x128xi32, #tpu.memory_space<hbm>> -> memref<4x128xi32, #tpu.memory_space<hbm>>
        tpu.wait_dma2 semaphore(%arg23 : memref<!tpu.dma_semaphore, #tpu.memory_space<semaphore_mem>>) src(%dma_wait3A_371 : memref<4x128xi32, #tpu.memory_space<hbm>>) dst(%arg10 : memref<4x128xi32, #tpu.memory_space<vmem>>)
      } else {
      }
      %add3A_233 = arith.constant 1 : i32
      %add3A_234 = arith.addi %add3A_227, %add3A_233 : i32
      %lt3A_235 = arith.constant 40 : i32
      %lt3A_236 = arith.cmpi slt, %add3A_234, %lt3A_235 : i32
      %convert_element_type3A_237 = arith.extui %lt3A_236 : i1 to i32
      %cond3A_238 = arith.constant 0 : i32
      %cond3A_239 = arith.cmpi ne, %convert_element_type3A_237, %cond3A_238 : i32
      scf.if %cond3A_239 {
        %dma_wait3A_358 = arith.constant 0 : i32
        %dma_wait3A_359 = arith.constant 0 : i32
        %dma_wait3A_360 = arith.constant 0 : i32
        %dma_wait3A_361 = tpu.memref_slice %arg3[%arg0, %dma_wait3A_358, %dma_wait3A_359, %dma_wait3A_360] : memref<2x16x160x128xi32, #tpu.memory_space<hbm>> -> memref<1x16x160x128xi32, #tpu.memory_space<hbm>>
        %dma_wait3A_362 = tpu.memref_squeeze %dma_wait3A_361 : memref<1x16x160x128xi32, #tpu.memory_space<hbm>> -> memref<16x160x128xi32, #tpu.memory_space<hbm>>
        %dma_wait3A_363 = arith.constant 0 : i32
        %dma_wait3A_364 = arith.constant 0 : i32
        %dma_wait3A_365 = tpu.memref_slice %dma_wait3A_362[%arg1, %dma_wait3A_363, %dma_wait3A_364] : memref<16x160x128xi32, #tpu.memory_space<hbm>> -> memref<1x160x128xi32, #tpu.memory_space<hbm>>
        %dma_wait3A_366 = tpu.memref_squeeze %dma_wait3A_365 : memref<1x160x128xi32, #tpu.memory_space<hbm>> -> memref<160x128xi32, #tpu.memory_space<hbm>>
        %dma_wait3A_367 = arith.constant 0 : i32
        %dma_wait3A_368 = arith.constant 0 : i32
        %dma_wait3A_369 = tpu.memref_slice %dma_wait3A_366[%dma_wait3A_367, %dma_wait3A_368] : memref<160x128xi32, #tpu.memory_space<hbm>> -> memref<4x128xi32, #tpu.memory_space<hbm>>
        %dma_wait3A_370 = arith.constant 0 : i32
        %dma_wait3A_371 = arith.constant 0 : i32
        %dma_wait3A_372 = arith.constant 0 : i32
        %dma_wait3A_373 = tpu.memref_slice %arg3[%arg0, %dma_wait3A_370, %dma_wait3A_371, %dma_wait3A_372] : memref<2x16x160x128xi32, #tpu.memory_space<hbm>> -> memref<1x16x160x128xi32, #tpu.memory_space<hbm>>
        %dma_wait3A_374 = tpu.memref_squeeze %dma_wait3A_373 : memref<1x16x160x128xi32, #tpu.memory_space<hbm>> -> memref<16x160x128xi32, #tpu.memory_space<hbm>>
        %dma_wait3A_375 = arith.constant 0 : i32
        %dma_wait3A_376 = arith.constant 0 : i32
        %dma_wait3A_377 = tpu.memref_slice %dma_wait3A_374[%arg1, %dma_wait3A_375, %dma_wait3A_376] : memref<16x160x128xi32, #tpu.memory_space<hbm>> -> memref<1x160x128xi32, #tpu.memory_space<hbm>>
        %dma_wait3A_378 = tpu.memref_squeeze %dma_wait3A_377 : memref<1x160x128xi32, #tpu.memory_space<hbm>> -> memref<160x128xi32, #tpu.memory_space<hbm>>
        %dma_wait3A_379 = arith.constant 0 : i32
        %dma_wait3A_380 = arith.constant 0 : i32
        %dma_wait3A_381 = tpu.memref_slice %dma_wait3A_378[%dma_wait3A_379, %dma_wait3A_380] : memref<160x128xi32, #tpu.memory_space<hbm>> -> memref<4x128xi32, #tpu.memory_space<hbm>>
        tpu.wait_dma2 semaphore(%arg20 : memref<!tpu.dma_semaphore, #tpu.memory_space<semaphore_mem>>) src(%dma_wait3A_381 : memref<4x128xi32, #tpu.memory_space<hbm>>) dst(%arg7 : memref<4x128xi32, #tpu.memory_space<vmem>>)
      } else {
      }
      %dma_wait3A_240 = arith.constant 0 : i32
      %dma_wait3A_241 = arith.constant 0 : i32
      %dma_wait3A_242 = tpu.memref_slice %arg8[%dma_wait3A_240, %dma_wait3A_241] : memref<4x128xi32, #tpu.memory_space<vmem>> -> memref<1x128xi32, #tpu.memory_space<vmem>>
      %dma_wait3A_243 = tpu.memref_squeeze %dma_wait3A_242 : memref<1x128xi32, #tpu.memory_space<vmem>> -> memref<128xi32, #tpu.memory_space<vmem>>
      %dma_wait3A_244 = arith.constant 0 : i32
      %dma_wait3A_245 = arith.constant 0 : i32
      %dma_wait3A_246 = tpu.memref_slice %arg2[%dma_wait3A_244, %dma_wait3A_245] : memref<20224x64xf32, #tpu.memory_space<hbm>> -> memref<20224x64xf32, #tpu.memory_space<hbm>>
      tpu.wait_indirect_dma semaphore(%arg28 : memref<!tpu.dma_semaphore, #tpu.memory_space<semaphore_mem>>) src(%dma_wait3A_246 : memref<20224x64xf32, #tpu.memory_space<hbm>>) dst(%arg15 : memref<128x64xf32, #tpu.memory_space<vmem>>)
      %dma_start3A_247 = arith.constant 0 : i32
      %dma_start3A_248 = arith.constant 0 : i32
      %dma_start3A_249 = tpu.memref_slice %arg10[%dma_start3A_247, %dma_start3A_248] : memref<4x128xi32, #tpu.memory_space<vmem>> -> memref<1x128xi32, #tpu.memory_space<vmem>>
      %dma_start3A_250 = tpu.memref_squeeze %dma_start3A_249 : memref<1x128xi32, #tpu.memory_space<vmem>> -> memref<128xi32, #tpu.memory_space<vmem>>
      %dma_start3A_251 = arith.constant 0 : i32
      %dma_start3A_252 = arith.constant 0 : i32
      %dma_start3A_253 = tpu.memref_slice %arg19[%dma_start3A_251, %dma_start3A_252] : memref<10112x64xf32, #tpu.memory_space<vmem_shared>> -> memref<10112x64xf32, #tpu.memory_space<vmem_shared>>
      tpu.enqueue_indirect_dma source(%arg15 : memref<128x64xf32, #tpu.memory_space<vmem>>) target(%dma_start3A_253 : memref<10112x64xf32, #tpu.memory_space<vmem_shared>>) offsets(%dma_start3A_250 : memref<128xi32, #tpu.memory_space<vmem>>) semaphore(%arg36 : memref<!tpu.dma_semaphore, #tpu.memory_space<semaphore_mem>>) {add = true}
      %ge3A_254 = arith.constant 1 : i32
      %ge3A_255 = arith.cmpi sge, %add3A_227, %ge3A_254 : i32
      %convert_element_type3A_256 = arith.extui %ge3A_255 : i1 to i32
      %cond3A_257 = arith.constant 0 : i32
      %cond3A_258 = arith.cmpi ne, %convert_element_type3A_256, %cond3A_257 : i32
      scf.if %cond3A_258 {
        %dma_wait3A_358 = arith.constant 0 : i32
        %dma_wait3A_359 = arith.constant 0 : i32
        %dma_wait3A_360 = tpu.memref_slice %arg10[%dma_wait3A_358, %dma_wait3A_359] : memref<4x128xi32, #tpu.memory_space<vmem>> -> memref<1x128xi32, #tpu.memory_space<vmem>>
        %dma_wait3A_361 = tpu.memref_squeeze %dma_wait3A_360 : memref<1x128xi32, #tpu.memory_space<vmem>> -> memref<128xi32, #tpu.memory_space<vmem>>
        %dma_wait3A_362 = arith.constant 0 : i32
        %dma_wait3A_363 = arith.constant 0 : i32
        %dma_wait3A_364 = tpu.memref_slice %arg19[%dma_wait3A_362, %dma_wait3A_363] : memref<10112x64xf32, #tpu.memory_space<vmem_shared>> -> memref<10112x64xf32, #tpu.memory_space<vmem_shared>>
        tpu.wait_indirect_dma semaphore(%arg32 : memref<!tpu.dma_semaphore, #tpu.memory_space<semaphore_mem>>) src(%arg11 : memref<128x64xf32, #tpu.memory_space<vmem>>) dst(%dma_wait3A_364 : memref<10112x64xf32, #tpu.memory_space<vmem_shared>>)
      } else {
      }
      %add3A_259 = arith.constant 1 : i32
      %add3A_260 = arith.addi %add3A_227, %add3A_259 : i32
      %lt3A_261 = arith.constant 40 : i32
      %lt3A_262 = arith.cmpi slt, %add3A_260, %lt3A_261 : i32
      %convert_element_type3A_263 = arith.extui %lt3A_262 : i1 to i32
      %cond3A_264 = arith.constant 0 : i32
      %cond3A_265 = arith.cmpi ne, %convert_element_type3A_263, %cond3A_264 : i32
      scf.if %cond3A_265 {
        %dma_start3A_358 = arith.constant 0 : i32
        %dma_start3A_359 = arith.constant 0 : i32
        %dma_start3A_360 = tpu.memref_slice %arg7[%dma_start3A_358, %dma_start3A_359] : memref<4x128xi32, #tpu.memory_space<vmem>> -> memref<1x128xi32, #tpu.memory_space<vmem>>
        %dma_start3A_361 = tpu.memref_squeeze %dma_start3A_360 : memref<1x128xi32, #tpu.memory_space<vmem>> -> memref<128xi32, #tpu.memory_space<vmem>>
        %dma_start3A_362 = arith.constant 0 : i32
        %dma_start3A_363 = arith.constant 0 : i32
        %dma_start3A_364 = tpu.memref_slice %arg2[%dma_start3A_362, %dma_start3A_363] : memref<20224x64xf32, #tpu.memory_space<hbm>> -> memref<20224x64xf32, #tpu.memory_space<hbm>>
        tpu.enqueue_indirect_dma source(%dma_start3A_364 : memref<20224x64xf32, #tpu.memory_space<hbm>>) target(%arg11 : memref<128x64xf32, #tpu.memory_space<vmem>>) offsets(%dma_start3A_361 : memref<128xi32, #tpu.memory_space<vmem>>) semaphore(%arg24 : memref<!tpu.dma_semaphore, #tpu.memory_space<semaphore_mem>>)
      } else {
      }
      %dma_wait3A_266 = arith.constant 1 : i32
      %dma_wait3A_267 = arith.constant 0 : i32
      %dma_wait3A_268 = tpu.memref_slice %arg8[%dma_wait3A_266, %dma_wait3A_267] : memref<4x128xi32, #tpu.memory_space<vmem>> -> memref<1x128xi32, #tpu.memory_space<vmem>>
      %dma_wait3A_269 = tpu.memref_squeeze %dma_wait3A_268 : memref<1x128xi32, #tpu.memory_space<vmem>> -> memref<128xi32, #tpu.memory_space<vmem>>
      %dma_wait3A_270 = arith.constant 0 : i32
      %dma_wait3A_271 = arith.constant 0 : i32
      %dma_wait3A_272 = tpu.memref_slice %arg2[%dma_wait3A_270, %dma_wait3A_271] : memref<20224x64xf32, #tpu.memory_space<hbm>> -> memref<20224x64xf32, #tpu.memory_space<hbm>>
      tpu.wait_indirect_dma semaphore(%arg29 : memref<!tpu.dma_semaphore, #tpu.memory_space<semaphore_mem>>) src(%dma_wait3A_272 : memref<20224x64xf32, #tpu.memory_space<hbm>>) dst(%arg16 : memref<128x64xf32, #tpu.memory_space<vmem>>)
      %dma_start3A_273 = arith.constant 1 : i32
      %dma_start3A_274 = arith.constant 0 : i32
      %dma_start3A_275 = tpu.memref_slice %arg10[%dma_start3A_273, %dma_start3A_274] : memref<4x128xi32, #tpu.memory_space<vmem>> -> memref<1x128xi32, #tpu.memory_space<vmem>>
      %dma_start3A_276 = tpu.memref_squeeze %dma_start3A_275 : memref<1x128xi32, #tpu.memory_space<vmem>> -> memref<128xi32, #tpu.memory_space<vmem>>
      %dma_start3A_277 = arith.constant 0 : i32
      %dma_start3A_278 = arith.constant 0 : i32
      %dma_start3A_279 = tpu.memref_slice %arg19[%dma_start3A_277, %dma_start3A_278] : memref<10112x64xf32, #tpu.memory_space<vmem_shared>> -> memref<10112x64xf32, #tpu.memory_space<vmem_shared>>
      tpu.enqueue_indirect_dma source(%arg16 : memref<128x64xf32, #tpu.memory_space<vmem>>) target(%dma_start3A_279 : memref<10112x64xf32, #tpu.memory_space<vmem_shared>>) offsets(%dma_start3A_276 : memref<128xi32, #tpu.memory_space<vmem>>) semaphore(%arg37 : memref<!tpu.dma_semaphore, #tpu.memory_space<semaphore_mem>>) {add = true}
      %ge3A_280 = arith.constant 1 : i32
      %ge3A_281 = arith.cmpi sge, %add3A_227, %ge3A_280 : i32
      %convert_element_type3A_282 = arith.extui %ge3A_281 : i1 to i32
      %cond3A_283 = arith.constant 0 : i32
      %cond3A_284 = arith.cmpi ne, %convert_element_type3A_282, %cond3A_283 : i32
      scf.if %cond3A_284 {
        %dma_wait3A_358 = arith.constant 0 : i32
        %dma_wait3A_359 = arith.constant 0 : i32
        %dma_wait3A_360 = tpu.memref_slice %arg10[%dma_wait3A_358, %dma_wait3A_359] : memref<4x128xi32, #tpu.memory_space<vmem>> -> memref<1x128xi32, #tpu.memory_space<vmem>>
        %dma_wait3A_361 = tpu.memref_squeeze %dma_wait3A_360 : memref<1x128xi32, #tpu.memory_space<vmem>> -> memref<128xi32, #tpu.memory_space<vmem>>
        %dma_wait3A_362 = arith.constant 0 : i32
        %dma_wait3A_363 = arith.constant 0 : i32
        %dma_wait3A_364 = tpu.memref_slice %arg19[%dma_wait3A_362, %dma_wait3A_363] : memref<10112x64xf32, #tpu.memory_space<vmem_shared>> -> memref<10112x64xf32, #tpu.memory_space<vmem_shared>>
        tpu.wait_indirect_dma semaphore(%arg33 : memref<!tpu.dma_semaphore, #tpu.memory_space<semaphore_mem>>) src(%arg12 : memref<128x64xf32, #tpu.memory_space<vmem>>) dst(%dma_wait3A_364 : memref<10112x64xf32, #tpu.memory_space<vmem_shared>>)
      } else {
      }
      %add3A_285 = arith.constant 1 : i32
      %add3A_286 = arith.addi %add3A_227, %add3A_285 : i32
      %lt3A_287 = arith.constant 40 : i32
      %lt3A_288 = arith.cmpi slt, %add3A_286, %lt3A_287 : i32
      %convert_element_type3A_289 = arith.extui %lt3A_288 : i1 to i32
      %cond3A_290 = arith.constant 0 : i32
      %cond3A_291 = arith.cmpi ne, %convert_element_type3A_289, %cond3A_290 : i32
      scf.if %cond3A_291 {
        %dma_start3A_358 = arith.constant 1 : i32
        %dma_start3A_359 = arith.constant 0 : i32
        %dma_start3A_360 = tpu.memref_slice %arg7[%dma_start3A_358, %dma_start3A_359] : memref<4x128xi32, #tpu.memory_space<vmem>> -> memref<1x128xi32, #tpu.memory_space<vmem>>
        %dma_start3A_361 = tpu.memref_squeeze %dma_start3A_360 : memref<1x128xi32, #tpu.memory_space<vmem>> -> memref<128xi32, #tpu.memory_space<vmem>>
        %dma_start3A_362 = arith.constant 0 : i32
        %dma_start3A_363 = arith.constant 0 : i32
        %dma_start3A_364 = tpu.memref_slice %arg2[%dma_start3A_362, %dma_start3A_363] : memref<20224x64xf32, #tpu.memory_space<hbm>> -> memref<20224x64xf32, #tpu.memory_space<hbm>>
        tpu.enqueue_indirect_dma source(%dma_start3A_364 : memref<20224x64xf32, #tpu.memory_space<hbm>>) target(%arg12 : memref<128x64xf32, #tpu.memory_space<vmem>>) offsets(%dma_start3A_361 : memref<128xi32, #tpu.memory_space<vmem>>) semaphore(%arg25 : memref<!tpu.dma_semaphore, #tpu.memory_space<semaphore_mem>>)
      } else {
      }
      %dma_wait3A_292 = arith.constant 2 : i32
      %dma_wait3A_293 = arith.constant 0 : i32
      %dma_wait3A_294 = tpu.memref_slice %arg8[%dma_wait3A_292, %dma_wait3A_293] : memref<4x128xi32, #tpu.memory_space<vmem>> -> memref<1x128xi32, #tpu.memory_space<vmem>>
      %dma_wait3A_295 = tpu.memref_squeeze %dma_wait3A_294 : memref<1x128xi32, #tpu.memory_space<vmem>> -> memref<128xi32, #tpu.memory_space<vmem>>
      %dma_wait3A_296 = arith.constant 0 : i32
      %dma_wait3A_297 = arith.constant 0 : i32
      %dma_wait3A_298 = tpu.memref_slice %arg2[%dma_wait3A_296, %dma_wait3A_297] : memref<20224x64xf32, #tpu.memory_space<hbm>> -> memref<20224x64xf32, #tpu.memory_space<hbm>>
      tpu.wait_indirect_dma semaphore(%arg30 : memref<!tpu.dma_semaphore, #tpu.memory_space<semaphore_mem>>) src(%dma_wait3A_298 : memref<20224x64xf32, #tpu.memory_space<hbm>>) dst(%arg17 : memref<128x64xf32, #tpu.memory_space<vmem>>)
      %dma_start3A_299 = arith.constant 2 : i32
      %dma_start3A_300 = arith.constant 0 : i32
      %dma_start3A_301 = tpu.memref_slice %arg10[%dma_start3A_299, %dma_start3A_300] : memref<4x128xi32, #tpu.memory_space<vmem>> -> memref<1x128xi32, #tpu.memory_space<vmem>>
      %dma_start3A_302 = tpu.memref_squeeze %dma_start3A_301 : memref<1x128xi32, #tpu.memory_space<vmem>> -> memref<128xi32, #tpu.memory_space<vmem>>
      %dma_start3A_303 = arith.constant 0 : i32
      %dma_start3A_304 = arith.constant 0 : i32
      %dma_start3A_305 = tpu.memref_slice %arg19[%dma_start3A_303, %dma_start3A_304] : memref<10112x64xf32, #tpu.memory_space<vmem_shared>> -> memref<10112x64xf32, #tpu.memory_space<vmem_shared>>
      tpu.enqueue_indirect_dma source(%arg17 : memref<128x64xf32, #tpu.memory_space<vmem>>) target(%dma_start3A_305 : memref<10112x64xf32, #tpu.memory_space<vmem_shared>>) offsets(%dma_start3A_302 : memref<128xi32, #tpu.memory_space<vmem>>) semaphore(%arg38 : memref<!tpu.dma_semaphore, #tpu.memory_space<semaphore_mem>>) {add = true}
      %ge3A_306 = arith.constant 1 : i32
      %ge3A_307 = arith.cmpi sge, %add3A_227, %ge3A_306 : i32
      %convert_element_type3A_308 = arith.extui %ge3A_307 : i1 to i32
      %cond3A_309 = arith.constant 0 : i32
      %cond3A_310 = arith.cmpi ne, %convert_element_type3A_308, %cond3A_309 : i32
      scf.if %cond3A_310 {
        %dma_wait3A_358 = arith.constant 0 : i32
        %dma_wait3A_359 = arith.constant 0 : i32
        %dma_wait3A_360 = tpu.memref_slice %arg10[%dma_wait3A_358, %dma_wait3A_359] : memref<4x128xi32, #tpu.memory_space<vmem>> -> memref<1x128xi32, #tpu.memory_space<vmem>>
        %dma_wait3A_361 = tpu.memref_squeeze %dma_wait3A_360 : memref<1x128xi32, #tpu.memory_space<vmem>> -> memref<128xi32, #tpu.memory_space<vmem>>
        %dma_wait3A_362 = arith.constant 0 : i32
        %dma_wait3A_363 = arith.constant 0 : i32
        %dma_wait3A_364 = tpu.memref_slice %arg19[%dma_wait3A_362, %dma_wait3A_363] : memref<10112x64xf32, #tpu.memory_space<vmem_shared>> -> memref<10112x64xf32, #tpu.memory_space<vmem_shared>>
        tpu.wait_indirect_dma semaphore(%arg34 : memref<!tpu.dma_semaphore, #tpu.memory_space<semaphore_mem>>) src(%arg13 : memref<128x64xf32, #tpu.memory_space<vmem>>) dst(%dma_wait3A_364 : memref<10112x64xf32, #tpu.memory_space<vmem_shared>>)
      } else {
      }
      %add3A_311 = arith.constant 1 : i32
      %add3A_312 = arith.addi %add3A_227, %add3A_311 : i32
      %lt3A_313 = arith.constant 40 : i32
      %lt3A_314 = arith.cmpi slt, %add3A_312, %lt3A_313 : i32
      %convert_element_type3A_315 = arith.extui %lt3A_314 : i1 to i32
      %cond3A_316 = arith.constant 0 : i32
      %cond3A_317 = arith.cmpi ne, %convert_element_type3A_315, %cond3A_316 : i32
      scf.if %cond3A_317 {
        %dma_start3A_358 = arith.constant 2 : i32
        %dma_start3A_359 = arith.constant 0 : i32
        %dma_start3A_360 = tpu.memref_slice %arg7[%dma_start3A_358, %dma_start3A_359] : memref<4x128xi32, #tpu.memory_space<vmem>> -> memref<1x128xi32, #tpu.memory_space<vmem>>
        %dma_start3A_361 = tpu.memref_squeeze %dma_start3A_360 : memref<1x128xi32, #tpu.memory_space<vmem>> -> memref<128xi32, #tpu.memory_space<vmem>>
        %dma_start3A_362 = arith.constant 0 : i32
        %dma_start3A_363 = arith.constant 0 : i32
        %dma_start3A_364 = tpu.memref_slice %arg2[%dma_start3A_362, %dma_start3A_363] : memref<20224x64xf32, #tpu.memory_space<hbm>> -> memref<20224x64xf32, #tpu.memory_space<hbm>>
        tpu.enqueue_indirect_dma source(%dma_start3A_364 : memref<20224x64xf32, #tpu.memory_space<hbm>>) target(%arg13 : memref<128x64xf32, #tpu.memory_space<vmem>>) offsets(%dma_start3A_361 : memref<128xi32, #tpu.memory_space<vmem>>) semaphore(%arg26 : memref<!tpu.dma_semaphore, #tpu.memory_space<semaphore_mem>>)
      } else {
      }
      %dma_wait3A_318 = arith.constant 3 : i32
      %dma_wait3A_319 = arith.constant 0 : i32
      %dma_wait3A_320 = tpu.memref_slice %arg8[%dma_wait3A_318, %dma_wait3A_319] : memref<4x128xi32, #tpu.memory_space<vmem>> -> memref<1x128xi32, #tpu.memory_space<vmem>>
      %dma_wait3A_321 = tpu.memref_squeeze %dma_wait3A_320 : memref<1x128xi32, #tpu.memory_space<vmem>> -> memref<128xi32, #tpu.memory_space<vmem>>
      %dma_wait3A_322 = arith.constant 0 : i32
      %dma_wait3A_323 = arith.constant 0 : i32
      %dma_wait3A_324 = tpu.memref_slice %arg2[%dma_wait3A_322, %dma_wait3A_323] : memref<20224x64xf32, #tpu.memory_space<hbm>> -> memref<20224x64xf32, #tpu.memory_space<hbm>>
      tpu.wait_indirect_dma semaphore(%arg31 : memref<!tpu.dma_semaphore, #tpu.memory_space<semaphore_mem>>) src(%dma_wait3A_324 : memref<20224x64xf32, #tpu.memory_space<hbm>>) dst(%arg18 : memref<128x64xf32, #tpu.memory_space<vmem>>)
      %dma_start3A_325 = arith.constant 3 : i32
      %dma_start3A_326 = arith.constant 0 : i32
      %dma_start3A_327 = tpu.memref_slice %arg10[%dma_start3A_325, %dma_start3A_326] : memref<4x128xi32, #tpu.memory_space<vmem>> -> memref<1x128xi32, #tpu.memory_space<vmem>>
      %dma_start3A_328 = tpu.memref_squeeze %dma_start3A_327 : memref<1x128xi32, #tpu.memory_space<vmem>> -> memref<128xi32, #tpu.memory_space<vmem>>
      %dma_start3A_329 = arith.constant 0 : i32
      %dma_start3A_330 = arith.constant 0 : i32
      %dma_start3A_331 = tpu.memref_slice %arg19[%dma_start3A_329, %dma_start3A_330] : memref<10112x64xf32, #tpu.memory_space<vmem_shared>> -> memref<10112x64xf32, #tpu.memory_space<vmem_shared>>
      tpu.enqueue_indirect_dma source(%arg18 : memref<128x64xf32, #tpu.memory_space<vmem>>) target(%dma_start3A_331 : memref<10112x64xf32, #tpu.memory_space<vmem_shared>>) offsets(%dma_start3A_328 : memref<128xi32, #tpu.memory_space<vmem>>) semaphore(%arg39 : memref<!tpu.dma_semaphore, #tpu.memory_space<semaphore_mem>>) {add = true}
      %ge3A_332 = arith.constant 1 : i32
      %ge3A_333 = arith.cmpi sge, %add3A_227, %ge3A_332 : i32
      %convert_element_type3A_334 = arith.extui %ge3A_333 : i1 to i32
      %cond3A_335 = arith.constant 0 : i32
      %cond3A_336 = arith.cmpi ne, %convert_element_type3A_334, %cond3A_335 : i32
      scf.if %cond3A_336 {
        %dma_wait3A_358 = arith.constant 0 : i32
        %dma_wait3A_359 = arith.constant 0 : i32
        %dma_wait3A_360 = tpu.memref_slice %arg10[%dma_wait3A_358, %dma_wait3A_359] : memref<4x128xi32, #tpu.memory_space<vmem>> -> memref<1x128xi32, #tpu.memory_space<vmem>>
        %dma_wait3A_361 = tpu.memref_squeeze %dma_wait3A_360 : memref<1x128xi32, #tpu.memory_space<vmem>> -> memref<128xi32, #tpu.memory_space<vmem>>
        %dma_wait3A_362 = arith.constant 0 : i32
        %dma_wait3A_363 = arith.constant 0 : i32
        %dma_wait3A_364 = tpu.memref_slice %arg19[%dma_wait3A_362, %dma_wait3A_363] : memref<10112x64xf32, #tpu.memory_space<vmem_shared>> -> memref<10112x64xf32, #tpu.memory_space<vmem_shared>>
        tpu.wait_indirect_dma semaphore(%arg35 : memref<!tpu.dma_semaphore, #tpu.memory_space<semaphore_mem>>) src(%arg14 : memref<128x64xf32, #tpu.memory_space<vmem>>) dst(%dma_wait3A_364 : memref<10112x64xf32, #tpu.memory_space<vmem_shared>>)
      } else {
      }
      %add3A_337 = arith.constant 1 : i32
      %add3A_338 = arith.addi %add3A_227, %add3A_337 : i32
      %lt3A_339 = arith.constant 40 : i32
      %lt3A_340 = arith.cmpi slt, %add3A_338, %lt3A_339 : i32
      %convert_element_type3A_341 = arith.extui %lt3A_340 : i1 to i32
      %cond3A_342 = arith.constant 0 : i32
      %cond3A_343 = arith.cmpi ne, %convert_element_type3A_341, %cond3A_342 : i32
      scf.if %cond3A_343 {
        %dma_start3A_358 = arith.constant 3 : i32
        %dma_start3A_359 = arith.constant 0 : i32
        %dma_start3A_360 = tpu.memref_slice %arg7[%dma_start3A_358, %dma_start3A_359] : memref<4x128xi32, #tpu.memory_space<vmem>> -> memref<1x128xi32, #tpu.memory_space<vmem>>
        %dma_start3A_361 = tpu.memref_squeeze %dma_start3A_360 : memref<1x128xi32, #tpu.memory_space<vmem>> -> memref<128xi32, #tpu.memory_space<vmem>>
        %dma_start3A_362 = arith.constant 0 : i32
        %dma_start3A_363 = arith.constant 0 : i32
        %dma_start3A_364 = tpu.memref_slice %arg2[%dma_start3A_362, %dma_start3A_363] : memref<20224x64xf32, #tpu.memory_space<hbm>> -> memref<20224x64xf32, #tpu.memory_space<hbm>>
        tpu.enqueue_indirect_dma source(%dma_start3A_364 : memref<20224x64xf32, #tpu.memory_space<hbm>>) target(%arg14 : memref<128x64xf32, #tpu.memory_space<vmem>>) offsets(%dma_start3A_361 : memref<128xi32, #tpu.memory_space<vmem>>) semaphore(%arg27 : memref<!tpu.dma_semaphore, #tpu.memory_space<semaphore_mem>>)
      } else {
      }
      %add3A_344 = arith.constant 2 : i32
      %add3A_345 = arith.addi %add3A_227, %add3A_344 : i32
      %lt3A_346 = arith.constant 40 : i32
      %lt3A_347 = arith.cmpi slt, %add3A_345, %lt3A_346 : i32
      %convert_element_type3A_348 = arith.extui %lt3A_347 : i1 to i32
      %cond3A_349 = arith.constant 0 : i32
      %cond3A_350 = arith.cmpi ne, %convert_element_type3A_348, %cond3A_349 : i32
      scf.if %cond3A_350 {
        %add3A_358 = arith.constant 2 : i32
        %add3A_359 = arith.addi %add3A_227, %add3A_358 : i32
        %mul3A_360 = arith.constant 4 : i32
        %mul3A_361 = arith.muli %add3A_359, %mul3A_360 : i32
        %dma_start3A_362 = arith.constant 0 : i32
        %dma_start3A_363 = arith.constant 0 : i32
        %dma_start3A_364 = arith.constant 0 : i32
        %dma_start3A_365 = tpu.memref_slice %arg3[%arg0, %dma_start3A_362, %dma_start3A_363, %dma_start3A_364] : memref<2x16x160x128xi32, #tpu.memory_space<hbm>> -> memref<1x16x160x128xi32, #tpu.memory_space<hbm>>
        %dma_start3A_366 = tpu.memref_squeeze %dma_start3A_365 : memref<1x16x160x128xi32, #tpu.memory_space<hbm>> -> memref<16x160x128xi32, #tpu.memory_space<hbm>>
        %dma_start3A_367 = arith.constant 0 : i32
        %dma_start3A_368 = arith.constant 0 : i32
        %dma_start3A_369 = tpu.memref_slice %dma_start3A_366[%arg1, %dma_start3A_367, %dma_start3A_368] : memref<16x160x128xi32, #tpu.memory_space<hbm>> -> memref<1x160x128xi32, #tpu.memory_space<hbm>>
        %dma_start3A_370 = tpu.memref_squeeze %dma_start3A_369 : memref<1x160x128xi32, #tpu.memory_space<hbm>> -> memref<160x128xi32, #tpu.memory_space<hbm>>
        %dma_start3A_371 = arith.constant 0 : i32
        %dma_start3A_372 = tpu.memref_slice %dma_start3A_370[%mul3A_361, %dma_start3A_371] : memref<160x128xi32, #tpu.memory_space<hbm>> -> memref<4x128xi32, #tpu.memory_space<hbm>>
        %dma_start3A_373 = arith.constant 0 : i32
        %dma_start3A_374 = arith.constant 0 : i32
        %dma_start3A_375 = arith.constant 0 : i32
        %dma_start3A_376 = tpu.memref_slice %arg3[%arg0, %dma_start3A_373, %dma_start3A_374, %dma_start3A_375] : memref<2x16x160x128xi32, #tpu.memory_space<hbm>> -> memref<1x16x160x128xi32, #tpu.memory_space<hbm>>
        %dma_start3A_377 = tpu.memref_squeeze %dma_start3A_376 : memref<1x16x160x128xi32, #tpu.memory_space<hbm>> -> memref<16x160x128xi32, #tpu.memory_space<hbm>>
        %dma_start3A_378 = arith.constant 0 : i32
        %dma_start3A_379 = arith.constant 0 : i32
        %dma_start3A_380 = tpu.memref_slice %dma_start3A_377[%arg1, %dma_start3A_378, %dma_start3A_379] : memref<16x160x128xi32, #tpu.memory_space<hbm>> -> memref<1x160x128xi32, #tpu.memory_space<hbm>>
        %dma_start3A_381 = tpu.memref_squeeze %dma_start3A_380 : memref<1x160x128xi32, #tpu.memory_space<hbm>> -> memref<160x128xi32, #tpu.memory_space<hbm>>
        %dma_start3A_382 = arith.constant 0 : i32
        %dma_start3A_383 = tpu.memref_slice %dma_start3A_381[%mul3A_361, %dma_start3A_382] : memref<160x128xi32, #tpu.memory_space<hbm>> -> memref<4x128xi32, #tpu.memory_space<hbm>>
        tpu.enqueue_dma source(%dma_start3A_383 : memref<4x128xi32, #tpu.memory_space<hbm>>) target(%arg8 : memref<4x128xi32, #tpu.memory_space<vmem>>) target_semaphore(%arg21 : memref<!tpu.dma_semaphore, #tpu.memory_space<semaphore_mem>>)
      } else {
      }
      %add3A_351 = arith.constant 1 : i32
      %add3A_352 = arith.addi %add3A_227, %add3A_351 : i32
      %lt3A_353 = arith.constant 40 : i32
      %lt3A_354 = arith.cmpi slt, %add3A_352, %lt3A_353 : i32
      %convert_element_type3A_355 = arith.extui %lt3A_354 : i1 to i32
      %cond3A_356 = arith.constant 0 : i32
      %cond3A_357 = arith.cmpi ne, %convert_element_type3A_355, %cond3A_356 : i32
      scf.if %cond3A_357 {
        %add3A_358 = arith.constant 1 : i32
        %add3A_359 = arith.addi %add3A_227, %add3A_358 : i32
        %mul3A_360 = arith.constant 4 : i32
        %mul3A_361 = arith.muli %add3A_359, %mul3A_360 : i32
        %dma_start3A_362 = arith.constant 0 : i32
        %dma_start3A_363 = arith.constant 0 : i32
        %dma_start3A_364 = tpu.memref_slice %arg4[%arg1, %dma_start3A_362, %dma_start3A_363] : memref<16x160x128xi32, #tpu.memory_space<hbm>> -> memref<1x160x128xi32, #tpu.memory_space<hbm>>
        %dma_start3A_365 = tpu.memref_squeeze %dma_start3A_364 : memref<1x160x128xi32, #tpu.memory_space<hbm>> -> memref<160x128xi32, #tpu.memory_space<hbm>>
        %dma_start3A_366 = arith.constant 0 : i32
        %dma_start3A_367 = tpu.memref_slice %dma_start3A_365[%mul3A_361, %dma_start3A_366] : memref<160x128xi32, #tpu.memory_space<hbm>> -> memref<4x128xi32, #tpu.memory_space<hbm>>
        %dma_start3A_368 = arith.constant 0 : i32
        %dma_start3A_369 = arith.constant 0 : i32
        %dma_start3A_370 = tpu.memref_slice %arg4[%arg1, %dma_start3A_368, %dma_start3A_369] : memref<16x160x128xi32, #tpu.memory_space<hbm>> -> memref<1x160x128xi32, #tpu.memory_space<hbm>>
        %dma_start3A_371 = tpu.memref_squeeze %dma_start3A_370 : memref<1x160x128xi32, #tpu.memory_space<hbm>> -> memref<160x128xi32, #tpu.memory_space<hbm>>
        %dma_start3A_372 = arith.constant 0 : i32
        %dma_start3A_373 = tpu.memref_slice %dma_start3A_371[%mul3A_361, %dma_start3A_372] : memref<160x128xi32, #tpu.memory_space<hbm>> -> memref<4x128xi32, #tpu.memory_space<hbm>>
        tpu.enqueue_dma source(%dma_start3A_373 : memref<4x128xi32, #tpu.memory_space<hbm>>) target(%arg9 : memref<4x128xi32, #tpu.memory_space<vmem>>) target_semaphore(%arg22 : memref<!tpu.dma_semaphore, #tpu.memory_space<semaphore_mem>>)
      } else {
      }
    }
    %scan3A_58 = arith.constant 20 : i32
    %dma_wait3A = arith.constant 0 : i32
    %dma_wait3A_59 = arith.constant 0 : i32
    %dma_wait3A_60 = tpu.memref_slice %arg9[%dma_wait3A, %dma_wait3A_59] : memref<4x128xi32, #tpu.memory_space<vmem>> -> memref<1x128xi32, #tpu.memory_space<vmem>>
    %dma_wait3A_61 = tpu.memref_squeeze %dma_wait3A_60 : memref<1x128xi32, #tpu.memory_space<vmem>> -> memref<128xi32, #tpu.memory_space<vmem>>
    %dma_wait3A_62 = arith.constant 0 : i32
    %dma_wait3A_63 = arith.constant 0 : i32
    %dma_wait3A_64 = tpu.memref_slice %arg19[%dma_wait3A_62, %dma_wait3A_63] : memref<10112x64xf32, #tpu.memory_space<vmem_shared>> -> memref<10112x64xf32, #tpu.memory_space<vmem_shared>>
    tpu.wait_indirect_dma semaphore(%arg36 : memref<!tpu.dma_semaphore, #tpu.memory_space<semaphore_mem>>) src(%arg15 : memref<128x64xf32, #tpu.memory_space<vmem>>) dst(%dma_wait3A_64 : memref<10112x64xf32, #tpu.memory_space<vmem_shared>>)
    %dma_wait3A_65 = arith.constant 0 : i32
    %dma_wait3A_66 = arith.constant 0 : i32
    %dma_wait3A_67 = tpu.memref_slice %arg9[%dma_wait3A_65, %dma_wait3A_66] : memref<4x128xi32, #tpu.memory_space<vmem>> -> memref<1x128xi32, #tpu.memory_space<vmem>>
    %dma_wait3A_68 = tpu.memref_squeeze %dma_wait3A_67 : memref<1x128xi32, #tpu.memory_space<vmem>> -> memref<128xi32, #tpu.memory_space<vmem>>
    %dma_wait3A_69 = arith.constant 0 : i32
    %dma_wait3A_70 = arith.constant 0 : i32
    %dma_wait3A_71 = tpu.memref_slice %arg19[%dma_wait3A_69, %dma_wait3A_70] : memref<10112x64xf32, #tpu.memory_space<vmem_shared>> -> memref<10112x64xf32, #tpu.memory_space<vmem_shared>>
    tpu.wait_indirect_dma semaphore(%arg37 : memref<!tpu.dma_semaphore, #tpu.memory_space<semaphore_mem>>) src(%arg16 : memref<128x64xf32, #tpu.memory_space<vmem>>) dst(%dma_wait3A_71 : memref<10112x64xf32, #tpu.memory_space<vmem_shared>>)
    %dma_wait3A_72 = arith.constant 0 : i32
    %dma_wait3A_73 = arith.constant 0 : i32
    %dma_wait3A_74 = tpu.memref_slice %arg9[%dma_wait3A_72, %dma_wait3A_73] : memref<4x128xi32, #tpu.memory_space<vmem>> -> memref<1x128xi32, #tpu.memory_space<vmem>>
    %dma_wait3A_75 = tpu.memref_squeeze %dma_wait3A_74 : memref<1x128xi32, #tpu.memory_space<vmem>> -> memref<128xi32, #tpu.memory_space<vmem>>
    %dma_wait3A_76 = arith.constant 0 : i32
    %dma_wait3A_77 = arith.constant 0 : i32
    %dma_wait3A_78 = tpu.memref_slice %arg19[%dma_wait3A_76, %dma_wait3A_77] : memref<10112x64xf32, #tpu.memory_space<vmem_shared>> -> memref<10112x64xf32, #tpu.memory_space<vmem_shared>>
    tpu.wait_indirect_dma semaphore(%arg38 : memref<!tpu.dma_semaphore, #tpu.memory_space<semaphore_mem>>) src(%arg17 : memref<128x64xf32, #tpu.memory_space<vmem>>) dst(%dma_wait3A_78 : memref<10112x64xf32, #tpu.memory_space<vmem_shared>>)
    %dma_wait3A_79 = arith.constant 0 : i32
    %dma_wait3A_80 = arith.constant 0 : i32
    %dma_wait3A_81 = tpu.memref_slice %arg9[%dma_wait3A_79, %dma_wait3A_80] : memref<4x128xi32, #tpu.memory_space<vmem>> -> memref<1x128xi32, #tpu.memory_space<vmem>>
    %dma_wait3A_82 = tpu.memref_squeeze %dma_wait3A_81 : memref<1x128xi32, #tpu.memory_space<vmem>> -> memref<128xi32, #tpu.memory_space<vmem>>
    %dma_wait3A_83 = arith.constant 0 : i32
    %dma_wait3A_84 = arith.constant 0 : i32
    %dma_wait3A_85 = tpu.memref_slice %arg19[%dma_wait3A_83, %dma_wait3A_84] : memref<10112x64xf32, #tpu.memory_space<vmem_shared>> -> memref<10112x64xf32, #tpu.memory_space<vmem_shared>>
    tpu.wait_indirect_dma semaphore(%arg39 : memref<!tpu.dma_semaphore, #tpu.memory_space<semaphore_mem>>) src(%arg18 : memref<128x64xf32, #tpu.memory_space<vmem>>) dst(%dma_wait3A_85 : memref<10112x64xf32, #tpu.memory_space<vmem_shared>>)
    %barrier3A_86 = arith.constant 0 : index
    tpu.barrier barrier_id(%barrier3A_86)
    %mul3A_87 = arith.constant 632 : i32
    %mul3A_88 = arith.muli %arg1, %mul3A_87 : i32
    %mul3A_89 = arith.constant 10112 : i32
    %mul3A_90 = arith.muli %arg0, %mul3A_89 : i32
    %mul3A_91 = arith.constant 632 : i32
    %mul3A_92 = arith.muli %arg1, %mul3A_91 : i32
    %add3A = arith.addi %mul3A_90, %mul3A_92 : i32
    "tpu.region"() ({
      %run_scoped3A = tpu.sem_alloc : memref<!tpu.dma_semaphore, #tpu.memory_space<semaphore_mem>>
      %dma_start3A_93 = arith.constant 0 : i32
      %dma_start3A_94 = tpu.memref_slice %arg6[%add3A, %dma_start3A_93] : memref<20224x64xf32, #tpu.memory_space<hbm>> -> memref<632x64xf32, #tpu.memory_space<hbm>>
      %dma_start3A_95 = arith.constant 0 : i32
      %dma_start3A_96 = tpu.memref_slice %arg19[%mul3A_88, %dma_start3A_95] : memref<10112x64xf32, #tpu.memory_space<vmem_shared>> -> memref<632x64xf32, #tpu.memory_space<vmem_shared>>
      tpu.enqueue_dma source(%dma_start3A_96 : memref<632x64xf32, #tpu.memory_space<vmem_shared>>) target(%dma_start3A_94 : memref<632x64xf32, #tpu.memory_space<hbm>>) target_semaphore(%run_scoped3A : memref<!tpu.dma_semaphore, #tpu.memory_space<semaphore_mem>>)
      %dma_wait3A_97 = arith.constant 0 : i32
      %dma_wait3A_98 = tpu.memref_slice %arg6[%add3A, %dma_wait3A_97] : memref<20224x64xf32, #tpu.memory_space<hbm>> -> memref<632x64xf32, #tpu.memory_space<hbm>>
      %dma_wait3A_99 = arith.constant 0 : i32
      %dma_wait3A_100 = tpu.memref_slice %arg19[%mul3A_88, %dma_wait3A_99] : memref<10112x64xf32, #tpu.memory_space<vmem_shared>> -> memref<632x64xf32, #tpu.memory_space<vmem_shared>>
      tpu.wait_dma2 semaphore(%run_scoped3A : memref<!tpu.dma_semaphore, #tpu.memory_space<semaphore_mem>>) src(%dma_wait3A_100 : memref<632x64xf32, #tpu.memory_space<vmem_shared>>) dst(%dma_wait3A_98 : memref<632x64xf32, #tpu.memory_space<hbm>>)
      tpu.yield
    }) : () -> ()
    return
  }
}

#map = affine_map<(d0, d1) -> (0, 0, 0)>
#map1 = affine_map<(d0, d1) -> (0, 0)>
module attributes {stable_mosaic.version = 14 : i64} {
  func.func @_sc_deg_body(%arg0: i32, %arg1: i32, %arg2: memref<32x80x128xi32, #tpu.memory_space<hbm>>, %arg3: memref<128x16xf32, #tpu.memory_space<hbm>>, %arg4: memref<10112x16xf32, #tpu.memory_space<hbm>>, %arg5: memref<20224x16xf32, #tpu.memory_space<hbm>>, %arg6: memref<4x128xi32, #tpu.memory_space<vmem>>, %arg7: memref<4x128xi32, #tpu.memory_space<vmem>>, %arg8: memref<128x16xf32, #tpu.memory_space<vmem>>, %arg9: memref<10112x16xf32, #tpu.memory_space<vmem_shared>>, %arg10: memref<!tpu.dma_semaphore, #tpu.memory_space<semaphore_mem>>, %arg11: memref<!tpu.dma_semaphore, #tpu.memory_space<semaphore_mem>>, %arg12: memref<!tpu.dma_semaphore, #tpu.memory_space<semaphore_mem>>, %arg13: memref<!tpu.dma_semaphore, #tpu.memory_space<semaphore_mem>>, %arg14: memref<!tpu.dma_semaphore, #tpu.memory_space<semaphore_mem>>, %arg15: memref<!tpu.dma_semaphore, #tpu.memory_space<semaphore_mem>>) attributes {dimension_semantics = [#tpu.dimension_semantics<core_parallel>, #tpu.dimension_semantics<subcore_parallel>], iteration_bounds = array<i64: 2, 16>, scalar_prefetch = 0 : i64, scratch_operands = 10 : i64, tpu.core_type = #tpu.core_type<sc_vector_subcore>, window_params = [{transform_indices = #map}, {transform_indices = #map1}, {transform_indices = #map1}, {transform_indices = #map1}]} {
    %mul3A = arith.constant 16 : i32
    %mul3A_0 = arith.muli %arg0, %mul3A : i32
    %add3A = arith.addi %mul3A_0, %arg1 : i32
    "tpu.region"() ({
      %run_scoped3A = tpu.sem_alloc : memref<!tpu.dma_semaphore, #tpu.memory_space<semaphore_mem>>
      tpu.enqueue_dma source(%arg3 : memref<128x16xf32, #tpu.memory_space<hbm>>) target(%arg8 : memref<128x16xf32, #tpu.memory_space<vmem>>) target_semaphore(%run_scoped3A : memref<!tpu.dma_semaphore, #tpu.memory_space<semaphore_mem>>)
      tpu.wait_dma2 semaphore(%run_scoped3A : memref<!tpu.dma_semaphore, #tpu.memory_space<semaphore_mem>>) src(%arg3 : memref<128x16xf32, #tpu.memory_space<hbm>>) dst(%arg8 : memref<128x16xf32, #tpu.memory_space<vmem>>)
      tpu.yield
    }) : () -> ()
    %mul3A_1 = arith.constant 632 : i32
    %mul3A_2 = arith.muli %arg1, %mul3A_1 : i32
    %mul3A_3 = arith.constant 632 : i32
    %mul3A_4 = arith.muli %arg1, %mul3A_3 : i32
    "tpu.region"() ({
      %run_scoped3A = tpu.sem_alloc : memref<!tpu.dma_semaphore, #tpu.memory_space<semaphore_mem>>
      %dma_start3A_31 = arith.constant 0 : i32
      %dma_start3A_32 = tpu.memref_slice %arg9[%mul3A_4, %dma_start3A_31] : memref<10112x16xf32, #tpu.memory_space<vmem_shared>> -> memref<632x16xf32, #tpu.memory_space<vmem_shared>>
      %dma_start3A_33 = arith.constant 0 : i32
      %dma_start3A_34 = tpu.memref_slice %arg4[%mul3A_2, %dma_start3A_33] : memref<10112x16xf32, #tpu.memory_space<hbm>> -> memref<632x16xf32, #tpu.memory_space<hbm>>
      tpu.enqueue_dma source(%dma_start3A_34 : memref<632x16xf32, #tpu.memory_space<hbm>>) target(%dma_start3A_32 : memref<632x16xf32, #tpu.memory_space<vmem_shared>>) target_semaphore(%run_scoped3A : memref<!tpu.dma_semaphore, #tpu.memory_space<semaphore_mem>>)
      %dma_wait3A = arith.constant 0 : i32
      %dma_wait3A_35 = tpu.memref_slice %arg9[%mul3A_4, %dma_wait3A] : memref<10112x16xf32, #tpu.memory_space<vmem_shared>> -> memref<632x16xf32, #tpu.memory_space<vmem_shared>>
      %dma_wait3A_36 = arith.constant 0 : i32
      %dma_wait3A_37 = tpu.memref_slice %arg4[%mul3A_2, %dma_wait3A_36] : memref<10112x16xf32, #tpu.memory_space<hbm>> -> memref<632x16xf32, #tpu.memory_space<hbm>>
      tpu.wait_dma2 semaphore(%run_scoped3A : memref<!tpu.dma_semaphore, #tpu.memory_space<semaphore_mem>>) src(%dma_wait3A_37 : memref<632x16xf32, #tpu.memory_space<hbm>>) dst(%dma_wait3A_35 : memref<632x16xf32, #tpu.memory_space<vmem_shared>>)
      tpu.yield
    }) : () -> ()
    "tpu.region"() ({
      %run_scoped3A = tpu.sem_alloc : memref<!tpu.dma_semaphore, #tpu.memory_space<semaphore_mem>>
      %dma_start3A_31 = arith.constant 0 : i32
      %dma_start3A_32 = arith.constant 0 : i32
      %dma_start3A_33 = tpu.memref_slice %arg2[%add3A, %dma_start3A_31, %dma_start3A_32] : memref<32x80x128xi32, #tpu.memory_space<hbm>> -> memref<1x80x128xi32, #tpu.memory_space<hbm>>
      %dma_start3A_34 = tpu.memref_squeeze %dma_start3A_33 : memref<1x80x128xi32, #tpu.memory_space<hbm>> -> memref<80x128xi32, #tpu.memory_space<hbm>>
      %dma_start3A_35 = arith.constant 0 : i32
      %dma_start3A_36 = arith.constant 0 : i32
      %dma_start3A_37 = tpu.memref_slice %dma_start3A_34[%dma_start3A_35, %dma_start3A_36] : memref<80x128xi32, #tpu.memory_space<hbm>> -> memref<4x128xi32, #tpu.memory_space<hbm>>
      %dma_start3A_38 = arith.constant 0 : i32
      %dma_start3A_39 = arith.constant 0 : i32
      %dma_start3A_40 = tpu.memref_slice %arg2[%add3A, %dma_start3A_38, %dma_start3A_39] : memref<32x80x128xi32, #tpu.memory_space<hbm>> -> memref<1x80x128xi32, #tpu.memory_space<hbm>>
      %dma_start3A_41 = tpu.memref_squeeze %dma_start3A_40 : memref<1x80x128xi32, #tpu.memory_space<hbm>> -> memref<80x128xi32, #tpu.memory_space<hbm>>
      %dma_start3A_42 = arith.constant 0 : i32
      %dma_start3A_43 = arith.constant 0 : i32
      %dma_start3A_44 = tpu.memref_slice %dma_start3A_41[%dma_start3A_42, %dma_start3A_43] : memref<80x128xi32, #tpu.memory_space<hbm>> -> memref<4x128xi32, #tpu.memory_space<hbm>>
      tpu.enqueue_dma source(%dma_start3A_44 : memref<4x128xi32, #tpu.memory_space<hbm>>) target(%arg6 : memref<4x128xi32, #tpu.memory_space<vmem>>) target_semaphore(%run_scoped3A : memref<!tpu.dma_semaphore, #tpu.memory_space<semaphore_mem>>)
      %dma_wait3A = arith.constant 0 : i32
      %dma_wait3A_45 = arith.constant 0 : i32
      %dma_wait3A_46 = tpu.memref_slice %arg2[%add3A, %dma_wait3A, %dma_wait3A_45] : memref<32x80x128xi32, #tpu.memory_space<hbm>> -> memref<1x80x128xi32, #tpu.memory_space<hbm>>
      %dma_wait3A_47 = tpu.memref_squeeze %dma_wait3A_46 : memref<1x80x128xi32, #tpu.memory_space<hbm>> -> memref<80x128xi32, #tpu.memory_space<hbm>>
      %dma_wait3A_48 = arith.constant 0 : i32
      %dma_wait3A_49 = arith.constant 0 : i32
      %dma_wait3A_50 = tpu.memref_slice %dma_wait3A_47[%dma_wait3A_48, %dma_wait3A_49] : memref<80x128xi32, #tpu.memory_space<hbm>> -> memref<4x128xi32, #tpu.memory_space<hbm>>
      %dma_wait3A_51 = arith.constant 0 : i32
      %dma_wait3A_52 = arith.constant 0 : i32
      %dma_wait3A_53 = tpu.memref_slice %arg2[%add3A, %dma_wait3A_51, %dma_wait3A_52] : memref<32x80x128xi32, #tpu.memory_space<hbm>> -> memref<1x80x128xi32, #tpu.memory_space<hbm>>
      %dma_wait3A_54 = tpu.memref_squeeze %dma_wait3A_53 : memref<1x80x128xi32, #tpu.memory_space<hbm>> -> memref<80x128xi32, #tpu.memory_space<hbm>>
      %dma_wait3A_55 = arith.constant 0 : i32
      %dma_wait3A_56 = arith.constant 0 : i32
      %dma_wait3A_57 = tpu.memref_slice %dma_wait3A_54[%dma_wait3A_55, %dma_wait3A_56] : memref<80x128xi32, #tpu.memory_space<hbm>> -> memref<4x128xi32, #tpu.memory_space<hbm>>
      tpu.wait_dma2 semaphore(%run_scoped3A : memref<!tpu.dma_semaphore, #tpu.memory_space<semaphore_mem>>) src(%dma_wait3A_57 : memref<4x128xi32, #tpu.memory_space<hbm>>) dst(%arg6 : memref<4x128xi32, #tpu.memory_space<vmem>>)
      tpu.yield
    }) : () -> ()
    %dma_start3A = arith.constant 0 : i32
    %dma_start3A_5 = arith.constant 0 : i32
    %dma_start3A_6 = tpu.memref_slice %arg2[%add3A, %dma_start3A, %dma_start3A_5] : memref<32x80x128xi32, #tpu.memory_space<hbm>> -> memref<1x80x128xi32, #tpu.memory_space<hbm>>
    %dma_start3A_7 = tpu.memref_squeeze %dma_start3A_6 : memref<1x80x128xi32, #tpu.memory_space<hbm>> -> memref<80x128xi32, #tpu.memory_space<hbm>>
    %dma_start3A_8 = arith.constant 4 : i32
    %dma_start3A_9 = arith.constant 0 : i32
    %dma_start3A_10 = tpu.memref_slice %dma_start3A_7[%dma_start3A_8, %dma_start3A_9] : memref<80x128xi32, #tpu.memory_space<hbm>> -> memref<4x128xi32, #tpu.memory_space<hbm>>
    %dma_start3A_11 = arith.constant 0 : i32
    %dma_start3A_12 = arith.constant 0 : i32
    %dma_start3A_13 = tpu.memref_slice %arg2[%add3A, %dma_start3A_11, %dma_start3A_12] : memref<32x80x128xi32, #tpu.memory_space<hbm>> -> memref<1x80x128xi32, #tpu.memory_space<hbm>>
    %dma_start3A_14 = tpu.memref_squeeze %dma_start3A_13 : memref<1x80x128xi32, #tpu.memory_space<hbm>> -> memref<80x128xi32, #tpu.memory_space<hbm>>
    %dma_start3A_15 = arith.constant 4 : i32
    %dma_start3A_16 = arith.constant 0 : i32
    %dma_start3A_17 = tpu.memref_slice %dma_start3A_14[%dma_start3A_15, %dma_start3A_16] : memref<80x128xi32, #tpu.memory_space<hbm>> -> memref<4x128xi32, #tpu.memory_space<hbm>>
    tpu.enqueue_dma source(%dma_start3A_17 : memref<4x128xi32, #tpu.memory_space<hbm>>) target(%arg7 : memref<4x128xi32, #tpu.memory_space<vmem>>) target_semaphore(%arg11 : memref<!tpu.dma_semaphore, #tpu.memory_space<semaphore_mem>>)
    %barrier3A = arith.constant 0 : index
    tpu.barrier barrier_id(%barrier3A)
    %scan3A = arith.constant 0 : i32
    %scan3A_18 = arith.constant 0 : i32
    %scan3A_19 = arith.constant 10 : i32
    %scan3A_20 = arith.addi %scan3A_18, %scan3A_19 : i32
    %scan3A_21 = arith.constant 1 : i32
    scf.for %scan3A_31 = %scan3A_18 to %scan3A_20 step %scan3A_21  : i32 {
      %mul3A_32 = arith.constant 2 : i32
      %mul3A_33 = arith.muli %scan3A_31, %mul3A_32 : i32
      %add3A_34 = arith.constant 0 : i32
      %add3A_35 = arith.addi %mul3A_33, %add3A_34 : i32
      %add3A_36 = arith.constant 1 : i32
      %add3A_37 = arith.addi %add3A_35, %add3A_36 : i32
      %lt3A = arith.constant 20 : i32
      %lt3A_38 = arith.cmpi slt, %add3A_37, %lt3A : i32
      %convert_element_type3A = arith.extui %lt3A_38 : i1 to i32
      %cond3A = arith.constant 0 : i32
      %cond3A_39 = arith.cmpi ne, %convert_element_type3A, %cond3A : i32
      scf.if %cond3A_39 {
        %dma_wait3A_176 = arith.constant 0 : i32
        %dma_wait3A_177 = arith.constant 0 : i32
        %dma_wait3A_178 = tpu.memref_slice %arg2[%add3A, %dma_wait3A_176, %dma_wait3A_177] : memref<32x80x128xi32, #tpu.memory_space<hbm>> -> memref<1x80x128xi32, #tpu.memory_space<hbm>>
        %dma_wait3A_179 = tpu.memref_squeeze %dma_wait3A_178 : memref<1x80x128xi32, #tpu.memory_space<hbm>> -> memref<80x128xi32, #tpu.memory_space<hbm>>
        %dma_wait3A_180 = arith.constant 0 : i32
        %dma_wait3A_181 = arith.constant 0 : i32
        %dma_wait3A_182 = tpu.memref_slice %dma_wait3A_179[%dma_wait3A_180, %dma_wait3A_181] : memref<80x128xi32, #tpu.memory_space<hbm>> -> memref<4x128xi32, #tpu.memory_space<hbm>>
        %dma_wait3A_183 = arith.constant 0 : i32
        %dma_wait3A_184 = arith.constant 0 : i32
        %dma_wait3A_185 = tpu.memref_slice %arg2[%add3A, %dma_wait3A_183, %dma_wait3A_184] : memref<32x80x128xi32, #tpu.memory_space<hbm>> -> memref<1x80x128xi32, #tpu.memory_space<hbm>>
        %dma_wait3A_186 = tpu.memref_squeeze %dma_wait3A_185 : memref<1x80x128xi32, #tpu.memory_space<hbm>> -> memref<80x128xi32, #tpu.memory_space<hbm>>
        %dma_wait3A_187 = arith.constant 0 : i32
        %dma_wait3A_188 = arith.constant 0 : i32
        %dma_wait3A_189 = tpu.memref_slice %dma_wait3A_186[%dma_wait3A_187, %dma_wait3A_188] : memref<80x128xi32, #tpu.memory_space<hbm>> -> memref<4x128xi32, #tpu.memory_space<hbm>>
        tpu.wait_dma2 semaphore(%arg11 : memref<!tpu.dma_semaphore, #tpu.memory_space<semaphore_mem>>) src(%dma_wait3A_189 : memref<4x128xi32, #tpu.memory_space<hbm>>) dst(%arg7 : memref<4x128xi32, #tpu.memory_space<vmem>>)
      } else {
      }
      %dma_start3A_40 = arith.constant 0 : i32
      %dma_start3A_41 = arith.constant 0 : i32
      %dma_start3A_42 = tpu.memref_slice %arg6[%dma_start3A_40, %dma_start3A_41] : memref<4x128xi32, #tpu.memory_space<vmem>> -> memref<1x128xi32, #tpu.memory_space<vmem>>
      %dma_start3A_43 = tpu.memref_squeeze %dma_start3A_42 : memref<1x128xi32, #tpu.memory_space<vmem>> -> memref<128xi32, #tpu.memory_space<vmem>>
      %dma_start3A_44 = arith.constant 0 : i32
      %dma_start3A_45 = arith.constant 0 : i32
      %dma_start3A_46 = tpu.memref_slice %arg9[%dma_start3A_44, %dma_start3A_45] : memref<10112x16xf32, #tpu.memory_space<vmem_shared>> -> memref<10112x16xf32, #tpu.memory_space<vmem_shared>>
      tpu.enqueue_indirect_dma source(%arg8 : memref<128x16xf32, #tpu.memory_space<vmem>>) target(%dma_start3A_46 : memref<10112x16xf32, #tpu.memory_space<vmem_shared>>) offsets(%dma_start3A_43 : memref<128xi32, #tpu.memory_space<vmem>>) semaphore(%arg12 : memref<!tpu.dma_semaphore, #tpu.memory_space<semaphore_mem>>) {add = true}
      %dma_start3A_47 = arith.constant 1 : i32
      %dma_start3A_48 = arith.constant 0 : i32
      %dma_start3A_49 = tpu.memref_slice %arg6[%dma_start3A_47, %dma_start3A_48] : memref<4x128xi32, #tpu.memory_space<vmem>> -> memref<1x128xi32, #tpu.memory_space<vmem>>
      %dma_start3A_50 = tpu.memref_squeeze %dma_start3A_49 : memref<1x128xi32, #tpu.memory_space<vmem>> -> memref<128xi32, #tpu.memory_space<vmem>>
      %dma_start3A_51 = arith.constant 0 : i32
      %dma_start3A_52 = arith.constant 0 : i32
      %dma_start3A_53 = tpu.memref_slice %arg9[%dma_start3A_51, %dma_start3A_52] : memref<10112x16xf32, #tpu.memory_space<vmem_shared>> -> memref<10112x16xf32, #tpu.memory_space<vmem_shared>>
      tpu.enqueue_indirect_dma source(%arg8 : memref<128x16xf32, #tpu.memory_space<vmem>>) target(%dma_start3A_53 : memref<10112x16xf32, #tpu.memory_space<vmem_shared>>) offsets(%dma_start3A_50 : memref<128xi32, #tpu.memory_space<vmem>>) semaphore(%arg13 : memref<!tpu.dma_semaphore, #tpu.memory_space<semaphore_mem>>) {add = true}
      %dma_start3A_54 = arith.constant 2 : i32
      %dma_start3A_55 = arith.constant 0 : i32
      %dma_start3A_56 = tpu.memref_slice %arg6[%dma_start3A_54, %dma_start3A_55] : memref<4x128xi32, #tpu.memory_space<vmem>> -> memref<1x128xi32, #tpu.memory_space<vmem>>
      %dma_start3A_57 = tpu.memref_squeeze %dma_start3A_56 : memref<1x128xi32, #tpu.memory_space<vmem>> -> memref<128xi32, #tpu.memory_space<vmem>>
      %dma_start3A_58 = arith.constant 0 : i32
      %dma_start3A_59 = arith.constant 0 : i32
      %dma_start3A_60 = tpu.memref_slice %arg9[%dma_start3A_58, %dma_start3A_59] : memref<10112x16xf32, #tpu.memory_space<vmem_shared>> -> memref<10112x16xf32, #tpu.memory_space<vmem_shared>>
      tpu.enqueue_indirect_dma source(%arg8 : memref<128x16xf32, #tpu.memory_space<vmem>>) target(%dma_start3A_60 : memref<10112x16xf32, #tpu.memory_space<vmem_shared>>) offsets(%dma_start3A_57 : memref<128xi32, #tpu.memory_space<vmem>>) semaphore(%arg14 : memref<!tpu.dma_semaphore, #tpu.memory_space<semaphore_mem>>) {add = true}
      %dma_start3A_61 = arith.constant 3 : i32
      %dma_start3A_62 = arith.constant 0 : i32
      %dma_start3A_63 = tpu.memref_slice %arg6[%dma_start3A_61, %dma_start3A_62] : memref<4x128xi32, #tpu.memory_space<vmem>> -> memref<1x128xi32, #tpu.memory_space<vmem>>
      %dma_start3A_64 = tpu.memref_squeeze %dma_start3A_63 : memref<1x128xi32, #tpu.memory_space<vmem>> -> memref<128xi32, #tpu.memory_space<vmem>>
      %dma_start3A_65 = arith.constant 0 : i32
      %dma_start3A_66 = arith.constant 0 : i32
      %dma_start3A_67 = tpu.memref_slice %arg9[%dma_start3A_65, %dma_start3A_66] : memref<10112x16xf32, #tpu.memory_space<vmem_shared>> -> memref<10112x16xf32, #tpu.memory_space<vmem_shared>>
      tpu.enqueue_indirect_dma source(%arg8 : memref<128x16xf32, #tpu.memory_space<vmem>>) target(%dma_start3A_67 : memref<10112x16xf32, #tpu.memory_space<vmem_shared>>) offsets(%dma_start3A_64 : memref<128xi32, #tpu.memory_space<vmem>>) semaphore(%arg15 : memref<!tpu.dma_semaphore, #tpu.memory_space<semaphore_mem>>) {add = true}
      %dma_wait3A = arith.constant 0 : i32
      %dma_wait3A_68 = arith.constant 0 : i32
      %dma_wait3A_69 = tpu.memref_slice %arg6[%dma_wait3A, %dma_wait3A_68] : memref<4x128xi32, #tpu.memory_space<vmem>> -> memref<1x128xi32, #tpu.memory_space<vmem>>
      %dma_wait3A_70 = tpu.memref_squeeze %dma_wait3A_69 : memref<1x128xi32, #tpu.memory_space<vmem>> -> memref<128xi32, #tpu.memory_space<vmem>>
      %dma_wait3A_71 = arith.constant 0 : i32
      %dma_wait3A_72 = arith.constant 0 : i32
      %dma_wait3A_73 = tpu.memref_slice %arg9[%dma_wait3A_71, %dma_wait3A_72] : memref<10112x16xf32, #tpu.memory_space<vmem_shared>> -> memref<10112x16xf32, #tpu.memory_space<vmem_shared>>
      tpu.wait_indirect_dma semaphore(%arg12 : memref<!tpu.dma_semaphore, #tpu.memory_space<semaphore_mem>>) src(%arg8 : memref<128x16xf32, #tpu.memory_space<vmem>>) dst(%dma_wait3A_73 : memref<10112x16xf32, #tpu.memory_space<vmem_shared>>)
      %dma_wait3A_74 = arith.constant 0 : i32
      %dma_wait3A_75 = arith.constant 0 : i32
      %dma_wait3A_76 = tpu.memref_slice %arg6[%dma_wait3A_74, %dma_wait3A_75] : memref<4x128xi32, #tpu.memory_space<vmem>> -> memref<1x128xi32, #tpu.memory_space<vmem>>
      %dma_wait3A_77 = tpu.memref_squeeze %dma_wait3A_76 : memref<1x128xi32, #tpu.memory_space<vmem>> -> memref<128xi32, #tpu.memory_space<vmem>>
      %dma_wait3A_78 = arith.constant 0 : i32
      %dma_wait3A_79 = arith.constant 0 : i32
      %dma_wait3A_80 = tpu.memref_slice %arg9[%dma_wait3A_78, %dma_wait3A_79] : memref<10112x16xf32, #tpu.memory_space<vmem_shared>> -> memref<10112x16xf32, #tpu.memory_space<vmem_shared>>
      tpu.wait_indirect_dma semaphore(%arg13 : memref<!tpu.dma_semaphore, #tpu.memory_space<semaphore_mem>>) src(%arg8 : memref<128x16xf32, #tpu.memory_space<vmem>>) dst(%dma_wait3A_80 : memref<10112x16xf32, #tpu.memory_space<vmem_shared>>)
      %dma_wait3A_81 = arith.constant 0 : i32
      %dma_wait3A_82 = arith.constant 0 : i32
      %dma_wait3A_83 = tpu.memref_slice %arg6[%dma_wait3A_81, %dma_wait3A_82] : memref<4x128xi32, #tpu.memory_space<vmem>> -> memref<1x128xi32, #tpu.memory_space<vmem>>
      %dma_wait3A_84 = tpu.memref_squeeze %dma_wait3A_83 : memref<1x128xi32, #tpu.memory_space<vmem>> -> memref<128xi32, #tpu.memory_space<vmem>>
      %dma_wait3A_85 = arith.constant 0 : i32
      %dma_wait3A_86 = arith.constant 0 : i32
      %dma_wait3A_87 = tpu.memref_slice %arg9[%dma_wait3A_85, %dma_wait3A_86] : memref<10112x16xf32, #tpu.memory_space<vmem_shared>> -> memref<10112x16xf32, #tpu.memory_space<vmem_shared>>
      tpu.wait_indirect_dma semaphore(%arg14 : memref<!tpu.dma_semaphore, #tpu.memory_space<semaphore_mem>>) src(%arg8 : memref<128x16xf32, #tpu.memory_space<vmem>>) dst(%dma_wait3A_87 : memref<10112x16xf32, #tpu.memory_space<vmem_shared>>)
      %dma_wait3A_88 = arith.constant 0 : i32
      %dma_wait3A_89 = arith.constant 0 : i32
      %dma_wait3A_90 = tpu.memref_slice %arg6[%dma_wait3A_88, %dma_wait3A_89] : memref<4x128xi32, #tpu.memory_space<vmem>> -> memref<1x128xi32, #tpu.memory_space<vmem>>
      %dma_wait3A_91 = tpu.memref_squeeze %dma_wait3A_90 : memref<1x128xi32, #tpu.memory_space<vmem>> -> memref<128xi32, #tpu.memory_space<vmem>>
      %dma_wait3A_92 = arith.constant 0 : i32
      %dma_wait3A_93 = arith.constant 0 : i32
      %dma_wait3A_94 = tpu.memref_slice %arg9[%dma_wait3A_92, %dma_wait3A_93] : memref<10112x16xf32, #tpu.memory_space<vmem_shared>> -> memref<10112x16xf32, #tpu.memory_space<vmem_shared>>
      tpu.wait_indirect_dma semaphore(%arg15 : memref<!tpu.dma_semaphore, #tpu.memory_space<semaphore_mem>>) src(%arg8 : memref<128x16xf32, #tpu.memory_space<vmem>>) dst(%dma_wait3A_94 : memref<10112x16xf32, #tpu.memory_space<vmem_shared>>)
      %add3A_95 = arith.constant 2 : i32
      %add3A_96 = arith.addi %add3A_35, %add3A_95 : i32
      %lt3A_97 = arith.constant 20 : i32
      %lt3A_98 = arith.cmpi slt, %add3A_96, %lt3A_97 : i32
      %convert_element_type3A_99 = arith.extui %lt3A_98 : i1 to i32
      %cond3A_100 = arith.constant 0 : i32
      %cond3A_101 = arith.cmpi ne, %convert_element_type3A_99, %cond3A_100 : i32
      scf.if %cond3A_101 {
        %add3A_176 = arith.constant 2 : i32
        %add3A_177 = arith.addi %add3A_35, %add3A_176 : i32
        %mul3A_178 = arith.constant 4 : i32
        %mul3A_179 = arith.muli %add3A_177, %mul3A_178 : i32
        %dma_start3A_180 = arith.constant 0 : i32
        %dma_start3A_181 = arith.constant 0 : i32
        %dma_start3A_182 = tpu.memref_slice %arg2[%add3A, %dma_start3A_180, %dma_start3A_181] : memref<32x80x128xi32, #tpu.memory_space<hbm>> -> memref<1x80x128xi32, #tpu.memory_space<hbm>>
        %dma_start3A_183 = tpu.memref_squeeze %dma_start3A_182 : memref<1x80x128xi32, #tpu.memory_space<hbm>> -> memref<80x128xi32, #tpu.memory_space<hbm>>
        %dma_start3A_184 = arith.constant 0 : i32
        %dma_start3A_185 = tpu.memref_slice %dma_start3A_183[%mul3A_179, %dma_start3A_184] : memref<80x128xi32, #tpu.memory_space<hbm>> -> memref<4x128xi32, #tpu.memory_space<hbm>>
        %dma_start3A_186 = arith.constant 0 : i32
        %dma_start3A_187 = arith.constant 0 : i32
        %dma_start3A_188 = tpu.memref_slice %arg2[%add3A, %dma_start3A_186, %dma_start3A_187] : memref<32x80x128xi32, #tpu.memory_space<hbm>> -> memref<1x80x128xi32, #tpu.memory_space<hbm>>
        %dma_start3A_189 = tpu.memref_squeeze %dma_start3A_188 : memref<1x80x128xi32, #tpu.memory_space<hbm>> -> memref<80x128xi32, #tpu.memory_space<hbm>>
        %dma_start3A_190 = arith.constant 0 : i32
        %dma_start3A_191 = tpu.memref_slice %dma_start3A_189[%mul3A_179, %dma_start3A_190] : memref<80x128xi32, #tpu.memory_space<hbm>> -> memref<4x128xi32, #tpu.memory_space<hbm>>
        tpu.enqueue_dma source(%dma_start3A_191 : memref<4x128xi32, #tpu.memory_space<hbm>>) target(%arg6 : memref<4x128xi32, #tpu.memory_space<vmem>>) target_semaphore(%arg10 : memref<!tpu.dma_semaphore, #tpu.memory_space<semaphore_mem>>)
      } else {
      }
      %mul3A_102 = arith.constant 2 : i32
      %mul3A_103 = arith.muli %scan3A_31, %mul3A_102 : i32
      %add3A_104 = arith.constant 1 : i32
      %add3A_105 = arith.addi %mul3A_103, %add3A_104 : i32
      %add3A_106 = arith.constant 1 : i32
      %add3A_107 = arith.addi %add3A_105, %add3A_106 : i32
      %lt3A_108 = arith.constant 20 : i32
      %lt3A_109 = arith.cmpi slt, %add3A_107, %lt3A_108 : i32
      %convert_element_type3A_110 = arith.extui %lt3A_109 : i1 to i32
      %cond3A_111 = arith.constant 0 : i32
      %cond3A_112 = arith.cmpi ne, %convert_element_type3A_110, %cond3A_111 : i32
      scf.if %cond3A_112 {
        %dma_wait3A_176 = arith.constant 0 : i32
        %dma_wait3A_177 = arith.constant 0 : i32
        %dma_wait3A_178 = tpu.memref_slice %arg2[%add3A, %dma_wait3A_176, %dma_wait3A_177] : memref<32x80x128xi32, #tpu.memory_space<hbm>> -> memref<1x80x128xi32, #tpu.memory_space<hbm>>
        %dma_wait3A_179 = tpu.memref_squeeze %dma_wait3A_178 : memref<1x80x128xi32, #tpu.memory_space<hbm>> -> memref<80x128xi32, #tpu.memory_space<hbm>>
        %dma_wait3A_180 = arith.constant 0 : i32
        %dma_wait3A_181 = arith.constant 0 : i32
        %dma_wait3A_182 = tpu.memref_slice %dma_wait3A_179[%dma_wait3A_180, %dma_wait3A_181] : memref<80x128xi32, #tpu.memory_space<hbm>> -> memref<4x128xi32, #tpu.memory_space<hbm>>
        %dma_wait3A_183 = arith.constant 0 : i32
        %dma_wait3A_184 = arith.constant 0 : i32
        %dma_wait3A_185 = tpu.memref_slice %arg2[%add3A, %dma_wait3A_183, %dma_wait3A_184] : memref<32x80x128xi32, #tpu.memory_space<hbm>> -> memref<1x80x128xi32, #tpu.memory_space<hbm>>
        %dma_wait3A_186 = tpu.memref_squeeze %dma_wait3A_185 : memref<1x80x128xi32, #tpu.memory_space<hbm>> -> memref<80x128xi32, #tpu.memory_space<hbm>>
        %dma_wait3A_187 = arith.constant 0 : i32
        %dma_wait3A_188 = arith.constant 0 : i32
        %dma_wait3A_189 = tpu.memref_slice %dma_wait3A_186[%dma_wait3A_187, %dma_wait3A_188] : memref<80x128xi32, #tpu.memory_space<hbm>> -> memref<4x128xi32, #tpu.memory_space<hbm>>
        tpu.wait_dma2 semaphore(%arg10 : memref<!tpu.dma_semaphore, #tpu.memory_space<semaphore_mem>>) src(%dma_wait3A_189 : memref<4x128xi32, #tpu.memory_space<hbm>>) dst(%arg6 : memref<4x128xi32, #tpu.memory_space<vmem>>)
      } else {
      }
      %dma_start3A_113 = arith.constant 0 : i32
      %dma_start3A_114 = arith.constant 0 : i32
      %dma_start3A_115 = tpu.memref_slice %arg7[%dma_start3A_113, %dma_start3A_114] : memref<4x128xi32, #tpu.memory_space<vmem>> -> memref<1x128xi32, #tpu.memory_space<vmem>>
      %dma_start3A_116 = tpu.memref_squeeze %dma_start3A_115 : memref<1x128xi32, #tpu.memory_space<vmem>> -> memref<128xi32, #tpu.memory_space<vmem>>
      %dma_start3A_117 = arith.constant 0 : i32
      %dma_start3A_118 = arith.constant 0 : i32
      %dma_start3A_119 = tpu.memref_slice %arg9[%dma_start3A_117, %dma_start3A_118] : memref<10112x16xf32, #tpu.memory_space<vmem_shared>> -> memref<10112x16xf32, #tpu.memory_space<vmem_shared>>
      tpu.enqueue_indirect_dma source(%arg8 : memref<128x16xf32, #tpu.memory_space<vmem>>) target(%dma_start3A_119 : memref<10112x16xf32, #tpu.memory_space<vmem_shared>>) offsets(%dma_start3A_116 : memref<128xi32, #tpu.memory_space<vmem>>) semaphore(%arg12 : memref<!tpu.dma_semaphore, #tpu.memory_space<semaphore_mem>>) {add = true}
      %dma_start3A_120 = arith.constant 1 : i32
      %dma_start3A_121 = arith.constant 0 : i32
      %dma_start3A_122 = tpu.memref_slice %arg7[%dma_start3A_120, %dma_start3A_121] : memref<4x128xi32, #tpu.memory_space<vmem>> -> memref<1x128xi32, #tpu.memory_space<vmem>>
      %dma_start3A_123 = tpu.memref_squeeze %dma_start3A_122 : memref<1x128xi32, #tpu.memory_space<vmem>> -> memref<128xi32, #tpu.memory_space<vmem>>
      %dma_start3A_124 = arith.constant 0 : i32
      %dma_start3A_125 = arith.constant 0 : i32
      %dma_start3A_126 = tpu.memref_slice %arg9[%dma_start3A_124, %dma_start3A_125] : memref<10112x16xf32, #tpu.memory_space<vmem_shared>> -> memref<10112x16xf32, #tpu.memory_space<vmem_shared>>
      tpu.enqueue_indirect_dma source(%arg8 : memref<128x16xf32, #tpu.memory_space<vmem>>) target(%dma_start3A_126 : memref<10112x16xf32, #tpu.memory_space<vmem_shared>>) offsets(%dma_start3A_123 : memref<128xi32, #tpu.memory_space<vmem>>) semaphore(%arg13 : memref<!tpu.dma_semaphore, #tpu.memory_space<semaphore_mem>>) {add = true}
      %dma_start3A_127 = arith.constant 2 : i32
      %dma_start3A_128 = arith.constant 0 : i32
      %dma_start3A_129 = tpu.memref_slice %arg7[%dma_start3A_127, %dma_start3A_128] : memref<4x128xi32, #tpu.memory_space<vmem>> -> memref<1x128xi32, #tpu.memory_space<vmem>>
      %dma_start3A_130 = tpu.memref_squeeze %dma_start3A_129 : memref<1x128xi32, #tpu.memory_space<vmem>> -> memref<128xi32, #tpu.memory_space<vmem>>
      %dma_start3A_131 = arith.constant 0 : i32
      %dma_start3A_132 = arith.constant 0 : i32
      %dma_start3A_133 = tpu.memref_slice %arg9[%dma_start3A_131, %dma_start3A_132] : memref<10112x16xf32, #tpu.memory_space<vmem_shared>> -> memref<10112x16xf32, #tpu.memory_space<vmem_shared>>
      tpu.enqueue_indirect_dma source(%arg8 : memref<128x16xf32, #tpu.memory_space<vmem>>) target(%dma_start3A_133 : memref<10112x16xf32, #tpu.memory_space<vmem_shared>>) offsets(%dma_start3A_130 : memref<128xi32, #tpu.memory_space<vmem>>) semaphore(%arg14 : memref<!tpu.dma_semaphore, #tpu.memory_space<semaphore_mem>>) {add = true}
      %dma_start3A_134 = arith.constant 3 : i32
      %dma_start3A_135 = arith.constant 0 : i32
      %dma_start3A_136 = tpu.memref_slice %arg7[%dma_start3A_134, %dma_start3A_135] : memref<4x128xi32, #tpu.memory_space<vmem>> -> memref<1x128xi32, #tpu.memory_space<vmem>>
      %dma_start3A_137 = tpu.memref_squeeze %dma_start3A_136 : memref<1x128xi32, #tpu.memory_space<vmem>> -> memref<128xi32, #tpu.memory_space<vmem>>
      %dma_start3A_138 = arith.constant 0 : i32
      %dma_start3A_139 = arith.constant 0 : i32
      %dma_start3A_140 = tpu.memref_slice %arg9[%dma_start3A_138, %dma_start3A_139] : memref<10112x16xf32, #tpu.memory_space<vmem_shared>> -> memref<10112x16xf32, #tpu.memory_space<vmem_shared>>
      tpu.enqueue_indirect_dma source(%arg8 : memref<128x16xf32, #tpu.memory_space<vmem>>) target(%dma_start3A_140 : memref<10112x16xf32, #tpu.memory_space<vmem_shared>>) offsets(%dma_start3A_137 : memref<128xi32, #tpu.memory_space<vmem>>) semaphore(%arg15 : memref<!tpu.dma_semaphore, #tpu.memory_space<semaphore_mem>>) {add = true}
      %dma_wait3A_141 = arith.constant 0 : i32
      %dma_wait3A_142 = arith.constant 0 : i32
      %dma_wait3A_143 = tpu.memref_slice %arg7[%dma_wait3A_141, %dma_wait3A_142] : memref<4x128xi32, #tpu.memory_space<vmem>> -> memref<1x128xi32, #tpu.memory_space<vmem>>
      %dma_wait3A_144 = tpu.memref_squeeze %dma_wait3A_143 : memref<1x128xi32, #tpu.memory_space<vmem>> -> memref<128xi32, #tpu.memory_space<vmem>>
      %dma_wait3A_145 = arith.constant 0 : i32
      %dma_wait3A_146 = arith.constant 0 : i32
      %dma_wait3A_147 = tpu.memref_slice %arg9[%dma_wait3A_145, %dma_wait3A_146] : memref<10112x16xf32, #tpu.memory_space<vmem_shared>> -> memref<10112x16xf32, #tpu.memory_space<vmem_shared>>
      tpu.wait_indirect_dma semaphore(%arg12 : memref<!tpu.dma_semaphore, #tpu.memory_space<semaphore_mem>>) src(%arg8 : memref<128x16xf32, #tpu.memory_space<vmem>>) dst(%dma_wait3A_147 : memref<10112x16xf32, #tpu.memory_space<vmem_shared>>)
      %dma_wait3A_148 = arith.constant 0 : i32
      %dma_wait3A_149 = arith.constant 0 : i32
      %dma_wait3A_150 = tpu.memref_slice %arg7[%dma_wait3A_148, %dma_wait3A_149] : memref<4x128xi32, #tpu.memory_space<vmem>> -> memref<1x128xi32, #tpu.memory_space<vmem>>
      %dma_wait3A_151 = tpu.memref_squeeze %dma_wait3A_150 : memref<1x128xi32, #tpu.memory_space<vmem>> -> memref<128xi32, #tpu.memory_space<vmem>>
      %dma_wait3A_152 = arith.constant 0 : i32
      %dma_wait3A_153 = arith.constant 0 : i32
      %dma_wait3A_154 = tpu.memref_slice %arg9[%dma_wait3A_152, %dma_wait3A_153] : memref<10112x16xf32, #tpu.memory_space<vmem_shared>> -> memref<10112x16xf32, #tpu.memory_space<vmem_shared>>
      tpu.wait_indirect_dma semaphore(%arg13 : memref<!tpu.dma_semaphore, #tpu.memory_space<semaphore_mem>>) src(%arg8 : memref<128x16xf32, #tpu.memory_space<vmem>>) dst(%dma_wait3A_154 : memref<10112x16xf32, #tpu.memory_space<vmem_shared>>)
      %dma_wait3A_155 = arith.constant 0 : i32
      %dma_wait3A_156 = arith.constant 0 : i32
      %dma_wait3A_157 = tpu.memref_slice %arg7[%dma_wait3A_155, %dma_wait3A_156] : memref<4x128xi32, #tpu.memory_space<vmem>> -> memref<1x128xi32, #tpu.memory_space<vmem>>
      %dma_wait3A_158 = tpu.memref_squeeze %dma_wait3A_157 : memref<1x128xi32, #tpu.memory_space<vmem>> -> memref<128xi32, #tpu.memory_space<vmem>>
      %dma_wait3A_159 = arith.constant 0 : i32
      %dma_wait3A_160 = arith.constant 0 : i32
      %dma_wait3A_161 = tpu.memref_slice %arg9[%dma_wait3A_159, %dma_wait3A_160] : memref<10112x16xf32, #tpu.memory_space<vmem_shared>> -> memref<10112x16xf32, #tpu.memory_space<vmem_shared>>
      tpu.wait_indirect_dma semaphore(%arg14 : memref<!tpu.dma_semaphore, #tpu.memory_space<semaphore_mem>>) src(%arg8 : memref<128x16xf32, #tpu.memory_space<vmem>>) dst(%dma_wait3A_161 : memref<10112x16xf32, #tpu.memory_space<vmem_shared>>)
      %dma_wait3A_162 = arith.constant 0 : i32
      %dma_wait3A_163 = arith.constant 0 : i32
      %dma_wait3A_164 = tpu.memref_slice %arg7[%dma_wait3A_162, %dma_wait3A_163] : memref<4x128xi32, #tpu.memory_space<vmem>> -> memref<1x128xi32, #tpu.memory_space<vmem>>
      %dma_wait3A_165 = tpu.memref_squeeze %dma_wait3A_164 : memref<1x128xi32, #tpu.memory_space<vmem>> -> memref<128xi32, #tpu.memory_space<vmem>>
      %dma_wait3A_166 = arith.constant 0 : i32
      %dma_wait3A_167 = arith.constant 0 : i32
      %dma_wait3A_168 = tpu.memref_slice %arg9[%dma_wait3A_166, %dma_wait3A_167] : memref<10112x16xf32, #tpu.memory_space<vmem_shared>> -> memref<10112x16xf32, #tpu.memory_space<vmem_shared>>
      tpu.wait_indirect_dma semaphore(%arg15 : memref<!tpu.dma_semaphore, #tpu.memory_space<semaphore_mem>>) src(%arg8 : memref<128x16xf32, #tpu.memory_space<vmem>>) dst(%dma_wait3A_168 : memref<10112x16xf32, #tpu.memory_space<vmem_shared>>)
      %add3A_169 = arith.constant 2 : i32
      %add3A_170 = arith.addi %add3A_105, %add3A_169 : i32
      %lt3A_171 = arith.constant 20 : i32
      %lt3A_172 = arith.cmpi slt, %add3A_170, %lt3A_171 : i32
      %convert_element_type3A_173 = arith.extui %lt3A_172 : i1 to i32
      %cond3A_174 = arith.constant 0 : i32
      %cond3A_175 = arith.cmpi ne, %convert_element_type3A_173, %cond3A_174 : i32
      scf.if %cond3A_175 {
        %add3A_176 = arith.constant 2 : i32
        %add3A_177 = arith.addi %add3A_105, %add3A_176 : i32
        %mul3A_178 = arith.constant 4 : i32
        %mul3A_179 = arith.muli %add3A_177, %mul3A_178 : i32
        %dma_start3A_180 = arith.constant 0 : i32
        %dma_start3A_181 = arith.constant 0 : i32
        %dma_start3A_182 = tpu.memref_slice %arg2[%add3A, %dma_start3A_180, %dma_start3A_181] : memref<32x80x128xi32, #tpu.memory_space<hbm>> -> memref<1x80x128xi32, #tpu.memory_space<hbm>>
        %dma_start3A_183 = tpu.memref_squeeze %dma_start3A_182 : memref<1x80x128xi32, #tpu.memory_space<hbm>> -> memref<80x128xi32, #tpu.memory_space<hbm>>
        %dma_start3A_184 = arith.constant 0 : i32
        %dma_start3A_185 = tpu.memref_slice %dma_start3A_183[%mul3A_179, %dma_start3A_184] : memref<80x128xi32, #tpu.memory_space<hbm>> -> memref<4x128xi32, #tpu.memory_space<hbm>>
        %dma_start3A_186 = arith.constant 0 : i32
        %dma_start3A_187 = arith.constant 0 : i32
        %dma_start3A_188 = tpu.memref_slice %arg2[%add3A, %dma_start3A_186, %dma_start3A_187] : memref<32x80x128xi32, #tpu.memory_space<hbm>> -> memref<1x80x128xi32, #tpu.memory_space<hbm>>
        %dma_start3A_189 = tpu.memref_squeeze %dma_start3A_188 : memref<1x80x128xi32, #tpu.memory_space<hbm>> -> memref<80x128xi32, #tpu.memory_space<hbm>>
        %dma_start3A_190 = arith.constant 0 : i32
        %dma_start3A_191 = tpu.memref_slice %dma_start3A_189[%mul3A_179, %dma_start3A_190] : memref<80x128xi32, #tpu.memory_space<hbm>> -> memref<4x128xi32, #tpu.memory_space<hbm>>
        tpu.enqueue_dma source(%dma_start3A_191 : memref<4x128xi32, #tpu.memory_space<hbm>>) target(%arg7 : memref<4x128xi32, #tpu.memory_space<vmem>>) target_semaphore(%arg11 : memref<!tpu.dma_semaphore, #tpu.memory_space<semaphore_mem>>)
      } else {
      }
    }
    %scan3A_22 = arith.constant 10 : i32
    %barrier3A_23 = arith.constant 0 : index
    tpu.barrier barrier_id(%barrier3A_23)
    %mul3A_24 = arith.constant 632 : i32
    %mul3A_25 = arith.muli %arg1, %mul3A_24 : i32
    %mul3A_26 = arith.constant 10112 : i32
    %mul3A_27 = arith.muli %arg0, %mul3A_26 : i32
    %mul3A_28 = arith.constant 632 : i32
    %mul3A_29 = arith.muli %arg1, %mul3A_28 : i32
    %add3A_30 = arith.addi %mul3A_27, %mul3A_29 : i32
    "tpu.region"() ({
      %run_scoped3A = tpu.sem_alloc : memref<!tpu.dma_semaphore, #tpu.memory_space<semaphore_mem>>
      %dma_start3A_31 = arith.constant 0 : i32
      %dma_start3A_32 = tpu.memref_slice %arg5[%add3A_30, %dma_start3A_31] : memref<20224x16xf32, #tpu.memory_space<hbm>> -> memref<632x16xf32, #tpu.memory_space<hbm>>
      %dma_start3A_33 = arith.constant 0 : i32
      %dma_start3A_34 = tpu.memref_slice %arg9[%mul3A_25, %dma_start3A_33] : memref<10112x16xf32, #tpu.memory_space<vmem_shared>> -> memref<632x16xf32, #tpu.memory_space<vmem_shared>>
      tpu.enqueue_dma source(%dma_start3A_34 : memref<632x16xf32, #tpu.memory_space<vmem_shared>>) target(%dma_start3A_32 : memref<632x16xf32, #tpu.memory_space<hbm>>) target_semaphore(%run_scoped3A : memref<!tpu.dma_semaphore, #tpu.memory_space<semaphore_mem>>)
      %dma_wait3A = arith.constant 0 : i32
      %dma_wait3A_35 = tpu.memref_slice %arg5[%add3A_30, %dma_wait3A] : memref<20224x16xf32, #tpu.memory_space<hbm>> -> memref<632x16xf32, #tpu.memory_space<hbm>>
      %dma_wait3A_36 = arith.constant 0 : i32
      %dma_wait3A_37 = tpu.memref_slice %arg9[%mul3A_25, %dma_wait3A_36] : memref<10112x16xf32, #tpu.memory_space<vmem_shared>> -> memref<632x16xf32, #tpu.memory_space<vmem_shared>>
      tpu.wait_dma2 semaphore(%run_scoped3A : memref<!tpu.dma_semaphore, #tpu.memory_space<semaphore_mem>>) src(%dma_wait3A_37 : memref<632x16xf32, #tpu.memory_space<vmem_shared>>) dst(%dma_wait3A_35 : memref<632x16xf32, #tpu.memory_space<hbm>>)
      tpu.yield
    }) : () -> ()
    return
  }
}

#map = affine_map<(d0, d1) -> (0, 0)>
#map1 = affine_map<(d0, d1) -> (0, 0, 0, 0)>
#map2 = affine_map<(d0, d1) -> (0, 0, 0)>
module attributes {stable_mosaic.version = 14 : i64} {
  func.func @_sc_agg_body(%arg0: i32, %arg1: i32, %arg2: memref<20224x64xf32, #tpu.memory_space<hbm>>, %arg3: memref<2x16x160x128xi32, #tpu.memory_space<hbm>>, %arg4: memref<16x160x128xi32, #tpu.memory_space<hbm>>, %arg5: memref<10112x64xf32, #tpu.memory_space<hbm>>, %arg6: memref<20224x64xf32, #tpu.memory_space<hbm>>, %arg7: memref<4x128xi32, #tpu.memory_space<vmem>>, %arg8: memref<4x128xi32, #tpu.memory_space<vmem>>, %arg9: memref<4x128xi32, #tpu.memory_space<vmem>>, %arg10: memref<4x128xi32, #tpu.memory_space<vmem>>, %arg11: memref<128x64xf32, #tpu.memory_space<vmem>>, %arg12: memref<128x64xf32, #tpu.memory_space<vmem>>, %arg13: memref<128x64xf32, #tpu.memory_space<vmem>>, %arg14: memref<128x64xf32, #tpu.memory_space<vmem>>, %arg15: memref<128x64xf32, #tpu.memory_space<vmem>>, %arg16: memref<128x64xf32, #tpu.memory_space<vmem>>, %arg17: memref<128x64xf32, #tpu.memory_space<vmem>>, %arg18: memref<128x64xf32, #tpu.memory_space<vmem>>, %arg19: memref<10112x64xf32, #tpu.memory_space<vmem_shared>>, %arg20: memref<!tpu.dma_semaphore, #tpu.memory_space<semaphore_mem>>, %arg21: memref<!tpu.dma_semaphore, #tpu.memory_space<semaphore_mem>>, %arg22: memref<!tpu.dma_semaphore, #tpu.memory_space<semaphore_mem>>, %arg23: memref<!tpu.dma_semaphore, #tpu.memory_space<semaphore_mem>>, %arg24: memref<!tpu.dma_semaphore, #tpu.memory_space<semaphore_mem>>, %arg25: memref<!tpu.dma_semaphore, #tpu.memory_space<semaphore_mem>>, %arg26: memref<!tpu.dma_semaphore, #tpu.memory_space<semaphore_mem>>, %arg27: memref<!tpu.dma_semaphore, #tpu.memory_space<semaphore_mem>>, %arg28: memref<!tpu.dma_semaphore, #tpu.memory_space<semaphore_mem>>, %arg29: memref<!tpu.dma_semaphore, #tpu.memory_space<semaphore_mem>>, %arg30: memref<!tpu.dma_semaphore, #tpu.memory_space<semaphore_mem>>, %arg31: memref<!tpu.dma_semaphore, #tpu.memory_space<semaphore_mem>>, %arg32: memref<!tpu.dma_semaphore, #tpu.memory_space<semaphore_mem>>, %arg33: memref<!tpu.dma_semaphore, #tpu.memory_space<semaphore_mem>>, %arg34: memref<!tpu.dma_semaphore, #tpu.memory_space<semaphore_mem>>, %arg35: memref<!tpu.dma_semaphore, #tpu.memory_space<semaphore_mem>>, %arg36: memref<!tpu.dma_semaphore, #tpu.memory_space<semaphore_mem>>, %arg37: memref<!tpu.dma_semaphore, #tpu.memory_space<semaphore_mem>>, %arg38: memref<!tpu.dma_semaphore, #tpu.memory_space<semaphore_mem>>, %arg39: memref<!tpu.dma_semaphore, #tpu.memory_space<semaphore_mem>>) attributes {dimension_semantics = [#tpu.dimension_semantics<core_parallel>, #tpu.dimension_semantics<subcore_parallel>], iteration_bounds = array<i64: 2, 16>, scalar_prefetch = 0 : i64, scratch_operands = 33 : i64, tpu.core_type = #tpu.core_type<sc_vector_subcore>, window_params = [{transform_indices = #map}, {transform_indices = #map1}, {transform_indices = #map2}, {transform_indices = #map}, {transform_indices = #map}]} {
    %mul3A = arith.constant 632 : i32
    %mul3A_0 = arith.muli %arg1, %mul3A : i32
    %mul3A_1 = arith.constant 632 : i32
    %mul3A_2 = arith.muli %arg1, %mul3A_1 : i32
    "tpu.region"() ({
      %run_scoped3A = tpu.sem_alloc : memref<!tpu.dma_semaphore, #tpu.memory_space<semaphore_mem>>
      %dma_start3A_93 = arith.constant 0 : i32
      %dma_start3A_94 = tpu.memref_slice %arg19[%mul3A_2, %dma_start3A_93] : memref<10112x64xf32, #tpu.memory_space<vmem_shared>> -> memref<632x64xf32, #tpu.memory_space<vmem_shared>>
      %dma_start3A_95 = arith.constant 0 : i32
      %dma_start3A_96 = tpu.memref_slice %arg5[%mul3A_0, %dma_start3A_95] : memref<10112x64xf32, #tpu.memory_space<hbm>> -> memref<632x64xf32, #tpu.memory_space<hbm>>
      tpu.enqueue_dma source(%dma_start3A_96 : memref<632x64xf32, #tpu.memory_space<hbm>>) target(%dma_start3A_94 : memref<632x64xf32, #tpu.memory_space<vmem_shared>>) target_semaphore(%run_scoped3A : memref<!tpu.dma_semaphore, #tpu.memory_space<semaphore_mem>>)
      %dma_wait3A_97 = arith.constant 0 : i32
      %dma_wait3A_98 = tpu.memref_slice %arg19[%mul3A_2, %dma_wait3A_97] : memref<10112x64xf32, #tpu.memory_space<vmem_shared>> -> memref<632x64xf32, #tpu.memory_space<vmem_shared>>
      %dma_wait3A_99 = arith.constant 0 : i32
      %dma_wait3A_100 = tpu.memref_slice %arg5[%mul3A_0, %dma_wait3A_99] : memref<10112x64xf32, #tpu.memory_space<hbm>> -> memref<632x64xf32, #tpu.memory_space<hbm>>
      tpu.wait_dma2 semaphore(%run_scoped3A : memref<!tpu.dma_semaphore, #tpu.memory_space<semaphore_mem>>) src(%dma_wait3A_100 : memref<632x64xf32, #tpu.memory_space<hbm>>) dst(%dma_wait3A_98 : memref<632x64xf32, #tpu.memory_space<vmem_shared>>)
      tpu.yield
    }) : () -> ()
    "tpu.region"() ({
      %run_scoped3A = tpu.sem_alloc : memref<!tpu.dma_semaphore, #tpu.memory_space<semaphore_mem>>
      %dma_start3A_93 = arith.constant 0 : i32
      %dma_start3A_94 = arith.constant 0 : i32
      %dma_start3A_95 = arith.constant 0 : i32
      %dma_start3A_96 = tpu.memref_slice %arg3[%arg0, %dma_start3A_93, %dma_start3A_94, %dma_start3A_95] : memref<2x16x160x128xi32, #tpu.memory_space<hbm>> -> memref<1x16x160x128xi32, #tpu.memory_space<hbm>>
      %dma_start3A_97 = tpu.memref_squeeze %dma_start3A_96 : memref<1x16x160x128xi32, #tpu.memory_space<hbm>> -> memref<16x160x128xi32, #tpu.memory_space<hbm>>
      %dma_start3A_98 = arith.constant 0 : i32
      %dma_start3A_99 = arith.constant 0 : i32
      %dma_start3A_100 = tpu.memref_slice %dma_start3A_97[%arg1, %dma_start3A_98, %dma_start3A_99] : memref<16x160x128xi32, #tpu.memory_space<hbm>> -> memref<1x160x128xi32, #tpu.memory_space<hbm>>
      %dma_start3A_101 = tpu.memref_squeeze %dma_start3A_100 : memref<1x160x128xi32, #tpu.memory_space<hbm>> -> memref<160x128xi32, #tpu.memory_space<hbm>>
      %dma_start3A_102 = arith.constant 0 : i32
      %dma_start3A_103 = arith.constant 0 : i32
      %dma_start3A_104 = tpu.memref_slice %dma_start3A_101[%dma_start3A_102, %dma_start3A_103] : memref<160x128xi32, #tpu.memory_space<hbm>> -> memref<4x128xi32, #tpu.memory_space<hbm>>
      %dma_start3A_105 = arith.constant 0 : i32
      %dma_start3A_106 = arith.constant 0 : i32
      %dma_start3A_107 = arith.constant 0 : i32
      %dma_start3A_108 = tpu.memref_slice %arg3[%arg0, %dma_start3A_105, %dma_start3A_106, %dma_start3A_107] : memref<2x16x160x128xi32, #tpu.memory_space<hbm>> -> memref<1x16x160x128xi32, #tpu.memory_space<hbm>>
      %dma_start3A_109 = tpu.memref_squeeze %dma_start3A_108 : memref<1x16x160x128xi32, #tpu.memory_space<hbm>> -> memref<16x160x128xi32, #tpu.memory_space<hbm>>
      %dma_start3A_110 = arith.constant 0 : i32
      %dma_start3A_111 = arith.constant 0 : i32
      %dma_start3A_112 = tpu.memref_slice %dma_start3A_109[%arg1, %dma_start3A_110, %dma_start3A_111] : memref<16x160x128xi32, #tpu.memory_space<hbm>> -> memref<1x160x128xi32, #tpu.memory_space<hbm>>
      %dma_start3A_113 = tpu.memref_squeeze %dma_start3A_112 : memref<1x160x128xi32, #tpu.memory_space<hbm>> -> memref<160x128xi32, #tpu.memory_space<hbm>>
      %dma_start3A_114 = arith.constant 0 : i32
      %dma_start3A_115 = arith.constant 0 : i32
      %dma_start3A_116 = tpu.memref_slice %dma_start3A_113[%dma_start3A_114, %dma_start3A_115] : memref<160x128xi32, #tpu.memory_space<hbm>> -> memref<4x128xi32, #tpu.memory_space<hbm>>
      tpu.enqueue_dma source(%dma_start3A_116 : memref<4x128xi32, #tpu.memory_space<hbm>>) target(%arg7 : memref<4x128xi32, #tpu.memory_space<vmem>>) target_semaphore(%run_scoped3A : memref<!tpu.dma_semaphore, #tpu.memory_space<semaphore_mem>>)
      %dma_wait3A_117 = arith.constant 0 : i32
      %dma_wait3A_118 = arith.constant 0 : i32
      %dma_wait3A_119 = arith.constant 0 : i32
      %dma_wait3A_120 = tpu.memref_slice %arg3[%arg0, %dma_wait3A_117, %dma_wait3A_118, %dma_wait3A_119] : memref<2x16x160x128xi32, #tpu.memory_space<hbm>> -> memref<1x16x160x128xi32, #tpu.memory_space<hbm>>
      %dma_wait3A_121 = tpu.memref_squeeze %dma_wait3A_120 : memref<1x16x160x128xi32, #tpu.memory_space<hbm>> -> memref<16x160x128xi32, #tpu.memory_space<hbm>>
      %dma_wait3A_122 = arith.constant 0 : i32
      %dma_wait3A_123 = arith.constant 0 : i32
      %dma_wait3A_124 = tpu.memref_slice %dma_wait3A_121[%arg1, %dma_wait3A_122, %dma_wait3A_123] : memref<16x160x128xi32, #tpu.memory_space<hbm>> -> memref<1x160x128xi32, #tpu.memory_space<hbm>>
      %dma_wait3A_125 = tpu.memref_squeeze %dma_wait3A_124 : memref<1x160x128xi32, #tpu.memory_space<hbm>> -> memref<160x128xi32, #tpu.memory_space<hbm>>
      %dma_wait3A_126 = arith.constant 0 : i32
      %dma_wait3A_127 = arith.constant 0 : i32
      %dma_wait3A_128 = tpu.memref_slice %dma_wait3A_125[%dma_wait3A_126, %dma_wait3A_127] : memref<160x128xi32, #tpu.memory_space<hbm>> -> memref<4x128xi32, #tpu.memory_space<hbm>>
      %dma_wait3A_129 = arith.constant 0 : i32
      %dma_wait3A_130 = arith.constant 0 : i32
      %dma_wait3A_131 = arith.constant 0 : i32
      %dma_wait3A_132 = tpu.memref_slice %arg3[%arg0, %dma_wait3A_129, %dma_wait3A_130, %dma_wait3A_131] : memref<2x16x160x128xi32, #tpu.memory_space<hbm>> -> memref<1x16x160x128xi32, #tpu.memory_space<hbm>>
      %dma_wait3A_133 = tpu.memref_squeeze %dma_wait3A_132 : memref<1x16x160x128xi32, #tpu.memory_space<hbm>> -> memref<16x160x128xi32, #tpu.memory_space<hbm>>
      %dma_wait3A_134 = arith.constant 0 : i32
      %dma_wait3A_135 = arith.constant 0 : i32
      %dma_wait3A_136 = tpu.memref_slice %dma_wait3A_133[%arg1, %dma_wait3A_134, %dma_wait3A_135] : memref<16x160x128xi32, #tpu.memory_space<hbm>> -> memref<1x160x128xi32, #tpu.memory_space<hbm>>
      %dma_wait3A_137 = tpu.memref_squeeze %dma_wait3A_136 : memref<1x160x128xi32, #tpu.memory_space<hbm>> -> memref<160x128xi32, #tpu.memory_space<hbm>>
      %dma_wait3A_138 = arith.constant 0 : i32
      %dma_wait3A_139 = arith.constant 0 : i32
      %dma_wait3A_140 = tpu.memref_slice %dma_wait3A_137[%dma_wait3A_138, %dma_wait3A_139] : memref<160x128xi32, #tpu.memory_space<hbm>> -> memref<4x128xi32, #tpu.memory_space<hbm>>
      tpu.wait_dma2 semaphore(%run_scoped3A : memref<!tpu.dma_semaphore, #tpu.memory_space<semaphore_mem>>) src(%dma_wait3A_140 : memref<4x128xi32, #tpu.memory_space<hbm>>) dst(%arg7 : memref<4x128xi32, #tpu.memory_space<vmem>>)
      tpu.yield
    }) : () -> ()
    "tpu.region"() ({
      %run_scoped3A = tpu.sem_alloc : memref<!tpu.dma_semaphore, #tpu.memory_space<semaphore_mem>>
      %dma_start3A_93 = arith.constant 0 : i32
      %dma_start3A_94 = arith.constant 0 : i32
      %dma_start3A_95 = tpu.memref_slice %arg4[%arg1, %dma_start3A_93, %dma_start3A_94] : memref<16x160x128xi32, #tpu.memory_space<hbm>> -> memref<1x160x128xi32, #tpu.memory_space<hbm>>
      %dma_start3A_96 = tpu.memref_squeeze %dma_start3A_95 : memref<1x160x128xi32, #tpu.memory_space<hbm>> -> memref<160x128xi32, #tpu.memory_space<hbm>>
      %dma_start3A_97 = arith.constant 0 : i32
      %dma_start3A_98 = arith.constant 0 : i32
      %dma_start3A_99 = tpu.memref_slice %dma_start3A_96[%dma_start3A_97, %dma_start3A_98] : memref<160x128xi32, #tpu.memory_space<hbm>> -> memref<4x128xi32, #tpu.memory_space<hbm>>
      %dma_start3A_100 = arith.constant 0 : i32
      %dma_start3A_101 = arith.constant 0 : i32
      %dma_start3A_102 = tpu.memref_slice %arg4[%arg1, %dma_start3A_100, %dma_start3A_101] : memref<16x160x128xi32, #tpu.memory_space<hbm>> -> memref<1x160x128xi32, #tpu.memory_space<hbm>>
      %dma_start3A_103 = tpu.memref_squeeze %dma_start3A_102 : memref<1x160x128xi32, #tpu.memory_space<hbm>> -> memref<160x128xi32, #tpu.memory_space<hbm>>
      %dma_start3A_104 = arith.constant 0 : i32
      %dma_start3A_105 = arith.constant 0 : i32
      %dma_start3A_106 = tpu.memref_slice %dma_start3A_103[%dma_start3A_104, %dma_start3A_105] : memref<160x128xi32, #tpu.memory_space<hbm>> -> memref<4x128xi32, #tpu.memory_space<hbm>>
      tpu.enqueue_dma source(%dma_start3A_106 : memref<4x128xi32, #tpu.memory_space<hbm>>) target(%arg9 : memref<4x128xi32, #tpu.memory_space<vmem>>) target_semaphore(%run_scoped3A : memref<!tpu.dma_semaphore, #tpu.memory_space<semaphore_mem>>)
      %dma_wait3A_107 = arith.constant 0 : i32
      %dma_wait3A_108 = arith.constant 0 : i32
      %dma_wait3A_109 = tpu.memref_slice %arg4[%arg1, %dma_wait3A_107, %dma_wait3A_108] : memref<16x160x128xi32, #tpu.memory_space<hbm>> -> memref<1x160x128xi32, #tpu.memory_space<hbm>>
      %dma_wait3A_110 = tpu.memref_squeeze %dma_wait3A_109 : memref<1x160x128xi32, #tpu.memory_space<hbm>> -> memref<160x128xi32, #tpu.memory_space<hbm>>
      %dma_wait3A_111 = arith.constant 0 : i32
      %dma_wait3A_112 = arith.constant 0 : i32
      %dma_wait3A_113 = tpu.memref_slice %dma_wait3A_110[%dma_wait3A_111, %dma_wait3A_112] : memref<160x128xi32, #tpu.memory_space<hbm>> -> memref<4x128xi32, #tpu.memory_space<hbm>>
      %dma_wait3A_114 = arith.constant 0 : i32
      %dma_wait3A_115 = arith.constant 0 : i32
      %dma_wait3A_116 = tpu.memref_slice %arg4[%arg1, %dma_wait3A_114, %dma_wait3A_115] : memref<16x160x128xi32, #tpu.memory_space<hbm>> -> memref<1x160x128xi32, #tpu.memory_space<hbm>>
      %dma_wait3A_117 = tpu.memref_squeeze %dma_wait3A_116 : memref<1x160x128xi32, #tpu.memory_space<hbm>> -> memref<160x128xi32, #tpu.memory_space<hbm>>
      %dma_wait3A_118 = arith.constant 0 : i32
      %dma_wait3A_119 = arith.constant 0 : i32
      %dma_wait3A_120 = tpu.memref_slice %dma_wait3A_117[%dma_wait3A_118, %dma_wait3A_119] : memref<160x128xi32, #tpu.memory_space<hbm>> -> memref<4x128xi32, #tpu.memory_space<hbm>>
      tpu.wait_dma2 semaphore(%run_scoped3A : memref<!tpu.dma_semaphore, #tpu.memory_space<semaphore_mem>>) src(%dma_wait3A_120 : memref<4x128xi32, #tpu.memory_space<hbm>>) dst(%arg9 : memref<4x128xi32, #tpu.memory_space<vmem>>)
      tpu.yield
    }) : () -> ()
    %dma_start3A = arith.constant 0 : i32
    %dma_start3A_3 = arith.constant 0 : i32
    %dma_start3A_4 = arith.constant 0 : i32
    %dma_start3A_5 = tpu.memref_slice %arg3[%arg0, %dma_start3A, %dma_start3A_3, %dma_start3A_4] : memref<2x16x160x128xi32, #tpu.memory_space<hbm>> -> memref<1x16x160x128xi32, #tpu.memory_space<hbm>>
    %dma_start3A_6 = tpu.memref_squeeze %dma_start3A_5 : memref<1x16x160x128xi32, #tpu.memory_space<hbm>> -> memref<16x160x128xi32, #tpu.memory_space<hbm>>
    %dma_start3A_7 = arith.constant 0 : i32
    %dma_start3A_8 = arith.constant 0 : i32
    %dma_start3A_9 = tpu.memref_slice %dma_start3A_6[%arg1, %dma_start3A_7, %dma_start3A_8] : memref<16x160x128xi32, #tpu.memory_space<hbm>> -> memref<1x160x128xi32, #tpu.memory_space<hbm>>
    %dma_start3A_10 = tpu.memref_squeeze %dma_start3A_9 : memref<1x160x128xi32, #tpu.memory_space<hbm>> -> memref<160x128xi32, #tpu.memory_space<hbm>>
    %dma_start3A_11 = arith.constant 4 : i32
    %dma_start3A_12 = arith.constant 0 : i32
    %dma_start3A_13 = tpu.memref_slice %dma_start3A_10[%dma_start3A_11, %dma_start3A_12] : memref<160x128xi32, #tpu.memory_space<hbm>> -> memref<4x128xi32, #tpu.memory_space<hbm>>
    %dma_start3A_14 = arith.constant 0 : i32
    %dma_start3A_15 = arith.constant 0 : i32
    %dma_start3A_16 = arith.constant 0 : i32
    %dma_start3A_17 = tpu.memref_slice %arg3[%arg0, %dma_start3A_14, %dma_start3A_15, %dma_start3A_16] : memref<2x16x160x128xi32, #tpu.memory_space<hbm>> -> memref<1x16x160x128xi32, #tpu.memory_space<hbm>>
    %dma_start3A_18 = tpu.memref_squeeze %dma_start3A_17 : memref<1x16x160x128xi32, #tpu.memory_space<hbm>> -> memref<16x160x128xi32, #tpu.memory_space<hbm>>
    %dma_start3A_19 = arith.constant 0 : i32
    %dma_start3A_20 = arith.constant 0 : i32
    %dma_start3A_21 = tpu.memref_slice %dma_start3A_18[%arg1, %dma_start3A_19, %dma_start3A_20] : memref<16x160x128xi32, #tpu.memory_space<hbm>> -> memref<1x160x128xi32, #tpu.memory_space<hbm>>
    %dma_start3A_22 = tpu.memref_squeeze %dma_start3A_21 : memref<1x160x128xi32, #tpu.memory_space<hbm>> -> memref<160x128xi32, #tpu.memory_space<hbm>>
    %dma_start3A_23 = arith.constant 4 : i32
    %dma_start3A_24 = arith.constant 0 : i32
    %dma_start3A_25 = tpu.memref_slice %dma_start3A_22[%dma_start3A_23, %dma_start3A_24] : memref<160x128xi32, #tpu.memory_space<hbm>> -> memref<4x128xi32, #tpu.memory_space<hbm>>
    tpu.enqueue_dma source(%dma_start3A_25 : memref<4x128xi32, #tpu.memory_space<hbm>>) target(%arg8 : memref<4x128xi32, #tpu.memory_space<vmem>>) target_semaphore(%arg21 : memref<!tpu.dma_semaphore, #tpu.memory_space<semaphore_mem>>)
    %barrier3A = arith.constant 0 : index
    tpu.barrier barrier_id(%barrier3A)
    %dma_start3A_26 = arith.constant 0 : i32
    %dma_start3A_27 = arith.constant 0 : i32
    %dma_start3A_28 = tpu.memref_slice %arg7[%dma_start3A_26, %dma_start3A_27] : memref<4x128xi32, #tpu.memory_space<vmem>> -> memref<1x128xi32, #tpu.memory_space<vmem>>
    %dma_start3A_29 = tpu.memref_squeeze %dma_start3A_28 : memref<1x128xi32, #tpu.memory_space<vmem>> -> memref<128xi32, #tpu.memory_space<vmem>>
    %dma_start3A_30 = arith.constant 0 : i32
    %dma_start3A_31 = arith.constant 0 : i32
    %dma_start3A_32 = tpu.memref_slice %arg2[%dma_start3A_30, %dma_start3A_31] : memref<20224x64xf32, #tpu.memory_space<hbm>> -> memref<20224x64xf32, #tpu.memory_space<hbm>>
    tpu.enqueue_indirect_dma source(%dma_start3A_32 : memref<20224x64xf32, #tpu.memory_space<hbm>>) target(%arg11 : memref<128x64xf32, #tpu.memory_space<vmem>>) offsets(%dma_start3A_29 : memref<128xi32, #tpu.memory_space<vmem>>) semaphore(%arg24 : memref<!tpu.dma_semaphore, #tpu.memory_space<semaphore_mem>>)
    %dma_start3A_33 = arith.constant 1 : i32
    %dma_start3A_34 = arith.constant 0 : i32
    %dma_start3A_35 = tpu.memref_slice %arg7[%dma_start3A_33, %dma_start3A_34] : memref<4x128xi32, #tpu.memory_space<vmem>> -> memref<1x128xi32, #tpu.memory_space<vmem>>
    %dma_start3A_36 = tpu.memref_squeeze %dma_start3A_35 : memref<1x128xi32, #tpu.memory_space<vmem>> -> memref<128xi32, #tpu.memory_space<vmem>>
    %dma_start3A_37 = arith.constant 0 : i32
    %dma_start3A_38 = arith.constant 0 : i32
    %dma_start3A_39 = tpu.memref_slice %arg2[%dma_start3A_37, %dma_start3A_38] : memref<20224x64xf32, #tpu.memory_space<hbm>> -> memref<20224x64xf32, #tpu.memory_space<hbm>>
    tpu.enqueue_indirect_dma source(%dma_start3A_39 : memref<20224x64xf32, #tpu.memory_space<hbm>>) target(%arg12 : memref<128x64xf32, #tpu.memory_space<vmem>>) offsets(%dma_start3A_36 : memref<128xi32, #tpu.memory_space<vmem>>) semaphore(%arg25 : memref<!tpu.dma_semaphore, #tpu.memory_space<semaphore_mem>>)
    %dma_start3A_40 = arith.constant 2 : i32
    %dma_start3A_41 = arith.constant 0 : i32
    %dma_start3A_42 = tpu.memref_slice %arg7[%dma_start3A_40, %dma_start3A_41] : memref<4x128xi32, #tpu.memory_space<vmem>> -> memref<1x128xi32, #tpu.memory_space<vmem>>
    %dma_start3A_43 = tpu.memref_squeeze %dma_start3A_42 : memref<1x128xi32, #tpu.memory_space<vmem>> -> memref<128xi32, #tpu.memory_space<vmem>>
    %dma_start3A_44 = arith.constant 0 : i32
    %dma_start3A_45 = arith.constant 0 : i32
    %dma_start3A_46 = tpu.memref_slice %arg2[%dma_start3A_44, %dma_start3A_45] : memref<20224x64xf32, #tpu.memory_space<hbm>> -> memref<20224x64xf32, #tpu.memory_space<hbm>>
    tpu.enqueue_indirect_dma source(%dma_start3A_46 : memref<20224x64xf32, #tpu.memory_space<hbm>>) target(%arg13 : memref<128x64xf32, #tpu.memory_space<vmem>>) offsets(%dma_start3A_43 : memref<128xi32, #tpu.memory_space<vmem>>) semaphore(%arg26 : memref<!tpu.dma_semaphore, #tpu.memory_space<semaphore_mem>>)
    %dma_start3A_47 = arith.constant 3 : i32
    %dma_start3A_48 = arith.constant 0 : i32
    %dma_start3A_49 = tpu.memref_slice %arg7[%dma_start3A_47, %dma_start3A_48] : memref<4x128xi32, #tpu.memory_space<vmem>> -> memref<1x128xi32, #tpu.memory_space<vmem>>
    %dma_start3A_50 = tpu.memref_squeeze %dma_start3A_49 : memref<1x128xi32, #tpu.memory_space<vmem>> -> memref<128xi32, #tpu.memory_space<vmem>>
    %dma_start3A_51 = arith.constant 0 : i32
    %dma_start3A_52 = arith.constant 0 : i32
    %dma_start3A_53 = tpu.memref_slice %arg2[%dma_start3A_51, %dma_start3A_52] : memref<20224x64xf32, #tpu.memory_space<hbm>> -> memref<20224x64xf32, #tpu.memory_space<hbm>>
    tpu.enqueue_indirect_dma source(%dma_start3A_53 : memref<20224x64xf32, #tpu.memory_space<hbm>>) target(%arg14 : memref<128x64xf32, #tpu.memory_space<vmem>>) offsets(%dma_start3A_50 : memref<128xi32, #tpu.memory_space<vmem>>) semaphore(%arg27 : memref<!tpu.dma_semaphore, #tpu.memory_space<semaphore_mem>>)
    %scan3A = arith.constant 0 : i32
    %scan3A_54 = arith.constant 0 : i32
    %scan3A_55 = arith.constant 20 : i32
    %scan3A_56 = arith.addi %scan3A_54, %scan3A_55 : i32
    %scan3A_57 = arith.constant 1 : i32
    scf.for %scan3A_93 = %scan3A_54 to %scan3A_56 step %scan3A_57  : i32 {
      %mul3A_94 = arith.constant 2 : i32
      %mul3A_95 = arith.muli %scan3A_93, %mul3A_94 : i32
      %add3A_96 = arith.constant 0 : i32
      %add3A_97 = arith.addi %mul3A_95, %add3A_96 : i32
      %ge3A = arith.constant 1 : i32
      %ge3A_98 = arith.cmpi sge, %add3A_97, %ge3A : i32
      %convert_element_type3A = arith.extui %ge3A_98 : i1 to i32
      %cond3A = arith.constant 0 : i32
      %cond3A_99 = arith.cmpi ne, %convert_element_type3A, %cond3A : i32
      scf.if %cond3A_99 {
        %dma_wait3A_358 = arith.constant 0 : i32
        %dma_wait3A_359 = arith.constant 0 : i32
        %dma_wait3A_360 = tpu.memref_slice %arg4[%arg1, %dma_wait3A_358, %dma_wait3A_359] : memref<16x160x128xi32, #tpu.memory_space<hbm>> -> memref<1x160x128xi32, #tpu.memory_space<hbm>>
        %dma_wait3A_361 = tpu.memref_squeeze %dma_wait3A_360 : memref<1x160x128xi32, #tpu.memory_space<hbm>> -> memref<160x128xi32, #tpu.memory_space<hbm>>
        %dma_wait3A_362 = arith.constant 0 : i32
        %dma_wait3A_363 = arith.constant 0 : i32
        %dma_wait3A_364 = tpu.memref_slice %dma_wait3A_361[%dma_wait3A_362, %dma_wait3A_363] : memref<160x128xi32, #tpu.memory_space<hbm>> -> memref<4x128xi32, #tpu.memory_space<hbm>>
        %dma_wait3A_365 = arith.constant 0 : i32
        %dma_wait3A_366 = arith.constant 0 : i32
        %dma_wait3A_367 = tpu.memref_slice %arg4[%arg1, %dma_wait3A_365, %dma_wait3A_366] : memref<16x160x128xi32, #tpu.memory_space<hbm>> -> memref<1x160x128xi32, #tpu.memory_space<hbm>>
        %dma_wait3A_368 = tpu.memref_squeeze %dma_wait3A_367 : memref<1x160x128xi32, #tpu.memory_space<hbm>> -> memref<160x128xi32, #tpu.memory_space<hbm>>
        %dma_wait3A_369 = arith.constant 0 : i32
        %dma_wait3A_370 = arith.constant 0 : i32
        %dma_wait3A_371 = tpu.memref_slice %dma_wait3A_368[%dma_wait3A_369, %dma_wait3A_370] : memref<160x128xi32, #tpu.memory_space<hbm>> -> memref<4x128xi32, #tpu.memory_space<hbm>>
        tpu.wait_dma2 semaphore(%arg22 : memref<!tpu.dma_semaphore, #tpu.memory_space<semaphore_mem>>) src(%dma_wait3A_371 : memref<4x128xi32, #tpu.memory_space<hbm>>) dst(%arg9 : memref<4x128xi32, #tpu.memory_space<vmem>>)
      } else {
      }
      %add3A_100 = arith.constant 1 : i32
      %add3A_101 = arith.addi %add3A_97, %add3A_100 : i32
      %lt3A = arith.constant 40 : i32
      %lt3A_102 = arith.cmpi slt, %add3A_101, %lt3A : i32
      %convert_element_type3A_103 = arith.extui %lt3A_102 : i1 to i32
      %cond3A_104 = arith.constant 0 : i32
      %cond3A_105 = arith.cmpi ne, %convert_element_type3A_103, %cond3A_104 : i32
      scf.if %cond3A_105 {
        %dma_wait3A_358 = arith.constant 0 : i32
        %dma_wait3A_359 = arith.constant 0 : i32
        %dma_wait3A_360 = arith.constant 0 : i32
        %dma_wait3A_361 = tpu.memref_slice %arg3[%arg0, %dma_wait3A_358, %dma_wait3A_359, %dma_wait3A_360] : memref<2x16x160x128xi32, #tpu.memory_space<hbm>> -> memref<1x16x160x128xi32, #tpu.memory_space<hbm>>
        %dma_wait3A_362 = tpu.memref_squeeze %dma_wait3A_361 : memref<1x16x160x128xi32, #tpu.memory_space<hbm>> -> memref<16x160x128xi32, #tpu.memory_space<hbm>>
        %dma_wait3A_363 = arith.constant 0 : i32
        %dma_wait3A_364 = arith.constant 0 : i32
        %dma_wait3A_365 = tpu.memref_slice %dma_wait3A_362[%arg1, %dma_wait3A_363, %dma_wait3A_364] : memref<16x160x128xi32, #tpu.memory_space<hbm>> -> memref<1x160x128xi32, #tpu.memory_space<hbm>>
        %dma_wait3A_366 = tpu.memref_squeeze %dma_wait3A_365 : memref<1x160x128xi32, #tpu.memory_space<hbm>> -> memref<160x128xi32, #tpu.memory_space<hbm>>
        %dma_wait3A_367 = arith.constant 0 : i32
        %dma_wait3A_368 = arith.constant 0 : i32
        %dma_wait3A_369 = tpu.memref_slice %dma_wait3A_366[%dma_wait3A_367, %dma_wait3A_368] : memref<160x128xi32, #tpu.memory_space<hbm>> -> memref<4x128xi32, #tpu.memory_space<hbm>>
        %dma_wait3A_370 = arith.constant 0 : i32
        %dma_wait3A_371 = arith.constant 0 : i32
        %dma_wait3A_372 = arith.constant 0 : i32
        %dma_wait3A_373 = tpu.memref_slice %arg3[%arg0, %dma_wait3A_370, %dma_wait3A_371, %dma_wait3A_372] : memref<2x16x160x128xi32, #tpu.memory_space<hbm>> -> memref<1x16x160x128xi32, #tpu.memory_space<hbm>>
        %dma_wait3A_374 = tpu.memref_squeeze %dma_wait3A_373 : memref<1x16x160x128xi32, #tpu.memory_space<hbm>> -> memref<16x160x128xi32, #tpu.memory_space<hbm>>
        %dma_wait3A_375 = arith.constant 0 : i32
        %dma_wait3A_376 = arith.constant 0 : i32
        %dma_wait3A_377 = tpu.memref_slice %dma_wait3A_374[%arg1, %dma_wait3A_375, %dma_wait3A_376] : memref<16x160x128xi32, #tpu.memory_space<hbm>> -> memref<1x160x128xi32, #tpu.memory_space<hbm>>
        %dma_wait3A_378 = tpu.memref_squeeze %dma_wait3A_377 : memref<1x160x128xi32, #tpu.memory_space<hbm>> -> memref<160x128xi32, #tpu.memory_space<hbm>>
        %dma_wait3A_379 = arith.constant 0 : i32
        %dma_wait3A_380 = arith.constant 0 : i32
        %dma_wait3A_381 = tpu.memref_slice %dma_wait3A_378[%dma_wait3A_379, %dma_wait3A_380] : memref<160x128xi32, #tpu.memory_space<hbm>> -> memref<4x128xi32, #tpu.memory_space<hbm>>
        tpu.wait_dma2 semaphore(%arg21 : memref<!tpu.dma_semaphore, #tpu.memory_space<semaphore_mem>>) src(%dma_wait3A_381 : memref<4x128xi32, #tpu.memory_space<hbm>>) dst(%arg8 : memref<4x128xi32, #tpu.memory_space<vmem>>)
      } else {
      }
      %dma_wait3A_106 = arith.constant 0 : i32
      %dma_wait3A_107 = arith.constant 0 : i32
      %dma_wait3A_108 = tpu.memref_slice %arg7[%dma_wait3A_106, %dma_wait3A_107] : memref<4x128xi32, #tpu.memory_space<vmem>> -> memref<1x128xi32, #tpu.memory_space<vmem>>
      %dma_wait3A_109 = tpu.memref_squeeze %dma_wait3A_108 : memref<1x128xi32, #tpu.memory_space<vmem>> -> memref<128xi32, #tpu.memory_space<vmem>>
      %dma_wait3A_110 = arith.constant 0 : i32
      %dma_wait3A_111 = arith.constant 0 : i32
      %dma_wait3A_112 = tpu.memref_slice %arg2[%dma_wait3A_110, %dma_wait3A_111] : memref<20224x64xf32, #tpu.memory_space<hbm>> -> memref<20224x64xf32, #tpu.memory_space<hbm>>
      tpu.wait_indirect_dma semaphore(%arg24 : memref<!tpu.dma_semaphore, #tpu.memory_space<semaphore_mem>>) src(%dma_wait3A_112 : memref<20224x64xf32, #tpu.memory_space<hbm>>) dst(%arg11 : memref<128x64xf32, #tpu.memory_space<vmem>>)
      %dma_start3A_113 = arith.constant 0 : i32
      %dma_start3A_114 = arith.constant 0 : i32
      %dma_start3A_115 = tpu.memref_slice %arg9[%dma_start3A_113, %dma_start3A_114] : memref<4x128xi32, #tpu.memory_space<vmem>> -> memref<1x128xi32, #tpu.memory_space<vmem>>
      %dma_start3A_116 = tpu.memref_squeeze %dma_start3A_115 : memref<1x128xi32, #tpu.memory_space<vmem>> -> memref<128xi32, #tpu.memory_space<vmem>>
      %dma_start3A_117 = arith.constant 0 : i32
      %dma_start3A_118 = arith.constant 0 : i32
      %dma_start3A_119 = tpu.memref_slice %arg19[%dma_start3A_117, %dma_start3A_118] : memref<10112x64xf32, #tpu.memory_space<vmem_shared>> -> memref<10112x64xf32, #tpu.memory_space<vmem_shared>>
      tpu.enqueue_indirect_dma source(%arg11 : memref<128x64xf32, #tpu.memory_space<vmem>>) target(%dma_start3A_119 : memref<10112x64xf32, #tpu.memory_space<vmem_shared>>) offsets(%dma_start3A_116 : memref<128xi32, #tpu.memory_space<vmem>>) semaphore(%arg32 : memref<!tpu.dma_semaphore, #tpu.memory_space<semaphore_mem>>) {add = true}
      %ge3A_120 = arith.constant 1 : i32
      %ge3A_121 = arith.cmpi sge, %add3A_97, %ge3A_120 : i32
      %convert_element_type3A_122 = arith.extui %ge3A_121 : i1 to i32
      %cond3A_123 = arith.constant 0 : i32
      %cond3A_124 = arith.cmpi ne, %convert_element_type3A_122, %cond3A_123 : i32
      scf.if %cond3A_124 {
        %dma_wait3A_358 = arith.constant 0 : i32
        %dma_wait3A_359 = arith.constant 0 : i32
        %dma_wait3A_360 = tpu.memref_slice %arg9[%dma_wait3A_358, %dma_wait3A_359] : memref<4x128xi32, #tpu.memory_space<vmem>> -> memref<1x128xi32, #tpu.memory_space<vmem>>
        %dma_wait3A_361 = tpu.memref_squeeze %dma_wait3A_360 : memref<1x128xi32, #tpu.memory_space<vmem>> -> memref<128xi32, #tpu.memory_space<vmem>>
        %dma_wait3A_362 = arith.constant 0 : i32
        %dma_wait3A_363 = arith.constant 0 : i32
        %dma_wait3A_364 = tpu.memref_slice %arg19[%dma_wait3A_362, %dma_wait3A_363] : memref<10112x64xf32, #tpu.memory_space<vmem_shared>> -> memref<10112x64xf32, #tpu.memory_space<vmem_shared>>
        tpu.wait_indirect_dma semaphore(%arg36 : memref<!tpu.dma_semaphore, #tpu.memory_space<semaphore_mem>>) src(%arg15 : memref<128x64xf32, #tpu.memory_space<vmem>>) dst(%dma_wait3A_364 : memref<10112x64xf32, #tpu.memory_space<vmem_shared>>)
      } else {
      }
      %add3A_125 = arith.constant 1 : i32
      %add3A_126 = arith.addi %add3A_97, %add3A_125 : i32
      %lt3A_127 = arith.constant 40 : i32
      %lt3A_128 = arith.cmpi slt, %add3A_126, %lt3A_127 : i32
      %convert_element_type3A_129 = arith.extui %lt3A_128 : i1 to i32
      %cond3A_130 = arith.constant 0 : i32
      %cond3A_131 = arith.cmpi ne, %convert_element_type3A_129, %cond3A_130 : i32
      scf.if %cond3A_131 {
        %dma_start3A_358 = arith.constant 0 : i32
        %dma_start3A_359 = arith.constant 0 : i32
        %dma_start3A_360 = tpu.memref_slice %arg8[%dma_start3A_358, %dma_start3A_359] : memref<4x128xi32, #tpu.memory_space<vmem>> -> memref<1x128xi32, #tpu.memory_space<vmem>>
        %dma_start3A_361 = tpu.memref_squeeze %dma_start3A_360 : memref<1x128xi32, #tpu.memory_space<vmem>> -> memref<128xi32, #tpu.memory_space<vmem>>
        %dma_start3A_362 = arith.constant 0 : i32
        %dma_start3A_363 = arith.constant 0 : i32
        %dma_start3A_364 = tpu.memref_slice %arg2[%dma_start3A_362, %dma_start3A_363] : memref<20224x64xf32, #tpu.memory_space<hbm>> -> memref<20224x64xf32, #tpu.memory_space<hbm>>
        tpu.enqueue_indirect_dma source(%dma_start3A_364 : memref<20224x64xf32, #tpu.memory_space<hbm>>) target(%arg15 : memref<128x64xf32, #tpu.memory_space<vmem>>) offsets(%dma_start3A_361 : memref<128xi32, #tpu.memory_space<vmem>>) semaphore(%arg28 : memref<!tpu.dma_semaphore, #tpu.memory_space<semaphore_mem>>)
      } else {
      }
      %dma_wait3A_132 = arith.constant 1 : i32
      %dma_wait3A_133 = arith.constant 0 : i32
      %dma_wait3A_134 = tpu.memref_slice %arg7[%dma_wait3A_132, %dma_wait3A_133] : memref<4x128xi32, #tpu.memory_space<vmem>> -> memref<1x128xi32, #tpu.memory_space<vmem>>
      %dma_wait3A_135 = tpu.memref_squeeze %dma_wait3A_134 : memref<1x128xi32, #tpu.memory_space<vmem>> -> memref<128xi32, #tpu.memory_space<vmem>>
      %dma_wait3A_136 = arith.constant 0 : i32
      %dma_wait3A_137 = arith.constant 0 : i32
      %dma_wait3A_138 = tpu.memref_slice %arg2[%dma_wait3A_136, %dma_wait3A_137] : memref<20224x64xf32, #tpu.memory_space<hbm>> -> memref<20224x64xf32, #tpu.memory_space<hbm>>
      tpu.wait_indirect_dma semaphore(%arg25 : memref<!tpu.dma_semaphore, #tpu.memory_space<semaphore_mem>>) src(%dma_wait3A_138 : memref<20224x64xf32, #tpu.memory_space<hbm>>) dst(%arg12 : memref<128x64xf32, #tpu.memory_space<vmem>>)
      %dma_start3A_139 = arith.constant 1 : i32
      %dma_start3A_140 = arith.constant 0 : i32
      %dma_start3A_141 = tpu.memref_slice %arg9[%dma_start3A_139, %dma_start3A_140] : memref<4x128xi32, #tpu.memory_space<vmem>> -> memref<1x128xi32, #tpu.memory_space<vmem>>
      %dma_start3A_142 = tpu.memref_squeeze %dma_start3A_141 : memref<1x128xi32, #tpu.memory_space<vmem>> -> memref<128xi32, #tpu.memory_space<vmem>>
      %dma_start3A_143 = arith.constant 0 : i32
      %dma_start3A_144 = arith.constant 0 : i32
      %dma_start3A_145 = tpu.memref_slice %arg19[%dma_start3A_143, %dma_start3A_144] : memref<10112x64xf32, #tpu.memory_space<vmem_shared>> -> memref<10112x64xf32, #tpu.memory_space<vmem_shared>>
      tpu.enqueue_indirect_dma source(%arg12 : memref<128x64xf32, #tpu.memory_space<vmem>>) target(%dma_start3A_145 : memref<10112x64xf32, #tpu.memory_space<vmem_shared>>) offsets(%dma_start3A_142 : memref<128xi32, #tpu.memory_space<vmem>>) semaphore(%arg33 : memref<!tpu.dma_semaphore, #tpu.memory_space<semaphore_mem>>) {add = true}
      %ge3A_146 = arith.constant 1 : i32
      %ge3A_147 = arith.cmpi sge, %add3A_97, %ge3A_146 : i32
      %convert_element_type3A_148 = arith.extui %ge3A_147 : i1 to i32
      %cond3A_149 = arith.constant 0 : i32
      %cond3A_150 = arith.cmpi ne, %convert_element_type3A_148, %cond3A_149 : i32
      scf.if %cond3A_150 {
        %dma_wait3A_358 = arith.constant 0 : i32
        %dma_wait3A_359 = arith.constant 0 : i32
        %dma_wait3A_360 = tpu.memref_slice %arg9[%dma_wait3A_358, %dma_wait3A_359] : memref<4x128xi32, #tpu.memory_space<vmem>> -> memref<1x128xi32, #tpu.memory_space<vmem>>
        %dma_wait3A_361 = tpu.memref_squeeze %dma_wait3A_360 : memref<1x128xi32, #tpu.memory_space<vmem>> -> memref<128xi32, #tpu.memory_space<vmem>>
        %dma_wait3A_362 = arith.constant 0 : i32
        %dma_wait3A_363 = arith.constant 0 : i32
        %dma_wait3A_364 = tpu.memref_slice %arg19[%dma_wait3A_362, %dma_wait3A_363] : memref<10112x64xf32, #tpu.memory_space<vmem_shared>> -> memref<10112x64xf32, #tpu.memory_space<vmem_shared>>
        tpu.wait_indirect_dma semaphore(%arg37 : memref<!tpu.dma_semaphore, #tpu.memory_space<semaphore_mem>>) src(%arg16 : memref<128x64xf32, #tpu.memory_space<vmem>>) dst(%dma_wait3A_364 : memref<10112x64xf32, #tpu.memory_space<vmem_shared>>)
      } else {
      }
      %add3A_151 = arith.constant 1 : i32
      %add3A_152 = arith.addi %add3A_97, %add3A_151 : i32
      %lt3A_153 = arith.constant 40 : i32
      %lt3A_154 = arith.cmpi slt, %add3A_152, %lt3A_153 : i32
      %convert_element_type3A_155 = arith.extui %lt3A_154 : i1 to i32
      %cond3A_156 = arith.constant 0 : i32
      %cond3A_157 = arith.cmpi ne, %convert_element_type3A_155, %cond3A_156 : i32
      scf.if %cond3A_157 {
        %dma_start3A_358 = arith.constant 1 : i32
        %dma_start3A_359 = arith.constant 0 : i32
        %dma_start3A_360 = tpu.memref_slice %arg8[%dma_start3A_358, %dma_start3A_359] : memref<4x128xi32, #tpu.memory_space<vmem>> -> memref<1x128xi32, #tpu.memory_space<vmem>>
        %dma_start3A_361 = tpu.memref_squeeze %dma_start3A_360 : memref<1x128xi32, #tpu.memory_space<vmem>> -> memref<128xi32, #tpu.memory_space<vmem>>
        %dma_start3A_362 = arith.constant 0 : i32
        %dma_start3A_363 = arith.constant 0 : i32
        %dma_start3A_364 = tpu.memref_slice %arg2[%dma_start3A_362, %dma_start3A_363] : memref<20224x64xf32, #tpu.memory_space<hbm>> -> memref<20224x64xf32, #tpu.memory_space<hbm>>
        tpu.enqueue_indirect_dma source(%dma_start3A_364 : memref<20224x64xf32, #tpu.memory_space<hbm>>) target(%arg16 : memref<128x64xf32, #tpu.memory_space<vmem>>) offsets(%dma_start3A_361 : memref<128xi32, #tpu.memory_space<vmem>>) semaphore(%arg29 : memref<!tpu.dma_semaphore, #tpu.memory_space<semaphore_mem>>)
      } else {
      }
      %dma_wait3A_158 = arith.constant 2 : i32
      %dma_wait3A_159 = arith.constant 0 : i32
      %dma_wait3A_160 = tpu.memref_slice %arg7[%dma_wait3A_158, %dma_wait3A_159] : memref<4x128xi32, #tpu.memory_space<vmem>> -> memref<1x128xi32, #tpu.memory_space<vmem>>
      %dma_wait3A_161 = tpu.memref_squeeze %dma_wait3A_160 : memref<1x128xi32, #tpu.memory_space<vmem>> -> memref<128xi32, #tpu.memory_space<vmem>>
      %dma_wait3A_162 = arith.constant 0 : i32
      %dma_wait3A_163 = arith.constant 0 : i32
      %dma_wait3A_164 = tpu.memref_slice %arg2[%dma_wait3A_162, %dma_wait3A_163] : memref<20224x64xf32, #tpu.memory_space<hbm>> -> memref<20224x64xf32, #tpu.memory_space<hbm>>
      tpu.wait_indirect_dma semaphore(%arg26 : memref<!tpu.dma_semaphore, #tpu.memory_space<semaphore_mem>>) src(%dma_wait3A_164 : memref<20224x64xf32, #tpu.memory_space<hbm>>) dst(%arg13 : memref<128x64xf32, #tpu.memory_space<vmem>>)
      %dma_start3A_165 = arith.constant 2 : i32
      %dma_start3A_166 = arith.constant 0 : i32
      %dma_start3A_167 = tpu.memref_slice %arg9[%dma_start3A_165, %dma_start3A_166] : memref<4x128xi32, #tpu.memory_space<vmem>> -> memref<1x128xi32, #tpu.memory_space<vmem>>
      %dma_start3A_168 = tpu.memref_squeeze %dma_start3A_167 : memref<1x128xi32, #tpu.memory_space<vmem>> -> memref<128xi32, #tpu.memory_space<vmem>>
      %dma_start3A_169 = arith.constant 0 : i32
      %dma_start3A_170 = arith.constant 0 : i32
      %dma_start3A_171 = tpu.memref_slice %arg19[%dma_start3A_169, %dma_start3A_170] : memref<10112x64xf32, #tpu.memory_space<vmem_shared>> -> memref<10112x64xf32, #tpu.memory_space<vmem_shared>>
      tpu.enqueue_indirect_dma source(%arg13 : memref<128x64xf32, #tpu.memory_space<vmem>>) target(%dma_start3A_171 : memref<10112x64xf32, #tpu.memory_space<vmem_shared>>) offsets(%dma_start3A_168 : memref<128xi32, #tpu.memory_space<vmem>>) semaphore(%arg34 : memref<!tpu.dma_semaphore, #tpu.memory_space<semaphore_mem>>) {add = true}
      %ge3A_172 = arith.constant 1 : i32
      %ge3A_173 = arith.cmpi sge, %add3A_97, %ge3A_172 : i32
      %convert_element_type3A_174 = arith.extui %ge3A_173 : i1 to i32
      %cond3A_175 = arith.constant 0 : i32
      %cond3A_176 = arith.cmpi ne, %convert_element_type3A_174, %cond3A_175 : i32
      scf.if %cond3A_176 {
        %dma_wait3A_358 = arith.constant 0 : i32
        %dma_wait3A_359 = arith.constant 0 : i32
        %dma_wait3A_360 = tpu.memref_slice %arg9[%dma_wait3A_358, %dma_wait3A_359] : memref<4x128xi32, #tpu.memory_space<vmem>> -> memref<1x128xi32, #tpu.memory_space<vmem>>
        %dma_wait3A_361 = tpu.memref_squeeze %dma_wait3A_360 : memref<1x128xi32, #tpu.memory_space<vmem>> -> memref<128xi32, #tpu.memory_space<vmem>>
        %dma_wait3A_362 = arith.constant 0 : i32
        %dma_wait3A_363 = arith.constant 0 : i32
        %dma_wait3A_364 = tpu.memref_slice %arg19[%dma_wait3A_362, %dma_wait3A_363] : memref<10112x64xf32, #tpu.memory_space<vmem_shared>> -> memref<10112x64xf32, #tpu.memory_space<vmem_shared>>
        tpu.wait_indirect_dma semaphore(%arg38 : memref<!tpu.dma_semaphore, #tpu.memory_space<semaphore_mem>>) src(%arg17 : memref<128x64xf32, #tpu.memory_space<vmem>>) dst(%dma_wait3A_364 : memref<10112x64xf32, #tpu.memory_space<vmem_shared>>)
      } else {
      }
      %add3A_177 = arith.constant 1 : i32
      %add3A_178 = arith.addi %add3A_97, %add3A_177 : i32
      %lt3A_179 = arith.constant 40 : i32
      %lt3A_180 = arith.cmpi slt, %add3A_178, %lt3A_179 : i32
      %convert_element_type3A_181 = arith.extui %lt3A_180 : i1 to i32
      %cond3A_182 = arith.constant 0 : i32
      %cond3A_183 = arith.cmpi ne, %convert_element_type3A_181, %cond3A_182 : i32
      scf.if %cond3A_183 {
        %dma_start3A_358 = arith.constant 2 : i32
        %dma_start3A_359 = arith.constant 0 : i32
        %dma_start3A_360 = tpu.memref_slice %arg8[%dma_start3A_358, %dma_start3A_359] : memref<4x128xi32, #tpu.memory_space<vmem>> -> memref<1x128xi32, #tpu.memory_space<vmem>>
        %dma_start3A_361 = tpu.memref_squeeze %dma_start3A_360 : memref<1x128xi32, #tpu.memory_space<vmem>> -> memref<128xi32, #tpu.memory_space<vmem>>
        %dma_start3A_362 = arith.constant 0 : i32
        %dma_start3A_363 = arith.constant 0 : i32
        %dma_start3A_364 = tpu.memref_slice %arg2[%dma_start3A_362, %dma_start3A_363] : memref<20224x64xf32, #tpu.memory_space<hbm>> -> memref<20224x64xf32, #tpu.memory_space<hbm>>
        tpu.enqueue_indirect_dma source(%dma_start3A_364 : memref<20224x64xf32, #tpu.memory_space<hbm>>) target(%arg17 : memref<128x64xf32, #tpu.memory_space<vmem>>) offsets(%dma_start3A_361 : memref<128xi32, #tpu.memory_space<vmem>>) semaphore(%arg30 : memref<!tpu.dma_semaphore, #tpu.memory_space<semaphore_mem>>)
      } else {
      }
      %dma_wait3A_184 = arith.constant 3 : i32
      %dma_wait3A_185 = arith.constant 0 : i32
      %dma_wait3A_186 = tpu.memref_slice %arg7[%dma_wait3A_184, %dma_wait3A_185] : memref<4x128xi32, #tpu.memory_space<vmem>> -> memref<1x128xi32, #tpu.memory_space<vmem>>
      %dma_wait3A_187 = tpu.memref_squeeze %dma_wait3A_186 : memref<1x128xi32, #tpu.memory_space<vmem>> -> memref<128xi32, #tpu.memory_space<vmem>>
      %dma_wait3A_188 = arith.constant 0 : i32
      %dma_wait3A_189 = arith.constant 0 : i32
      %dma_wait3A_190 = tpu.memref_slice %arg2[%dma_wait3A_188, %dma_wait3A_189] : memref<20224x64xf32, #tpu.memory_space<hbm>> -> memref<20224x64xf32, #tpu.memory_space<hbm>>
      tpu.wait_indirect_dma semaphore(%arg27 : memref<!tpu.dma_semaphore, #tpu.memory_space<semaphore_mem>>) src(%dma_wait3A_190 : memref<20224x64xf32, #tpu.memory_space<hbm>>) dst(%arg14 : memref<128x64xf32, #tpu.memory_space<vmem>>)
      %dma_start3A_191 = arith.constant 3 : i32
      %dma_start3A_192 = arith.constant 0 : i32
      %dma_start3A_193 = tpu.memref_slice %arg9[%dma_start3A_191, %dma_start3A_192] : memref<4x128xi32, #tpu.memory_space<vmem>> -> memref<1x128xi32, #tpu.memory_space<vmem>>
      %dma_start3A_194 = tpu.memref_squeeze %dma_start3A_193 : memref<1x128xi32, #tpu.memory_space<vmem>> -> memref<128xi32, #tpu.memory_space<vmem>>
      %dma_start3A_195 = arith.constant 0 : i32
      %dma_start3A_196 = arith.constant 0 : i32
      %dma_start3A_197 = tpu.memref_slice %arg19[%dma_start3A_195, %dma_start3A_196] : memref<10112x64xf32, #tpu.memory_space<vmem_shared>> -> memref<10112x64xf32, #tpu.memory_space<vmem_shared>>
      tpu.enqueue_indirect_dma source(%arg14 : memref<128x64xf32, #tpu.memory_space<vmem>>) target(%dma_start3A_197 : memref<10112x64xf32, #tpu.memory_space<vmem_shared>>) offsets(%dma_start3A_194 : memref<128xi32, #tpu.memory_space<vmem>>) semaphore(%arg35 : memref<!tpu.dma_semaphore, #tpu.memory_space<semaphore_mem>>) {add = true}
      %ge3A_198 = arith.constant 1 : i32
      %ge3A_199 = arith.cmpi sge, %add3A_97, %ge3A_198 : i32
      %convert_element_type3A_200 = arith.extui %ge3A_199 : i1 to i32
      %cond3A_201 = arith.constant 0 : i32
      %cond3A_202 = arith.cmpi ne, %convert_element_type3A_200, %cond3A_201 : i32
      scf.if %cond3A_202 {
        %dma_wait3A_358 = arith.constant 0 : i32
        %dma_wait3A_359 = arith.constant 0 : i32
        %dma_wait3A_360 = tpu.memref_slice %arg9[%dma_wait3A_358, %dma_wait3A_359] : memref<4x128xi32, #tpu.memory_space<vmem>> -> memref<1x128xi32, #tpu.memory_space<vmem>>
        %dma_wait3A_361 = tpu.memref_squeeze %dma_wait3A_360 : memref<1x128xi32, #tpu.memory_space<vmem>> -> memref<128xi32, #tpu.memory_space<vmem>>
        %dma_wait3A_362 = arith.constant 0 : i32
        %dma_wait3A_363 = arith.constant 0 : i32
        %dma_wait3A_364 = tpu.memref_slice %arg19[%dma_wait3A_362, %dma_wait3A_363] : memref<10112x64xf32, #tpu.memory_space<vmem_shared>> -> memref<10112x64xf32, #tpu.memory_space<vmem_shared>>
        tpu.wait_indirect_dma semaphore(%arg39 : memref<!tpu.dma_semaphore, #tpu.memory_space<semaphore_mem>>) src(%arg18 : memref<128x64xf32, #tpu.memory_space<vmem>>) dst(%dma_wait3A_364 : memref<10112x64xf32, #tpu.memory_space<vmem_shared>>)
      } else {
      }
      %add3A_203 = arith.constant 1 : i32
      %add3A_204 = arith.addi %add3A_97, %add3A_203 : i32
      %lt3A_205 = arith.constant 40 : i32
      %lt3A_206 = arith.cmpi slt, %add3A_204, %lt3A_205 : i32
      %convert_element_type3A_207 = arith.extui %lt3A_206 : i1 to i32
      %cond3A_208 = arith.constant 0 : i32
      %cond3A_209 = arith.cmpi ne, %convert_element_type3A_207, %cond3A_208 : i32
      scf.if %cond3A_209 {
        %dma_start3A_358 = arith.constant 3 : i32
        %dma_start3A_359 = arith.constant 0 : i32
        %dma_start3A_360 = tpu.memref_slice %arg8[%dma_start3A_358, %dma_start3A_359] : memref<4x128xi32, #tpu.memory_space<vmem>> -> memref<1x128xi32, #tpu.memory_space<vmem>>
        %dma_start3A_361 = tpu.memref_squeeze %dma_start3A_360 : memref<1x128xi32, #tpu.memory_space<vmem>> -> memref<128xi32, #tpu.memory_space<vmem>>
        %dma_start3A_362 = arith.constant 0 : i32
        %dma_start3A_363 = arith.constant 0 : i32
        %dma_start3A_364 = tpu.memref_slice %arg2[%dma_start3A_362, %dma_start3A_363] : memref<20224x64xf32, #tpu.memory_space<hbm>> -> memref<20224x64xf32, #tpu.memory_space<hbm>>
        tpu.enqueue_indirect_dma source(%dma_start3A_364 : memref<20224x64xf32, #tpu.memory_space<hbm>>) target(%arg18 : memref<128x64xf32, #tpu.memory_space<vmem>>) offsets(%dma_start3A_361 : memref<128xi32, #tpu.memory_space<vmem>>) semaphore(%arg31 : memref<!tpu.dma_semaphore, #tpu.memory_space<semaphore_mem>>)
      } else {
      }
      %add3A_210 = arith.constant 2 : i32
      %add3A_211 = arith.addi %add3A_97, %add3A_210 : i32
      %lt3A_212 = arith.constant 40 : i32
      %lt3A_213 = arith.cmpi slt, %add3A_211, %lt3A_212 : i32
      %convert_element_type3A_214 = arith.extui %lt3A_213 : i1 to i32
      %cond3A_215 = arith.constant 0 : i32
      %cond3A_216 = arith.cmpi ne, %convert_element_type3A_214, %cond3A_215 : i32
      scf.if %cond3A_216 {
        %add3A_358 = arith.constant 2 : i32
        %add3A_359 = arith.addi %add3A_97, %add3A_358 : i32
        %mul3A_360 = arith.constant 4 : i32
        %mul3A_361 = arith.muli %add3A_359, %mul3A_360 : i32
        %dma_start3A_362 = arith.constant 0 : i32
        %dma_start3A_363 = arith.constant 0 : i32
        %dma_start3A_364 = arith.constant 0 : i32
        %dma_start3A_365 = tpu.memref_slice %arg3[%arg0, %dma_start3A_362, %dma_start3A_363, %dma_start3A_364] : memref<2x16x160x128xi32, #tpu.memory_space<hbm>> -> memref<1x16x160x128xi32, #tpu.memory_space<hbm>>
        %dma_start3A_366 = tpu.memref_squeeze %dma_start3A_365 : memref<1x16x160x128xi32, #tpu.memory_space<hbm>> -> memref<16x160x128xi32, #tpu.memory_space<hbm>>
        %dma_start3A_367 = arith.constant 0 : i32
        %dma_start3A_368 = arith.constant 0 : i32
        %dma_start3A_369 = tpu.memref_slice %dma_start3A_366[%arg1, %dma_start3A_367, %dma_start3A_368] : memref<16x160x128xi32, #tpu.memory_space<hbm>> -> memref<1x160x128xi32, #tpu.memory_space<hbm>>
        %dma_start3A_370 = tpu.memref_squeeze %dma_start3A_369 : memref<1x160x128xi32, #tpu.memory_space<hbm>> -> memref<160x128xi32, #tpu.memory_space<hbm>>
        %dma_start3A_371 = arith.constant 0 : i32
        %dma_start3A_372 = tpu.memref_slice %dma_start3A_370[%mul3A_361, %dma_start3A_371] : memref<160x128xi32, #tpu.memory_space<hbm>> -> memref<4x128xi32, #tpu.memory_space<hbm>>
        %dma_start3A_373 = arith.constant 0 : i32
        %dma_start3A_374 = arith.constant 0 : i32
        %dma_start3A_375 = arith.constant 0 : i32
        %dma_start3A_376 = tpu.memref_slice %arg3[%arg0, %dma_start3A_373, %dma_start3A_374, %dma_start3A_375] : memref<2x16x160x128xi32, #tpu.memory_space<hbm>> -> memref<1x16x160x128xi32, #tpu.memory_space<hbm>>
        %dma_start3A_377 = tpu.memref_squeeze %dma_start3A_376 : memref<1x16x160x128xi32, #tpu.memory_space<hbm>> -> memref<16x160x128xi32, #tpu.memory_space<hbm>>
        %dma_start3A_378 = arith.constant 0 : i32
        %dma_start3A_379 = arith.constant 0 : i32
        %dma_start3A_380 = tpu.memref_slice %dma_start3A_377[%arg1, %dma_start3A_378, %dma_start3A_379] : memref<16x160x128xi32, #tpu.memory_space<hbm>> -> memref<1x160x128xi32, #tpu.memory_space<hbm>>
        %dma_start3A_381 = tpu.memref_squeeze %dma_start3A_380 : memref<1x160x128xi32, #tpu.memory_space<hbm>> -> memref<160x128xi32, #tpu.memory_space<hbm>>
        %dma_start3A_382 = arith.constant 0 : i32
        %dma_start3A_383 = tpu.memref_slice %dma_start3A_381[%mul3A_361, %dma_start3A_382] : memref<160x128xi32, #tpu.memory_space<hbm>> -> memref<4x128xi32, #tpu.memory_space<hbm>>
        tpu.enqueue_dma source(%dma_start3A_383 : memref<4x128xi32, #tpu.memory_space<hbm>>) target(%arg7 : memref<4x128xi32, #tpu.memory_space<vmem>>) target_semaphore(%arg20 : memref<!tpu.dma_semaphore, #tpu.memory_space<semaphore_mem>>)
      } else {
      }
      %add3A_217 = arith.constant 1 : i32
      %add3A_218 = arith.addi %add3A_97, %add3A_217 : i32
      %lt3A_219 = arith.constant 40 : i32
      %lt3A_220 = arith.cmpi slt, %add3A_218, %lt3A_219 : i32
      %convert_element_type3A_221 = arith.extui %lt3A_220 : i1 to i32
      %cond3A_222 = arith.constant 0 : i32
      %cond3A_223 = arith.cmpi ne, %convert_element_type3A_221, %cond3A_222 : i32
      scf.if %cond3A_223 {
        %add3A_358 = arith.constant 1 : i32
        %add3A_359 = arith.addi %add3A_97, %add3A_358 : i32
        %mul3A_360 = arith.constant 4 : i32
        %mul3A_361 = arith.muli %add3A_359, %mul3A_360 : i32
        %dma_start3A_362 = arith.constant 0 : i32
        %dma_start3A_363 = arith.constant 0 : i32
        %dma_start3A_364 = tpu.memref_slice %arg4[%arg1, %dma_start3A_362, %dma_start3A_363] : memref<16x160x128xi32, #tpu.memory_space<hbm>> -> memref<1x160x128xi32, #tpu.memory_space<hbm>>
        %dma_start3A_365 = tpu.memref_squeeze %dma_start3A_364 : memref<1x160x128xi32, #tpu.memory_space<hbm>> -> memref<160x128xi32, #tpu.memory_space<hbm>>
        %dma_start3A_366 = arith.constant 0 : i32
        %dma_start3A_367 = tpu.memref_slice %dma_start3A_365[%mul3A_361, %dma_start3A_366] : memref<160x128xi32, #tpu.memory_space<hbm>> -> memref<4x128xi32, #tpu.memory_space<hbm>>
        %dma_start3A_368 = arith.constant 0 : i32
        %dma_start3A_369 = arith.constant 0 : i32
        %dma_start3A_370 = tpu.memref_slice %arg4[%arg1, %dma_start3A_368, %dma_start3A_369] : memref<16x160x128xi32, #tpu.memory_space<hbm>> -> memref<1x160x128xi32, #tpu.memory_space<hbm>>
        %dma_start3A_371 = tpu.memref_squeeze %dma_start3A_370 : memref<1x160x128xi32, #tpu.memory_space<hbm>> -> memref<160x128xi32, #tpu.memory_space<hbm>>
        %dma_start3A_372 = arith.constant 0 : i32
        %dma_start3A_373 = tpu.memref_slice %dma_start3A_371[%mul3A_361, %dma_start3A_372] : memref<160x128xi32, #tpu.memory_space<hbm>> -> memref<4x128xi32, #tpu.memory_space<hbm>>
        tpu.enqueue_dma source(%dma_start3A_373 : memref<4x128xi32, #tpu.memory_space<hbm>>) target(%arg10 : memref<4x128xi32, #tpu.memory_space<vmem>>) target_semaphore(%arg23 : memref<!tpu.dma_semaphore, #tpu.memory_space<semaphore_mem>>)
      } else {
      }
      %mul3A_224 = arith.constant 2 : i32
      %mul3A_225 = arith.muli %scan3A_93, %mul3A_224 : i32
      %add3A_226 = arith.constant 1 : i32
      %add3A_227 = arith.addi %mul3A_225, %add3A_226 : i32
      %ge3A_228 = arith.constant 1 : i32
      %ge3A_229 = arith.cmpi sge, %add3A_227, %ge3A_228 : i32
      %convert_element_type3A_230 = arith.extui %ge3A_229 : i1 to i32
      %cond3A_231 = arith.constant 0 : i32
      %cond3A_232 = arith.cmpi ne, %convert_element_type3A_230, %cond3A_231 : i32
      scf.if %cond3A_232 {
        %dma_wait3A_358 = arith.constant 0 : i32
        %dma_wait3A_359 = arith.constant 0 : i32
        %dma_wait3A_360 = tpu.memref_slice %arg4[%arg1, %dma_wait3A_358, %dma_wait3A_359] : memref<16x160x128xi32, #tpu.memory_space<hbm>> -> memref<1x160x128xi32, #tpu.memory_space<hbm>>
        %dma_wait3A_361 = tpu.memref_squeeze %dma_wait3A_360 : memref<1x160x128xi32, #tpu.memory_space<hbm>> -> memref<160x128xi32, #tpu.memory_space<hbm>>
        %dma_wait3A_362 = arith.constant 0 : i32
        %dma_wait3A_363 = arith.constant 0 : i32
        %dma_wait3A_364 = tpu.memref_slice %dma_wait3A_361[%dma_wait3A_362, %dma_wait3A_363] : memref<160x128xi32, #tpu.memory_space<hbm>> -> memref<4x128xi32, #tpu.memory_space<hbm>>
        %dma_wait3A_365 = arith.constant 0 : i32
        %dma_wait3A_366 = arith.constant 0 : i32
        %dma_wait3A_367 = tpu.memref_slice %arg4[%arg1, %dma_wait3A_365, %dma_wait3A_366] : memref<16x160x128xi32, #tpu.memory_space<hbm>> -> memref<1x160x128xi32, #tpu.memory_space<hbm>>
        %dma_wait3A_368 = tpu.memref_squeeze %dma_wait3A_367 : memref<1x160x128xi32, #tpu.memory_space<hbm>> -> memref<160x128xi32, #tpu.memory_space<hbm>>
        %dma_wait3A_369 = arith.constant 0 : i32
        %dma_wait3A_370 = arith.constant 0 : i32
        %dma_wait3A_371 = tpu.memref_slice %dma_wait3A_368[%dma_wait3A_369, %dma_wait3A_370] : memref<160x128xi32, #tpu.memory_space<hbm>> -> memref<4x128xi32, #tpu.memory_space<hbm>>
        tpu.wait_dma2 semaphore(%arg23 : memref<!tpu.dma_semaphore, #tpu.memory_space<semaphore_mem>>) src(%dma_wait3A_371 : memref<4x128xi32, #tpu.memory_space<hbm>>) dst(%arg10 : memref<4x128xi32, #tpu.memory_space<vmem>>)
      } else {
      }
      %add3A_233 = arith.constant 1 : i32
      %add3A_234 = arith.addi %add3A_227, %add3A_233 : i32
      %lt3A_235 = arith.constant 40 : i32
      %lt3A_236 = arith.cmpi slt, %add3A_234, %lt3A_235 : i32
      %convert_element_type3A_237 = arith.extui %lt3A_236 : i1 to i32
      %cond3A_238 = arith.constant 0 : i32
      %cond3A_239 = arith.cmpi ne, %convert_element_type3A_237, %cond3A_238 : i32
      scf.if %cond3A_239 {
        %dma_wait3A_358 = arith.constant 0 : i32
        %dma_wait3A_359 = arith.constant 0 : i32
        %dma_wait3A_360 = arith.constant 0 : i32
        %dma_wait3A_361 = tpu.memref_slice %arg3[%arg0, %dma_wait3A_358, %dma_wait3A_359, %dma_wait3A_360] : memref<2x16x160x128xi32, #tpu.memory_space<hbm>> -> memref<1x16x160x128xi32, #tpu.memory_space<hbm>>
        %dma_wait3A_362 = tpu.memref_squeeze %dma_wait3A_361 : memref<1x16x160x128xi32, #tpu.memory_space<hbm>> -> memref<16x160x128xi32, #tpu.memory_space<hbm>>
        %dma_wait3A_363 = arith.constant 0 : i32
        %dma_wait3A_364 = arith.constant 0 : i32
        %dma_wait3A_365 = tpu.memref_slice %dma_wait3A_362[%arg1, %dma_wait3A_363, %dma_wait3A_364] : memref<16x160x128xi32, #tpu.memory_space<hbm>> -> memref<1x160x128xi32, #tpu.memory_space<hbm>>
        %dma_wait3A_366 = tpu.memref_squeeze %dma_wait3A_365 : memref<1x160x128xi32, #tpu.memory_space<hbm>> -> memref<160x128xi32, #tpu.memory_space<hbm>>
        %dma_wait3A_367 = arith.constant 0 : i32
        %dma_wait3A_368 = arith.constant 0 : i32
        %dma_wait3A_369 = tpu.memref_slice %dma_wait3A_366[%dma_wait3A_367, %dma_wait3A_368] : memref<160x128xi32, #tpu.memory_space<hbm>> -> memref<4x128xi32, #tpu.memory_space<hbm>>
        %dma_wait3A_370 = arith.constant 0 : i32
        %dma_wait3A_371 = arith.constant 0 : i32
        %dma_wait3A_372 = arith.constant 0 : i32
        %dma_wait3A_373 = tpu.memref_slice %arg3[%arg0, %dma_wait3A_370, %dma_wait3A_371, %dma_wait3A_372] : memref<2x16x160x128xi32, #tpu.memory_space<hbm>> -> memref<1x16x160x128xi32, #tpu.memory_space<hbm>>
        %dma_wait3A_374 = tpu.memref_squeeze %dma_wait3A_373 : memref<1x16x160x128xi32, #tpu.memory_space<hbm>> -> memref<16x160x128xi32, #tpu.memory_space<hbm>>
        %dma_wait3A_375 = arith.constant 0 : i32
        %dma_wait3A_376 = arith.constant 0 : i32
        %dma_wait3A_377 = tpu.memref_slice %dma_wait3A_374[%arg1, %dma_wait3A_375, %dma_wait3A_376] : memref<16x160x128xi32, #tpu.memory_space<hbm>> -> memref<1x160x128xi32, #tpu.memory_space<hbm>>
        %dma_wait3A_378 = tpu.memref_squeeze %dma_wait3A_377 : memref<1x160x128xi32, #tpu.memory_space<hbm>> -> memref<160x128xi32, #tpu.memory_space<hbm>>
        %dma_wait3A_379 = arith.constant 0 : i32
        %dma_wait3A_380 = arith.constant 0 : i32
        %dma_wait3A_381 = tpu.memref_slice %dma_wait3A_378[%dma_wait3A_379, %dma_wait3A_380] : memref<160x128xi32, #tpu.memory_space<hbm>> -> memref<4x128xi32, #tpu.memory_space<hbm>>
        tpu.wait_dma2 semaphore(%arg20 : memref<!tpu.dma_semaphore, #tpu.memory_space<semaphore_mem>>) src(%dma_wait3A_381 : memref<4x128xi32, #tpu.memory_space<hbm>>) dst(%arg7 : memref<4x128xi32, #tpu.memory_space<vmem>>)
      } else {
      }
      %dma_wait3A_240 = arith.constant 0 : i32
      %dma_wait3A_241 = arith.constant 0 : i32
      %dma_wait3A_242 = tpu.memref_slice %arg8[%dma_wait3A_240, %dma_wait3A_241] : memref<4x128xi32, #tpu.memory_space<vmem>> -> memref<1x128xi32, #tpu.memory_space<vmem>>
      %dma_wait3A_243 = tpu.memref_squeeze %dma_wait3A_242 : memref<1x128xi32, #tpu.memory_space<vmem>> -> memref<128xi32, #tpu.memory_space<vmem>>
      %dma_wait3A_244 = arith.constant 0 : i32
      %dma_wait3A_245 = arith.constant 0 : i32
      %dma_wait3A_246 = tpu.memref_slice %arg2[%dma_wait3A_244, %dma_wait3A_245] : memref<20224x64xf32, #tpu.memory_space<hbm>> -> memref<20224x64xf32, #tpu.memory_space<hbm>>
      tpu.wait_indirect_dma semaphore(%arg28 : memref<!tpu.dma_semaphore, #tpu.memory_space<semaphore_mem>>) src(%dma_wait3A_246 : memref<20224x64xf32, #tpu.memory_space<hbm>>) dst(%arg15 : memref<128x64xf32, #tpu.memory_space<vmem>>)
      %dma_start3A_247 = arith.constant 0 : i32
      %dma_start3A_248 = arith.constant 0 : i32
      %dma_start3A_249 = tpu.memref_slice %arg10[%dma_start3A_247, %dma_start3A_248] : memref<4x128xi32, #tpu.memory_space<vmem>> -> memref<1x128xi32, #tpu.memory_space<vmem>>
      %dma_start3A_250 = tpu.memref_squeeze %dma_start3A_249 : memref<1x128xi32, #tpu.memory_space<vmem>> -> memref<128xi32, #tpu.memory_space<vmem>>
      %dma_start3A_251 = arith.constant 0 : i32
      %dma_start3A_252 = arith.constant 0 : i32
      %dma_start3A_253 = tpu.memref_slice %arg19[%dma_start3A_251, %dma_start3A_252] : memref<10112x64xf32, #tpu.memory_space<vmem_shared>> -> memref<10112x64xf32, #tpu.memory_space<vmem_shared>>
      tpu.enqueue_indirect_dma source(%arg15 : memref<128x64xf32, #tpu.memory_space<vmem>>) target(%dma_start3A_253 : memref<10112x64xf32, #tpu.memory_space<vmem_shared>>) offsets(%dma_start3A_250 : memref<128xi32, #tpu.memory_space<vmem>>) semaphore(%arg36 : memref<!tpu.dma_semaphore, #tpu.memory_space<semaphore_mem>>) {add = true}
      %ge3A_254 = arith.constant 1 : i32
      %ge3A_255 = arith.cmpi sge, %add3A_227, %ge3A_254 : i32
      %convert_element_type3A_256 = arith.extui %ge3A_255 : i1 to i32
      %cond3A_257 = arith.constant 0 : i32
      %cond3A_258 = arith.cmpi ne, %convert_element_type3A_256, %cond3A_257 : i32
      scf.if %cond3A_258 {
        %dma_wait3A_358 = arith.constant 0 : i32
        %dma_wait3A_359 = arith.constant 0 : i32
        %dma_wait3A_360 = tpu.memref_slice %arg10[%dma_wait3A_358, %dma_wait3A_359] : memref<4x128xi32, #tpu.memory_space<vmem>> -> memref<1x128xi32, #tpu.memory_space<vmem>>
        %dma_wait3A_361 = tpu.memref_squeeze %dma_wait3A_360 : memref<1x128xi32, #tpu.memory_space<vmem>> -> memref<128xi32, #tpu.memory_space<vmem>>
        %dma_wait3A_362 = arith.constant 0 : i32
        %dma_wait3A_363 = arith.constant 0 : i32
        %dma_wait3A_364 = tpu.memref_slice %arg19[%dma_wait3A_362, %dma_wait3A_363] : memref<10112x64xf32, #tpu.memory_space<vmem_shared>> -> memref<10112x64xf32, #tpu.memory_space<vmem_shared>>
        tpu.wait_indirect_dma semaphore(%arg32 : memref<!tpu.dma_semaphore, #tpu.memory_space<semaphore_mem>>) src(%arg11 : memref<128x64xf32, #tpu.memory_space<vmem>>) dst(%dma_wait3A_364 : memref<10112x64xf32, #tpu.memory_space<vmem_shared>>)
      } else {
      }
      %add3A_259 = arith.constant 1 : i32
      %add3A_260 = arith.addi %add3A_227, %add3A_259 : i32
      %lt3A_261 = arith.constant 40 : i32
      %lt3A_262 = arith.cmpi slt, %add3A_260, %lt3A_261 : i32
      %convert_element_type3A_263 = arith.extui %lt3A_262 : i1 to i32
      %cond3A_264 = arith.constant 0 : i32
      %cond3A_265 = arith.cmpi ne, %convert_element_type3A_263, %cond3A_264 : i32
      scf.if %cond3A_265 {
        %dma_start3A_358 = arith.constant 0 : i32
        %dma_start3A_359 = arith.constant 0 : i32
        %dma_start3A_360 = tpu.memref_slice %arg7[%dma_start3A_358, %dma_start3A_359] : memref<4x128xi32, #tpu.memory_space<vmem>> -> memref<1x128xi32, #tpu.memory_space<vmem>>
        %dma_start3A_361 = tpu.memref_squeeze %dma_start3A_360 : memref<1x128xi32, #tpu.memory_space<vmem>> -> memref<128xi32, #tpu.memory_space<vmem>>
        %dma_start3A_362 = arith.constant 0 : i32
        %dma_start3A_363 = arith.constant 0 : i32
        %dma_start3A_364 = tpu.memref_slice %arg2[%dma_start3A_362, %dma_start3A_363] : memref<20224x64xf32, #tpu.memory_space<hbm>> -> memref<20224x64xf32, #tpu.memory_space<hbm>>
        tpu.enqueue_indirect_dma source(%dma_start3A_364 : memref<20224x64xf32, #tpu.memory_space<hbm>>) target(%arg11 : memref<128x64xf32, #tpu.memory_space<vmem>>) offsets(%dma_start3A_361 : memref<128xi32, #tpu.memory_space<vmem>>) semaphore(%arg24 : memref<!tpu.dma_semaphore, #tpu.memory_space<semaphore_mem>>)
      } else {
      }
      %dma_wait3A_266 = arith.constant 1 : i32
      %dma_wait3A_267 = arith.constant 0 : i32
      %dma_wait3A_268 = tpu.memref_slice %arg8[%dma_wait3A_266, %dma_wait3A_267] : memref<4x128xi32, #tpu.memory_space<vmem>> -> memref<1x128xi32, #tpu.memory_space<vmem>>
      %dma_wait3A_269 = tpu.memref_squeeze %dma_wait3A_268 : memref<1x128xi32, #tpu.memory_space<vmem>> -> memref<128xi32, #tpu.memory_space<vmem>>
      %dma_wait3A_270 = arith.constant 0 : i32
      %dma_wait3A_271 = arith.constant 0 : i32
      %dma_wait3A_272 = tpu.memref_slice %arg2[%dma_wait3A_270, %dma_wait3A_271] : memref<20224x64xf32, #tpu.memory_space<hbm>> -> memref<20224x64xf32, #tpu.memory_space<hbm>>
      tpu.wait_indirect_dma semaphore(%arg29 : memref<!tpu.dma_semaphore, #tpu.memory_space<semaphore_mem>>) src(%dma_wait3A_272 : memref<20224x64xf32, #tpu.memory_space<hbm>>) dst(%arg16 : memref<128x64xf32, #tpu.memory_space<vmem>>)
      %dma_start3A_273 = arith.constant 1 : i32
      %dma_start3A_274 = arith.constant 0 : i32
      %dma_start3A_275 = tpu.memref_slice %arg10[%dma_start3A_273, %dma_start3A_274] : memref<4x128xi32, #tpu.memory_space<vmem>> -> memref<1x128xi32, #tpu.memory_space<vmem>>
      %dma_start3A_276 = tpu.memref_squeeze %dma_start3A_275 : memref<1x128xi32, #tpu.memory_space<vmem>> -> memref<128xi32, #tpu.memory_space<vmem>>
      %dma_start3A_277 = arith.constant 0 : i32
      %dma_start3A_278 = arith.constant 0 : i32
      %dma_start3A_279 = tpu.memref_slice %arg19[%dma_start3A_277, %dma_start3A_278] : memref<10112x64xf32, #tpu.memory_space<vmem_shared>> -> memref<10112x64xf32, #tpu.memory_space<vmem_shared>>
      tpu.enqueue_indirect_dma source(%arg16 : memref<128x64xf32, #tpu.memory_space<vmem>>) target(%dma_start3A_279 : memref<10112x64xf32, #tpu.memory_space<vmem_shared>>) offsets(%dma_start3A_276 : memref<128xi32, #tpu.memory_space<vmem>>) semaphore(%arg37 : memref<!tpu.dma_semaphore, #tpu.memory_space<semaphore_mem>>) {add = true}
      %ge3A_280 = arith.constant 1 : i32
      %ge3A_281 = arith.cmpi sge, %add3A_227, %ge3A_280 : i32
      %convert_element_type3A_282 = arith.extui %ge3A_281 : i1 to i32
      %cond3A_283 = arith.constant 0 : i32
      %cond3A_284 = arith.cmpi ne, %convert_element_type3A_282, %cond3A_283 : i32
      scf.if %cond3A_284 {
        %dma_wait3A_358 = arith.constant 0 : i32
        %dma_wait3A_359 = arith.constant 0 : i32
        %dma_wait3A_360 = tpu.memref_slice %arg10[%dma_wait3A_358, %dma_wait3A_359] : memref<4x128xi32, #tpu.memory_space<vmem>> -> memref<1x128xi32, #tpu.memory_space<vmem>>
        %dma_wait3A_361 = tpu.memref_squeeze %dma_wait3A_360 : memref<1x128xi32, #tpu.memory_space<vmem>> -> memref<128xi32, #tpu.memory_space<vmem>>
        %dma_wait3A_362 = arith.constant 0 : i32
        %dma_wait3A_363 = arith.constant 0 : i32
        %dma_wait3A_364 = tpu.memref_slice %arg19[%dma_wait3A_362, %dma_wait3A_363] : memref<10112x64xf32, #tpu.memory_space<vmem_shared>> -> memref<10112x64xf32, #tpu.memory_space<vmem_shared>>
        tpu.wait_indirect_dma semaphore(%arg33 : memref<!tpu.dma_semaphore, #tpu.memory_space<semaphore_mem>>) src(%arg12 : memref<128x64xf32, #tpu.memory_space<vmem>>) dst(%dma_wait3A_364 : memref<10112x64xf32, #tpu.memory_space<vmem_shared>>)
      } else {
      }
      %add3A_285 = arith.constant 1 : i32
      %add3A_286 = arith.addi %add3A_227, %add3A_285 : i32
      %lt3A_287 = arith.constant 40 : i32
      %lt3A_288 = arith.cmpi slt, %add3A_286, %lt3A_287 : i32
      %convert_element_type3A_289 = arith.extui %lt3A_288 : i1 to i32
      %cond3A_290 = arith.constant 0 : i32
      %cond3A_291 = arith.cmpi ne, %convert_element_type3A_289, %cond3A_290 : i32
      scf.if %cond3A_291 {
        %dma_start3A_358 = arith.constant 1 : i32
        %dma_start3A_359 = arith.constant 0 : i32
        %dma_start3A_360 = tpu.memref_slice %arg7[%dma_start3A_358, %dma_start3A_359] : memref<4x128xi32, #tpu.memory_space<vmem>> -> memref<1x128xi32, #tpu.memory_space<vmem>>
        %dma_start3A_361 = tpu.memref_squeeze %dma_start3A_360 : memref<1x128xi32, #tpu.memory_space<vmem>> -> memref<128xi32, #tpu.memory_space<vmem>>
        %dma_start3A_362 = arith.constant 0 : i32
        %dma_start3A_363 = arith.constant 0 : i32
        %dma_start3A_364 = tpu.memref_slice %arg2[%dma_start3A_362, %dma_start3A_363] : memref<20224x64xf32, #tpu.memory_space<hbm>> -> memref<20224x64xf32, #tpu.memory_space<hbm>>
        tpu.enqueue_indirect_dma source(%dma_start3A_364 : memref<20224x64xf32, #tpu.memory_space<hbm>>) target(%arg12 : memref<128x64xf32, #tpu.memory_space<vmem>>) offsets(%dma_start3A_361 : memref<128xi32, #tpu.memory_space<vmem>>) semaphore(%arg25 : memref<!tpu.dma_semaphore, #tpu.memory_space<semaphore_mem>>)
      } else {
      }
      %dma_wait3A_292 = arith.constant 2 : i32
      %dma_wait3A_293 = arith.constant 0 : i32
      %dma_wait3A_294 = tpu.memref_slice %arg8[%dma_wait3A_292, %dma_wait3A_293] : memref<4x128xi32, #tpu.memory_space<vmem>> -> memref<1x128xi32, #tpu.memory_space<vmem>>
      %dma_wait3A_295 = tpu.memref_squeeze %dma_wait3A_294 : memref<1x128xi32, #tpu.memory_space<vmem>> -> memref<128xi32, #tpu.memory_space<vmem>>
      %dma_wait3A_296 = arith.constant 0 : i32
      %dma_wait3A_297 = arith.constant 0 : i32
      %dma_wait3A_298 = tpu.memref_slice %arg2[%dma_wait3A_296, %dma_wait3A_297] : memref<20224x64xf32, #tpu.memory_space<hbm>> -> memref<20224x64xf32, #tpu.memory_space<hbm>>
      tpu.wait_indirect_dma semaphore(%arg30 : memref<!tpu.dma_semaphore, #tpu.memory_space<semaphore_mem>>) src(%dma_wait3A_298 : memref<20224x64xf32, #tpu.memory_space<hbm>>) dst(%arg17 : memref<128x64xf32, #tpu.memory_space<vmem>>)
      %dma_start3A_299 = arith.constant 2 : i32
      %dma_start3A_300 = arith.constant 0 : i32
      %dma_start3A_301 = tpu.memref_slice %arg10[%dma_start3A_299, %dma_start3A_300] : memref<4x128xi32, #tpu.memory_space<vmem>> -> memref<1x128xi32, #tpu.memory_space<vmem>>
      %dma_start3A_302 = tpu.memref_squeeze %dma_start3A_301 : memref<1x128xi32, #tpu.memory_space<vmem>> -> memref<128xi32, #tpu.memory_space<vmem>>
      %dma_start3A_303 = arith.constant 0 : i32
      %dma_start3A_304 = arith.constant 0 : i32
      %dma_start3A_305 = tpu.memref_slice %arg19[%dma_start3A_303, %dma_start3A_304] : memref<10112x64xf32, #tpu.memory_space<vmem_shared>> -> memref<10112x64xf32, #tpu.memory_space<vmem_shared>>
      tpu.enqueue_indirect_dma source(%arg17 : memref<128x64xf32, #tpu.memory_space<vmem>>) target(%dma_start3A_305 : memref<10112x64xf32, #tpu.memory_space<vmem_shared>>) offsets(%dma_start3A_302 : memref<128xi32, #tpu.memory_space<vmem>>) semaphore(%arg38 : memref<!tpu.dma_semaphore, #tpu.memory_space<semaphore_mem>>) {add = true}
      %ge3A_306 = arith.constant 1 : i32
      %ge3A_307 = arith.cmpi sge, %add3A_227, %ge3A_306 : i32
      %convert_element_type3A_308 = arith.extui %ge3A_307 : i1 to i32
      %cond3A_309 = arith.constant 0 : i32
      %cond3A_310 = arith.cmpi ne, %convert_element_type3A_308, %cond3A_309 : i32
      scf.if %cond3A_310 {
        %dma_wait3A_358 = arith.constant 0 : i32
        %dma_wait3A_359 = arith.constant 0 : i32
        %dma_wait3A_360 = tpu.memref_slice %arg10[%dma_wait3A_358, %dma_wait3A_359] : memref<4x128xi32, #tpu.memory_space<vmem>> -> memref<1x128xi32, #tpu.memory_space<vmem>>
        %dma_wait3A_361 = tpu.memref_squeeze %dma_wait3A_360 : memref<1x128xi32, #tpu.memory_space<vmem>> -> memref<128xi32, #tpu.memory_space<vmem>>
        %dma_wait3A_362 = arith.constant 0 : i32
        %dma_wait3A_363 = arith.constant 0 : i32
        %dma_wait3A_364 = tpu.memref_slice %arg19[%dma_wait3A_362, %dma_wait3A_363] : memref<10112x64xf32, #tpu.memory_space<vmem_shared>> -> memref<10112x64xf32, #tpu.memory_space<vmem_shared>>
        tpu.wait_indirect_dma semaphore(%arg34 : memref<!tpu.dma_semaphore, #tpu.memory_space<semaphore_mem>>) src(%arg13 : memref<128x64xf32, #tpu.memory_space<vmem>>) dst(%dma_wait3A_364 : memref<10112x64xf32, #tpu.memory_space<vmem_shared>>)
      } else {
      }
      %add3A_311 = arith.constant 1 : i32
      %add3A_312 = arith.addi %add3A_227, %add3A_311 : i32
      %lt3A_313 = arith.constant 40 : i32
      %lt3A_314 = arith.cmpi slt, %add3A_312, %lt3A_313 : i32
      %convert_element_type3A_315 = arith.extui %lt3A_314 : i1 to i32
      %cond3A_316 = arith.constant 0 : i32
      %cond3A_317 = arith.cmpi ne, %convert_element_type3A_315, %cond3A_316 : i32
      scf.if %cond3A_317 {
        %dma_start3A_358 = arith.constant 2 : i32
        %dma_start3A_359 = arith.constant 0 : i32
        %dma_start3A_360 = tpu.memref_slice %arg7[%dma_start3A_358, %dma_start3A_359] : memref<4x128xi32, #tpu.memory_space<vmem>> -> memref<1x128xi32, #tpu.memory_space<vmem>>
        %dma_start3A_361 = tpu.memref_squeeze %dma_start3A_360 : memref<1x128xi32, #tpu.memory_space<vmem>> -> memref<128xi32, #tpu.memory_space<vmem>>
        %dma_start3A_362 = arith.constant 0 : i32
        %dma_start3A_363 = arith.constant 0 : i32
        %dma_start3A_364 = tpu.memref_slice %arg2[%dma_start3A_362, %dma_start3A_363] : memref<20224x64xf32, #tpu.memory_space<hbm>> -> memref<20224x64xf32, #tpu.memory_space<hbm>>
        tpu.enqueue_indirect_dma source(%dma_start3A_364 : memref<20224x64xf32, #tpu.memory_space<hbm>>) target(%arg13 : memref<128x64xf32, #tpu.memory_space<vmem>>) offsets(%dma_start3A_361 : memref<128xi32, #tpu.memory_space<vmem>>) semaphore(%arg26 : memref<!tpu.dma_semaphore, #tpu.memory_space<semaphore_mem>>)
      } else {
      }
      %dma_wait3A_318 = arith.constant 3 : i32
      %dma_wait3A_319 = arith.constant 0 : i32
      %dma_wait3A_320 = tpu.memref_slice %arg8[%dma_wait3A_318, %dma_wait3A_319] : memref<4x128xi32, #tpu.memory_space<vmem>> -> memref<1x128xi32, #tpu.memory_space<vmem>>
      %dma_wait3A_321 = tpu.memref_squeeze %dma_wait3A_320 : memref<1x128xi32, #tpu.memory_space<vmem>> -> memref<128xi32, #tpu.memory_space<vmem>>
      %dma_wait3A_322 = arith.constant 0 : i32
      %dma_wait3A_323 = arith.constant 0 : i32
      %dma_wait3A_324 = tpu.memref_slice %arg2[%dma_wait3A_322, %dma_wait3A_323] : memref<20224x64xf32, #tpu.memory_space<hbm>> -> memref<20224x64xf32, #tpu.memory_space<hbm>>
      tpu.wait_indirect_dma semaphore(%arg31 : memref<!tpu.dma_semaphore, #tpu.memory_space<semaphore_mem>>) src(%dma_wait3A_324 : memref<20224x64xf32, #tpu.memory_space<hbm>>) dst(%arg18 : memref<128x64xf32, #tpu.memory_space<vmem>>)
      %dma_start3A_325 = arith.constant 3 : i32
      %dma_start3A_326 = arith.constant 0 : i32
      %dma_start3A_327 = tpu.memref_slice %arg10[%dma_start3A_325, %dma_start3A_326] : memref<4x128xi32, #tpu.memory_space<vmem>> -> memref<1x128xi32, #tpu.memory_space<vmem>>
      %dma_start3A_328 = tpu.memref_squeeze %dma_start3A_327 : memref<1x128xi32, #tpu.memory_space<vmem>> -> memref<128xi32, #tpu.memory_space<vmem>>
      %dma_start3A_329 = arith.constant 0 : i32
      %dma_start3A_330 = arith.constant 0 : i32
      %dma_start3A_331 = tpu.memref_slice %arg19[%dma_start3A_329, %dma_start3A_330] : memref<10112x64xf32, #tpu.memory_space<vmem_shared>> -> memref<10112x64xf32, #tpu.memory_space<vmem_shared>>
      tpu.enqueue_indirect_dma source(%arg18 : memref<128x64xf32, #tpu.memory_space<vmem>>) target(%dma_start3A_331 : memref<10112x64xf32, #tpu.memory_space<vmem_shared>>) offsets(%dma_start3A_328 : memref<128xi32, #tpu.memory_space<vmem>>) semaphore(%arg39 : memref<!tpu.dma_semaphore, #tpu.memory_space<semaphore_mem>>) {add = true}
      %ge3A_332 = arith.constant 1 : i32
      %ge3A_333 = arith.cmpi sge, %add3A_227, %ge3A_332 : i32
      %convert_element_type3A_334 = arith.extui %ge3A_333 : i1 to i32
      %cond3A_335 = arith.constant 0 : i32
      %cond3A_336 = arith.cmpi ne, %convert_element_type3A_334, %cond3A_335 : i32
      scf.if %cond3A_336 {
        %dma_wait3A_358 = arith.constant 0 : i32
        %dma_wait3A_359 = arith.constant 0 : i32
        %dma_wait3A_360 = tpu.memref_slice %arg10[%dma_wait3A_358, %dma_wait3A_359] : memref<4x128xi32, #tpu.memory_space<vmem>> -> memref<1x128xi32, #tpu.memory_space<vmem>>
        %dma_wait3A_361 = tpu.memref_squeeze %dma_wait3A_360 : memref<1x128xi32, #tpu.memory_space<vmem>> -> memref<128xi32, #tpu.memory_space<vmem>>
        %dma_wait3A_362 = arith.constant 0 : i32
        %dma_wait3A_363 = arith.constant 0 : i32
        %dma_wait3A_364 = tpu.memref_slice %arg19[%dma_wait3A_362, %dma_wait3A_363] : memref<10112x64xf32, #tpu.memory_space<vmem_shared>> -> memref<10112x64xf32, #tpu.memory_space<vmem_shared>>
        tpu.wait_indirect_dma semaphore(%arg35 : memref<!tpu.dma_semaphore, #tpu.memory_space<semaphore_mem>>) src(%arg14 : memref<128x64xf32, #tpu.memory_space<vmem>>) dst(%dma_wait3A_364 : memref<10112x64xf32, #tpu.memory_space<vmem_shared>>)
      } else {
      }
      %add3A_337 = arith.constant 1 : i32
      %add3A_338 = arith.addi %add3A_227, %add3A_337 : i32
      %lt3A_339 = arith.constant 40 : i32
      %lt3A_340 = arith.cmpi slt, %add3A_338, %lt3A_339 : i32
      %convert_element_type3A_341 = arith.extui %lt3A_340 : i1 to i32
      %cond3A_342 = arith.constant 0 : i32
      %cond3A_343 = arith.cmpi ne, %convert_element_type3A_341, %cond3A_342 : i32
      scf.if %cond3A_343 {
        %dma_start3A_358 = arith.constant 3 : i32
        %dma_start3A_359 = arith.constant 0 : i32
        %dma_start3A_360 = tpu.memref_slice %arg7[%dma_start3A_358, %dma_start3A_359] : memref<4x128xi32, #tpu.memory_space<vmem>> -> memref<1x128xi32, #tpu.memory_space<vmem>>
        %dma_start3A_361 = tpu.memref_squeeze %dma_start3A_360 : memref<1x128xi32, #tpu.memory_space<vmem>> -> memref<128xi32, #tpu.memory_space<vmem>>
        %dma_start3A_362 = arith.constant 0 : i32
        %dma_start3A_363 = arith.constant 0 : i32
        %dma_start3A_364 = tpu.memref_slice %arg2[%dma_start3A_362, %dma_start3A_363] : memref<20224x64xf32, #tpu.memory_space<hbm>> -> memref<20224x64xf32, #tpu.memory_space<hbm>>
        tpu.enqueue_indirect_dma source(%dma_start3A_364 : memref<20224x64xf32, #tpu.memory_space<hbm>>) target(%arg14 : memref<128x64xf32, #tpu.memory_space<vmem>>) offsets(%dma_start3A_361 : memref<128xi32, #tpu.memory_space<vmem>>) semaphore(%arg27 : memref<!tpu.dma_semaphore, #tpu.memory_space<semaphore_mem>>)
      } else {
      }
      %add3A_344 = arith.constant 2 : i32
      %add3A_345 = arith.addi %add3A_227, %add3A_344 : i32
      %lt3A_346 = arith.constant 40 : i32
      %lt3A_347 = arith.cmpi slt, %add3A_345, %lt3A_346 : i32
      %convert_element_type3A_348 = arith.extui %lt3A_347 : i1 to i32
      %cond3A_349 = arith.constant 0 : i32
      %cond3A_350 = arith.cmpi ne, %convert_element_type3A_348, %cond3A_349 : i32
      scf.if %cond3A_350 {
        %add3A_358 = arith.constant 2 : i32
        %add3A_359 = arith.addi %add3A_227, %add3A_358 : i32
        %mul3A_360 = arith.constant 4 : i32
        %mul3A_361 = arith.muli %add3A_359, %mul3A_360 : i32
        %dma_start3A_362 = arith.constant 0 : i32
        %dma_start3A_363 = arith.constant 0 : i32
        %dma_start3A_364 = arith.constant 0 : i32
        %dma_start3A_365 = tpu.memref_slice %arg3[%arg0, %dma_start3A_362, %dma_start3A_363, %dma_start3A_364] : memref<2x16x160x128xi32, #tpu.memory_space<hbm>> -> memref<1x16x160x128xi32, #tpu.memory_space<hbm>>
        %dma_start3A_366 = tpu.memref_squeeze %dma_start3A_365 : memref<1x16x160x128xi32, #tpu.memory_space<hbm>> -> memref<16x160x128xi32, #tpu.memory_space<hbm>>
        %dma_start3A_367 = arith.constant 0 : i32
        %dma_start3A_368 = arith.constant 0 : i32
        %dma_start3A_369 = tpu.memref_slice %dma_start3A_366[%arg1, %dma_start3A_367, %dma_start3A_368] : memref<16x160x128xi32, #tpu.memory_space<hbm>> -> memref<1x160x128xi32, #tpu.memory_space<hbm>>
        %dma_start3A_370 = tpu.memref_squeeze %dma_start3A_369 : memref<1x160x128xi32, #tpu.memory_space<hbm>> -> memref<160x128xi32, #tpu.memory_space<hbm>>
        %dma_start3A_371 = arith.constant 0 : i32
        %dma_start3A_372 = tpu.memref_slice %dma_start3A_370[%mul3A_361, %dma_start3A_371] : memref<160x128xi32, #tpu.memory_space<hbm>> -> memref<4x128xi32, #tpu.memory_space<hbm>>
        %dma_start3A_373 = arith.constant 0 : i32
        %dma_start3A_374 = arith.constant 0 : i32
        %dma_start3A_375 = arith.constant 0 : i32
        %dma_start3A_376 = tpu.memref_slice %arg3[%arg0, %dma_start3A_373, %dma_start3A_374, %dma_start3A_375] : memref<2x16x160x128xi32, #tpu.memory_space<hbm>> -> memref<1x16x160x128xi32, #tpu.memory_space<hbm>>
        %dma_start3A_377 = tpu.memref_squeeze %dma_start3A_376 : memref<1x16x160x128xi32, #tpu.memory_space<hbm>> -> memref<16x160x128xi32, #tpu.memory_space<hbm>>
        %dma_start3A_378 = arith.constant 0 : i32
        %dma_start3A_379 = arith.constant 0 : i32
        %dma_start3A_380 = tpu.memref_slice %dma_start3A_377[%arg1, %dma_start3A_378, %dma_start3A_379] : memref<16x160x128xi32, #tpu.memory_space<hbm>> -> memref<1x160x128xi32, #tpu.memory_space<hbm>>
        %dma_start3A_381 = tpu.memref_squeeze %dma_start3A_380 : memref<1x160x128xi32, #tpu.memory_space<hbm>> -> memref<160x128xi32, #tpu.memory_space<hbm>>
        %dma_start3A_382 = arith.constant 0 : i32
        %dma_start3A_383 = tpu.memref_slice %dma_start3A_381[%mul3A_361, %dma_start3A_382] : memref<160x128xi32, #tpu.memory_space<hbm>> -> memref<4x128xi32, #tpu.memory_space<hbm>>
        tpu.enqueue_dma source(%dma_start3A_383 : memref<4x128xi32, #tpu.memory_space<hbm>>) target(%arg8 : memref<4x128xi32, #tpu.memory_space<vmem>>) target_semaphore(%arg21 : memref<!tpu.dma_semaphore, #tpu.memory_space<semaphore_mem>>)
      } else {
      }
      %add3A_351 = arith.constant 1 : i32
      %add3A_352 = arith.addi %add3A_227, %add3A_351 : i32
      %lt3A_353 = arith.constant 40 : i32
      %lt3A_354 = arith.cmpi slt, %add3A_352, %lt3A_353 : i32
      %convert_element_type3A_355 = arith.extui %lt3A_354 : i1 to i32
      %cond3A_356 = arith.constant 0 : i32
      %cond3A_357 = arith.cmpi ne, %convert_element_type3A_355, %cond3A_356 : i32
      scf.if %cond3A_357 {
        %add3A_358 = arith.constant 1 : i32
        %add3A_359 = arith.addi %add3A_227, %add3A_358 : i32
        %mul3A_360 = arith.constant 4 : i32
        %mul3A_361 = arith.muli %add3A_359, %mul3A_360 : i32
        %dma_start3A_362 = arith.constant 0 : i32
        %dma_start3A_363 = arith.constant 0 : i32
        %dma_start3A_364 = tpu.memref_slice %arg4[%arg1, %dma_start3A_362, %dma_start3A_363] : memref<16x160x128xi32, #tpu.memory_space<hbm>> -> memref<1x160x128xi32, #tpu.memory_space<hbm>>
        %dma_start3A_365 = tpu.memref_squeeze %dma_start3A_364 : memref<1x160x128xi32, #tpu.memory_space<hbm>> -> memref<160x128xi32, #tpu.memory_space<hbm>>
        %dma_start3A_366 = arith.constant 0 : i32
        %dma_start3A_367 = tpu.memref_slice %dma_start3A_365[%mul3A_361, %dma_start3A_366] : memref<160x128xi32, #tpu.memory_space<hbm>> -> memref<4x128xi32, #tpu.memory_space<hbm>>
        %dma_start3A_368 = arith.constant 0 : i32
        %dma_start3A_369 = arith.constant 0 : i32
        %dma_start3A_370 = tpu.memref_slice %arg4[%arg1, %dma_start3A_368, %dma_start3A_369] : memref<16x160x128xi32, #tpu.memory_space<hbm>> -> memref<1x160x128xi32, #tpu.memory_space<hbm>>
        %dma_start3A_371 = tpu.memref_squeeze %dma_start3A_370 : memref<1x160x128xi32, #tpu.memory_space<hbm>> -> memref<160x128xi32, #tpu.memory_space<hbm>>
        %dma_start3A_372 = arith.constant 0 : i32
        %dma_start3A_373 = tpu.memref_slice %dma_start3A_371[%mul3A_361, %dma_start3A_372] : memref<160x128xi32, #tpu.memory_space<hbm>> -> memref<4x128xi32, #tpu.memory_space<hbm>>
        tpu.enqueue_dma source(%dma_start3A_373 : memref<4x128xi32, #tpu.memory_space<hbm>>) target(%arg9 : memref<4x128xi32, #tpu.memory_space<vmem>>) target_semaphore(%arg22 : memref<!tpu.dma_semaphore, #tpu.memory_space<semaphore_mem>>)
      } else {
      }
    }
    %scan3A_58 = arith.constant 20 : i32
    %dma_wait3A = arith.constant 0 : i32
    %dma_wait3A_59 = arith.constant 0 : i32
    %dma_wait3A_60 = tpu.memref_slice %arg9[%dma_wait3A, %dma_wait3A_59] : memref<4x128xi32, #tpu.memory_space<vmem>> -> memref<1x128xi32, #tpu.memory_space<vmem>>
    %dma_wait3A_61 = tpu.memref_squeeze %dma_wait3A_60 : memref<1x128xi32, #tpu.memory_space<vmem>> -> memref<128xi32, #tpu.memory_space<vmem>>
    %dma_wait3A_62 = arith.constant 0 : i32
    %dma_wait3A_63 = arith.constant 0 : i32
    %dma_wait3A_64 = tpu.memref_slice %arg19[%dma_wait3A_62, %dma_wait3A_63] : memref<10112x64xf32, #tpu.memory_space<vmem_shared>> -> memref<10112x64xf32, #tpu.memory_space<vmem_shared>>
    tpu.wait_indirect_dma semaphore(%arg36 : memref<!tpu.dma_semaphore, #tpu.memory_space<semaphore_mem>>) src(%arg15 : memref<128x64xf32, #tpu.memory_space<vmem>>) dst(%dma_wait3A_64 : memref<10112x64xf32, #tpu.memory_space<vmem_shared>>)
    %dma_wait3A_65 = arith.constant 0 : i32
    %dma_wait3A_66 = arith.constant 0 : i32
    %dma_wait3A_67 = tpu.memref_slice %arg9[%dma_wait3A_65, %dma_wait3A_66] : memref<4x128xi32, #tpu.memory_space<vmem>> -> memref<1x128xi32, #tpu.memory_space<vmem>>
    %dma_wait3A_68 = tpu.memref_squeeze %dma_wait3A_67 : memref<1x128xi32, #tpu.memory_space<vmem>> -> memref<128xi32, #tpu.memory_space<vmem>>
    %dma_wait3A_69 = arith.constant 0 : i32
    %dma_wait3A_70 = arith.constant 0 : i32
    %dma_wait3A_71 = tpu.memref_slice %arg19[%dma_wait3A_69, %dma_wait3A_70] : memref<10112x64xf32, #tpu.memory_space<vmem_shared>> -> memref<10112x64xf32, #tpu.memory_space<vmem_shared>>
    tpu.wait_indirect_dma semaphore(%arg37 : memref<!tpu.dma_semaphore, #tpu.memory_space<semaphore_mem>>) src(%arg16 : memref<128x64xf32, #tpu.memory_space<vmem>>) dst(%dma_wait3A_71 : memref<10112x64xf32, #tpu.memory_space<vmem_shared>>)
    %dma_wait3A_72 = arith.constant 0 : i32
    %dma_wait3A_73 = arith.constant 0 : i32
    %dma_wait3A_74 = tpu.memref_slice %arg9[%dma_wait3A_72, %dma_wait3A_73] : memref<4x128xi32, #tpu.memory_space<vmem>> -> memref<1x128xi32, #tpu.memory_space<vmem>>
    %dma_wait3A_75 = tpu.memref_squeeze %dma_wait3A_74 : memref<1x128xi32, #tpu.memory_space<vmem>> -> memref<128xi32, #tpu.memory_space<vmem>>
    %dma_wait3A_76 = arith.constant 0 : i32
    %dma_wait3A_77 = arith.constant 0 : i32
    %dma_wait3A_78 = tpu.memref_slice %arg19[%dma_wait3A_76, %dma_wait3A_77] : memref<10112x64xf32, #tpu.memory_space<vmem_shared>> -> memref<10112x64xf32, #tpu.memory_space<vmem_shared>>
    tpu.wait_indirect_dma semaphore(%arg38 : memref<!tpu.dma_semaphore, #tpu.memory_space<semaphore_mem>>) src(%arg17 : memref<128x64xf32, #tpu.memory_space<vmem>>) dst(%dma_wait3A_78 : memref<10112x64xf32, #tpu.memory_space<vmem_shared>>)
    %dma_wait3A_79 = arith.constant 0 : i32
    %dma_wait3A_80 = arith.constant 0 : i32
    %dma_wait3A_81 = tpu.memref_slice %arg9[%dma_wait3A_79, %dma_wait3A_80] : memref<4x128xi32, #tpu.memory_space<vmem>> -> memref<1x128xi32, #tpu.memory_space<vmem>>
    %dma_wait3A_82 = tpu.memref_squeeze %dma_wait3A_81 : memref<1x128xi32, #tpu.memory_space<vmem>> -> memref<128xi32, #tpu.memory_space<vmem>>
    %dma_wait3A_83 = arith.constant 0 : i32
    %dma_wait3A_84 = arith.constant 0 : i32
    %dma_wait3A_85 = tpu.memref_slice %arg19[%dma_wait3A_83, %dma_wait3A_84] : memref<10112x64xf32, #tpu.memory_space<vmem_shared>> -> memref<10112x64xf32, #tpu.memory_space<vmem_shared>>
    tpu.wait_indirect_dma semaphore(%arg39 : memref<!tpu.dma_semaphore, #tpu.memory_space<semaphore_mem>>) src(%arg18 : memref<128x64xf32, #tpu.memory_space<vmem>>) dst(%dma_wait3A_85 : memref<10112x64xf32, #tpu.memory_space<vmem_shared>>)
    %barrier3A_86 = arith.constant 0 : index
    tpu.barrier barrier_id(%barrier3A_86)
    %mul3A_87 = arith.constant 632 : i32
    %mul3A_88 = arith.muli %arg1, %mul3A_87 : i32
    %mul3A_89 = arith.constant 10112 : i32
    %mul3A_90 = arith.muli %arg0, %mul3A_89 : i32
    %mul3A_91 = arith.constant 632 : i32
    %mul3A_92 = arith.muli %arg1, %mul3A_91 : i32
    %add3A = arith.addi %mul3A_90, %mul3A_92 : i32
    "tpu.region"() ({
      %run_scoped3A = tpu.sem_alloc : memref<!tpu.dma_semaphore, #tpu.memory_space<semaphore_mem>>
      %dma_start3A_93 = arith.constant 0 : i32
      %dma_start3A_94 = tpu.memref_slice %arg6[%add3A, %dma_start3A_93] : memref<20224x64xf32, #tpu.memory_space<hbm>> -> memref<632x64xf32, #tpu.memory_space<hbm>>
      %dma_start3A_95 = arith.constant 0 : i32
      %dma_start3A_96 = tpu.memref_slice %arg19[%mul3A_88, %dma_start3A_95] : memref<10112x64xf32, #tpu.memory_space<vmem_shared>> -> memref<632x64xf32, #tpu.memory_space<vmem_shared>>
      tpu.enqueue_dma source(%dma_start3A_96 : memref<632x64xf32, #tpu.memory_space<vmem_shared>>) target(%dma_start3A_94 : memref<632x64xf32, #tpu.memory_space<hbm>>) target_semaphore(%run_scoped3A : memref<!tpu.dma_semaphore, #tpu.memory_space<semaphore_mem>>)
      %dma_wait3A_97 = arith.constant 0 : i32
      %dma_wait3A_98 = tpu.memref_slice %arg6[%add3A, %dma_wait3A_97] : memref<20224x64xf32, #tpu.memory_space<hbm>> -> memref<632x64xf32, #tpu.memory_space<hbm>>
      %dma_wait3A_99 = arith.constant 0 : i32
      %dma_wait3A_100 = tpu.memref_slice %arg19[%mul3A_88, %dma_wait3A_99] : memref<10112x64xf32, #tpu.memory_space<vmem_shared>> -> memref<632x64xf32, #tpu.memory_space<vmem_shared>>
      tpu.wait_dma2 semaphore(%run_scoped3A : memref<!tpu.dma_semaphore, #tpu.memory_space<semaphore_mem>>) src(%dma_wait3A_100 : memref<632x64xf32, #tpu.memory_space<vmem_shared>>) dst(%dma_wait3A_98 : memref<632x64xf32, #tpu.memory_space<hbm>>)
      tpu.yield
    }) : () -> ()
    return
  }
}

#map = affine_map<(d0, d1) -> (0, 0)>
#map1 = affine_map<(d0, d1) -> (0, 0, 0, 0)>
#map2 = affine_map<(d0, d1) -> (0, 0, 0)>
module attributes {stable_mosaic.version = 14 : i64} {
  func.func @_sc_agg_body(%arg0: i32, %arg1: i32, %arg2: memref<20224x64xf32, #tpu.memory_space<hbm>>, %arg3: memref<2x16x160x128xi32, #tpu.memory_space<hbm>>, %arg4: memref<16x160x128xi32, #tpu.memory_space<hbm>>, %arg5: memref<10112x64xf32, #tpu.memory_space<hbm>>, %arg6: memref<20224x64xf32, #tpu.memory_space<hbm>>, %arg7: memref<4x128xi32, #tpu.memory_space<vmem>>, %arg8: memref<4x128xi32, #tpu.memory_space<vmem>>, %arg9: memref<4x128xi32, #tpu.memory_space<vmem>>, %arg10: memref<4x128xi32, #tpu.memory_space<vmem>>, %arg11: memref<128x64xf32, #tpu.memory_space<vmem>>, %arg12: memref<128x64xf32, #tpu.memory_space<vmem>>, %arg13: memref<128x64xf32, #tpu.memory_space<vmem>>, %arg14: memref<128x64xf32, #tpu.memory_space<vmem>>, %arg15: memref<128x64xf32, #tpu.memory_space<vmem>>, %arg16: memref<128x64xf32, #tpu.memory_space<vmem>>, %arg17: memref<128x64xf32, #tpu.memory_space<vmem>>, %arg18: memref<128x64xf32, #tpu.memory_space<vmem>>, %arg19: memref<10112x64xf32, #tpu.memory_space<vmem_shared>>, %arg20: memref<!tpu.dma_semaphore, #tpu.memory_space<semaphore_mem>>, %arg21: memref<!tpu.dma_semaphore, #tpu.memory_space<semaphore_mem>>, %arg22: memref<!tpu.dma_semaphore, #tpu.memory_space<semaphore_mem>>, %arg23: memref<!tpu.dma_semaphore, #tpu.memory_space<semaphore_mem>>, %arg24: memref<!tpu.dma_semaphore, #tpu.memory_space<semaphore_mem>>, %arg25: memref<!tpu.dma_semaphore, #tpu.memory_space<semaphore_mem>>, %arg26: memref<!tpu.dma_semaphore, #tpu.memory_space<semaphore_mem>>, %arg27: memref<!tpu.dma_semaphore, #tpu.memory_space<semaphore_mem>>, %arg28: memref<!tpu.dma_semaphore, #tpu.memory_space<semaphore_mem>>, %arg29: memref<!tpu.dma_semaphore, #tpu.memory_space<semaphore_mem>>, %arg30: memref<!tpu.dma_semaphore, #tpu.memory_space<semaphore_mem>>, %arg31: memref<!tpu.dma_semaphore, #tpu.memory_space<semaphore_mem>>, %arg32: memref<!tpu.dma_semaphore, #tpu.memory_space<semaphore_mem>>, %arg33: memref<!tpu.dma_semaphore, #tpu.memory_space<semaphore_mem>>, %arg34: memref<!tpu.dma_semaphore, #tpu.memory_space<semaphore_mem>>, %arg35: memref<!tpu.dma_semaphore, #tpu.memory_space<semaphore_mem>>, %arg36: memref<!tpu.dma_semaphore, #tpu.memory_space<semaphore_mem>>, %arg37: memref<!tpu.dma_semaphore, #tpu.memory_space<semaphore_mem>>, %arg38: memref<!tpu.dma_semaphore, #tpu.memory_space<semaphore_mem>>, %arg39: memref<!tpu.dma_semaphore, #tpu.memory_space<semaphore_mem>>) attributes {dimension_semantics = [#tpu.dimension_semantics<core_parallel>, #tpu.dimension_semantics<subcore_parallel>], iteration_bounds = array<i64: 2, 16>, scalar_prefetch = 0 : i64, scratch_operands = 33 : i64, tpu.core_type = #tpu.core_type<sc_vector_subcore>, window_params = [{transform_indices = #map}, {transform_indices = #map1}, {transform_indices = #map2}, {transform_indices = #map}, {transform_indices = #map}]} {
    %mul3A = arith.constant 632 : i32
    %mul3A_0 = arith.muli %arg1, %mul3A : i32
    %mul3A_1 = arith.constant 632 : i32
    %mul3A_2 = arith.muli %arg1, %mul3A_1 : i32
    "tpu.region"() ({
      %run_scoped3A = tpu.sem_alloc : memref<!tpu.dma_semaphore, #tpu.memory_space<semaphore_mem>>
      %dma_start3A_93 = arith.constant 0 : i32
      %dma_start3A_94 = tpu.memref_slice %arg19[%mul3A_2, %dma_start3A_93] : memref<10112x64xf32, #tpu.memory_space<vmem_shared>> -> memref<632x64xf32, #tpu.memory_space<vmem_shared>>
      %dma_start3A_95 = arith.constant 0 : i32
      %dma_start3A_96 = tpu.memref_slice %arg5[%mul3A_0, %dma_start3A_95] : memref<10112x64xf32, #tpu.memory_space<hbm>> -> memref<632x64xf32, #tpu.memory_space<hbm>>
      tpu.enqueue_dma source(%dma_start3A_96 : memref<632x64xf32, #tpu.memory_space<hbm>>) target(%dma_start3A_94 : memref<632x64xf32, #tpu.memory_space<vmem_shared>>) target_semaphore(%run_scoped3A : memref<!tpu.dma_semaphore, #tpu.memory_space<semaphore_mem>>)
      %dma_wait3A_97 = arith.constant 0 : i32
      %dma_wait3A_98 = tpu.memref_slice %arg19[%mul3A_2, %dma_wait3A_97] : memref<10112x64xf32, #tpu.memory_space<vmem_shared>> -> memref<632x64xf32, #tpu.memory_space<vmem_shared>>
      %dma_wait3A_99 = arith.constant 0 : i32
      %dma_wait3A_100 = tpu.memref_slice %arg5[%mul3A_0, %dma_wait3A_99] : memref<10112x64xf32, #tpu.memory_space<hbm>> -> memref<632x64xf32, #tpu.memory_space<hbm>>
      tpu.wait_dma2 semaphore(%run_scoped3A : memref<!tpu.dma_semaphore, #tpu.memory_space<semaphore_mem>>) src(%dma_wait3A_100 : memref<632x64xf32, #tpu.memory_space<hbm>>) dst(%dma_wait3A_98 : memref<632x64xf32, #tpu.memory_space<vmem_shared>>)
      tpu.yield
    }) : () -> ()
    "tpu.region"() ({
      %run_scoped3A = tpu.sem_alloc : memref<!tpu.dma_semaphore, #tpu.memory_space<semaphore_mem>>
      %dma_start3A_93 = arith.constant 0 : i32
      %dma_start3A_94 = arith.constant 0 : i32
      %dma_start3A_95 = arith.constant 0 : i32
      %dma_start3A_96 = tpu.memref_slice %arg3[%arg0, %dma_start3A_93, %dma_start3A_94, %dma_start3A_95] : memref<2x16x160x128xi32, #tpu.memory_space<hbm>> -> memref<1x16x160x128xi32, #tpu.memory_space<hbm>>
      %dma_start3A_97 = tpu.memref_squeeze %dma_start3A_96 : memref<1x16x160x128xi32, #tpu.memory_space<hbm>> -> memref<16x160x128xi32, #tpu.memory_space<hbm>>
      %dma_start3A_98 = arith.constant 0 : i32
      %dma_start3A_99 = arith.constant 0 : i32
      %dma_start3A_100 = tpu.memref_slice %dma_start3A_97[%arg1, %dma_start3A_98, %dma_start3A_99] : memref<16x160x128xi32, #tpu.memory_space<hbm>> -> memref<1x160x128xi32, #tpu.memory_space<hbm>>
      %dma_start3A_101 = tpu.memref_squeeze %dma_start3A_100 : memref<1x160x128xi32, #tpu.memory_space<hbm>> -> memref<160x128xi32, #tpu.memory_space<hbm>>
      %dma_start3A_102 = arith.constant 0 : i32
      %dma_start3A_103 = arith.constant 0 : i32
      %dma_start3A_104 = tpu.memref_slice %dma_start3A_101[%dma_start3A_102, %dma_start3A_103] : memref<160x128xi32, #tpu.memory_space<hbm>> -> memref<4x128xi32, #tpu.memory_space<hbm>>
      %dma_start3A_105 = arith.constant 0 : i32
      %dma_start3A_106 = arith.constant 0 : i32
      %dma_start3A_107 = arith.constant 0 : i32
      %dma_start3A_108 = tpu.memref_slice %arg3[%arg0, %dma_start3A_105, %dma_start3A_106, %dma_start3A_107] : memref<2x16x160x128xi32, #tpu.memory_space<hbm>> -> memref<1x16x160x128xi32, #tpu.memory_space<hbm>>
      %dma_start3A_109 = tpu.memref_squeeze %dma_start3A_108 : memref<1x16x160x128xi32, #tpu.memory_space<hbm>> -> memref<16x160x128xi32, #tpu.memory_space<hbm>>
      %dma_start3A_110 = arith.constant 0 : i32
      %dma_start3A_111 = arith.constant 0 : i32
      %dma_start3A_112 = tpu.memref_slice %dma_start3A_109[%arg1, %dma_start3A_110, %dma_start3A_111] : memref<16x160x128xi32, #tpu.memory_space<hbm>> -> memref<1x160x128xi32, #tpu.memory_space<hbm>>
      %dma_start3A_113 = tpu.memref_squeeze %dma_start3A_112 : memref<1x160x128xi32, #tpu.memory_space<hbm>> -> memref<160x128xi32, #tpu.memory_space<hbm>>
      %dma_start3A_114 = arith.constant 0 : i32
      %dma_start3A_115 = arith.constant 0 : i32
      %dma_start3A_116 = tpu.memref_slice %dma_start3A_113[%dma_start3A_114, %dma_start3A_115] : memref<160x128xi32, #tpu.memory_space<hbm>> -> memref<4x128xi32, #tpu.memory_space<hbm>>
      tpu.enqueue_dma source(%dma_start3A_116 : memref<4x128xi32, #tpu.memory_space<hbm>>) target(%arg7 : memref<4x128xi32, #tpu.memory_space<vmem>>) target_semaphore(%run_scoped3A : memref<!tpu.dma_semaphore, #tpu.memory_space<semaphore_mem>>)
      %dma_wait3A_117 = arith.constant 0 : i32
      %dma_wait3A_118 = arith.constant 0 : i32
      %dma_wait3A_119 = arith.constant 0 : i32
      %dma_wait3A_120 = tpu.memref_slice %arg3[%arg0, %dma_wait3A_117, %dma_wait3A_118, %dma_wait3A_119] : memref<2x16x160x128xi32, #tpu.memory_space<hbm>> -> memref<1x16x160x128xi32, #tpu.memory_space<hbm>>
      %dma_wait3A_121 = tpu.memref_squeeze %dma_wait3A_120 : memref<1x16x160x128xi32, #tpu.memory_space<hbm>> -> memref<16x160x128xi32, #tpu.memory_space<hbm>>
      %dma_wait3A_122 = arith.constant 0 : i32
      %dma_wait3A_123 = arith.constant 0 : i32
      %dma_wait3A_124 = tpu.memref_slice %dma_wait3A_121[%arg1, %dma_wait3A_122, %dma_wait3A_123] : memref<16x160x128xi32, #tpu.memory_space<hbm>> -> memref<1x160x128xi32, #tpu.memory_space<hbm>>
      %dma_wait3A_125 = tpu.memref_squeeze %dma_wait3A_124 : memref<1x160x128xi32, #tpu.memory_space<hbm>> -> memref<160x128xi32, #tpu.memory_space<hbm>>
      %dma_wait3A_126 = arith.constant 0 : i32
      %dma_wait3A_127 = arith.constant 0 : i32
      %dma_wait3A_128 = tpu.memref_slice %dma_wait3A_125[%dma_wait3A_126, %dma_wait3A_127] : memref<160x128xi32, #tpu.memory_space<hbm>> -> memref<4x128xi32, #tpu.memory_space<hbm>>
      %dma_wait3A_129 = arith.constant 0 : i32
      %dma_wait3A_130 = arith.constant 0 : i32
      %dma_wait3A_131 = arith.constant 0 : i32
      %dma_wait3A_132 = tpu.memref_slice %arg3[%arg0, %dma_wait3A_129, %dma_wait3A_130, %dma_wait3A_131] : memref<2x16x160x128xi32, #tpu.memory_space<hbm>> -> memref<1x16x160x128xi32, #tpu.memory_space<hbm>>
      %dma_wait3A_133 = tpu.memref_squeeze %dma_wait3A_132 : memref<1x16x160x128xi32, #tpu.memory_space<hbm>> -> memref<16x160x128xi32, #tpu.memory_space<hbm>>
      %dma_wait3A_134 = arith.constant 0 : i32
      %dma_wait3A_135 = arith.constant 0 : i32
      %dma_wait3A_136 = tpu.memref_slice %dma_wait3A_133[%arg1, %dma_wait3A_134, %dma_wait3A_135] : memref<16x160x128xi32, #tpu.memory_space<hbm>> -> memref<1x160x128xi32, #tpu.memory_space<hbm>>
      %dma_wait3A_137 = tpu.memref_squeeze %dma_wait3A_136 : memref<1x160x128xi32, #tpu.memory_space<hbm>> -> memref<160x128xi32, #tpu.memory_space<hbm>>
      %dma_wait3A_138 = arith.constant 0 : i32
      %dma_wait3A_139 = arith.constant 0 : i32
      %dma_wait3A_140 = tpu.memref_slice %dma_wait3A_137[%dma_wait3A_138, %dma_wait3A_139] : memref<160x128xi32, #tpu.memory_space<hbm>> -> memref<4x128xi32, #tpu.memory_space<hbm>>
      tpu.wait_dma2 semaphore(%run_scoped3A : memref<!tpu.dma_semaphore, #tpu.memory_space<semaphore_mem>>) src(%dma_wait3A_140 : memref<4x128xi32, #tpu.memory_space<hbm>>) dst(%arg7 : memref<4x128xi32, #tpu.memory_space<vmem>>)
      tpu.yield
    }) : () -> ()
    "tpu.region"() ({
      %run_scoped3A = tpu.sem_alloc : memref<!tpu.dma_semaphore, #tpu.memory_space<semaphore_mem>>
      %dma_start3A_93 = arith.constant 0 : i32
      %dma_start3A_94 = arith.constant 0 : i32
      %dma_start3A_95 = tpu.memref_slice %arg4[%arg1, %dma_start3A_93, %dma_start3A_94] : memref<16x160x128xi32, #tpu.memory_space<hbm>> -> memref<1x160x128xi32, #tpu.memory_space<hbm>>
      %dma_start3A_96 = tpu.memref_squeeze %dma_start3A_95 : memref<1x160x128xi32, #tpu.memory_space<hbm>> -> memref<160x128xi32, #tpu.memory_space<hbm>>
      %dma_start3A_97 = arith.constant 0 : i32
      %dma_start3A_98 = arith.constant 0 : i32
      %dma_start3A_99 = tpu.memref_slice %dma_start3A_96[%dma_start3A_97, %dma_start3A_98] : memref<160x128xi32, #tpu.memory_space<hbm>> -> memref<4x128xi32, #tpu.memory_space<hbm>>
      %dma_start3A_100 = arith.constant 0 : i32
      %dma_start3A_101 = arith.constant 0 : i32
      %dma_start3A_102 = tpu.memref_slice %arg4[%arg1, %dma_start3A_100, %dma_start3A_101] : memref<16x160x128xi32, #tpu.memory_space<hbm>> -> memref<1x160x128xi32, #tpu.memory_space<hbm>>
      %dma_start3A_103 = tpu.memref_squeeze %dma_start3A_102 : memref<1x160x128xi32, #tpu.memory_space<hbm>> -> memref<160x128xi32, #tpu.memory_space<hbm>>
      %dma_start3A_104 = arith.constant 0 : i32
      %dma_start3A_105 = arith.constant 0 : i32
      %dma_start3A_106 = tpu.memref_slice %dma_start3A_103[%dma_start3A_104, %dma_start3A_105] : memref<160x128xi32, #tpu.memory_space<hbm>> -> memref<4x128xi32, #tpu.memory_space<hbm>>
      tpu.enqueue_dma source(%dma_start3A_106 : memref<4x128xi32, #tpu.memory_space<hbm>>) target(%arg9 : memref<4x128xi32, #tpu.memory_space<vmem>>) target_semaphore(%run_scoped3A : memref<!tpu.dma_semaphore, #tpu.memory_space<semaphore_mem>>)
      %dma_wait3A_107 = arith.constant 0 : i32
      %dma_wait3A_108 = arith.constant 0 : i32
      %dma_wait3A_109 = tpu.memref_slice %arg4[%arg1, %dma_wait3A_107, %dma_wait3A_108] : memref<16x160x128xi32, #tpu.memory_space<hbm>> -> memref<1x160x128xi32, #tpu.memory_space<hbm>>
      %dma_wait3A_110 = tpu.memref_squeeze %dma_wait3A_109 : memref<1x160x128xi32, #tpu.memory_space<hbm>> -> memref<160x128xi32, #tpu.memory_space<hbm>>
      %dma_wait3A_111 = arith.constant 0 : i32
      %dma_wait3A_112 = arith.constant 0 : i32
      %dma_wait3A_113 = tpu.memref_slice %dma_wait3A_110[%dma_wait3A_111, %dma_wait3A_112] : memref<160x128xi32, #tpu.memory_space<hbm>> -> memref<4x128xi32, #tpu.memory_space<hbm>>
      %dma_wait3A_114 = arith.constant 0 : i32
      %dma_wait3A_115 = arith.constant 0 : i32
      %dma_wait3A_116 = tpu.memref_slice %arg4[%arg1, %dma_wait3A_114, %dma_wait3A_115] : memref<16x160x128xi32, #tpu.memory_space<hbm>> -> memref<1x160x128xi32, #tpu.memory_space<hbm>>
      %dma_wait3A_117 = tpu.memref_squeeze %dma_wait3A_116 : memref<1x160x128xi32, #tpu.memory_space<hbm>> -> memref<160x128xi32, #tpu.memory_space<hbm>>
      %dma_wait3A_118 = arith.constant 0 : i32
      %dma_wait3A_119 = arith.constant 0 : i32
      %dma_wait3A_120 = tpu.memref_slice %dma_wait3A_117[%dma_wait3A_118, %dma_wait3A_119] : memref<160x128xi32, #tpu.memory_space<hbm>> -> memref<4x128xi32, #tpu.memory_space<hbm>>
      tpu.wait_dma2 semaphore(%run_scoped3A : memref<!tpu.dma_semaphore, #tpu.memory_space<semaphore_mem>>) src(%dma_wait3A_120 : memref<4x128xi32, #tpu.memory_space<hbm>>) dst(%arg9 : memref<4x128xi32, #tpu.memory_space<vmem>>)
      tpu.yield
    }) : () -> ()
    %dma_start3A = arith.constant 0 : i32
    %dma_start3A_3 = arith.constant 0 : i32
    %dma_start3A_4 = arith.constant 0 : i32
    %dma_start3A_5 = tpu.memref_slice %arg3[%arg0, %dma_start3A, %dma_start3A_3, %dma_start3A_4] : memref<2x16x160x128xi32, #tpu.memory_space<hbm>> -> memref<1x16x160x128xi32, #tpu.memory_space<hbm>>
    %dma_start3A_6 = tpu.memref_squeeze %dma_start3A_5 : memref<1x16x160x128xi32, #tpu.memory_space<hbm>> -> memref<16x160x128xi32, #tpu.memory_space<hbm>>
    %dma_start3A_7 = arith.constant 0 : i32
    %dma_start3A_8 = arith.constant 0 : i32
    %dma_start3A_9 = tpu.memref_slice %dma_start3A_6[%arg1, %dma_start3A_7, %dma_start3A_8] : memref<16x160x128xi32, #tpu.memory_space<hbm>> -> memref<1x160x128xi32, #tpu.memory_space<hbm>>
    %dma_start3A_10 = tpu.memref_squeeze %dma_start3A_9 : memref<1x160x128xi32, #tpu.memory_space<hbm>> -> memref<160x128xi32, #tpu.memory_space<hbm>>
    %dma_start3A_11 = arith.constant 4 : i32
    %dma_start3A_12 = arith.constant 0 : i32
    %dma_start3A_13 = tpu.memref_slice %dma_start3A_10[%dma_start3A_11, %dma_start3A_12] : memref<160x128xi32, #tpu.memory_space<hbm>> -> memref<4x128xi32, #tpu.memory_space<hbm>>
    %dma_start3A_14 = arith.constant 0 : i32
    %dma_start3A_15 = arith.constant 0 : i32
    %dma_start3A_16 = arith.constant 0 : i32
    %dma_start3A_17 = tpu.memref_slice %arg3[%arg0, %dma_start3A_14, %dma_start3A_15, %dma_start3A_16] : memref<2x16x160x128xi32, #tpu.memory_space<hbm>> -> memref<1x16x160x128xi32, #tpu.memory_space<hbm>>
    %dma_start3A_18 = tpu.memref_squeeze %dma_start3A_17 : memref<1x16x160x128xi32, #tpu.memory_space<hbm>> -> memref<16x160x128xi32, #tpu.memory_space<hbm>>
    %dma_start3A_19 = arith.constant 0 : i32
    %dma_start3A_20 = arith.constant 0 : i32
    %dma_start3A_21 = tpu.memref_slice %dma_start3A_18[%arg1, %dma_start3A_19, %dma_start3A_20] : memref<16x160x128xi32, #tpu.memory_space<hbm>> -> memref<1x160x128xi32, #tpu.memory_space<hbm>>
    %dma_start3A_22 = tpu.memref_squeeze %dma_start3A_21 : memref<1x160x128xi32, #tpu.memory_space<hbm>> -> memref<160x128xi32, #tpu.memory_space<hbm>>
    %dma_start3A_23 = arith.constant 4 : i32
    %dma_start3A_24 = arith.constant 0 : i32
    %dma_start3A_25 = tpu.memref_slice %dma_start3A_22[%dma_start3A_23, %dma_start3A_24] : memref<160x128xi32, #tpu.memory_space<hbm>> -> memref<4x128xi32, #tpu.memory_space<hbm>>
    tpu.enqueue_dma source(%dma_start3A_25 : memref<4x128xi32, #tpu.memory_space<hbm>>) target(%arg8 : memref<4x128xi32, #tpu.memory_space<vmem>>) target_semaphore(%arg21 : memref<!tpu.dma_semaphore, #tpu.memory_space<semaphore_mem>>)
    %barrier3A = arith.constant 0 : index
    tpu.barrier barrier_id(%barrier3A)
    %dma_start3A_26 = arith.constant 0 : i32
    %dma_start3A_27 = arith.constant 0 : i32
    %dma_start3A_28 = tpu.memref_slice %arg7[%dma_start3A_26, %dma_start3A_27] : memref<4x128xi32, #tpu.memory_space<vmem>> -> memref<1x128xi32, #tpu.memory_space<vmem>>
    %dma_start3A_29 = tpu.memref_squeeze %dma_start3A_28 : memref<1x128xi32, #tpu.memory_space<vmem>> -> memref<128xi32, #tpu.memory_space<vmem>>
    %dma_start3A_30 = arith.constant 0 : i32
    %dma_start3A_31 = arith.constant 0 : i32
    %dma_start3A_32 = tpu.memref_slice %arg2[%dma_start3A_30, %dma_start3A_31] : memref<20224x64xf32, #tpu.memory_space<hbm>> -> memref<20224x64xf32, #tpu.memory_space<hbm>>
    tpu.enqueue_indirect_dma source(%dma_start3A_32 : memref<20224x64xf32, #tpu.memory_space<hbm>>) target(%arg11 : memref<128x64xf32, #tpu.memory_space<vmem>>) offsets(%dma_start3A_29 : memref<128xi32, #tpu.memory_space<vmem>>) semaphore(%arg24 : memref<!tpu.dma_semaphore, #tpu.memory_space<semaphore_mem>>)
    %dma_start3A_33 = arith.constant 1 : i32
    %dma_start3A_34 = arith.constant 0 : i32
    %dma_start3A_35 = tpu.memref_slice %arg7[%dma_start3A_33, %dma_start3A_34] : memref<4x128xi32, #tpu.memory_space<vmem>> -> memref<1x128xi32, #tpu.memory_space<vmem>>
    %dma_start3A_36 = tpu.memref_squeeze %dma_start3A_35 : memref<1x128xi32, #tpu.memory_space<vmem>> -> memref<128xi32, #tpu.memory_space<vmem>>
    %dma_start3A_37 = arith.constant 0 : i32
    %dma_start3A_38 = arith.constant 0 : i32
    %dma_start3A_39 = tpu.memref_slice %arg2[%dma_start3A_37, %dma_start3A_38] : memref<20224x64xf32, #tpu.memory_space<hbm>> -> memref<20224x64xf32, #tpu.memory_space<hbm>>
    tpu.enqueue_indirect_dma source(%dma_start3A_39 : memref<20224x64xf32, #tpu.memory_space<hbm>>) target(%arg12 : memref<128x64xf32, #tpu.memory_space<vmem>>) offsets(%dma_start3A_36 : memref<128xi32, #tpu.memory_space<vmem>>) semaphore(%arg25 : memref<!tpu.dma_semaphore, #tpu.memory_space<semaphore_mem>>)
    %dma_start3A_40 = arith.constant 2 : i32
    %dma_start3A_41 = arith.constant 0 : i32
    %dma_start3A_42 = tpu.memref_slice %arg7[%dma_start3A_40, %dma_start3A_41] : memref<4x128xi32, #tpu.memory_space<vmem>> -> memref<1x128xi32, #tpu.memory_space<vmem>>
    %dma_start3A_43 = tpu.memref_squeeze %dma_start3A_42 : memref<1x128xi32, #tpu.memory_space<vmem>> -> memref<128xi32, #tpu.memory_space<vmem>>
    %dma_start3A_44 = arith.constant 0 : i32
    %dma_start3A_45 = arith.constant 0 : i32
    %dma_start3A_46 = tpu.memref_slice %arg2[%dma_start3A_44, %dma_start3A_45] : memref<20224x64xf32, #tpu.memory_space<hbm>> -> memref<20224x64xf32, #tpu.memory_space<hbm>>
    tpu.enqueue_indirect_dma source(%dma_start3A_46 : memref<20224x64xf32, #tpu.memory_space<hbm>>) target(%arg13 : memref<128x64xf32, #tpu.memory_space<vmem>>) offsets(%dma_start3A_43 : memref<128xi32, #tpu.memory_space<vmem>>) semaphore(%arg26 : memref<!tpu.dma_semaphore, #tpu.memory_space<semaphore_mem>>)
    %dma_start3A_47 = arith.constant 3 : i32
    %dma_start3A_48 = arith.constant 0 : i32
    %dma_start3A_49 = tpu.memref_slice %arg7[%dma_start3A_47, %dma_start3A_48] : memref<4x128xi32, #tpu.memory_space<vmem>> -> memref<1x128xi32, #tpu.memory_space<vmem>>
    %dma_start3A_50 = tpu.memref_squeeze %dma_start3A_49 : memref<1x128xi32, #tpu.memory_space<vmem>> -> memref<128xi32, #tpu.memory_space<vmem>>
    %dma_start3A_51 = arith.constant 0 : i32
    %dma_start3A_52 = arith.constant 0 : i32
    %dma_start3A_53 = tpu.memref_slice %arg2[%dma_start3A_51, %dma_start3A_52] : memref<20224x64xf32, #tpu.memory_space<hbm>> -> memref<20224x64xf32, #tpu.memory_space<hbm>>
    tpu.enqueue_indirect_dma source(%dma_start3A_53 : memref<20224x64xf32, #tpu.memory_space<hbm>>) target(%arg14 : memref<128x64xf32, #tpu.memory_space<vmem>>) offsets(%dma_start3A_50 : memref<128xi32, #tpu.memory_space<vmem>>) semaphore(%arg27 : memref<!tpu.dma_semaphore, #tpu.memory_space<semaphore_mem>>)
    %scan3A = arith.constant 0 : i32
    %scan3A_54 = arith.constant 0 : i32
    %scan3A_55 = arith.constant 20 : i32
    %scan3A_56 = arith.addi %scan3A_54, %scan3A_55 : i32
    %scan3A_57 = arith.constant 1 : i32
    scf.for %scan3A_93 = %scan3A_54 to %scan3A_56 step %scan3A_57  : i32 {
      %mul3A_94 = arith.constant 2 : i32
      %mul3A_95 = arith.muli %scan3A_93, %mul3A_94 : i32
      %add3A_96 = arith.constant 0 : i32
      %add3A_97 = arith.addi %mul3A_95, %add3A_96 : i32
      %ge3A = arith.constant 1 : i32
      %ge3A_98 = arith.cmpi sge, %add3A_97, %ge3A : i32
      %convert_element_type3A = arith.extui %ge3A_98 : i1 to i32
      %cond3A = arith.constant 0 : i32
      %cond3A_99 = arith.cmpi ne, %convert_element_type3A, %cond3A : i32
      scf.if %cond3A_99 {
        %dma_wait3A_358 = arith.constant 0 : i32
        %dma_wait3A_359 = arith.constant 0 : i32
        %dma_wait3A_360 = tpu.memref_slice %arg4[%arg1, %dma_wait3A_358, %dma_wait3A_359] : memref<16x160x128xi32, #tpu.memory_space<hbm>> -> memref<1x160x128xi32, #tpu.memory_space<hbm>>
        %dma_wait3A_361 = tpu.memref_squeeze %dma_wait3A_360 : memref<1x160x128xi32, #tpu.memory_space<hbm>> -> memref<160x128xi32, #tpu.memory_space<hbm>>
        %dma_wait3A_362 = arith.constant 0 : i32
        %dma_wait3A_363 = arith.constant 0 : i32
        %dma_wait3A_364 = tpu.memref_slice %dma_wait3A_361[%dma_wait3A_362, %dma_wait3A_363] : memref<160x128xi32, #tpu.memory_space<hbm>> -> memref<4x128xi32, #tpu.memory_space<hbm>>
        %dma_wait3A_365 = arith.constant 0 : i32
        %dma_wait3A_366 = arith.constant 0 : i32
        %dma_wait3A_367 = tpu.memref_slice %arg4[%arg1, %dma_wait3A_365, %dma_wait3A_366] : memref<16x160x128xi32, #tpu.memory_space<hbm>> -> memref<1x160x128xi32, #tpu.memory_space<hbm>>
        %dma_wait3A_368 = tpu.memref_squeeze %dma_wait3A_367 : memref<1x160x128xi32, #tpu.memory_space<hbm>> -> memref<160x128xi32, #tpu.memory_space<hbm>>
        %dma_wait3A_369 = arith.constant 0 : i32
        %dma_wait3A_370 = arith.constant 0 : i32
        %dma_wait3A_371 = tpu.memref_slice %dma_wait3A_368[%dma_wait3A_369, %dma_wait3A_370] : memref<160x128xi32, #tpu.memory_space<hbm>> -> memref<4x128xi32, #tpu.memory_space<hbm>>
        tpu.wait_dma2 semaphore(%arg22 : memref<!tpu.dma_semaphore, #tpu.memory_space<semaphore_mem>>) src(%dma_wait3A_371 : memref<4x128xi32, #tpu.memory_space<hbm>>) dst(%arg9 : memref<4x128xi32, #tpu.memory_space<vmem>>)
      } else {
      }
      %add3A_100 = arith.constant 1 : i32
      %add3A_101 = arith.addi %add3A_97, %add3A_100 : i32
      %lt3A = arith.constant 40 : i32
      %lt3A_102 = arith.cmpi slt, %add3A_101, %lt3A : i32
      %convert_element_type3A_103 = arith.extui %lt3A_102 : i1 to i32
      %cond3A_104 = arith.constant 0 : i32
      %cond3A_105 = arith.cmpi ne, %convert_element_type3A_103, %cond3A_104 : i32
      scf.if %cond3A_105 {
        %dma_wait3A_358 = arith.constant 0 : i32
        %dma_wait3A_359 = arith.constant 0 : i32
        %dma_wait3A_360 = arith.constant 0 : i32
        %dma_wait3A_361 = tpu.memref_slice %arg3[%arg0, %dma_wait3A_358, %dma_wait3A_359, %dma_wait3A_360] : memref<2x16x160x128xi32, #tpu.memory_space<hbm>> -> memref<1x16x160x128xi32, #tpu.memory_space<hbm>>
        %dma_wait3A_362 = tpu.memref_squeeze %dma_wait3A_361 : memref<1x16x160x128xi32, #tpu.memory_space<hbm>> -> memref<16x160x128xi32, #tpu.memory_space<hbm>>
        %dma_wait3A_363 = arith.constant 0 : i32
        %dma_wait3A_364 = arith.constant 0 : i32
        %dma_wait3A_365 = tpu.memref_slice %dma_wait3A_362[%arg1, %dma_wait3A_363, %dma_wait3A_364] : memref<16x160x128xi32, #tpu.memory_space<hbm>> -> memref<1x160x128xi32, #tpu.memory_space<hbm>>
        %dma_wait3A_366 = tpu.memref_squeeze %dma_wait3A_365 : memref<1x160x128xi32, #tpu.memory_space<hbm>> -> memref<160x128xi32, #tpu.memory_space<hbm>>
        %dma_wait3A_367 = arith.constant 0 : i32
        %dma_wait3A_368 = arith.constant 0 : i32
        %dma_wait3A_369 = tpu.memref_slice %dma_wait3A_366[%dma_wait3A_367, %dma_wait3A_368] : memref<160x128xi32, #tpu.memory_space<hbm>> -> memref<4x128xi32, #tpu.memory_space<hbm>>
        %dma_wait3A_370 = arith.constant 0 : i32
        %dma_wait3A_371 = arith.constant 0 : i32
        %dma_wait3A_372 = arith.constant 0 : i32
        %dma_wait3A_373 = tpu.memref_slice %arg3[%arg0, %dma_wait3A_370, %dma_wait3A_371, %dma_wait3A_372] : memref<2x16x160x128xi32, #tpu.memory_space<hbm>> -> memref<1x16x160x128xi32, #tpu.memory_space<hbm>>
        %dma_wait3A_374 = tpu.memref_squeeze %dma_wait3A_373 : memref<1x16x160x128xi32, #tpu.memory_space<hbm>> -> memref<16x160x128xi32, #tpu.memory_space<hbm>>
        %dma_wait3A_375 = arith.constant 0 : i32
        %dma_wait3A_376 = arith.constant 0 : i32
        %dma_wait3A_377 = tpu.memref_slice %dma_wait3A_374[%arg1, %dma_wait3A_375, %dma_wait3A_376] : memref<16x160x128xi32, #tpu.memory_space<hbm>> -> memref<1x160x128xi32, #tpu.memory_space<hbm>>
        %dma_wait3A_378 = tpu.memref_squeeze %dma_wait3A_377 : memref<1x160x128xi32, #tpu.memory_space<hbm>> -> memref<160x128xi32, #tpu.memory_space<hbm>>
        %dma_wait3A_379 = arith.constant 0 : i32
        %dma_wait3A_380 = arith.constant 0 : i32
        %dma_wait3A_381 = tpu.memref_slice %dma_wait3A_378[%dma_wait3A_379, %dma_wait3A_380] : memref<160x128xi32, #tpu.memory_space<hbm>> -> memref<4x128xi32, #tpu.memory_space<hbm>>
        tpu.wait_dma2 semaphore(%arg21 : memref<!tpu.dma_semaphore, #tpu.memory_space<semaphore_mem>>) src(%dma_wait3A_381 : memref<4x128xi32, #tpu.memory_space<hbm>>) dst(%arg8 : memref<4x128xi32, #tpu.memory_space<vmem>>)
      } else {
      }
      %dma_wait3A_106 = arith.constant 0 : i32
      %dma_wait3A_107 = arith.constant 0 : i32
      %dma_wait3A_108 = tpu.memref_slice %arg7[%dma_wait3A_106, %dma_wait3A_107] : memref<4x128xi32, #tpu.memory_space<vmem>> -> memref<1x128xi32, #tpu.memory_space<vmem>>
      %dma_wait3A_109 = tpu.memref_squeeze %dma_wait3A_108 : memref<1x128xi32, #tpu.memory_space<vmem>> -> memref<128xi32, #tpu.memory_space<vmem>>
      %dma_wait3A_110 = arith.constant 0 : i32
      %dma_wait3A_111 = arith.constant 0 : i32
      %dma_wait3A_112 = tpu.memref_slice %arg2[%dma_wait3A_110, %dma_wait3A_111] : memref<20224x64xf32, #tpu.memory_space<hbm>> -> memref<20224x64xf32, #tpu.memory_space<hbm>>
      tpu.wait_indirect_dma semaphore(%arg24 : memref<!tpu.dma_semaphore, #tpu.memory_space<semaphore_mem>>) src(%dma_wait3A_112 : memref<20224x64xf32, #tpu.memory_space<hbm>>) dst(%arg11 : memref<128x64xf32, #tpu.memory_space<vmem>>)
      %dma_start3A_113 = arith.constant 0 : i32
      %dma_start3A_114 = arith.constant 0 : i32
      %dma_start3A_115 = tpu.memref_slice %arg9[%dma_start3A_113, %dma_start3A_114] : memref<4x128xi32, #tpu.memory_space<vmem>> -> memref<1x128xi32, #tpu.memory_space<vmem>>
      %dma_start3A_116 = tpu.memref_squeeze %dma_start3A_115 : memref<1x128xi32, #tpu.memory_space<vmem>> -> memref<128xi32, #tpu.memory_space<vmem>>
      %dma_start3A_117 = arith.constant 0 : i32
      %dma_start3A_118 = arith.constant 0 : i32
      %dma_start3A_119 = tpu.memref_slice %arg19[%dma_start3A_117, %dma_start3A_118] : memref<10112x64xf32, #tpu.memory_space<vmem_shared>> -> memref<10112x64xf32, #tpu.memory_space<vmem_shared>>
      tpu.enqueue_indirect_dma source(%arg11 : memref<128x64xf32, #tpu.memory_space<vmem>>) target(%dma_start3A_119 : memref<10112x64xf32, #tpu.memory_space<vmem_shared>>) offsets(%dma_start3A_116 : memref<128xi32, #tpu.memory_space<vmem>>) semaphore(%arg32 : memref<!tpu.dma_semaphore, #tpu.memory_space<semaphore_mem>>) {add = true}
      %ge3A_120 = arith.constant 1 : i32
      %ge3A_121 = arith.cmpi sge, %add3A_97, %ge3A_120 : i32
      %convert_element_type3A_122 = arith.extui %ge3A_121 : i1 to i32
      %cond3A_123 = arith.constant 0 : i32
      %cond3A_124 = arith.cmpi ne, %convert_element_type3A_122, %cond3A_123 : i32
      scf.if %cond3A_124 {
        %dma_wait3A_358 = arith.constant 0 : i32
        %dma_wait3A_359 = arith.constant 0 : i32
        %dma_wait3A_360 = tpu.memref_slice %arg9[%dma_wait3A_358, %dma_wait3A_359] : memref<4x128xi32, #tpu.memory_space<vmem>> -> memref<1x128xi32, #tpu.memory_space<vmem>>
        %dma_wait3A_361 = tpu.memref_squeeze %dma_wait3A_360 : memref<1x128xi32, #tpu.memory_space<vmem>> -> memref<128xi32, #tpu.memory_space<vmem>>
        %dma_wait3A_362 = arith.constant 0 : i32
        %dma_wait3A_363 = arith.constant 0 : i32
        %dma_wait3A_364 = tpu.memref_slice %arg19[%dma_wait3A_362, %dma_wait3A_363] : memref<10112x64xf32, #tpu.memory_space<vmem_shared>> -> memref<10112x64xf32, #tpu.memory_space<vmem_shared>>
        tpu.wait_indirect_dma semaphore(%arg36 : memref<!tpu.dma_semaphore, #tpu.memory_space<semaphore_mem>>) src(%arg15 : memref<128x64xf32, #tpu.memory_space<vmem>>) dst(%dma_wait3A_364 : memref<10112x64xf32, #tpu.memory_space<vmem_shared>>)
      } else {
      }
      %add3A_125 = arith.constant 1 : i32
      %add3A_126 = arith.addi %add3A_97, %add3A_125 : i32
      %lt3A_127 = arith.constant 40 : i32
      %lt3A_128 = arith.cmpi slt, %add3A_126, %lt3A_127 : i32
      %convert_element_type3A_129 = arith.extui %lt3A_128 : i1 to i32
      %cond3A_130 = arith.constant 0 : i32
      %cond3A_131 = arith.cmpi ne, %convert_element_type3A_129, %cond3A_130 : i32
      scf.if %cond3A_131 {
        %dma_start3A_358 = arith.constant 0 : i32
        %dma_start3A_359 = arith.constant 0 : i32
        %dma_start3A_360 = tpu.memref_slice %arg8[%dma_start3A_358, %dma_start3A_359] : memref<4x128xi32, #tpu.memory_space<vmem>> -> memref<1x128xi32, #tpu.memory_space<vmem>>
        %dma_start3A_361 = tpu.memref_squeeze %dma_start3A_360 : memref<1x128xi32, #tpu.memory_space<vmem>> -> memref<128xi32, #tpu.memory_space<vmem>>
        %dma_start3A_362 = arith.constant 0 : i32
        %dma_start3A_363 = arith.constant 0 : i32
        %dma_start3A_364 = tpu.memref_slice %arg2[%dma_start3A_362, %dma_start3A_363] : memref<20224x64xf32, #tpu.memory_space<hbm>> -> memref<20224x64xf32, #tpu.memory_space<hbm>>
        tpu.enqueue_indirect_dma source(%dma_start3A_364 : memref<20224x64xf32, #tpu.memory_space<hbm>>) target(%arg15 : memref<128x64xf32, #tpu.memory_space<vmem>>) offsets(%dma_start3A_361 : memref<128xi32, #tpu.memory_space<vmem>>) semaphore(%arg28 : memref<!tpu.dma_semaphore, #tpu.memory_space<semaphore_mem>>)
      } else {
      }
      %dma_wait3A_132 = arith.constant 1 : i32
      %dma_wait3A_133 = arith.constant 0 : i32
      %dma_wait3A_134 = tpu.memref_slice %arg7[%dma_wait3A_132, %dma_wait3A_133] : memref<4x128xi32, #tpu.memory_space<vmem>> -> memref<1x128xi32, #tpu.memory_space<vmem>>
      %dma_wait3A_135 = tpu.memref_squeeze %dma_wait3A_134 : memref<1x128xi32, #tpu.memory_space<vmem>> -> memref<128xi32, #tpu.memory_space<vmem>>
      %dma_wait3A_136 = arith.constant 0 : i32
      %dma_wait3A_137 = arith.constant 0 : i32
      %dma_wait3A_138 = tpu.memref_slice %arg2[%dma_wait3A_136, %dma_wait3A_137] : memref<20224x64xf32, #tpu.memory_space<hbm>> -> memref<20224x64xf32, #tpu.memory_space<hbm>>
      tpu.wait_indirect_dma semaphore(%arg25 : memref<!tpu.dma_semaphore, #tpu.memory_space<semaphore_mem>>) src(%dma_wait3A_138 : memref<20224x64xf32, #tpu.memory_space<hbm>>) dst(%arg12 : memref<128x64xf32, #tpu.memory_space<vmem>>)
      %dma_start3A_139 = arith.constant 1 : i32
      %dma_start3A_140 = arith.constant 0 : i32
      %dma_start3A_141 = tpu.memref_slice %arg9[%dma_start3A_139, %dma_start3A_140] : memref<4x128xi32, #tpu.memory_space<vmem>> -> memref<1x128xi32, #tpu.memory_space<vmem>>
      %dma_start3A_142 = tpu.memref_squeeze %dma_start3A_141 : memref<1x128xi32, #tpu.memory_space<vmem>> -> memref<128xi32, #tpu.memory_space<vmem>>
      %dma_start3A_143 = arith.constant 0 : i32
      %dma_start3A_144 = arith.constant 0 : i32
      %dma_start3A_145 = tpu.memref_slice %arg19[%dma_start3A_143, %dma_start3A_144] : memref<10112x64xf32, #tpu.memory_space<vmem_shared>> -> memref<10112x64xf32, #tpu.memory_space<vmem_shared>>
      tpu.enqueue_indirect_dma source(%arg12 : memref<128x64xf32, #tpu.memory_space<vmem>>) target(%dma_start3A_145 : memref<10112x64xf32, #tpu.memory_space<vmem_shared>>) offsets(%dma_start3A_142 : memref<128xi32, #tpu.memory_space<vmem>>) semaphore(%arg33 : memref<!tpu.dma_semaphore, #tpu.memory_space<semaphore_mem>>) {add = true}
      %ge3A_146 = arith.constant 1 : i32
      %ge3A_147 = arith.cmpi sge, %add3A_97, %ge3A_146 : i32
      %convert_element_type3A_148 = arith.extui %ge3A_147 : i1 to i32
      %cond3A_149 = arith.constant 0 : i32
      %cond3A_150 = arith.cmpi ne, %convert_element_type3A_148, %cond3A_149 : i32
      scf.if %cond3A_150 {
        %dma_wait3A_358 = arith.constant 0 : i32
        %dma_wait3A_359 = arith.constant 0 : i32
        %dma_wait3A_360 = tpu.memref_slice %arg9[%dma_wait3A_358, %dma_wait3A_359] : memref<4x128xi32, #tpu.memory_space<vmem>> -> memref<1x128xi32, #tpu.memory_space<vmem>>
        %dma_wait3A_361 = tpu.memref_squeeze %dma_wait3A_360 : memref<1x128xi32, #tpu.memory_space<vmem>> -> memref<128xi32, #tpu.memory_space<vmem>>
        %dma_wait3A_362 = arith.constant 0 : i32
        %dma_wait3A_363 = arith.constant 0 : i32
        %dma_wait3A_364 = tpu.memref_slice %arg19[%dma_wait3A_362, %dma_wait3A_363] : memref<10112x64xf32, #tpu.memory_space<vmem_shared>> -> memref<10112x64xf32, #tpu.memory_space<vmem_shared>>
        tpu.wait_indirect_dma semaphore(%arg37 : memref<!tpu.dma_semaphore, #tpu.memory_space<semaphore_mem>>) src(%arg16 : memref<128x64xf32, #tpu.memory_space<vmem>>) dst(%dma_wait3A_364 : memref<10112x64xf32, #tpu.memory_space<vmem_shared>>)
      } else {
      }
      %add3A_151 = arith.constant 1 : i32
      %add3A_152 = arith.addi %add3A_97, %add3A_151 : i32
      %lt3A_153 = arith.constant 40 : i32
      %lt3A_154 = arith.cmpi slt, %add3A_152, %lt3A_153 : i32
      %convert_element_type3A_155 = arith.extui %lt3A_154 : i1 to i32
      %cond3A_156 = arith.constant 0 : i32
      %cond3A_157 = arith.cmpi ne, %convert_element_type3A_155, %cond3A_156 : i32
      scf.if %cond3A_157 {
        %dma_start3A_358 = arith.constant 1 : i32
        %dma_start3A_359 = arith.constant 0 : i32
        %dma_start3A_360 = tpu.memref_slice %arg8[%dma_start3A_358, %dma_start3A_359] : memref<4x128xi32, #tpu.memory_space<vmem>> -> memref<1x128xi32, #tpu.memory_space<vmem>>
        %dma_start3A_361 = tpu.memref_squeeze %dma_start3A_360 : memref<1x128xi32, #tpu.memory_space<vmem>> -> memref<128xi32, #tpu.memory_space<vmem>>
        %dma_start3A_362 = arith.constant 0 : i32
        %dma_start3A_363 = arith.constant 0 : i32
        %dma_start3A_364 = tpu.memref_slice %arg2[%dma_start3A_362, %dma_start3A_363] : memref<20224x64xf32, #tpu.memory_space<hbm>> -> memref<20224x64xf32, #tpu.memory_space<hbm>>
        tpu.enqueue_indirect_dma source(%dma_start3A_364 : memref<20224x64xf32, #tpu.memory_space<hbm>>) target(%arg16 : memref<128x64xf32, #tpu.memory_space<vmem>>) offsets(%dma_start3A_361 : memref<128xi32, #tpu.memory_space<vmem>>) semaphore(%arg29 : memref<!tpu.dma_semaphore, #tpu.memory_space<semaphore_mem>>)
      } else {
      }
      %dma_wait3A_158 = arith.constant 2 : i32
      %dma_wait3A_159 = arith.constant 0 : i32
      %dma_wait3A_160 = tpu.memref_slice %arg7[%dma_wait3A_158, %dma_wait3A_159] : memref<4x128xi32, #tpu.memory_space<vmem>> -> memref<1x128xi32, #tpu.memory_space<vmem>>
      %dma_wait3A_161 = tpu.memref_squeeze %dma_wait3A_160 : memref<1x128xi32, #tpu.memory_space<vmem>> -> memref<128xi32, #tpu.memory_space<vmem>>
      %dma_wait3A_162 = arith.constant 0 : i32
      %dma_wait3A_163 = arith.constant 0 : i32
      %dma_wait3A_164 = tpu.memref_slice %arg2[%dma_wait3A_162, %dma_wait3A_163] : memref<20224x64xf32, #tpu.memory_space<hbm>> -> memref<20224x64xf32, #tpu.memory_space<hbm>>
      tpu.wait_indirect_dma semaphore(%arg26 : memref<!tpu.dma_semaphore, #tpu.memory_space<semaphore_mem>>) src(%dma_wait3A_164 : memref<20224x64xf32, #tpu.memory_space<hbm>>) dst(%arg13 : memref<128x64xf32, #tpu.memory_space<vmem>>)
      %dma_start3A_165 = arith.constant 2 : i32
      %dma_start3A_166 = arith.constant 0 : i32
      %dma_start3A_167 = tpu.memref_slice %arg9[%dma_start3A_165, %dma_start3A_166] : memref<4x128xi32, #tpu.memory_space<vmem>> -> memref<1x128xi32, #tpu.memory_space<vmem>>
      %dma_start3A_168 = tpu.memref_squeeze %dma_start3A_167 : memref<1x128xi32, #tpu.memory_space<vmem>> -> memref<128xi32, #tpu.memory_space<vmem>>
      %dma_start3A_169 = arith.constant 0 : i32
      %dma_start3A_170 = arith.constant 0 : i32
      %dma_start3A_171 = tpu.memref_slice %arg19[%dma_start3A_169, %dma_start3A_170] : memref<10112x64xf32, #tpu.memory_space<vmem_shared>> -> memref<10112x64xf32, #tpu.memory_space<vmem_shared>>
      tpu.enqueue_indirect_dma source(%arg13 : memref<128x64xf32, #tpu.memory_space<vmem>>) target(%dma_start3A_171 : memref<10112x64xf32, #tpu.memory_space<vmem_shared>>) offsets(%dma_start3A_168 : memref<128xi32, #tpu.memory_space<vmem>>) semaphore(%arg34 : memref<!tpu.dma_semaphore, #tpu.memory_space<semaphore_mem>>) {add = true}
      %ge3A_172 = arith.constant 1 : i32
      %ge3A_173 = arith.cmpi sge, %add3A_97, %ge3A_172 : i32
      %convert_element_type3A_174 = arith.extui %ge3A_173 : i1 to i32
      %cond3A_175 = arith.constant 0 : i32
      %cond3A_176 = arith.cmpi ne, %convert_element_type3A_174, %cond3A_175 : i32
      scf.if %cond3A_176 {
        %dma_wait3A_358 = arith.constant 0 : i32
        %dma_wait3A_359 = arith.constant 0 : i32
        %dma_wait3A_360 = tpu.memref_slice %arg9[%dma_wait3A_358, %dma_wait3A_359] : memref<4x128xi32, #tpu.memory_space<vmem>> -> memref<1x128xi32, #tpu.memory_space<vmem>>
        %dma_wait3A_361 = tpu.memref_squeeze %dma_wait3A_360 : memref<1x128xi32, #tpu.memory_space<vmem>> -> memref<128xi32, #tpu.memory_space<vmem>>
        %dma_wait3A_362 = arith.constant 0 : i32
        %dma_wait3A_363 = arith.constant 0 : i32
        %dma_wait3A_364 = tpu.memref_slice %arg19[%dma_wait3A_362, %dma_wait3A_363] : memref<10112x64xf32, #tpu.memory_space<vmem_shared>> -> memref<10112x64xf32, #tpu.memory_space<vmem_shared>>
        tpu.wait_indirect_dma semaphore(%arg38 : memref<!tpu.dma_semaphore, #tpu.memory_space<semaphore_mem>>) src(%arg17 : memref<128x64xf32, #tpu.memory_space<vmem>>) dst(%dma_wait3A_364 : memref<10112x64xf32, #tpu.memory_space<vmem_shared>>)
      } else {
      }
      %add3A_177 = arith.constant 1 : i32
      %add3A_178 = arith.addi %add3A_97, %add3A_177 : i32
      %lt3A_179 = arith.constant 40 : i32
      %lt3A_180 = arith.cmpi slt, %add3A_178, %lt3A_179 : i32
      %convert_element_type3A_181 = arith.extui %lt3A_180 : i1 to i32
      %cond3A_182 = arith.constant 0 : i32
      %cond3A_183 = arith.cmpi ne, %convert_element_type3A_181, %cond3A_182 : i32
      scf.if %cond3A_183 {
        %dma_start3A_358 = arith.constant 2 : i32
        %dma_start3A_359 = arith.constant 0 : i32
        %dma_start3A_360 = tpu.memref_slice %arg8[%dma_start3A_358, %dma_start3A_359] : memref<4x128xi32, #tpu.memory_space<vmem>> -> memref<1x128xi32, #tpu.memory_space<vmem>>
        %dma_start3A_361 = tpu.memref_squeeze %dma_start3A_360 : memref<1x128xi32, #tpu.memory_space<vmem>> -> memref<128xi32, #tpu.memory_space<vmem>>
        %dma_start3A_362 = arith.constant 0 : i32
        %dma_start3A_363 = arith.constant 0 : i32
        %dma_start3A_364 = tpu.memref_slice %arg2[%dma_start3A_362, %dma_start3A_363] : memref<20224x64xf32, #tpu.memory_space<hbm>> -> memref<20224x64xf32, #tpu.memory_space<hbm>>
        tpu.enqueue_indirect_dma source(%dma_start3A_364 : memref<20224x64xf32, #tpu.memory_space<hbm>>) target(%arg17 : memref<128x64xf32, #tpu.memory_space<vmem>>) offsets(%dma_start3A_361 : memref<128xi32, #tpu.memory_space<vmem>>) semaphore(%arg30 : memref<!tpu.dma_semaphore, #tpu.memory_space<semaphore_mem>>)
      } else {
      }
      %dma_wait3A_184 = arith.constant 3 : i32
      %dma_wait3A_185 = arith.constant 0 : i32
      %dma_wait3A_186 = tpu.memref_slice %arg7[%dma_wait3A_184, %dma_wait3A_185] : memref<4x128xi32, #tpu.memory_space<vmem>> -> memref<1x128xi32, #tpu.memory_space<vmem>>
      %dma_wait3A_187 = tpu.memref_squeeze %dma_wait3A_186 : memref<1x128xi32, #tpu.memory_space<vmem>> -> memref<128xi32, #tpu.memory_space<vmem>>
      %dma_wait3A_188 = arith.constant 0 : i32
      %dma_wait3A_189 = arith.constant 0 : i32
      %dma_wait3A_190 = tpu.memref_slice %arg2[%dma_wait3A_188, %dma_wait3A_189] : memref<20224x64xf32, #tpu.memory_space<hbm>> -> memref<20224x64xf32, #tpu.memory_space<hbm>>
      tpu.wait_indirect_dma semaphore(%arg27 : memref<!tpu.dma_semaphore, #tpu.memory_space<semaphore_mem>>) src(%dma_wait3A_190 : memref<20224x64xf32, #tpu.memory_space<hbm>>) dst(%arg14 : memref<128x64xf32, #tpu.memory_space<vmem>>)
      %dma_start3A_191 = arith.constant 3 : i32
      %dma_start3A_192 = arith.constant 0 : i32
      %dma_start3A_193 = tpu.memref_slice %arg9[%dma_start3A_191, %dma_start3A_192] : memref<4x128xi32, #tpu.memory_space<vmem>> -> memref<1x128xi32, #tpu.memory_space<vmem>>
      %dma_start3A_194 = tpu.memref_squeeze %dma_start3A_193 : memref<1x128xi32, #tpu.memory_space<vmem>> -> memref<128xi32, #tpu.memory_space<vmem>>
      %dma_start3A_195 = arith.constant 0 : i32
      %dma_start3A_196 = arith.constant 0 : i32
      %dma_start3A_197 = tpu.memref_slice %arg19[%dma_start3A_195, %dma_start3A_196] : memref<10112x64xf32, #tpu.memory_space<vmem_shared>> -> memref<10112x64xf32, #tpu.memory_space<vmem_shared>>
      tpu.enqueue_indirect_dma source(%arg14 : memref<128x64xf32, #tpu.memory_space<vmem>>) target(%dma_start3A_197 : memref<10112x64xf32, #tpu.memory_space<vmem_shared>>) offsets(%dma_start3A_194 : memref<128xi32, #tpu.memory_space<vmem>>) semaphore(%arg35 : memref<!tpu.dma_semaphore, #tpu.memory_space<semaphore_mem>>) {add = true}
      %ge3A_198 = arith.constant 1 : i32
      %ge3A_199 = arith.cmpi sge, %add3A_97, %ge3A_198 : i32
      %convert_element_type3A_200 = arith.extui %ge3A_199 : i1 to i32
      %cond3A_201 = arith.constant 0 : i32
      %cond3A_202 = arith.cmpi ne, %convert_element_type3A_200, %cond3A_201 : i32
      scf.if %cond3A_202 {
        %dma_wait3A_358 = arith.constant 0 : i32
        %dma_wait3A_359 = arith.constant 0 : i32
        %dma_wait3A_360 = tpu.memref_slice %arg9[%dma_wait3A_358, %dma_wait3A_359] : memref<4x128xi32, #tpu.memory_space<vmem>> -> memref<1x128xi32, #tpu.memory_space<vmem>>
        %dma_wait3A_361 = tpu.memref_squeeze %dma_wait3A_360 : memref<1x128xi32, #tpu.memory_space<vmem>> -> memref<128xi32, #tpu.memory_space<vmem>>
        %dma_wait3A_362 = arith.constant 0 : i32
        %dma_wait3A_363 = arith.constant 0 : i32
        %dma_wait3A_364 = tpu.memref_slice %arg19[%dma_wait3A_362, %dma_wait3A_363] : memref<10112x64xf32, #tpu.memory_space<vmem_shared>> -> memref<10112x64xf32, #tpu.memory_space<vmem_shared>>
        tpu.wait_indirect_dma semaphore(%arg39 : memref<!tpu.dma_semaphore, #tpu.memory_space<semaphore_mem>>) src(%arg18 : memref<128x64xf32, #tpu.memory_space<vmem>>) dst(%dma_wait3A_364 : memref<10112x64xf32, #tpu.memory_space<vmem_shared>>)
      } else {
      }
      %add3A_203 = arith.constant 1 : i32
      %add3A_204 = arith.addi %add3A_97, %add3A_203 : i32
      %lt3A_205 = arith.constant 40 : i32
      %lt3A_206 = arith.cmpi slt, %add3A_204, %lt3A_205 : i32
      %convert_element_type3A_207 = arith.extui %lt3A_206 : i1 to i32
      %cond3A_208 = arith.constant 0 : i32
      %cond3A_209 = arith.cmpi ne, %convert_element_type3A_207, %cond3A_208 : i32
      scf.if %cond3A_209 {
        %dma_start3A_358 = arith.constant 3 : i32
        %dma_start3A_359 = arith.constant 0 : i32
        %dma_start3A_360 = tpu.memref_slice %arg8[%dma_start3A_358, %dma_start3A_359] : memref<4x128xi32, #tpu.memory_space<vmem>> -> memref<1x128xi32, #tpu.memory_space<vmem>>
        %dma_start3A_361 = tpu.memref_squeeze %dma_start3A_360 : memref<1x128xi32, #tpu.memory_space<vmem>> -> memref<128xi32, #tpu.memory_space<vmem>>
        %dma_start3A_362 = arith.constant 0 : i32
        %dma_start3A_363 = arith.constant 0 : i32
        %dma_start3A_364 = tpu.memref_slice %arg2[%dma_start3A_362, %dma_start3A_363] : memref<20224x64xf32, #tpu.memory_space<hbm>> -> memref<20224x64xf32, #tpu.memory_space<hbm>>
        tpu.enqueue_indirect_dma source(%dma_start3A_364 : memref<20224x64xf32, #tpu.memory_space<hbm>>) target(%arg18 : memref<128x64xf32, #tpu.memory_space<vmem>>) offsets(%dma_start3A_361 : memref<128xi32, #tpu.memory_space<vmem>>) semaphore(%arg31 : memref<!tpu.dma_semaphore, #tpu.memory_space<semaphore_mem>>)
      } else {
      }
      %add3A_210 = arith.constant 2 : i32
      %add3A_211 = arith.addi %add3A_97, %add3A_210 : i32
      %lt3A_212 = arith.constant 40 : i32
      %lt3A_213 = arith.cmpi slt, %add3A_211, %lt3A_212 : i32
      %convert_element_type3A_214 = arith.extui %lt3A_213 : i1 to i32
      %cond3A_215 = arith.constant 0 : i32
      %cond3A_216 = arith.cmpi ne, %convert_element_type3A_214, %cond3A_215 : i32
      scf.if %cond3A_216 {
        %add3A_358 = arith.constant 2 : i32
        %add3A_359 = arith.addi %add3A_97, %add3A_358 : i32
        %mul3A_360 = arith.constant 4 : i32
        %mul3A_361 = arith.muli %add3A_359, %mul3A_360 : i32
        %dma_start3A_362 = arith.constant 0 : i32
        %dma_start3A_363 = arith.constant 0 : i32
        %dma_start3A_364 = arith.constant 0 : i32
        %dma_start3A_365 = tpu.memref_slice %arg3[%arg0, %dma_start3A_362, %dma_start3A_363, %dma_start3A_364] : memref<2x16x160x128xi32, #tpu.memory_space<hbm>> -> memref<1x16x160x128xi32, #tpu.memory_space<hbm>>
        %dma_start3A_366 = tpu.memref_squeeze %dma_start3A_365 : memref<1x16x160x128xi32, #tpu.memory_space<hbm>> -> memref<16x160x128xi32, #tpu.memory_space<hbm>>
        %dma_start3A_367 = arith.constant 0 : i32
        %dma_start3A_368 = arith.constant 0 : i32
        %dma_start3A_369 = tpu.memref_slice %dma_start3A_366[%arg1, %dma_start3A_367, %dma_start3A_368] : memref<16x160x128xi32, #tpu.memory_space<hbm>> -> memref<1x160x128xi32, #tpu.memory_space<hbm>>
        %dma_start3A_370 = tpu.memref_squeeze %dma_start3A_369 : memref<1x160x128xi32, #tpu.memory_space<hbm>> -> memref<160x128xi32, #tpu.memory_space<hbm>>
        %dma_start3A_371 = arith.constant 0 : i32
        %dma_start3A_372 = tpu.memref_slice %dma_start3A_370[%mul3A_361, %dma_start3A_371] : memref<160x128xi32, #tpu.memory_space<hbm>> -> memref<4x128xi32, #tpu.memory_space<hbm>>
        %dma_start3A_373 = arith.constant 0 : i32
        %dma_start3A_374 = arith.constant 0 : i32
        %dma_start3A_375 = arith.constant 0 : i32
        %dma_start3A_376 = tpu.memref_slice %arg3[%arg0, %dma_start3A_373, %dma_start3A_374, %dma_start3A_375] : memref<2x16x160x128xi32, #tpu.memory_space<hbm>> -> memref<1x16x160x128xi32, #tpu.memory_space<hbm>>
        %dma_start3A_377 = tpu.memref_squeeze %dma_start3A_376 : memref<1x16x160x128xi32, #tpu.memory_space<hbm>> -> memref<16x160x128xi32, #tpu.memory_space<hbm>>
        %dma_start3A_378 = arith.constant 0 : i32
        %dma_start3A_379 = arith.constant 0 : i32
        %dma_start3A_380 = tpu.memref_slice %dma_start3A_377[%arg1, %dma_start3A_378, %dma_start3A_379] : memref<16x160x128xi32, #tpu.memory_space<hbm>> -> memref<1x160x128xi32, #tpu.memory_space<hbm>>
        %dma_start3A_381 = tpu.memref_squeeze %dma_start3A_380 : memref<1x160x128xi32, #tpu.memory_space<hbm>> -> memref<160x128xi32, #tpu.memory_space<hbm>>
        %dma_start3A_382 = arith.constant 0 : i32
        %dma_start3A_383 = tpu.memref_slice %dma_start3A_381[%mul3A_361, %dma_start3A_382] : memref<160x128xi32, #tpu.memory_space<hbm>> -> memref<4x128xi32, #tpu.memory_space<hbm>>
        tpu.enqueue_dma source(%dma_start3A_383 : memref<4x128xi32, #tpu.memory_space<hbm>>) target(%arg7 : memref<4x128xi32, #tpu.memory_space<vmem>>) target_semaphore(%arg20 : memref<!tpu.dma_semaphore, #tpu.memory_space<semaphore_mem>>)
      } else {
      }
      %add3A_217 = arith.constant 1 : i32
      %add3A_218 = arith.addi %add3A_97, %add3A_217 : i32
      %lt3A_219 = arith.constant 40 : i32
      %lt3A_220 = arith.cmpi slt, %add3A_218, %lt3A_219 : i32
      %convert_element_type3A_221 = arith.extui %lt3A_220 : i1 to i32
      %cond3A_222 = arith.constant 0 : i32
      %cond3A_223 = arith.cmpi ne, %convert_element_type3A_221, %cond3A_222 : i32
      scf.if %cond3A_223 {
        %add3A_358 = arith.constant 1 : i32
        %add3A_359 = arith.addi %add3A_97, %add3A_358 : i32
        %mul3A_360 = arith.constant 4 : i32
        %mul3A_361 = arith.muli %add3A_359, %mul3A_360 : i32
        %dma_start3A_362 = arith.constant 0 : i32
        %dma_start3A_363 = arith.constant 0 : i32
        %dma_start3A_364 = tpu.memref_slice %arg4[%arg1, %dma_start3A_362, %dma_start3A_363] : memref<16x160x128xi32, #tpu.memory_space<hbm>> -> memref<1x160x128xi32, #tpu.memory_space<hbm>>
        %dma_start3A_365 = tpu.memref_squeeze %dma_start3A_364 : memref<1x160x128xi32, #tpu.memory_space<hbm>> -> memref<160x128xi32, #tpu.memory_space<hbm>>
        %dma_start3A_366 = arith.constant 0 : i32
        %dma_start3A_367 = tpu.memref_slice %dma_start3A_365[%mul3A_361, %dma_start3A_366] : memref<160x128xi32, #tpu.memory_space<hbm>> -> memref<4x128xi32, #tpu.memory_space<hbm>>
        %dma_start3A_368 = arith.constant 0 : i32
        %dma_start3A_369 = arith.constant 0 : i32
        %dma_start3A_370 = tpu.memref_slice %arg4[%arg1, %dma_start3A_368, %dma_start3A_369] : memref<16x160x128xi32, #tpu.memory_space<hbm>> -> memref<1x160x128xi32, #tpu.memory_space<hbm>>
        %dma_start3A_371 = tpu.memref_squeeze %dma_start3A_370 : memref<1x160x128xi32, #tpu.memory_space<hbm>> -> memref<160x128xi32, #tpu.memory_space<hbm>>
        %dma_start3A_372 = arith.constant 0 : i32
        %dma_start3A_373 = tpu.memref_slice %dma_start3A_371[%mul3A_361, %dma_start3A_372] : memref<160x128xi32, #tpu.memory_space<hbm>> -> memref<4x128xi32, #tpu.memory_space<hbm>>
        tpu.enqueue_dma source(%dma_start3A_373 : memref<4x128xi32, #tpu.memory_space<hbm>>) target(%arg10 : memref<4x128xi32, #tpu.memory_space<vmem>>) target_semaphore(%arg23 : memref<!tpu.dma_semaphore, #tpu.memory_space<semaphore_mem>>)
      } else {
      }
      %mul3A_224 = arith.constant 2 : i32
      %mul3A_225 = arith.muli %scan3A_93, %mul3A_224 : i32
      %add3A_226 = arith.constant 1 : i32
      %add3A_227 = arith.addi %mul3A_225, %add3A_226 : i32
      %ge3A_228 = arith.constant 1 : i32
      %ge3A_229 = arith.cmpi sge, %add3A_227, %ge3A_228 : i32
      %convert_element_type3A_230 = arith.extui %ge3A_229 : i1 to i32
      %cond3A_231 = arith.constant 0 : i32
      %cond3A_232 = arith.cmpi ne, %convert_element_type3A_230, %cond3A_231 : i32
      scf.if %cond3A_232 {
        %dma_wait3A_358 = arith.constant 0 : i32
        %dma_wait3A_359 = arith.constant 0 : i32
        %dma_wait3A_360 = tpu.memref_slice %arg4[%arg1, %dma_wait3A_358, %dma_wait3A_359] : memref<16x160x128xi32, #tpu.memory_space<hbm>> -> memref<1x160x128xi32, #tpu.memory_space<hbm>>
        %dma_wait3A_361 = tpu.memref_squeeze %dma_wait3A_360 : memref<1x160x128xi32, #tpu.memory_space<hbm>> -> memref<160x128xi32, #tpu.memory_space<hbm>>
        %dma_wait3A_362 = arith.constant 0 : i32
        %dma_wait3A_363 = arith.constant 0 : i32
        %dma_wait3A_364 = tpu.memref_slice %dma_wait3A_361[%dma_wait3A_362, %dma_wait3A_363] : memref<160x128xi32, #tpu.memory_space<hbm>> -> memref<4x128xi32, #tpu.memory_space<hbm>>
        %dma_wait3A_365 = arith.constant 0 : i32
        %dma_wait3A_366 = arith.constant 0 : i32
        %dma_wait3A_367 = tpu.memref_slice %arg4[%arg1, %dma_wait3A_365, %dma_wait3A_366] : memref<16x160x128xi32, #tpu.memory_space<hbm>> -> memref<1x160x128xi32, #tpu.memory_space<hbm>>
        %dma_wait3A_368 = tpu.memref_squeeze %dma_wait3A_367 : memref<1x160x128xi32, #tpu.memory_space<hbm>> -> memref<160x128xi32, #tpu.memory_space<hbm>>
        %dma_wait3A_369 = arith.constant 0 : i32
        %dma_wait3A_370 = arith.constant 0 : i32
        %dma_wait3A_371 = tpu.memref_slice %dma_wait3A_368[%dma_wait3A_369, %dma_wait3A_370] : memref<160x128xi32, #tpu.memory_space<hbm>> -> memref<4x128xi32, #tpu.memory_space<hbm>>
        tpu.wait_dma2 semaphore(%arg23 : memref<!tpu.dma_semaphore, #tpu.memory_space<semaphore_mem>>) src(%dma_wait3A_371 : memref<4x128xi32, #tpu.memory_space<hbm>>) dst(%arg10 : memref<4x128xi32, #tpu.memory_space<vmem>>)
      } else {
      }
      %add3A_233 = arith.constant 1 : i32
      %add3A_234 = arith.addi %add3A_227, %add3A_233 : i32
      %lt3A_235 = arith.constant 40 : i32
      %lt3A_236 = arith.cmpi slt, %add3A_234, %lt3A_235 : i32
      %convert_element_type3A_237 = arith.extui %lt3A_236 : i1 to i32
      %cond3A_238 = arith.constant 0 : i32
      %cond3A_239 = arith.cmpi ne, %convert_element_type3A_237, %cond3A_238 : i32
      scf.if %cond3A_239 {
        %dma_wait3A_358 = arith.constant 0 : i32
        %dma_wait3A_359 = arith.constant 0 : i32
        %dma_wait3A_360 = arith.constant 0 : i32
        %dma_wait3A_361 = tpu.memref_slice %arg3[%arg0, %dma_wait3A_358, %dma_wait3A_359, %dma_wait3A_360] : memref<2x16x160x128xi32, #tpu.memory_space<hbm>> -> memref<1x16x160x128xi32, #tpu.memory_space<hbm>>
        %dma_wait3A_362 = tpu.memref_squeeze %dma_wait3A_361 : memref<1x16x160x128xi32, #tpu.memory_space<hbm>> -> memref<16x160x128xi32, #tpu.memory_space<hbm>>
        %dma_wait3A_363 = arith.constant 0 : i32
        %dma_wait3A_364 = arith.constant 0 : i32
        %dma_wait3A_365 = tpu.memref_slice %dma_wait3A_362[%arg1, %dma_wait3A_363, %dma_wait3A_364] : memref<16x160x128xi32, #tpu.memory_space<hbm>> -> memref<1x160x128xi32, #tpu.memory_space<hbm>>
        %dma_wait3A_366 = tpu.memref_squeeze %dma_wait3A_365 : memref<1x160x128xi32, #tpu.memory_space<hbm>> -> memref<160x128xi32, #tpu.memory_space<hbm>>
        %dma_wait3A_367 = arith.constant 0 : i32
        %dma_wait3A_368 = arith.constant 0 : i32
        %dma_wait3A_369 = tpu.memref_slice %dma_wait3A_366[%dma_wait3A_367, %dma_wait3A_368] : memref<160x128xi32, #tpu.memory_space<hbm>> -> memref<4x128xi32, #tpu.memory_space<hbm>>
        %dma_wait3A_370 = arith.constant 0 : i32
        %dma_wait3A_371 = arith.constant 0 : i32
        %dma_wait3A_372 = arith.constant 0 : i32
        %dma_wait3A_373 = tpu.memref_slice %arg3[%arg0, %dma_wait3A_370, %dma_wait3A_371, %dma_wait3A_372] : memref<2x16x160x128xi32, #tpu.memory_space<hbm>> -> memref<1x16x160x128xi32, #tpu.memory_space<hbm>>
        %dma_wait3A_374 = tpu.memref_squeeze %dma_wait3A_373 : memref<1x16x160x128xi32, #tpu.memory_space<hbm>> -> memref<16x160x128xi32, #tpu.memory_space<hbm>>
        %dma_wait3A_375 = arith.constant 0 : i32
        %dma_wait3A_376 = arith.constant 0 : i32
        %dma_wait3A_377 = tpu.memref_slice %dma_wait3A_374[%arg1, %dma_wait3A_375, %dma_wait3A_376] : memref<16x160x128xi32, #tpu.memory_space<hbm>> -> memref<1x160x128xi32, #tpu.memory_space<hbm>>
        %dma_wait3A_378 = tpu.memref_squeeze %dma_wait3A_377 : memref<1x160x128xi32, #tpu.memory_space<hbm>> -> memref<160x128xi32, #tpu.memory_space<hbm>>
        %dma_wait3A_379 = arith.constant 0 : i32
        %dma_wait3A_380 = arith.constant 0 : i32
        %dma_wait3A_381 = tpu.memref_slice %dma_wait3A_378[%dma_wait3A_379, %dma_wait3A_380] : memref<160x128xi32, #tpu.memory_space<hbm>> -> memref<4x128xi32, #tpu.memory_space<hbm>>
        tpu.wait_dma2 semaphore(%arg20 : memref<!tpu.dma_semaphore, #tpu.memory_space<semaphore_mem>>) src(%dma_wait3A_381 : memref<4x128xi32, #tpu.memory_space<hbm>>) dst(%arg7 : memref<4x128xi32, #tpu.memory_space<vmem>>)
      } else {
      }
      %dma_wait3A_240 = arith.constant 0 : i32
      %dma_wait3A_241 = arith.constant 0 : i32
      %dma_wait3A_242 = tpu.memref_slice %arg8[%dma_wait3A_240, %dma_wait3A_241] : memref<4x128xi32, #tpu.memory_space<vmem>> -> memref<1x128xi32, #tpu.memory_space<vmem>>
      %dma_wait3A_243 = tpu.memref_squeeze %dma_wait3A_242 : memref<1x128xi32, #tpu.memory_space<vmem>> -> memref<128xi32, #tpu.memory_space<vmem>>
      %dma_wait3A_244 = arith.constant 0 : i32
      %dma_wait3A_245 = arith.constant 0 : i32
      %dma_wait3A_246 = tpu.memref_slice %arg2[%dma_wait3A_244, %dma_wait3A_245] : memref<20224x64xf32, #tpu.memory_space<hbm>> -> memref<20224x64xf32, #tpu.memory_space<hbm>>
      tpu.wait_indirect_dma semaphore(%arg28 : memref<!tpu.dma_semaphore, #tpu.memory_space<semaphore_mem>>) src(%dma_wait3A_246 : memref<20224x64xf32, #tpu.memory_space<hbm>>) dst(%arg15 : memref<128x64xf32, #tpu.memory_space<vmem>>)
      %dma_start3A_247 = arith.constant 0 : i32
      %dma_start3A_248 = arith.constant 0 : i32
      %dma_start3A_249 = tpu.memref_slice %arg10[%dma_start3A_247, %dma_start3A_248] : memref<4x128xi32, #tpu.memory_space<vmem>> -> memref<1x128xi32, #tpu.memory_space<vmem>>
      %dma_start3A_250 = tpu.memref_squeeze %dma_start3A_249 : memref<1x128xi32, #tpu.memory_space<vmem>> -> memref<128xi32, #tpu.memory_space<vmem>>
      %dma_start3A_251 = arith.constant 0 : i32
      %dma_start3A_252 = arith.constant 0 : i32
      %dma_start3A_253 = tpu.memref_slice %arg19[%dma_start3A_251, %dma_start3A_252] : memref<10112x64xf32, #tpu.memory_space<vmem_shared>> -> memref<10112x64xf32, #tpu.memory_space<vmem_shared>>
      tpu.enqueue_indirect_dma source(%arg15 : memref<128x64xf32, #tpu.memory_space<vmem>>) target(%dma_start3A_253 : memref<10112x64xf32, #tpu.memory_space<vmem_shared>>) offsets(%dma_start3A_250 : memref<128xi32, #tpu.memory_space<vmem>>) semaphore(%arg36 : memref<!tpu.dma_semaphore, #tpu.memory_space<semaphore_mem>>) {add = true}
      %ge3A_254 = arith.constant 1 : i32
      %ge3A_255 = arith.cmpi sge, %add3A_227, %ge3A_254 : i32
      %convert_element_type3A_256 = arith.extui %ge3A_255 : i1 to i32
      %cond3A_257 = arith.constant 0 : i32
      %cond3A_258 = arith.cmpi ne, %convert_element_type3A_256, %cond3A_257 : i32
      scf.if %cond3A_258 {
        %dma_wait3A_358 = arith.constant 0 : i32
        %dma_wait3A_359 = arith.constant 0 : i32
        %dma_wait3A_360 = tpu.memref_slice %arg10[%dma_wait3A_358, %dma_wait3A_359] : memref<4x128xi32, #tpu.memory_space<vmem>> -> memref<1x128xi32, #tpu.memory_space<vmem>>
        %dma_wait3A_361 = tpu.memref_squeeze %dma_wait3A_360 : memref<1x128xi32, #tpu.memory_space<vmem>> -> memref<128xi32, #tpu.memory_space<vmem>>
        %dma_wait3A_362 = arith.constant 0 : i32
        %dma_wait3A_363 = arith.constant 0 : i32
        %dma_wait3A_364 = tpu.memref_slice %arg19[%dma_wait3A_362, %dma_wait3A_363] : memref<10112x64xf32, #tpu.memory_space<vmem_shared>> -> memref<10112x64xf32, #tpu.memory_space<vmem_shared>>
        tpu.wait_indirect_dma semaphore(%arg32 : memref<!tpu.dma_semaphore, #tpu.memory_space<semaphore_mem>>) src(%arg11 : memref<128x64xf32, #tpu.memory_space<vmem>>) dst(%dma_wait3A_364 : memref<10112x64xf32, #tpu.memory_space<vmem_shared>>)
      } else {
      }
      %add3A_259 = arith.constant 1 : i32
      %add3A_260 = arith.addi %add3A_227, %add3A_259 : i32
      %lt3A_261 = arith.constant 40 : i32
      %lt3A_262 = arith.cmpi slt, %add3A_260, %lt3A_261 : i32
      %convert_element_type3A_263 = arith.extui %lt3A_262 : i1 to i32
      %cond3A_264 = arith.constant 0 : i32
      %cond3A_265 = arith.cmpi ne, %convert_element_type3A_263, %cond3A_264 : i32
      scf.if %cond3A_265 {
        %dma_start3A_358 = arith.constant 0 : i32
        %dma_start3A_359 = arith.constant 0 : i32
        %dma_start3A_360 = tpu.memref_slice %arg7[%dma_start3A_358, %dma_start3A_359] : memref<4x128xi32, #tpu.memory_space<vmem>> -> memref<1x128xi32, #tpu.memory_space<vmem>>
        %dma_start3A_361 = tpu.memref_squeeze %dma_start3A_360 : memref<1x128xi32, #tpu.memory_space<vmem>> -> memref<128xi32, #tpu.memory_space<vmem>>
        %dma_start3A_362 = arith.constant 0 : i32
        %dma_start3A_363 = arith.constant 0 : i32
        %dma_start3A_364 = tpu.memref_slice %arg2[%dma_start3A_362, %dma_start3A_363] : memref<20224x64xf32, #tpu.memory_space<hbm>> -> memref<20224x64xf32, #tpu.memory_space<hbm>>
        tpu.enqueue_indirect_dma source(%dma_start3A_364 : memref<20224x64xf32, #tpu.memory_space<hbm>>) target(%arg11 : memref<128x64xf32, #tpu.memory_space<vmem>>) offsets(%dma_start3A_361 : memref<128xi32, #tpu.memory_space<vmem>>) semaphore(%arg24 : memref<!tpu.dma_semaphore, #tpu.memory_space<semaphore_mem>>)
      } else {
      }
      %dma_wait3A_266 = arith.constant 1 : i32
      %dma_wait3A_267 = arith.constant 0 : i32
      %dma_wait3A_268 = tpu.memref_slice %arg8[%dma_wait3A_266, %dma_wait3A_267] : memref<4x128xi32, #tpu.memory_space<vmem>> -> memref<1x128xi32, #tpu.memory_space<vmem>>
      %dma_wait3A_269 = tpu.memref_squeeze %dma_wait3A_268 : memref<1x128xi32, #tpu.memory_space<vmem>> -> memref<128xi32, #tpu.memory_space<vmem>>
      %dma_wait3A_270 = arith.constant 0 : i32
      %dma_wait3A_271 = arith.constant 0 : i32
      %dma_wait3A_272 = tpu.memref_slice %arg2[%dma_wait3A_270, %dma_wait3A_271] : memref<20224x64xf32, #tpu.memory_space<hbm>> -> memref<20224x64xf32, #tpu.memory_space<hbm>>
      tpu.wait_indirect_dma semaphore(%arg29 : memref<!tpu.dma_semaphore, #tpu.memory_space<semaphore_mem>>) src(%dma_wait3A_272 : memref<20224x64xf32, #tpu.memory_space<hbm>>) dst(%arg16 : memref<128x64xf32, #tpu.memory_space<vmem>>)
      %dma_start3A_273 = arith.constant 1 : i32
      %dma_start3A_274 = arith.constant 0 : i32
      %dma_start3A_275 = tpu.memref_slice %arg10[%dma_start3A_273, %dma_start3A_274] : memref<4x128xi32, #tpu.memory_space<vmem>> -> memref<1x128xi32, #tpu.memory_space<vmem>>
      %dma_start3A_276 = tpu.memref_squeeze %dma_start3A_275 : memref<1x128xi32, #tpu.memory_space<vmem>> -> memref<128xi32, #tpu.memory_space<vmem>>
      %dma_start3A_277 = arith.constant 0 : i32
      %dma_start3A_278 = arith.constant 0 : i32
      %dma_start3A_279 = tpu.memref_slice %arg19[%dma_start3A_277, %dma_start3A_278] : memref<10112x64xf32, #tpu.memory_space<vmem_shared>> -> memref<10112x64xf32, #tpu.memory_space<vmem_shared>>
      tpu.enqueue_indirect_dma source(%arg16 : memref<128x64xf32, #tpu.memory_space<vmem>>) target(%dma_start3A_279 : memref<10112x64xf32, #tpu.memory_space<vmem_shared>>) offsets(%dma_start3A_276 : memref<128xi32, #tpu.memory_space<vmem>>) semaphore(%arg37 : memref<!tpu.dma_semaphore, #tpu.memory_space<semaphore_mem>>) {add = true}
      %ge3A_280 = arith.constant 1 : i32
      %ge3A_281 = arith.cmpi sge, %add3A_227, %ge3A_280 : i32
      %convert_element_type3A_282 = arith.extui %ge3A_281 : i1 to i32
      %cond3A_283 = arith.constant 0 : i32
      %cond3A_284 = arith.cmpi ne, %convert_element_type3A_282, %cond3A_283 : i32
      scf.if %cond3A_284 {
        %dma_wait3A_358 = arith.constant 0 : i32
        %dma_wait3A_359 = arith.constant 0 : i32
        %dma_wait3A_360 = tpu.memref_slice %arg10[%dma_wait3A_358, %dma_wait3A_359] : memref<4x128xi32, #tpu.memory_space<vmem>> -> memref<1x128xi32, #tpu.memory_space<vmem>>
        %dma_wait3A_361 = tpu.memref_squeeze %dma_wait3A_360 : memref<1x128xi32, #tpu.memory_space<vmem>> -> memref<128xi32, #tpu.memory_space<vmem>>
        %dma_wait3A_362 = arith.constant 0 : i32
        %dma_wait3A_363 = arith.constant 0 : i32
        %dma_wait3A_364 = tpu.memref_slice %arg19[%dma_wait3A_362, %dma_wait3A_363] : memref<10112x64xf32, #tpu.memory_space<vmem_shared>> -> memref<10112x64xf32, #tpu.memory_space<vmem_shared>>
        tpu.wait_indirect_dma semaphore(%arg33 : memref<!tpu.dma_semaphore, #tpu.memory_space<semaphore_mem>>) src(%arg12 : memref<128x64xf32, #tpu.memory_space<vmem>>) dst(%dma_wait3A_364 : memref<10112x64xf32, #tpu.memory_space<vmem_shared>>)
      } else {
      }
      %add3A_285 = arith.constant 1 : i32
      %add3A_286 = arith.addi %add3A_227, %add3A_285 : i32
      %lt3A_287 = arith.constant 40 : i32
      %lt3A_288 = arith.cmpi slt, %add3A_286, %lt3A_287 : i32
      %convert_element_type3A_289 = arith.extui %lt3A_288 : i1 to i32
      %cond3A_290 = arith.constant 0 : i32
      %cond3A_291 = arith.cmpi ne, %convert_element_type3A_289, %cond3A_290 : i32
      scf.if %cond3A_291 {
        %dma_start3A_358 = arith.constant 1 : i32
        %dma_start3A_359 = arith.constant 0 : i32
        %dma_start3A_360 = tpu.memref_slice %arg7[%dma_start3A_358, %dma_start3A_359] : memref<4x128xi32, #tpu.memory_space<vmem>> -> memref<1x128xi32, #tpu.memory_space<vmem>>
        %dma_start3A_361 = tpu.memref_squeeze %dma_start3A_360 : memref<1x128xi32, #tpu.memory_space<vmem>> -> memref<128xi32, #tpu.memory_space<vmem>>
        %dma_start3A_362 = arith.constant 0 : i32
        %dma_start3A_363 = arith.constant 0 : i32
        %dma_start3A_364 = tpu.memref_slice %arg2[%dma_start3A_362, %dma_start3A_363] : memref<20224x64xf32, #tpu.memory_space<hbm>> -> memref<20224x64xf32, #tpu.memory_space<hbm>>
        tpu.enqueue_indirect_dma source(%dma_start3A_364 : memref<20224x64xf32, #tpu.memory_space<hbm>>) target(%arg12 : memref<128x64xf32, #tpu.memory_space<vmem>>) offsets(%dma_start3A_361 : memref<128xi32, #tpu.memory_space<vmem>>) semaphore(%arg25 : memref<!tpu.dma_semaphore, #tpu.memory_space<semaphore_mem>>)
      } else {
      }
      %dma_wait3A_292 = arith.constant 2 : i32
      %dma_wait3A_293 = arith.constant 0 : i32
      %dma_wait3A_294 = tpu.memref_slice %arg8[%dma_wait3A_292, %dma_wait3A_293] : memref<4x128xi32, #tpu.memory_space<vmem>> -> memref<1x128xi32, #tpu.memory_space<vmem>>
      %dma_wait3A_295 = tpu.memref_squeeze %dma_wait3A_294 : memref<1x128xi32, #tpu.memory_space<vmem>> -> memref<128xi32, #tpu.memory_space<vmem>>
      %dma_wait3A_296 = arith.constant 0 : i32
      %dma_wait3A_297 = arith.constant 0 : i32
      %dma_wait3A_298 = tpu.memref_slice %arg2[%dma_wait3A_296, %dma_wait3A_297] : memref<20224x64xf32, #tpu.memory_space<hbm>> -> memref<20224x64xf32, #tpu.memory_space<hbm>>
      tpu.wait_indirect_dma semaphore(%arg30 : memref<!tpu.dma_semaphore, #tpu.memory_space<semaphore_mem>>) src(%dma_wait3A_298 : memref<20224x64xf32, #tpu.memory_space<hbm>>) dst(%arg17 : memref<128x64xf32, #tpu.memory_space<vmem>>)
      %dma_start3A_299 = arith.constant 2 : i32
      %dma_start3A_300 = arith.constant 0 : i32
      %dma_start3A_301 = tpu.memref_slice %arg10[%dma_start3A_299, %dma_start3A_300] : memref<4x128xi32, #tpu.memory_space<vmem>> -> memref<1x128xi32, #tpu.memory_space<vmem>>
      %dma_start3A_302 = tpu.memref_squeeze %dma_start3A_301 : memref<1x128xi32, #tpu.memory_space<vmem>> -> memref<128xi32, #tpu.memory_space<vmem>>
      %dma_start3A_303 = arith.constant 0 : i32
      %dma_start3A_304 = arith.constant 0 : i32
      %dma_start3A_305 = tpu.memref_slice %arg19[%dma_start3A_303, %dma_start3A_304] : memref<10112x64xf32, #tpu.memory_space<vmem_shared>> -> memref<10112x64xf32, #tpu.memory_space<vmem_shared>>
      tpu.enqueue_indirect_dma source(%arg17 : memref<128x64xf32, #tpu.memory_space<vmem>>) target(%dma_start3A_305 : memref<10112x64xf32, #tpu.memory_space<vmem_shared>>) offsets(%dma_start3A_302 : memref<128xi32, #tpu.memory_space<vmem>>) semaphore(%arg38 : memref<!tpu.dma_semaphore, #tpu.memory_space<semaphore_mem>>) {add = true}
      %ge3A_306 = arith.constant 1 : i32
      %ge3A_307 = arith.cmpi sge, %add3A_227, %ge3A_306 : i32
      %convert_element_type3A_308 = arith.extui %ge3A_307 : i1 to i32
      %cond3A_309 = arith.constant 0 : i32
      %cond3A_310 = arith.cmpi ne, %convert_element_type3A_308, %cond3A_309 : i32
      scf.if %cond3A_310 {
        %dma_wait3A_358 = arith.constant 0 : i32
        %dma_wait3A_359 = arith.constant 0 : i32
        %dma_wait3A_360 = tpu.memref_slice %arg10[%dma_wait3A_358, %dma_wait3A_359] : memref<4x128xi32, #tpu.memory_space<vmem>> -> memref<1x128xi32, #tpu.memory_space<vmem>>
        %dma_wait3A_361 = tpu.memref_squeeze %dma_wait3A_360 : memref<1x128xi32, #tpu.memory_space<vmem>> -> memref<128xi32, #tpu.memory_space<vmem>>
        %dma_wait3A_362 = arith.constant 0 : i32
        %dma_wait3A_363 = arith.constant 0 : i32
        %dma_wait3A_364 = tpu.memref_slice %arg19[%dma_wait3A_362, %dma_wait3A_363] : memref<10112x64xf32, #tpu.memory_space<vmem_shared>> -> memref<10112x64xf32, #tpu.memory_space<vmem_shared>>
        tpu.wait_indirect_dma semaphore(%arg34 : memref<!tpu.dma_semaphore, #tpu.memory_space<semaphore_mem>>) src(%arg13 : memref<128x64xf32, #tpu.memory_space<vmem>>) dst(%dma_wait3A_364 : memref<10112x64xf32, #tpu.memory_space<vmem_shared>>)
      } else {
      }
      %add3A_311 = arith.constant 1 : i32
      %add3A_312 = arith.addi %add3A_227, %add3A_311 : i32
      %lt3A_313 = arith.constant 40 : i32
      %lt3A_314 = arith.cmpi slt, %add3A_312, %lt3A_313 : i32
      %convert_element_type3A_315 = arith.extui %lt3A_314 : i1 to i32
      %cond3A_316 = arith.constant 0 : i32
      %cond3A_317 = arith.cmpi ne, %convert_element_type3A_315, %cond3A_316 : i32
      scf.if %cond3A_317 {
        %dma_start3A_358 = arith.constant 2 : i32
        %dma_start3A_359 = arith.constant 0 : i32
        %dma_start3A_360 = tpu.memref_slice %arg7[%dma_start3A_358, %dma_start3A_359] : memref<4x128xi32, #tpu.memory_space<vmem>> -> memref<1x128xi32, #tpu.memory_space<vmem>>
        %dma_start3A_361 = tpu.memref_squeeze %dma_start3A_360 : memref<1x128xi32, #tpu.memory_space<vmem>> -> memref<128xi32, #tpu.memory_space<vmem>>
        %dma_start3A_362 = arith.constant 0 : i32
        %dma_start3A_363 = arith.constant 0 : i32
        %dma_start3A_364 = tpu.memref_slice %arg2[%dma_start3A_362, %dma_start3A_363] : memref<20224x64xf32, #tpu.memory_space<hbm>> -> memref<20224x64xf32, #tpu.memory_space<hbm>>
        tpu.enqueue_indirect_dma source(%dma_start3A_364 : memref<20224x64xf32, #tpu.memory_space<hbm>>) target(%arg13 : memref<128x64xf32, #tpu.memory_space<vmem>>) offsets(%dma_start3A_361 : memref<128xi32, #tpu.memory_space<vmem>>) semaphore(%arg26 : memref<!tpu.dma_semaphore, #tpu.memory_space<semaphore_mem>>)
      } else {
      }
      %dma_wait3A_318 = arith.constant 3 : i32
      %dma_wait3A_319 = arith.constant 0 : i32
      %dma_wait3A_320 = tpu.memref_slice %arg8[%dma_wait3A_318, %dma_wait3A_319] : memref<4x128xi32, #tpu.memory_space<vmem>> -> memref<1x128xi32, #tpu.memory_space<vmem>>
      %dma_wait3A_321 = tpu.memref_squeeze %dma_wait3A_320 : memref<1x128xi32, #tpu.memory_space<vmem>> -> memref<128xi32, #tpu.memory_space<vmem>>
      %dma_wait3A_322 = arith.constant 0 : i32
      %dma_wait3A_323 = arith.constant 0 : i32
      %dma_wait3A_324 = tpu.memref_slice %arg2[%dma_wait3A_322, %dma_wait3A_323] : memref<20224x64xf32, #tpu.memory_space<hbm>> -> memref<20224x64xf32, #tpu.memory_space<hbm>>
      tpu.wait_indirect_dma semaphore(%arg31 : memref<!tpu.dma_semaphore, #tpu.memory_space<semaphore_mem>>) src(%dma_wait3A_324 : memref<20224x64xf32, #tpu.memory_space<hbm>>) dst(%arg18 : memref<128x64xf32, #tpu.memory_space<vmem>>)
      %dma_start3A_325 = arith.constant 3 : i32
      %dma_start3A_326 = arith.constant 0 : i32
      %dma_start3A_327 = tpu.memref_slice %arg10[%dma_start3A_325, %dma_start3A_326] : memref<4x128xi32, #tpu.memory_space<vmem>> -> memref<1x128xi32, #tpu.memory_space<vmem>>
      %dma_start3A_328 = tpu.memref_squeeze %dma_start3A_327 : memref<1x128xi32, #tpu.memory_space<vmem>> -> memref<128xi32, #tpu.memory_space<vmem>>
      %dma_start3A_329 = arith.constant 0 : i32
      %dma_start3A_330 = arith.constant 0 : i32
      %dma_start3A_331 = tpu.memref_slice %arg19[%dma_start3A_329, %dma_start3A_330] : memref<10112x64xf32, #tpu.memory_space<vmem_shared>> -> memref<10112x64xf32, #tpu.memory_space<vmem_shared>>
      tpu.enqueue_indirect_dma source(%arg18 : memref<128x64xf32, #tpu.memory_space<vmem>>) target(%dma_start3A_331 : memref<10112x64xf32, #tpu.memory_space<vmem_shared>>) offsets(%dma_start3A_328 : memref<128xi32, #tpu.memory_space<vmem>>) semaphore(%arg39 : memref<!tpu.dma_semaphore, #tpu.memory_space<semaphore_mem>>) {add = true}
      %ge3A_332 = arith.constant 1 : i32
      %ge3A_333 = arith.cmpi sge, %add3A_227, %ge3A_332 : i32
      %convert_element_type3A_334 = arith.extui %ge3A_333 : i1 to i32
      %cond3A_335 = arith.constant 0 : i32
      %cond3A_336 = arith.cmpi ne, %convert_element_type3A_334, %cond3A_335 : i32
      scf.if %cond3A_336 {
        %dma_wait3A_358 = arith.constant 0 : i32
        %dma_wait3A_359 = arith.constant 0 : i32
        %dma_wait3A_360 = tpu.memref_slice %arg10[%dma_wait3A_358, %dma_wait3A_359] : memref<4x128xi32, #tpu.memory_space<vmem>> -> memref<1x128xi32, #tpu.memory_space<vmem>>
        %dma_wait3A_361 = tpu.memref_squeeze %dma_wait3A_360 : memref<1x128xi32, #tpu.memory_space<vmem>> -> memref<128xi32, #tpu.memory_space<vmem>>
        %dma_wait3A_362 = arith.constant 0 : i32
        %dma_wait3A_363 = arith.constant 0 : i32
        %dma_wait3A_364 = tpu.memref_slice %arg19[%dma_wait3A_362, %dma_wait3A_363] : memref<10112x64xf32, #tpu.memory_space<vmem_shared>> -> memref<10112x64xf32, #tpu.memory_space<vmem_shared>>
        tpu.wait_indirect_dma semaphore(%arg35 : memref<!tpu.dma_semaphore, #tpu.memory_space<semaphore_mem>>) src(%arg14 : memref<128x64xf32, #tpu.memory_space<vmem>>) dst(%dma_wait3A_364 : memref<10112x64xf32, #tpu.memory_space<vmem_shared>>)
      } else {
      }
      %add3A_337 = arith.constant 1 : i32
      %add3A_338 = arith.addi %add3A_227, %add3A_337 : i32
      %lt3A_339 = arith.constant 40 : i32
      %lt3A_340 = arith.cmpi slt, %add3A_338, %lt3A_339 : i32
      %convert_element_type3A_341 = arith.extui %lt3A_340 : i1 to i32
      %cond3A_342 = arith.constant 0 : i32
      %cond3A_343 = arith.cmpi ne, %convert_element_type3A_341, %cond3A_342 : i32
      scf.if %cond3A_343 {
        %dma_start3A_358 = arith.constant 3 : i32
        %dma_start3A_359 = arith.constant 0 : i32
        %dma_start3A_360 = tpu.memref_slice %arg7[%dma_start3A_358, %dma_start3A_359] : memref<4x128xi32, #tpu.memory_space<vmem>> -> memref<1x128xi32, #tpu.memory_space<vmem>>
        %dma_start3A_361 = tpu.memref_squeeze %dma_start3A_360 : memref<1x128xi32, #tpu.memory_space<vmem>> -> memref<128xi32, #tpu.memory_space<vmem>>
        %dma_start3A_362 = arith.constant 0 : i32
        %dma_start3A_363 = arith.constant 0 : i32
        %dma_start3A_364 = tpu.memref_slice %arg2[%dma_start3A_362, %dma_start3A_363] : memref<20224x64xf32, #tpu.memory_space<hbm>> -> memref<20224x64xf32, #tpu.memory_space<hbm>>
        tpu.enqueue_indirect_dma source(%dma_start3A_364 : memref<20224x64xf32, #tpu.memory_space<hbm>>) target(%arg14 : memref<128x64xf32, #tpu.memory_space<vmem>>) offsets(%dma_start3A_361 : memref<128xi32, #tpu.memory_space<vmem>>) semaphore(%arg27 : memref<!tpu.dma_semaphore, #tpu.memory_space<semaphore_mem>>)
      } else {
      }
      %add3A_344 = arith.constant 2 : i32
      %add3A_345 = arith.addi %add3A_227, %add3A_344 : i32
      %lt3A_346 = arith.constant 40 : i32
      %lt3A_347 = arith.cmpi slt, %add3A_345, %lt3A_346 : i32
      %convert_element_type3A_348 = arith.extui %lt3A_347 : i1 to i32
      %cond3A_349 = arith.constant 0 : i32
      %cond3A_350 = arith.cmpi ne, %convert_element_type3A_348, %cond3A_349 : i32
      scf.if %cond3A_350 {
        %add3A_358 = arith.constant 2 : i32
        %add3A_359 = arith.addi %add3A_227, %add3A_358 : i32
        %mul3A_360 = arith.constant 4 : i32
        %mul3A_361 = arith.muli %add3A_359, %mul3A_360 : i32
        %dma_start3A_362 = arith.constant 0 : i32
        %dma_start3A_363 = arith.constant 0 : i32
        %dma_start3A_364 = arith.constant 0 : i32
        %dma_start3A_365 = tpu.memref_slice %arg3[%arg0, %dma_start3A_362, %dma_start3A_363, %dma_start3A_364] : memref<2x16x160x128xi32, #tpu.memory_space<hbm>> -> memref<1x16x160x128xi32, #tpu.memory_space<hbm>>
        %dma_start3A_366 = tpu.memref_squeeze %dma_start3A_365 : memref<1x16x160x128xi32, #tpu.memory_space<hbm>> -> memref<16x160x128xi32, #tpu.memory_space<hbm>>
        %dma_start3A_367 = arith.constant 0 : i32
        %dma_start3A_368 = arith.constant 0 : i32
        %dma_start3A_369 = tpu.memref_slice %dma_start3A_366[%arg1, %dma_start3A_367, %dma_start3A_368] : memref<16x160x128xi32, #tpu.memory_space<hbm>> -> memref<1x160x128xi32, #tpu.memory_space<hbm>>
        %dma_start3A_370 = tpu.memref_squeeze %dma_start3A_369 : memref<1x160x128xi32, #tpu.memory_space<hbm>> -> memref<160x128xi32, #tpu.memory_space<hbm>>
        %dma_start3A_371 = arith.constant 0 : i32
        %dma_start3A_372 = tpu.memref_slice %dma_start3A_370[%mul3A_361, %dma_start3A_371] : memref<160x128xi32, #tpu.memory_space<hbm>> -> memref<4x128xi32, #tpu.memory_space<hbm>>
        %dma_start3A_373 = arith.constant 0 : i32
        %dma_start3A_374 = arith.constant 0 : i32
        %dma_start3A_375 = arith.constant 0 : i32
        %dma_start3A_376 = tpu.memref_slice %arg3[%arg0, %dma_start3A_373, %dma_start3A_374, %dma_start3A_375] : memref<2x16x160x128xi32, #tpu.memory_space<hbm>> -> memref<1x16x160x128xi32, #tpu.memory_space<hbm>>
        %dma_start3A_377 = tpu.memref_squeeze %dma_start3A_376 : memref<1x16x160x128xi32, #tpu.memory_space<hbm>> -> memref<16x160x128xi32, #tpu.memory_space<hbm>>
        %dma_start3A_378 = arith.constant 0 : i32
        %dma_start3A_379 = arith.constant 0 : i32
        %dma_start3A_380 = tpu.memref_slice %dma_start3A_377[%arg1, %dma_start3A_378, %dma_start3A_379] : memref<16x160x128xi32, #tpu.memory_space<hbm>> -> memref<1x160x128xi32, #tpu.memory_space<hbm>>
        %dma_start3A_381 = tpu.memref_squeeze %dma_start3A_380 : memref<1x160x128xi32, #tpu.memory_space<hbm>> -> memref<160x128xi32, #tpu.memory_space<hbm>>
        %dma_start3A_382 = arith.constant 0 : i32
        %dma_start3A_383 = tpu.memref_slice %dma_start3A_381[%mul3A_361, %dma_start3A_382] : memref<160x128xi32, #tpu.memory_space<hbm>> -> memref<4x128xi32, #tpu.memory_space<hbm>>
        tpu.enqueue_dma source(%dma_start3A_383 : memref<4x128xi32, #tpu.memory_space<hbm>>) target(%arg8 : memref<4x128xi32, #tpu.memory_space<vmem>>) target_semaphore(%arg21 : memref<!tpu.dma_semaphore, #tpu.memory_space<semaphore_mem>>)
      } else {
      }
      %add3A_351 = arith.constant 1 : i32
      %add3A_352 = arith.addi %add3A_227, %add3A_351 : i32
      %lt3A_353 = arith.constant 40 : i32
      %lt3A_354 = arith.cmpi slt, %add3A_352, %lt3A_353 : i32
      %convert_element_type3A_355 = arith.extui %lt3A_354 : i1 to i32
      %cond3A_356 = arith.constant 0 : i32
      %cond3A_357 = arith.cmpi ne, %convert_element_type3A_355, %cond3A_356 : i32
      scf.if %cond3A_357 {
        %add3A_358 = arith.constant 1 : i32
        %add3A_359 = arith.addi %add3A_227, %add3A_358 : i32
        %mul3A_360 = arith.constant 4 : i32
        %mul3A_361 = arith.muli %add3A_359, %mul3A_360 : i32
        %dma_start3A_362 = arith.constant 0 : i32
        %dma_start3A_363 = arith.constant 0 : i32
        %dma_start3A_364 = tpu.memref_slice %arg4[%arg1, %dma_start3A_362, %dma_start3A_363] : memref<16x160x128xi32, #tpu.memory_space<hbm>> -> memref<1x160x128xi32, #tpu.memory_space<hbm>>
        %dma_start3A_365 = tpu.memref_squeeze %dma_start3A_364 : memref<1x160x128xi32, #tpu.memory_space<hbm>> -> memref<160x128xi32, #tpu.memory_space<hbm>>
        %dma_start3A_366 = arith.constant 0 : i32
        %dma_start3A_367 = tpu.memref_slice %dma_start3A_365[%mul3A_361, %dma_start3A_366] : memref<160x128xi32, #tpu.memory_space<hbm>> -> memref<4x128xi32, #tpu.memory_space<hbm>>
        %dma_start3A_368 = arith.constant 0 : i32
        %dma_start3A_369 = arith.constant 0 : i32
        %dma_start3A_370 = tpu.memref_slice %arg4[%arg1, %dma_start3A_368, %dma_start3A_369] : memref<16x160x128xi32, #tpu.memory_space<hbm>> -> memref<1x160x128xi32, #tpu.memory_space<hbm>>
        %dma_start3A_371 = tpu.memref_squeeze %dma_start3A_370 : memref<1x160x128xi32, #tpu.memory_space<hbm>> -> memref<160x128xi32, #tpu.memory_space<hbm>>
        %dma_start3A_372 = arith.constant 0 : i32
        %dma_start3A_373 = tpu.memref_slice %dma_start3A_371[%mul3A_361, %dma_start3A_372] : memref<160x128xi32, #tpu.memory_space<hbm>> -> memref<4x128xi32, #tpu.memory_space<hbm>>
        tpu.enqueue_dma source(%dma_start3A_373 : memref<4x128xi32, #tpu.memory_space<hbm>>) target(%arg9 : memref<4x128xi32, #tpu.memory_space<vmem>>) target_semaphore(%arg22 : memref<!tpu.dma_semaphore, #tpu.memory_space<semaphore_mem>>)
      } else {
      }
    }
    %scan3A_58 = arith.constant 20 : i32
    %dma_wait3A = arith.constant 0 : i32
    %dma_wait3A_59 = arith.constant 0 : i32
    %dma_wait3A_60 = tpu.memref_slice %arg9[%dma_wait3A, %dma_wait3A_59] : memref<4x128xi32, #tpu.memory_space<vmem>> -> memref<1x128xi32, #tpu.memory_space<vmem>>
    %dma_wait3A_61 = tpu.memref_squeeze %dma_wait3A_60 : memref<1x128xi32, #tpu.memory_space<vmem>> -> memref<128xi32, #tpu.memory_space<vmem>>
    %dma_wait3A_62 = arith.constant 0 : i32
    %dma_wait3A_63 = arith.constant 0 : i32
    %dma_wait3A_64 = tpu.memref_slice %arg19[%dma_wait3A_62, %dma_wait3A_63] : memref<10112x64xf32, #tpu.memory_space<vmem_shared>> -> memref<10112x64xf32, #tpu.memory_space<vmem_shared>>
    tpu.wait_indirect_dma semaphore(%arg36 : memref<!tpu.dma_semaphore, #tpu.memory_space<semaphore_mem>>) src(%arg15 : memref<128x64xf32, #tpu.memory_space<vmem>>) dst(%dma_wait3A_64 : memref<10112x64xf32, #tpu.memory_space<vmem_shared>>)
    %dma_wait3A_65 = arith.constant 0 : i32
    %dma_wait3A_66 = arith.constant 0 : i32
    %dma_wait3A_67 = tpu.memref_slice %arg9[%dma_wait3A_65, %dma_wait3A_66] : memref<4x128xi32, #tpu.memory_space<vmem>> -> memref<1x128xi32, #tpu.memory_space<vmem>>
    %dma_wait3A_68 = tpu.memref_squeeze %dma_wait3A_67 : memref<1x128xi32, #tpu.memory_space<vmem>> -> memref<128xi32, #tpu.memory_space<vmem>>
    %dma_wait3A_69 = arith.constant 0 : i32
    %dma_wait3A_70 = arith.constant 0 : i32
    %dma_wait3A_71 = tpu.memref_slice %arg19[%dma_wait3A_69, %dma_wait3A_70] : memref<10112x64xf32, #tpu.memory_space<vmem_shared>> -> memref<10112x64xf32, #tpu.memory_space<vmem_shared>>
    tpu.wait_indirect_dma semaphore(%arg37 : memref<!tpu.dma_semaphore, #tpu.memory_space<semaphore_mem>>) src(%arg16 : memref<128x64xf32, #tpu.memory_space<vmem>>) dst(%dma_wait3A_71 : memref<10112x64xf32, #tpu.memory_space<vmem_shared>>)
    %dma_wait3A_72 = arith.constant 0 : i32
    %dma_wait3A_73 = arith.constant 0 : i32
    %dma_wait3A_74 = tpu.memref_slice %arg9[%dma_wait3A_72, %dma_wait3A_73] : memref<4x128xi32, #tpu.memory_space<vmem>> -> memref<1x128xi32, #tpu.memory_space<vmem>>
    %dma_wait3A_75 = tpu.memref_squeeze %dma_wait3A_74 : memref<1x128xi32, #tpu.memory_space<vmem>> -> memref<128xi32, #tpu.memory_space<vmem>>
    %dma_wait3A_76 = arith.constant 0 : i32
    %dma_wait3A_77 = arith.constant 0 : i32
    %dma_wait3A_78 = tpu.memref_slice %arg19[%dma_wait3A_76, %dma_wait3A_77] : memref<10112x64xf32, #tpu.memory_space<vmem_shared>> -> memref<10112x64xf32, #tpu.memory_space<vmem_shared>>
    tpu.wait_indirect_dma semaphore(%arg38 : memref<!tpu.dma_semaphore, #tpu.memory_space<semaphore_mem>>) src(%arg17 : memref<128x64xf32, #tpu.memory_space<vmem>>) dst(%dma_wait3A_78 : memref<10112x64xf32, #tpu.memory_space<vmem_shared>>)
    %dma_wait3A_79 = arith.constant 0 : i32
    %dma_wait3A_80 = arith.constant 0 : i32
    %dma_wait3A_81 = tpu.memref_slice %arg9[%dma_wait3A_79, %dma_wait3A_80] : memref<4x128xi32, #tpu.memory_space<vmem>> -> memref<1x128xi32, #tpu.memory_space<vmem>>
    %dma_wait3A_82 = tpu.memref_squeeze %dma_wait3A_81 : memref<1x128xi32, #tpu.memory_space<vmem>> -> memref<128xi32, #tpu.memory_space<vmem>>
    %dma_wait3A_83 = arith.constant 0 : i32
    %dma_wait3A_84 = arith.constant 0 : i32
    %dma_wait3A_85 = tpu.memref_slice %arg19[%dma_wait3A_83, %dma_wait3A_84] : memref<10112x64xf32, #tpu.memory_space<vmem_shared>> -> memref<10112x64xf32, #tpu.memory_space<vmem_shared>>
    tpu.wait_indirect_dma semaphore(%arg39 : memref<!tpu.dma_semaphore, #tpu.memory_space<semaphore_mem>>) src(%arg18 : memref<128x64xf32, #tpu.memory_space<vmem>>) dst(%dma_wait3A_85 : memref<10112x64xf32, #tpu.memory_space<vmem_shared>>)
    %barrier3A_86 = arith.constant 0 : index
    tpu.barrier barrier_id(%barrier3A_86)
    %mul3A_87 = arith.constant 632 : i32
    %mul3A_88 = arith.muli %arg1, %mul3A_87 : i32
    %mul3A_89 = arith.constant 10112 : i32
    %mul3A_90 = arith.muli %arg0, %mul3A_89 : i32
    %mul3A_91 = arith.constant 632 : i32
    %mul3A_92 = arith.muli %arg1, %mul3A_91 : i32
    %add3A = arith.addi %mul3A_90, %mul3A_92 : i32
    "tpu.region"() ({
      %run_scoped3A = tpu.sem_alloc : memref<!tpu.dma_semaphore, #tpu.memory_space<semaphore_mem>>
      %dma_start3A_93 = arith.constant 0 : i32
      %dma_start3A_94 = tpu.memref_slice %arg6[%add3A, %dma_start3A_93] : memref<20224x64xf32, #tpu.memory_space<hbm>> -> memref<632x64xf32, #tpu.memory_space<hbm>>
      %dma_start3A_95 = arith.constant 0 : i32
      %dma_start3A_96 = tpu.memref_slice %arg19[%mul3A_88, %dma_start3A_95] : memref<10112x64xf32, #tpu.memory_space<vmem_shared>> -> memref<632x64xf32, #tpu.memory_space<vmem_shared>>
      tpu.enqueue_dma source(%dma_start3A_96 : memref<632x64xf32, #tpu.memory_space<vmem_shared>>) target(%dma_start3A_94 : memref<632x64xf32, #tpu.memory_space<hbm>>) target_semaphore(%run_scoped3A : memref<!tpu.dma_semaphore, #tpu.memory_space<semaphore_mem>>)
      %dma_wait3A_97 = arith.constant 0 : i32
      %dma_wait3A_98 = tpu.memref_slice %arg6[%add3A, %dma_wait3A_97] : memref<20224x64xf32, #tpu.memory_space<hbm>> -> memref<632x64xf32, #tpu.memory_space<hbm>>
      %dma_wait3A_99 = arith.constant 0 : i32
      %dma_wait3A_100 = tpu.memref_slice %arg19[%mul3A_88, %dma_wait3A_99] : memref<10112x64xf32, #tpu.memory_space<vmem_shared>> -> memref<632x64xf32, #tpu.memory_space<vmem_shared>>
      tpu.wait_dma2 semaphore(%run_scoped3A : memref<!tpu.dma_semaphore, #tpu.memory_space<semaphore_mem>>) src(%dma_wait3A_100 : memref<632x64xf32, #tpu.memory_space<vmem_shared>>) dst(%dma_wait3A_98 : memref<632x64xf32, #tpu.memory_space<hbm>>)
      tpu.yield
    }) : () -> ()
    return
  }
}

module attributes {stable_mosaic.version = 14 : i64} {
  func.func @_tc_l1_body(%arg0: i32, %arg1: memref<632x128xf32, #tpu.memory_space<vmem>>, %arg2: memref<128x128xf32, #tpu.memory_space<vmem>>, %arg3: memref<632x16xf32, #tpu.memory_space<vmem>>, %arg4: memref<632x16xf32, #tpu.memory_space<vmem>>, %arg5: memref<632x128xf32, #tpu.memory_space<vmem>>) attributes {dimension_semantics = [#tpu.dimension_semantics<arbitrary>], iteration_bounds = array<i64: 16>, scalar_prefetch = 0 : i64, scratch_operands = 0 : i64, tpu.core_type = #tpu.core_type<tc>, window_params = [{transform_indices = @transform_0, window_bounds = array<i64: 632, 128>}, {pipeline_mode = #tpu.pipeline_mode<synchronous>, transform_indices = @transform_1, window_bounds = array<i64: 128, 128>}, {transform_indices = @transform_2, window_bounds = array<i64: 632, 16>}, {transform_indices = @transform_3, window_bounds = array<i64: 632, 16>}, {transform_indices = @transform_4, window_bounds = array<i64: 632, 128>}]} {
    %get3A = arith.constant 0 : index
    %get3A_0 = arith.constant 0 : index
    %get3A_1 = vector.load %arg3[%get3A, %get3A_0] : memref<632x16xf32, #tpu.memory_space<vmem>>, vector<632x16xf32>
    %slice3A = vector.extract_strided_slice %get3A_1 {offsets = [0, 0], sizes = [632, 1], strides = [1, 1]} : vector<632x16xf32> to vector<632x1xf32>
    %get3A_2 = arith.constant 0 : index
    %get3A_3 = arith.constant 0 : index
    %get3A_4 = vector.load %arg4[%get3A_2, %get3A_3] : memref<632x16xf32, #tpu.memory_space<vmem>>, vector<632x16xf32>
    %slice3A_5 = vector.extract_strided_slice %get3A_4 {offsets = [0, 0], sizes = [632, 1], strides = [1, 1]} : vector<632x16xf32> to vector<632x1xf32>
    %add3A = arith.addf %slice3A, %slice3A_5 : vector<632x1xf32>
    %add3A_6 = arith.constant 1.000000e+00 : f32
    %add3A_7 = vector.broadcast %add3A_6 : f32 to vector<632x1xf32>
    %add3A_8 = arith.addf %add3A, %add3A_7 : vector<632x1xf32>
    %rsqrt3A = math.rsqrt %add3A_8 : vector<632x1xf32>
    %get3A_9 = arith.constant 0 : index
    %get3A_10 = arith.constant 0 : index
    %get3A_11 = vector.load %arg1[%get3A_9, %get3A_10] : memref<632x128xf32, #tpu.memory_space<vmem>>, vector<632x128xf32>
    %get3A_12 = arith.constant 0 : index
    %get3A_13 = arith.constant 0 : index
    %get3A_14 = vector.load %arg2[%get3A_12, %get3A_13] : memref<128x128xf32, #tpu.memory_space<vmem>>, vector<128x128xf32>
    %dot_general3A = arith.constant dense<0.000000e+00> : vector<632x128xf32>
    %dot_general3A_15 = tpu.matmul %get3A_11, %get3A_14, %dot_general3A {dimension_numbers = #tpu.dot_dimension_numbers<[1], [0], [0], [1], [0, 0, 1, 1], [], []>, transpose_lhs_hint = false} : vector<632x128xf32>, vector<128x128xf32>, vector<632x128xf32> -> vector<632x128xf32>
    %mul3A = vector.broadcast %rsqrt3A : vector<632x1xf32> to vector<632x128xf32>
    %mul3A_16 = arith.mulf %mul3A, %dot_general3A_15 : vector<632x128xf32>
    %swap3A = arith.constant 0 : index
    %swap3A_17 = arith.constant 0 : index
    %swap3A_18 = vector.load %arg5[%swap3A, %swap3A_17] : memref<632x128xf32, #tpu.memory_space<vmem>>, vector<632x128xf32>
    tpu.vector_store %arg5[%swap3A, %swap3A_17], %mul3A_16 {strides = array<i32>} : memref<632x128xf32, #tpu.memory_space<vmem>>, vector<632x128xf32>,
    return
  }
  func.func @transform_0(%arg0: i32) -> (i32, i32) {
    %c0_i32 = arith.constant 0 : i32
    %c0_i32_0 = arith.constant 0 : i32
    return %arg0, %c0_i32 : i32, i32
  }
  func.func @transform_1(%arg0: i32) -> (i32, i32) {
    %c0_i32 = arith.constant 0 : i32
    %c0_i32_0 = arith.constant 0 : i32
    %c0_i32_1 = arith.constant 0 : i32
    return %c0_i32, %c0_i32_0 : i32, i32
  }
  func.func @transform_2(%arg0: i32) -> (i32, i32) {
    %c0_i32 = arith.constant 0 : i32
    %c0_i32_0 = arith.constant 0 : i32
    return %arg0, %c0_i32 : i32, i32
  }
  func.func @transform_3(%arg0: i32) -> (i32, i32) {
    %c0_i32 = arith.constant 0 : i32
    %c0_i32_0 = arith.constant 0 : i32
    return %arg0, %c0_i32 : i32, i32
  }
  func.func @transform_4(%arg0: i32) -> (i32, i32) {
    %c0_i32 = arith.constant 0 : i32
    %c0_i32_0 = arith.constant 0 : i32
    return %arg0, %c0_i32 : i32, i32
  }
}

module attributes {stable_mosaic.version = 14 : i64} {
  func.func @_tc_mid_body(%arg0: i32, %arg1: memref<632x64xf32, #tpu.memory_space<vmem>>, %arg2: memref<632x64xf32, #tpu.memory_space<vmem>>, %arg3: memref<632x128xf32, #tpu.memory_space<vmem>>, %arg4: memref<632x16xf32, #tpu.memory_space<vmem>>, %arg5: memref<632x16xf32, #tpu.memory_space<vmem>>, %arg6: memref<1x128xf32, #tpu.memory_space<vmem>>, %arg7: memref<128x128xf32, #tpu.memory_space<vmem>>, %arg8: memref<632x128xf32, #tpu.memory_space<vmem>>) attributes {dimension_semantics = [#tpu.dimension_semantics<arbitrary>], iteration_bounds = array<i64: 16>, scalar_prefetch = 0 : i64, scratch_operands = 0 : i64, tpu.core_type = #tpu.core_type<tc>, window_params = [{transform_indices = @transform_0, window_bounds = array<i64: 632, 64>}, {transform_indices = @transform_1, window_bounds = array<i64: 632, 64>}, {transform_indices = @transform_2, window_bounds = array<i64: 632, 128>}, {transform_indices = @transform_3, window_bounds = array<i64: 632, 16>}, {transform_indices = @transform_4, window_bounds = array<i64: 632, 16>}, {pipeline_mode = #tpu.pipeline_mode<synchronous>, transform_indices = @transform_5, window_bounds = array<i64: 1, 128>}, {pipeline_mode = #tpu.pipeline_mode<synchronous>, transform_indices = @transform_6, window_bounds = array<i64: 128, 128>}, {transform_indices = @transform_7, window_bounds = array<i64: 632, 128>}]} {
    %get3A = arith.constant 0 : index
    %get3A_0 = arith.constant 0 : index
    %get3A_1 = vector.load %arg4[%get3A, %get3A_0] : memref<632x16xf32, #tpu.memory_space<vmem>>, vector<632x16xf32>
    %slice3A = vector.extract_strided_slice %get3A_1 {offsets = [0, 0], sizes = [632, 1], strides = [1, 1]} : vector<632x16xf32> to vector<632x1xf32>
    %get3A_2 = arith.constant 0 : index
    %get3A_3 = arith.constant 0 : index
    %get3A_4 = vector.load %arg5[%get3A_2, %get3A_3] : memref<632x16xf32, #tpu.memory_space<vmem>>, vector<632x16xf32>
    %slice3A_5 = vector.extract_strided_slice %get3A_4 {offsets = [0, 0], sizes = [632, 1], strides = [1, 1]} : vector<632x16xf32> to vector<632x1xf32>
    %add3A = arith.addf %slice3A, %slice3A_5 : vector<632x1xf32>
    %add3A_6 = arith.constant 1.000000e+00 : f32
    %add3A_7 = vector.broadcast %add3A_6 : f32 to vector<632x1xf32>
    %add3A_8 = arith.addf %add3A, %add3A_7 : vector<632x1xf32>
    %rsqrt3A = math.rsqrt %add3A_8 : vector<632x1xf32>
    %get3A_9 = arith.constant 0 : index
    %get3A_10 = arith.constant 0 : index
    %get3A_11 = vector.load %arg1[%get3A_9, %get3A_10] : memref<632x64xf32, #tpu.memory_space<vmem>>, vector<632x64xf32>
    %get3A_12 = arith.constant 0 : index
    %get3A_13 = arith.constant 0 : index
    %get3A_14 = vector.load %arg2[%get3A_12, %get3A_13] : memref<632x64xf32, #tpu.memory_space<vmem>>, vector<632x64xf32>
    %concatenate3A = tpu.concatenate %get3A_11, %get3A_14 in 1 : vector<632x64xf32>, vector<632x64xf32> -> vector<632x128xf32>
    %get3A_15 = arith.constant 0 : index
    %get3A_16 = arith.constant 0 : index
    %get3A_17 = vector.load %arg3[%get3A_15, %get3A_16] : memref<632x128xf32, #tpu.memory_space<vmem>>, vector<632x128xf32>
    %add3A_18 = arith.addf %concatenate3A, %get3A_17 : vector<632x128xf32>
    %mul3A = vector.broadcast %rsqrt3A : vector<632x1xf32> to vector<632x128xf32>
    %mul3A_19 = arith.mulf %mul3A, %add3A_18 : vector<632x128xf32>
    %get3A_20 = arith.constant 0 : index
    %get3A_21 = arith.constant 0 : index
    %get3A_22 = vector.load %arg6[%get3A_20, %get3A_21] : memref<1x128xf32, #tpu.memory_space<vmem>>, vector<1x128xf32>
    %add3A_23 = vector.broadcast %get3A_22 : vector<1x128xf32> to vector<632x128xf32>
    %add3A_24 = arith.addf %mul3A_19, %add3A_23 : vector<632x128xf32>
    %logistic3A = arith.negf %add3A_24 : vector<632x128xf32>
    %logistic3A_25 = math.exp %logistic3A : vector<632x128xf32>
    %logistic3A_26 = arith.constant 1.000000e+00 : f32
    %logistic3A_27 = vector.broadcast %logistic3A_26 : f32 to vector<632x128xf32>
    %logistic3A_28 = arith.addf %logistic3A_27, %logistic3A_25 : vector<632x128xf32>
    %logistic3A_29 = arith.divf %logistic3A_27, %logistic3A_28 : vector<632x128xf32>
    %get3A_30 = arith.constant 0 : index
    %get3A_31 = arith.constant 0 : index
    %get3A_32 = vector.load %arg7[%get3A_30, %get3A_31] : memref<128x128xf32, #tpu.memory_space<vmem>>, vector<128x128xf32>
    %dot_general3A = arith.constant dense<0.000000e+00> : vector<632x128xf32>
    %dot_general3A_33 = tpu.matmul %logistic3A_29, %get3A_32, %dot_general3A {dimension_numbers = #tpu.dot_dimension_numbers<[1], [0], [0], [1], [0, 0, 1, 1], [], []>, transpose_lhs_hint = false} : vector<632x128xf32>, vector<128x128xf32>, vector<632x128xf32> -> vector<632x128xf32>
    %mul3A_34 = vector.broadcast %rsqrt3A : vector<632x1xf32> to vector<632x128xf32>
    %mul3A_35 = arith.mulf %mul3A_34, %dot_general3A_33 : vector<632x128xf32>
    %swap3A = arith.constant 0 : index
    %swap3A_36 = arith.constant 0 : index
    %swap3A_37 = vector.load %arg8[%swap3A, %swap3A_36] : memref<632x128xf32, #tpu.memory_space<vmem>>, vector<632x128xf32>
    tpu.vector_store %arg8[%swap3A, %swap3A_36], %mul3A_35 {strides = array<i32>} : memref<632x128xf32, #tpu.memory_space<vmem>>, vector<632x128xf32>,
    return
  }
  func.func @transform_0(%arg0: i32) -> (i32, i32) {
    %c0_i32 = arith.constant 0 : i32
    %c0_i32_0 = arith.constant 0 : i32
    return %arg0, %c0_i32 : i32, i32
  }
  func.func @transform_1(%arg0: i32) -> (i32, i32) {
    %add3A = arith.constant 16 : i32
    %add3A_0 = arith.addi %add3A, %arg0 : i32
    %c0_i32 = arith.constant 0 : i32
    %c0_i32_1 = arith.constant 0 : i32
    return %add3A_0, %c0_i32 : i32, i32
  }
  func.func @transform_2(%arg0: i32) -> (i32, i32) {
    %c0_i32 = arith.constant 0 : i32
    %c0_i32_0 = arith.constant 0 : i32
    return %arg0, %c0_i32 : i32, i32
  }
  func.func @transform_3(%arg0: i32) -> (i32, i32) {
    %c0_i32 = arith.constant 0 : i32
    %c0_i32_0 = arith.constant 0 : i32
    return %arg0, %c0_i32 : i32, i32
  }
  func.func @transform_4(%arg0: i32) -> (i32, i32) {
    %c0_i32 = arith.constant 0 : i32
    %c0_i32_0 = arith.constant 0 : i32
    return %arg0, %c0_i32 : i32, i32
  }
  func.func @transform_5(%arg0: i32) -> (i32, i32) {
    %c0_i32 = arith.constant 0 : i32
    %c0_i32_0 = arith.constant 0 : i32
    %c0_i32_1 = arith.constant 0 : i32
    return %c0_i32, %c0_i32_0 : i32, i32
  }
  func.func @transform_6(%arg0: i32) -> (i32, i32) {
    %c0_i32 = arith.constant 0 : i32
    %c0_i32_0 = arith.constant 0 : i32
    %c0_i32_1 = arith.constant 0 : i32
    return %c0_i32, %c0_i32_0 : i32, i32
  }
  func.func @transform_7(%arg0: i32) -> (i32, i32) {
    %c0_i32 = arith.constant 0 : i32
    %c0_i32_0 = arith.constant 0 : i32
    return %arg0, %c0_i32 : i32, i32
  }
}

module attributes {stable_mosaic.version = 14 : i64} {
  func.func @_tc_fin_body(%arg0: i32, %arg1: memref<632x64xf32, #tpu.memory_space<vmem>>, %arg2: memref<632x64xf32, #tpu.memory_space<vmem>>, %arg3: memref<632x128xf32, #tpu.memory_space<vmem>>, %arg4: memref<632x16xf32, #tpu.memory_space<vmem>>, %arg5: memref<632x16xf32, #tpu.memory_space<vmem>>, %arg6: memref<1x128xf32, #tpu.memory_space<vmem>>, %arg7: memref<632x128xf32, #tpu.memory_space<vmem>>) attributes {dimension_semantics = [#tpu.dimension_semantics<arbitrary>], iteration_bounds = array<i64: 16>, scalar_prefetch = 0 : i64, scratch_operands = 0 : i64, tpu.core_type = #tpu.core_type<tc>, window_params = [{transform_indices = @transform_0, window_bounds = array<i64: 632, 64>}, {transform_indices = @transform_1, window_bounds = array<i64: 632, 64>}, {transform_indices = @transform_2, window_bounds = array<i64: 632, 128>}, {transform_indices = @transform_3, window_bounds = array<i64: 632, 16>}, {transform_indices = @transform_4, window_bounds = array<i64: 632, 16>}, {pipeline_mode = #tpu.pipeline_mode<synchronous>, transform_indices = @transform_5, window_bounds = array<i64: 1, 128>}, {transform_indices = @transform_6, window_bounds = array<i64: 632, 128>}]} {
    %get3A = arith.constant 0 : index
    %get3A_0 = arith.constant 0 : index
    %get3A_1 = vector.load %arg4[%get3A, %get3A_0] : memref<632x16xf32, #tpu.memory_space<vmem>>, vector<632x16xf32>
    %slice3A = vector.extract_strided_slice %get3A_1 {offsets = [0, 0], sizes = [632, 1], strides = [1, 1]} : vector<632x16xf32> to vector<632x1xf32>
    %get3A_2 = arith.constant 0 : index
    %get3A_3 = arith.constant 0 : index
    %get3A_4 = vector.load %arg5[%get3A_2, %get3A_3] : memref<632x16xf32, #tpu.memory_space<vmem>>, vector<632x16xf32>
    %slice3A_5 = vector.extract_strided_slice %get3A_4 {offsets = [0, 0], sizes = [632, 1], strides = [1, 1]} : vector<632x16xf32> to vector<632x1xf32>
    %add3A = arith.addf %slice3A, %slice3A_5 : vector<632x1xf32>
    %add3A_6 = arith.constant 1.000000e+00 : f32
    %add3A_7 = vector.broadcast %add3A_6 : f32 to vector<632x1xf32>
    %add3A_8 = arith.addf %add3A, %add3A_7 : vector<632x1xf32>
    %rsqrt3A = math.rsqrt %add3A_8 : vector<632x1xf32>
    %get3A_9 = arith.constant 0 : index
    %get3A_10 = arith.constant 0 : index
    %get3A_11 = vector.load %arg1[%get3A_9, %get3A_10] : memref<632x64xf32, #tpu.memory_space<vmem>>, vector<632x64xf32>
    %get3A_12 = arith.constant 0 : index
    %get3A_13 = arith.constant 0 : index
    %get3A_14 = vector.load %arg2[%get3A_12, %get3A_13] : memref<632x64xf32, #tpu.memory_space<vmem>>, vector<632x64xf32>
    %concatenate3A = tpu.concatenate %get3A_11, %get3A_14 in 1 : vector<632x64xf32>, vector<632x64xf32> -> vector<632x128xf32>
    %get3A_15 = arith.constant 0 : index
    %get3A_16 = arith.constant 0 : index
    %get3A_17 = vector.load %arg3[%get3A_15, %get3A_16] : memref<632x128xf32, #tpu.memory_space<vmem>>, vector<632x128xf32>
    %add3A_18 = arith.addf %concatenate3A, %get3A_17 : vector<632x128xf32>
    %mul3A = vector.broadcast %rsqrt3A : vector<632x1xf32> to vector<632x128xf32>
    %mul3A_19 = arith.mulf %mul3A, %add3A_18 : vector<632x128xf32>
    %get3A_20 = arith.constant 0 : index
    %get3A_21 = arith.constant 0 : index
    %get3A_22 = vector.load %arg6[%get3A_20, %get3A_21] : memref<1x128xf32, #tpu.memory_space<vmem>>, vector<1x128xf32>
    %add3A_23 = vector.broadcast %get3A_22 : vector<1x128xf32> to vector<632x128xf32>
    %add3A_24 = arith.addf %mul3A_19, %add3A_23 : vector<632x128xf32>
    %swap3A = arith.constant 0 : index
    %swap3A_25 = arith.constant 0 : index
    %swap3A_26 = vector.load %arg7[%swap3A, %swap3A_25] : memref<632x128xf32, #tpu.memory_space<vmem>>, vector<632x128xf32>
    tpu.vector_store %arg7[%swap3A, %swap3A_25], %add3A_24 {strides = array<i32>} : memref<632x128xf32, #tpu.memory_space<vmem>>, vector<632x128xf32>,
    return
  }
  func.func @transform_0(%arg0: i32) -> (i32, i32) {
    %c0_i32 = arith.constant 0 : i32
    %c0_i32_0 = arith.constant 0 : i32
    return %arg0, %c0_i32 : i32, i32
  }
  func.func @transform_1(%arg0: i32) -> (i32, i32) {
    %add3A = arith.constant 16 : i32
    %add3A_0 = arith.addi %add3A, %arg0 : i32
    %c0_i32 = arith.constant 0 : i32
    %c0_i32_1 = arith.constant 0 : i32
    return %add3A_0, %c0_i32 : i32, i32
  }
  func.func @transform_2(%arg0: i32) -> (i32, i32) {
    %c0_i32 = arith.constant 0 : i32
    %c0_i32_0 = arith.constant 0 : i32
    return %arg0, %c0_i32 : i32, i32
  }
  func.func @transform_3(%arg0: i32) -> (i32, i32) {
    %c0_i32 = arith.constant 0 : i32
    %c0_i32_0 = arith.constant 0 : i32
    return %arg0, %c0_i32 : i32, i32
  }
  func.func @transform_4(%arg0: i32) -> (i32, i32) {
    %c0_i32 = arith.constant 0 : i32
    %c0_i32_0 = arith.constant 0 : i32
    return %arg0, %c0_i32 : i32, i32
  }
  func.func @transform_5(%arg0: i32) -> (i32, i32) {
    %c0_i32 = arith.constant 0 : i32
    %c0_i32_0 = arith.constant 0 : i32
    %c0_i32_1 = arith.constant 0 : i32
    return %c0_i32, %c0_i32_0 : i32, i32
  }
  func.func @transform_6(%arg0: i32) -> (i32, i32) {
    %c0_i32 = arith.constant 0 : i32
    %c0_i32_0 = arith.constant 0 : i32
    return %arg0, %c0_i32 : i32, i32
  }
}

</mosaic_0001>

<sc_bundles>
// kernel: kernel.10.cloned.1.call-start
scs
__scs_entry_jumppad:
0x0: {  	(pc) =	sbr.rel $0x88, $3  }
0x1: {  	(tag) =	ssettag $0x0;
	lr =	simm.s32 $0x1  }
0x2: {  	[smem:$0x3F99] =	sst lr;
	_ =	strace $0xD0000000  }
0x3: {  	_ = 	snop  }
0x4: {  	_ = 	snop  }
0x5: {  	_ = 	snop  }
0x6: {  	_ = 	snop  }
0x7: {  	_ = 	snop  }
__scs_overlays_trampoline_lowered:
0x8: {  	[smem:$0x3FA8] =	sst s0  }
0x9: {  	[smem:$0x3FA9] =	sst s1  }
0xa: {  	[smem:$0x3FAA] =	sst s2  }
0xb: {  	[smem:$0x3FAB] =	sst s3  }
0xc: {  	[smem:$0x3FAC] =	sst s4  }
0xd: {  	[smem:$0x3FAD] =	sst s5  }
0xe: {  	[smem:$0x3FAE] =	sst s6  }
0xf: {  	[smem:$0x3FAF] =	sst s7  }
0x10: {  	[smem:$0x3FB0] =	sst s8  }
0x11: {  	[smem:$0x3FB1] =	sst s9;
	s0 =	simm.s32 @!p0 $0x0  }
0x12: {  	s1 =	sld [smem:$0x3F97];
	s0 =	simm.s32 @p0 $0x1  }
0x13: {  	[smem:$0x3FB2] =	sst s0;
	s0 =	simm.s32 @!p1 $0x0  }
0x14: {  	s2 =	sld [smem:$0x3F96];
	s0 =	simm.s32 @p1 $0x1  }
0x15: {  	[smem:$0x3FB3] =	sst s0;
	s0 =	simm.s32 @!p2 $0x0  }
0x16: {  	s3 =	sld [smem:$0x3FDB];
	s0 =	simm.s32 @p2 $0x1  }
0x17: {  	s4 =	simm.s32 $0x1BF5;
	[smem:$0x3FB5] =	sst s0  }
0x18: {  	s0 =	sld [smem:$0x3F98];
	_ =	swait.ge [sflag:s4], $0x0  }
0x19: {  	s7 =	sld [smem:$0x3F99]  }
0x1a: {  	s8 =	sadd.s32 $0xFFFFE003, lr  }
0x1b: {  	s9 =	sadd.s32 $0xFFFFFEF7, lr;
	s5 =	simm.s32 $0xFFFFFFFF;
	p2 =	slt.u32 s8, $0xFFFFF086  }
0x1c: {  	p1 =	slt.u32 s9, $0xF7A;
	s5 =	simm.s32 @!p2 $0x0  }
0x1d: {  	s5 =	simm.s32 @p1 $0x1;
	p0 =	seq.s32 s7, s2  }
0x1e: {  	s7 =	smul.u32 @!p0 $0xF7A, s2;
	p2 =	seq.s32 @!p0 s5, $0x0  }
0x1f: {  	s9 =	smul.u32 $0xF7A, s1;
	s8 =	simm.s32 @!p0 $0x1BF5;
	p2 =	por !p2, p0  }
0x20: {  	[sflag:s8] =	ssyncset.s32 @!p0 $0xFFFFF086;
	s6 =	sadd.s32 @!p0 s3, s7;
	s7 =	simm.s32 @!p0 $0x108  }
0x21: {  	s3 =	sadd.s32 s3, s9;
	s6 =	sadd.s32 @!p0 $0x88, s6;
	s7 =	simm.s32 @p2 $0x1082  }
0x22: {  	[simem:s7], [sflag:s8] =	dma.local @!p0 [hbm:s6], $0xF7A  }
0x23: {  	s9 =	sor.u32 $0xD0000000, s2;
	s6 =	simm.s32 $0x108;
	_ =	swait.ge @!p0 [sflag:s8], $0x0  }
0x24: {  	s3 =	sadd.s32 $0x88, s3;
	s6 =	simm.s32 @!p1 $0x1082;
	[sflag:s4] =	ssyncset.s32 $0xFFFFF086  }
0x25: {  	[simem:s6], [sflag:s4] =	dma.local [hbm:s3], $0xF7A  }
0x26: {  	[smem:$0x3F99] =	sst s1;
	(tag) =	ssettag s2;
	_ =	strace s9  }
0x27: {  	s1 =	sld [smem:$0x3FA9]  }
0x28: {  	s2 =	sld [smem:$0x3FAA]  }
0x29: {  	s4 =	sld [smem:$0x3FAC]  }
0x2a: {  	p0 =	seq.s32 s5, $0x0;
	s5 =	sld [smem:$0x3FAD]  }
0x2b: {  	s6 =	sld [smem:$0x3FAE]  }
0x2c: {  	s7 =	sld [smem:$0x3FAF]  }
0x2d: {  	s3 =	simm.s32 $0x108;
	s8 =	sld [smem:$0x3FB0]  }
0x2e: {  	s3 =	simm.s32 @!p0 $0x1082;
	s9 =	sld [smem:$0x3FB1]  }
0x2f: {  	lr =	sadd.s32 s0, s3;
	s0 =	sld [smem:$0x3FA8]  }
0x30: {  	s3 =	sld [smem:$0x3FAB]  }
0x31: {  	[smem:$0x3FB4] =	sst s10  }
0x32: {  	s10 =	sld [smem:$0x3FB2];
	_ =	sdelay $0x3  }
0x33: {  	p0 =	seq.s32 s10, $0x1;
	s10 =	sld [smem:$0x3FB4];
	_ =	sdelay $0x3  }
0x34: {  	[smem:$0x3FB4] =	sst s10  }
0x35: {  	s10 =	sld [smem:$0x3FB3];
	_ =	sdelay $0x3  }
0x36: {  	p1 =	seq.s32 s10, $0x1;
	s10 =	sld [smem:$0x3FB4];
	_ =	sdelay $0x3  }
0x37: {  	[smem:$0x3FB4] =	sst s10  }
0x38: {  	s10 =	sld [smem:$0x3FB5]  }
0x39: {  	_ = 	snop;
	(pc) =	sbr.ind lr, $3  }
0x3a: {  	_ = 	snop  }
0x3b: {  	_ = 	snop  }
0x3c: {  	p2 =	seq.s32 s10, $0x1;
	s10 =	sld [smem:$0x3FB4]  }
0x3d: {  	_ =	shalt  }
0x3e: {  	_ =	shalt  }
0x3f: {  	_ =	shalt  }
0x40: {  	_ =	shalt  }
0x41: {  	_ =	shalt  }
0x42: {  	_ =	shalt  }
0x43: {  	_ =	shalt  }
0x44: {  	_ =	shalt  }
0x45: {  	_ =	shalt  }
0x46: {  	_ =	shalt  }
0x47: {  	_ =	shalt  }
0x48: {  	_ =	shalt  }
0x49: {  	_ =	shalt  }
0x4a: {  	_ =	shalt  }
0x4b: {  	_ =	shalt  }
0x4c: {  	_ =	shalt  }
0x4d: {  	_ =	shalt  }
0x4e: {  	_ =	shalt  }
0x4f: {  	_ =	shalt  }
0x50: {  	_ =	shalt  }
0x51: {  	_ =	shalt  }
0x52: {  	_ =	shalt  }
0x53: {  	_ =	shalt  }
0x54: {  	_ =	shalt  }
0x55: {  	_ =	shalt  }
0x56: {  	_ =	shalt  }
0x57: {  	_ =	shalt  }
0x58: {  	_ =	shalt  }
0x59: {  	_ =	shalt  }
0x5a: {  	_ =	shalt  }
0x5b: {  	_ =	shalt  }
0x5c: {  	_ =	shalt  }
0x5d: {  	_ =	shalt  }
0x5e: {  	_ =	shalt  }
0x5f: {  	_ =	shalt  }
0x60: {  	_ =	shalt  }
0x61: {  	_ =	shalt  }
0x62: {  	_ =	shalt  }
0x63: {  	_ =	shalt  }
0x64: {  	_ =	shalt  }
0x65: {  	_ =	shalt  }
0x66: {  	_ =	shalt  }
0x67: {  	_ =	shalt  }
0x68: {  	_ =	shalt  }
0x69: {  	_ =	shalt  }
0x6a: {  	_ =	shalt  }
0x6b: {  	_ =	shalt  }
0x6c: {  	_ =	shalt  }
0x6d: {  	_ =	shalt  }
0x6e: {  	_ =	shalt  }
0x6f: {  	_ =	shalt  }
0x70: {  	_ =	shalt  }
0x71: {  	_ =	shalt  }
0x72: {  	_ =	shalt  }
0x73: {  	_ =	shalt  }
0x74: {  	_ =	shalt  }
0x75: {  	_ =	shalt  }
0x76: {  	_ =	shalt  }
0x77: {  	_ =	shalt  }
0x78: {  	_ =	shalt  }
0x79: {  	_ =	shalt  }
0x7a: {  	_ =	shalt  }
0x7b: {  	_ =	shalt  }
0x7c: {  	_ =	shalt  }
0x7d: {  	_ =	shalt  }
0x7e: {  	_ =	shalt  }
0x7f: {  	_ =	shalt  }
0x80: {  	_ =	shalt  }
0x81: {  	_ =	shalt  }
0x82: {  	_ =	shalt  }
0x83: {  	_ =	shalt  }
0x84: {  	_ =	shalt  }
0x85: {  	_ =	shalt  }
0x86: {  	_ =	shalt  }
0x87: {  	_ =	shalt  }
.Lfunc_end0:
.L_simem_size_0:
called_computation_lowered:
.L_overlay_start_0:
0x88: {  	s2 =	sld [smem:$0x3FD9]  }
0x89: {  	s3 =	sld [smem:$0x3FFE];
	_ =	sdelay $0x1  }
0x8a: {  	s1 =	srdreg.scid  }
0x8b: {  	s0 =	sand.u32 $0x1, s1  }
0x8c: {  	s16 =	sshll.u32 s0, $0xA;
	s2 =	sadd.s32 s3, s2  }
0x8d: {  	s2 =	sadd.s32 s2, s16  }
0x8e: {  	[smem:$0x3FC0] =	sst s2  }
0x8f: {  	_ = 	snop  }
0x90: {  	(tm) =	ssettm $0x1  }
0x91: {  	s17 =	sld [smem:$0x3FFB];
	_ =	sdelay $0x3  }
0x92: {  	_ =	strace s17  }
0x93: {  	s2 =	sld [smem:$0x3FFC];
	_ =	sdelay $0x3  }
0x94: {  	_ =	strace s2  }
0x95: {  	s2 =	sld [smem:$0x3FFD];
	_ =	sdelay $0x3  }
0x96: {  	_ =	strace s2  }
0x97: {  	_ =	strace $0x8FFFFFFF  }
0x98: {  	s18 =	sld [smem:$0x3FDB];
	_ =	sdelay $0x1  }
0x99: {  	s19 =	simm.s32 $_scs_section_size  }
0x9a: {  	s4 =	simm.s32 $_size__tile_overlayer_lowered;
	s5 =	simm.s32 $_tile_overlayer_lowered  }
0x9b: {  	s22 =	simm.s32 $0x1BFF;
	s21 =	sshll.u32 s5, $0x1;
	s2 =	sadd.s32 s19, s18  }
0x9c: {  	s6 =	simm.s32 $0x0;
	s20 =	sshll.u32 s4, $0x1;
	s4 =	sadd.s32 s21, s2  }
0x9d: {  	[timem:s6], [sflag:s22] =	dma.local [hbm:s4], s20  }
0x9e: {  	_ =	swait.ge [sflag:s22], s20  }
0x9f: {  	s3 =	ssub.s32 $0x0, s20;
	[sflag:s22] =	ssyncset.done $0x0  }
0xa0: {  	[sflag:s22] =	ssyncadd.s32 s3;
	_ =	sdelay $0x1  }
0xa1: {  	s23 =	simm.s32 $0x1B8B  }
0xa2: {  	_ =	swait.ge [sflag:s23], $0x1  }
0xa3: {  	[sflag:s23] =	ssyncset.done $0x0  }
0xa4: {  	s25 =	simm.s32 $0x1B8E;
	s24 =	sld [smem:$0x3FFE];
	[sflag:s23] =	ssyncadd.s32 $0xFFFFFFFF  }
0xa5: {  	s26 =	simm.s32 $execute0_lowered;
	[smem:$0x3FD2] =	sst s25  }
0xa6: {  	s4 =	sshll.u32 s26, $0x1;
	_ =	strace $0x80000046;
	[dreg:$0x1] =	wrdreg $0xFFFFFFFF  }
0xa7: {  	s28 =	simm.s32 $_size_execute0_lowered;
	s2 =	sadd.s32 s2, s4;
	[dreg:$0x0] =	wrdreg $0x0  }
0xa8: {  	s4 =	sshll.u32 s28, $0x1;
	[dreg:$0x2] =	wrdreg s2  }
0xa9: {  	[dreg:$0x3] =	wrdreg s4  }
0xaa: {  	[dreg:$0x4] =	wrdreg $0xC0  }
0xab: {  	_ =	task [dreg:s6], $0x5FFFF  }
0xac: {  	[dreg:$0x1] =	wrdreg $0xFFFFFFFF  }
0xad: {  	[dreg:$0x0] =	wrdreg $0x60  }
0xae: {  	[dreg:$0x2] =	wrdreg s24  }
0xaf: {  	[dreg:$0x3] =	wrdreg $0xC000  }
0xb0: {  	[dreg:$0x4] =	wrdreg $0x9  }
0xb1: {  	_ =	task.clear_ibuf [dreg:s6], $0x5FFFF;
	_ =	strace $0x90000046  }
0xb2: {  	s29 =	simm.s32 $0x9;
	_ =	strace $0x80000048  }
0xb3: {  	_ =	swait.ge [sflag:s29], $0x1  }
0xb4: {  	[sflag:s29] =	ssyncadd.s32 $0xFFFFFFFF  }
0xb5: {  	_ =	strace $0x90000048  }
0xb6: {  	_ =	sfence  }
0xb7: {  	s30 =	sld [smem:$0x0];
	_ =	sdelay $0x2  }
0xb8: {  	s31 =	sshll.u32 s1, $0xD;
	s1 =	sshrl.u32 s1, $0x2  }
0xb9: {  	s3 =	sand.u32 $0x4000, s31;
	s1 =	sadd.s32 s1, s30  }
0xba: {  	s0 =	sor.u32 s3, s0;
	s1 =	sshll.u32 s1, $0x11  }
0xbb: {  	s0 =	sor.u32 s1, s0  }
0xbc: {  	s0 =	sadd.s32 $0x8F2B, s0  }
0xbd: {  	[sflag:s0] =	ssyncadd.remote.s32 $0x1  }
0xbe: {  	_ =	sfence.sel $0xFFFF  }
0xbf: {  	[dreg:$0x0] =	wrdreg $0xFFFFFFFF;
	(pc) =	sbr.abs _section_cstart, $3  }
0xc0: {  	[dreg:$0x1] =	wrdreg $0xFFFFFFFF  }
0xc1: {  	_ =	task.clear_ibuf [dreg:s6], $0x2FFFF;
	_ =	strace $0x9FFFFFFF  }
0xc2: {  	(tm) =	ssettm $0x7FFFFFFF  }
0xc3: {  	_ =	shalt  }
tec
execute0_lowered:
.L_overlay_start_1:
0x0: {  	(tag) =	ssettag $0x1  }
0x1: {  	s6 =	rddreg [dreg:$0x0]  }
0x2: {  	s0 =	srdreg.scid;
	s2 =	rddreg [dreg:$0x1];
	s3 =	simm.s32 $0x0  }
0x3: {  	s14 =	simm.s32 $0x200;
	s15 =	simm.s32 $0x2;
	s16 =	simm.s32 $0x80  }
0x4: {  	s17 =	simm.s32 $0x100;
	s18 =	simm.s32 $0x180;
	s19 =	simm.s32 $0x3  }
0x5: {  	s20 =	simm.s32 $0x4;
	s21 =	simm.s32 $0x5;
	s22 =	simm.s32 $0x6  }
0x6: {  	s23 =	simm.s32 $0x1;
	s5 =	sand.u32 $0x1, s0;
	s0 =	stileid.u32  }
0x7: {  	s24 =	simm.s32 $0x280;
	s25 =	simm.s32 $0x300;
	s7 =	smul.u32 $0x2780, s0  }
0x8: {  	s26 =	simm.s32 $0x380;
	s28 =	simm.s32 $0x0;
	s8 =	smul.u32 $0x4F0, s0  }
0x9: {  	[smem:$0x7FF] =	sst s3;
	s1 =	sshll.u32 s5, $0x4;
	s10 =	smul.u32 $0x4F00, s5  }
0xa: {  	s5 =	ssub.s32 $0x2, s5;
	s31 =	sshll.u32 s0, $0x6;
	s1 =	sor.u32 s0, s1  }
0xb: {  	s30 =	sshrl.u32 s5, $0x1;
	s4 =	smul.u32 $0x500, s1;
	s1 =	rddreg [dreg:$0x2]  }
0xc: {  	_ =	strace $0x80000047;
	s11 =	sshrl.u32 s7, $0x3;
	s8 =	sadd.s32 s8, s10  }
0xd: {  	s10 =	ssub.s32 s5, s30;
	s12 =	sadd.s32 s7, s2;
	s11 =	sadd.s32 s11, s6  }
0xe: {  	s8 =	sadd.s32 s8, s6;
	s12 =	sshrl.u32 s12, $0x3;
	s9 =	sadd.s32 s4, s6  }
0xf: {  	s4 =	sadd.s32 $0xD600, s6;
	s5 =	sadd.s32 $0xD800, s11;
	s7 =	sadd.s32 $0x12800, s8  }
0x10: {  	s8 =	smax.u32 s10, $0x1;
	s10 =	simm.s32 $0x7;
	s6 =	sadd.s32 $0x3600, s9  }
0x11: {  	s11 =	sor.u32 $0x1C07, s31;
	s9 =	simm.s32 $0x400;
	s13 =	sadd.s32 $0x40, s6  }
.LBB2_1:
0x12: {  	[tilespmem:s9], [sflag:$0x7] =	stream.linear.gather [hbm4b:s4+s3], $0x800, $0x38;
	[tilespmem:$0x3380] =	vst v63  }
0x13: {  	_ =	swait.ge [sflag:s10], $0x800  }
0x14: {  	[sflag:s10] =	ssyncset.done $0x0  }
0x15: {  	[sflag:s10] =	ssyncadd.s32 $0xFFFFF800  }
0x16: {  	[spmem:s12], [sflag:s11] =	dma.local [hbm:s5], $0x4F0  }
0x17: {  	_ =	swait.ge [sflag:s10], $0x4F0  }
0x18: {  	[sflag:s10] =	ssyncset.done $0x0  }
0x19: {  	[sflag:s10] =	ssyncadd.s32 $0xFFFFFB10  }
0x1a: {  	[tilespmem:s3], [sflag:$0x7] =	stream.linear.gather [hbm4b:s6+s3], $0x200, $0x38;
	[tilespmem:$0x3380] =	vst v63  }
0x1b: {  	_ =	swait.ge [sflag:s10], $0x200  }
0x1c: {  	[sflag:s10] =	ssyncset.done $0x0  }
0x1d: {  	[sflag:s10] =	ssyncadd.s32 $0xFFFFFE00  }
0x1e: {  	[tilespmem:s14], [sflag:$0x2] =	stream.linear.gather [hbm4b:s13+s3], $0x200, $0x38;
	[tilespmem:$0x3380] =	vst v63  }
0x1f: {  	[bflag:$0x0] =	sbarrier.arrive $0xFFFF  }
0x20: {  	_ =	swait.ge [sflag:s15], $0x200  }
0x21: {  	[sflag:s15] =	ssyncset.done $0x0  }
0x22: {  	[sflag:s15] =	ssyncadd.s32 $0xFFFFFE00  }
0x23: {  	[spmem:s2] =	stream.indirect.scatter.add.f32 [tilespmem:s9], [sflag:$0x3], $0x10, s3, s16, $0xb8;
	[tilespmem:$0x3380] =	vst v63  }
0x24: {  	_ = 	snop  }
0x25: {  	[spmem:s2] =	stream.indirect.scatter.add.f32 [tilespmem:s9], [sflag:$0x4], $0x10, s16, s16, $0xb8;
	[tilespmem:$0x3380] =	vst v63  }
0x26: {  	_ = 	snop  }
0x27: {  	[spmem:s2] =	stream.indirect.scatter.add.f32 [tilespmem:s9], [sflag:$0x5], $0x10, s17, s16, $0xb8;
	[tilespmem:$0x3380] =	vst v63  }
0x28: {  	_ = 	snop  }
0x29: {  	[spmem:s2] =	stream.indirect.scatter.add.f32 [tilespmem:s9], [sflag:$0x6], $0x10, s18, s16, $0xb8;
	[tilespmem:$0x3380] =	vst v63  }
0x2a: {  	_ =	swait.ge [sflag:s19], $0x800  }
0x2b: {  	[sflag:s19] =	ssyncset.done $0x0  }
0x2c: {  	[sflag:s19] =	ssyncadd.s32 $0xFFFFF800  }
0x2d: {  	_ =	swait.ge [sflag:s20], $0x800  }
0x2e: {  	[sflag:s20] =	ssyncset.done $0x0  }
0x2f: {  	[sflag:s20] =	ssyncadd.s32 $0xFFFFF800  }
0x30: {  	_ =	swait.ge [sflag:s21], $0x800  }
0x31: {  	[sflag:s21] =	ssyncset.done $0x0  }
0x32: {  	[sflag:s21] =	ssyncadd.s32 $0xFFFFF800  }
0x33: {  	_ =	swait.ge [sflag:s22], $0x800  }
0x34: {  	s30 =	sadd.s32 $0xFFFFFB80, s6;
	[sflag:s22] =	ssyncset.done $0x0  }
0x35: {  	s29 =	sadd.s32 $0x500, s30;
	[sflag:s22] =	ssyncadd.s32 $0xFFFFF800  }
0x36: {  	[tilespmem:s3], [sflag:$0x1] =	stream.linear.gather [hbm4b:s29+s3], $0x200, $0x38;
	[tilespmem:$0x3380] =	vst v63  }
0x37: {  	_ =	swait.ge [sflag:s23], $0x200  }
0x38: {  	[sflag:s23] =	ssyncset.done $0x0  }
0x39: {  	[sflag:s23] =	ssyncadd.s32 $0xFFFFFE00  }
0x3a: {  	[spmem:s2] =	stream.indirect.scatter.add.f32 [tilespmem:s9], [sflag:$0x3], $0x10, s14, s16, $0xb8;
	[tilespmem:$0x3380] =	vst v63  }
0x3b: {  	_ = 	snop  }
0x3c: {  	[spmem:s2] =	stream.indirect.scatter.add.f32 [tilespmem:s9], [sflag:$0x4], $0x10, s24, s16, $0xb8;
	[tilespmem:$0x3380] =	vst v63  }
0x3d: {  	_ = 	snop  }
0x3e: {  	[spmem:s2] =	stream.indirect.scatter.add.f32 [tilespmem:s9], [sflag:$0x5], $0x10, s25, s16, $0xb8;
	[tilespmem:$0x3380] =	vst v63  }
0x3f: {  	_ = 	snop  }
0x40: {  	[spmem:s2] =	stream.indirect.scatter.add.f32 [tilespmem:s9], [sflag:$0x6], $0x10, s26, s16, $0xb8;
	[tilespmem:$0x3380] =	vst v63  }
0x41: {  	_ =	swait.ge [sflag:s19], $0x800  }
0x42: {  	[sflag:s19] =	ssyncset.done $0x0  }
0x43: {  	[sflag:s19] =	ssyncadd.s32 $0xFFFFF800  }
0x44: {  	_ =	swait.ge [sflag:s20], $0x800  }
0x45: {  	[sflag:s20] =	ssyncset.done $0x0  }
0x46: {  	[sflag:s20] =	ssyncadd.s32 $0xFFFFF800  }
0x47: {  	_ =	swait.ge [sflag:s21], $0x800  }
0x48: {  	[sflag:s21] =	ssyncset.done $0x0  }
0x49: {  	[sflag:s21] =	ssyncadd.s32 $0xFFFFF800  }
0x4a: {  	_ =	swait.ge [sflag:s22], $0x800  }
0x4b: {  	[sflag:s22] =	ssyncset.done $0x0  }
0x4c: {  	s30 =	sadd.s32 $0x540, s30;
	s29 =	simm.s32 $0xFFFFFC00;
	[sflag:s22] =	ssyncadd.s32 $0xFFFFF800  }
.LBB2_2:
0x4d: {  	[tilespmem:s14], [sflag:$0x2] =	stream.linear.gather [hbm4b:s30+s3], $0x200, $0x38;
	[tilespmem:$0x3380] =	vst v63  }
0x4e: {  	s30 =	smov.u32 s29  }
0x4f: {  	p0 =	sne.s32 s29, $0xFFFFFF80;
	s29 =	sadd.s32 $0x80, s29;
	_ =	swait.ge [sflag:s15], $0x200  }
0x50: {  	[sflag:s15] =	ssyncset.done $0x0  }
0x51: {  	[sflag:s15] =	ssyncadd.s32 $0xFFFFFE00  }
0x52: {  	[spmem:s2] =	stream.indirect.scatter.add.f32 [tilespmem:s9], [sflag:$0x3], $0x10, s3, s16, $0xb8;
	[tilespmem:$0x3380] =	vst v63  }
0x53: {  	_ = 	snop  }
0x54: {  	[spmem:s2] =	stream.indirect.scatter.add.f32 [tilespmem:s9], [sflag:$0x4], $0x10, s16, s16, $0xb8;
	[tilespmem:$0x3380] =	vst v63  }
0x55: {  	_ = 	snop  }
0x56: {  	[spmem:s2] =	stream.indirect.scatter.add.f32 [tilespmem:s9], [sflag:$0x5], $0x10, s17, s16, $0xb8;
	[tilespmem:$0x3380] =	vst v63  }
0x57: {  	_ = 	snop  }
0x58: {  	[spmem:s2] =	stream.indirect.scatter.add.f32 [tilespmem:s9], [sflag:$0x6], $0x10, s18, s16, $0xb8;
	[tilespmem:$0x3380] =	vst v63  }
0x59: {  	_ =	swait.ge [sflag:s19], $0x800  }
0x5a: {  	[sflag:s19] =	ssyncset.done $0x0  }
0x5b: {  	[sflag:s19] =	ssyncadd.s32 $0xFFFFF800  }
0x5c: {  	_ =	swait.ge [sflag:s20], $0x800  }
0x5d: {  	[sflag:s20] =	ssyncset.done $0x0  }
0x5e: {  	[sflag:s20] =	ssyncadd.s32 $0xFFFFF800  }
0x5f: {  	_ =	swait.ge [sflag:s21], $0x800  }
0x60: {  	[sflag:s21] =	ssyncset.done $0x0  }
0x61: {  	[sflag:s21] =	ssyncadd.s32 $0xFFFFF800  }
0x62: {  	_ =	swait.ge [sflag:s22], $0x800  }
0x63: {  	s30 =	sadd.s32 s30, s6;
	[sflag:s22] =	ssyncset.done $0x0  }
0x64: {  	s31 =	sadd.s32 $0x500, s30;
	[sflag:s22] =	ssyncadd.s32 $0xFFFFF800  }
0x65: {  	[tilespmem:s3], [sflag:$0x1] =	stream.linear.gather [hbm4b:s31+s3], $0x200, $0x38;
	[tilespmem:$0x3380] =	vst v63  }
0x66: {  	_ =	swait.ge [sflag:s23], $0x200  }
0x67: {  	[sflag:s23] =	ssyncset.done $0x0  }
0x68: {  	[sflag:s23] =	ssyncadd.s32 $0xFFFFFE00  }
0x69: {  	[spmem:s2] =	stream.indirect.scatter.add.f32 [tilespmem:s9], [sflag:$0x3], $0x10, s14, s16, $0xb8;
	[tilespmem:$0x3380] =	vst v63  }
0x6a: {  	_ = 	snop  }
0x6b: {  	[spmem:s2] =	stream.indirect.scatter.add.f32 [tilespmem:s9], [sflag:$0x4], $0x10, s24, s16, $0xb8;
	[tilespmem:$0x3380] =	vst v63  }
0x6c: {  	_ = 	snop  }
0x6d: {  	[spmem:s2] =	stream.indirect.scatter.add.f32 [tilespmem:s9], [sflag:$0x5], $0x10, s25, s16, $0xb8;
	[tilespmem:$0x3380] =	vst v63  }
0x6e: {  	_ = 	snop  }
0x6f: {  	[spmem:s2] =	stream.indirect.scatter.add.f32 [tilespmem:s9], [sflag:$0x6], $0x10, s26, s16, $0xb8;
	[tilespmem:$0x3380] =	vst v63  }
0x70: {  	_ =	swait.ge [sflag:s19], $0x800  }
0x71: {  	[sflag:s19] =	ssyncset.done $0x0  }
0x72: {  	[sflag:s19] =	ssyncadd.s32 $0xFFFFF800  }
0x73: {  	_ =	swait.ge [sflag:s20], $0x800  }
0x74: {  	[sflag:s20] =	ssyncset.done $0x0  }
0x75: {  	[sflag:s20] =	ssyncadd.s32 $0xFFFFF800  }
0x76: {  	_ =	swait.ge [sflag:s21], $0x800  }
.Ltmp0:
0x77: {  	[sflag:s21] =	ssyncset.done $0x0;
	(pc) =	sbr.rel @p0 .LBB2_2-.Ltmp0, $4  }
0x78: {  	[sflag:s21] =	ssyncadd.s32 $0xFFFFF800  }
0x79: {  	_ =	swait.ge [sflag:s22], $0x800  }
0x7a: {  	[sflag:s22] =	ssyncset.done $0x0  }
0x7b: {  	s30 =	sadd.s32 $0x540, s30;
	[sflag:s22] =	ssyncadd.s32 $0xFFFFF800  }
0x7c: {  	[tilespmem:s14], [sflag:$0x2] =	stream.linear.gather [hbm4b:s30+s3], $0x200, $0x38;
	[tilespmem:$0x3380] =	vst v63  }
0x7d: {  	_ =	swait.ge [sflag:s15], $0x200  }
0x7e: {  	[sflag:s15] =	ssyncset.done $0x0  }
0x7f: {  	[sflag:s15] =	ssyncadd.s32 $0xFFFFFE00  }
0x80: {  	[spmem:s2] =	stream.indirect.scatter.add.f32 [tilespmem:s9], [sflag:$0x3], $0x10, s3, s16, $0xb8;
	[tilespmem:$0x3380] =	vst v63  }
0x81: {  	_ = 	snop  }
0x82: {  	[spmem:s2] =	stream.indirect.scatter.add.f32 [tilespmem:s9], [sflag:$0x4], $0x10, s16, s16, $0xb8;
	[tilespmem:$0x3380] =	vst v63  }
0x83: {  	_ = 	snop  }
0x84: {  	[spmem:s2] =	stream.indirect.scatter.add.f32 [tilespmem:s9], [sflag:$0x5], $0x10, s17, s16, $0xb8;
	[tilespmem:$0x3380] =	vst v63  }
0x85: {  	_ = 	snop  }
0x86: {  	[spmem:s2] =	stream.indirect.scatter.add.f32 [tilespmem:s9], [sflag:$0x6], $0x10, s18, s16, $0xb8;
	[tilespmem:$0x3380] =	vst v63  }
0x87: {  	_ =	swait.ge [sflag:s19], $0x800  }
0x88: {  	[sflag:s19] =	ssyncset.done $0x0  }
0x89: {  	[sflag:s19] =	ssyncadd.s32 $0xFFFFF800  }
0x8a: {  	_ =	swait.ge [sflag:s20], $0x800  }
0x8b: {  	[sflag:s20] =	ssyncset.done $0x0  }
0x8c: {  	[sflag:s20] =	ssyncadd.s32 $0xFFFFF800  }
0x8d: {  	_ =	swait.ge [sflag:s21], $0x800  }
0x8e: {  	[sflag:s21] =	ssyncset.done $0x0  }
0x8f: {  	[sflag:s21] =	ssyncadd.s32 $0xFFFFF800  }
0x90: {  	_ =	swait.ge [sflag:s22], $0x800  }
0x91: {  	[sflag:s22] =	ssyncset.done $0x0  }
0x92: {  	[sflag:s22] =	ssyncadd.s32 $0xFFFFF800  }
0x93: {  	[spmem:s2] =	stream.indirect.scatter.add.f32 [tilespmem:s9], [sflag:$0x3], $0x10, s14, s16, $0xb8;
	[tilespmem:$0x3380] =	vst v63  }
0x94: {  	_ = 	snop  }
0x95: {  	[spmem:s2] =	stream.indirect.scatter.add.f32 [tilespmem:s9], [sflag:$0x4], $0x10, s24, s16, $0xb8;
	[tilespmem:$0x3380] =	vst v63  }
0x96: {  	_ = 	snop  }
0x97: {  	[spmem:s2] =	stream.indirect.scatter.add.f32 [tilespmem:s9], [sflag:$0x5], $0x10, s25, s16, $0xb8;
	[tilespmem:$0x3380] =	vst v63  }
0x98: {  	_ = 	snop  }
0x99: {  	[spmem:s2] =	stream.indirect.scatter.add.f32 [tilespmem:s9], [sflag:$0x6], $0x10, s26, s16, $0xb8;
	[tilespmem:$0x3380] =	vst v63  }
0x9a: {  	_ =	swait.ge [sflag:s19], $0x800  }
0x9b: {  	[sflag:s19] =	ssyncset.done $0x0  }
0x9c: {  	[sflag:s19] =	ssyncadd.s32 $0xFFFFF800  }
0x9d: {  	_ =	swait.ge [sflag:s20], $0x800  }
0x9e: {  	[sflag:s20] =	ssyncset.done $0x0  }
0x9f: {  	[sflag:s20] =	ssyncadd.s32 $0xFFFFF800  }
0xa0: {  	_ =	swait.ge [sflag:s21], $0x800  }
0xa1: {  	[sflag:s21] =	ssyncset.done $0x0  }
0xa2: {  	[sflag:s21] =	ssyncadd.s32 $0xFFFFF800  }
0xa3: {  	_ =	swait.ge [sflag:s22], $0x800  }
0xa4: {  	s28 =	sadd.s32 $0x1, s28;
	[sflag:s22] =	ssyncset.done $0x0  }
0xa5: {  	p0 =	sne.s32 s28, s8;
	[sflag:s22] =	ssyncadd.s32 $0xFFFFF800  }
.Ltmp1:
0xa6: {  	[bflag:$0x0] =	sbarrier.arrive $0xFFFF;
	(pc) =	sbr.rel @p0 .LBB2_1-.Ltmp1, $4  }
0xa7: {  	[hbm:s7], [sflag:s11] =	dma.local [spmem:s12], $0x4F0  }
0xa8: {  	_ =	swait.ge [sflag:s10], $0x4F0  }
0xa9: {  	[sflag:s10] =	ssyncset.done $0x0  }
0xaa: {  	[sflag:s10] =	ssyncadd.s32 $0xFFFFFB10  }
0xab: {  	_ =	sfence.sel $0x180000  }
0xac: {  	[bflag:$0x0] =	sbarrier.arrive $0xFFFF  }
0xad: {  	p0 =	sne.s32 s0, $0x0;
	_ =	strace $0x90000047  }
0xae: {  	s0 =	sadd.s32 @!p0 $0x100000, s1;
	[bflag:$0x2] =	sbarrier.arrive $0xFFFF  }
0xaf: {  	[sflag:s0] =	ssyncadd.tile.s32 @!p0 $0x1;
	_ =	shalt  }
.Lfunc_end2:
_tile_overlayer_lowered:
.L_overlay_start_2:
0xb0: {  	(tag) =	ssettag $0x2  }
0xb1: {  	s0 =	rddreg [dreg:$0x0];
	s2 =	stileid.u32  }
0xb2: {  	s1 =	rddreg [dreg:$0x1];
	p0 =	sne.s32 s2, $0x0  }
0xb3: {  	s3 =	rddreg [dreg:$0x2];
	[bflag:$0x3] =	sbarrier.arrive $0xFFFF;
	s2 =	simm.s32 @!p0 $0x1C07  }
0xb4: {  	[timem:s3], [sflag:s2] =	dma.local @!p0 [hbm:s0], s1  }
0xb5: {  	s0 =	simm.s32 @!p0 $0x7  }
0xb6: {  	_ =	swait.ge @!p0 [sflag:s0], s1  }
0xb7: {  	s1 =	ssub.s32 @!p0 $0x0, s1;
	[sflag:s0] =	ssyncset.done @!p0 $0x0  }
0xb8: {  	[sflag:s0] =	ssyncadd.s32 @!p0 s1  }
0xb9: {  	[bflag:$0x3] =	sbarrier.arrive $0xFFFF  }
0xba: {  	_ =	shalt  }

// kernel: kernel.13.cloned.1.call-start
scs
__scs_entry_jumppad:
0x0: {  	(pc) =	sbr.rel $0x88, $3  }
0x1: {  	(tag) =	ssettag $0x0;
	lr =	simm.s32 $0x1  }
0x2: {  	[smem:$0x3F99] =	sst lr;
	_ =	strace $0xD0000000  }
0x3: {  	_ = 	snop  }
0x4: {  	_ = 	snop  }
0x5: {  	_ = 	snop  }
0x6: {  	_ = 	snop  }
0x7: {  	_ = 	snop  }
__scs_overlays_trampoline_lowered:
0x8: {  	[smem:$0x3FA8] =	sst s0  }
0x9: {  	[smem:$0x3FA9] =	sst s1  }
0xa: {  	[smem:$0x3FAA] =	sst s2  }
0xb: {  	[smem:$0x3FAB] =	sst s3  }
0xc: {  	[smem:$0x3FAC] =	sst s4  }
0xd: {  	[smem:$0x3FAD] =	sst s5  }
0xe: {  	[smem:$0x3FAE] =	sst s6  }
0xf: {  	[smem:$0x3FAF] =	sst s7  }
0x10: {  	[smem:$0x3FB0] =	sst s8  }
0x11: {  	[smem:$0x3FB1] =	sst s9;
	s0 =	simm.s32 @!p0 $0x0  }
0x12: {  	s1 =	sld [smem:$0x3F97];
	s0 =	simm.s32 @p0 $0x1  }
0x13: {  	[smem:$0x3FB2] =	sst s0;
	s0 =	simm.s32 @!p1 $0x0  }
0x14: {  	s2 =	sld [smem:$0x3F96];
	s0 =	simm.s32 @p1 $0x1  }
0x15: {  	[smem:$0x3FB3] =	sst s0;
	s0 =	simm.s32 @!p2 $0x0  }
0x16: {  	s3 =	sld [smem:$0x3FDB];
	s0 =	simm.s32 @p2 $0x1  }
0x17: {  	s4 =	simm.s32 $0x1BF5;
	[smem:$0x3FB5] =	sst s0  }
0x18: {  	s0 =	sld [smem:$0x3F98];
	_ =	swait.ge [sflag:s4], $0x0  }
0x19: {  	s7 =	sld [smem:$0x3F99]  }
0x1a: {  	s8 =	sadd.s32 $0xFFFFE003, lr  }
0x1b: {  	s9 =	sadd.s32 $0xFFFFFEF7, lr;
	s5 =	simm.s32 $0xFFFFFFFF;
	p2 =	slt.u32 s8, $0xFFFFF086  }
0x1c: {  	p1 =	slt.u32 s9, $0xF7A;
	s5 =	simm.s32 @!p2 $0x0  }
0x1d: {  	s5 =	simm.s32 @p1 $0x1;
	p0 =	seq.s32 s7, s2  }
0x1e: {  	s7 =	smul.u32 @!p0 $0xF7A, s2;
	p2 =	seq.s32 @!p0 s5, $0x0  }
0x1f: {  	s9 =	smul.u32 $0xF7A, s1;
	s8 =	simm.s32 @!p0 $0x1BF5;
	p2 =	por !p2, p0  }
0x20: {  	[sflag:s8] =	ssyncset.s32 @!p0 $0xFFFFF086;
	s6 =	sadd.s32 @!p0 s3, s7;
	s7 =	simm.s32 @!p0 $0x108  }
0x21: {  	s3 =	sadd.s32 s3, s9;
	s6 =	sadd.s32 @!p0 $0x88, s6;
	s7 =	simm.s32 @p2 $0x1082  }
0x22: {  	[simem:s7], [sflag:s8] =	dma.local @!p0 [hbm:s6], $0xF7A  }
0x23: {  	s9 =	sor.u32 $0xD0000000, s2;
	s6 =	simm.s32 $0x108;
	_ =	swait.ge @!p0 [sflag:s8], $0x0  }
0x24: {  	s3 =	sadd.s32 $0x88, s3;
	s6 =	simm.s32 @!p1 $0x1082;
	[sflag:s4] =	ssyncset.s32 $0xFFFFF086  }
0x25: {  	[simem:s6], [sflag:s4] =	dma.local [hbm:s3], $0xF7A  }
0x26: {  	[smem:$0x3F99] =	sst s1;
	(tag) =	ssettag s2;
	_ =	strace s9  }
0x27: {  	s1 =	sld [smem:$0x3FA9]  }
0x28: {  	s2 =	sld [smem:$0x3FAA]  }
0x29: {  	s4 =	sld [smem:$0x3FAC]  }
0x2a: {  	p0 =	seq.s32 s5, $0x0;
	s5 =	sld [smem:$0x3FAD]  }
0x2b: {  	s6 =	sld [smem:$0x3FAE]  }
0x2c: {  	s7 =	sld [smem:$0x3FAF]  }
0x2d: {  	s3 =	simm.s32 $0x108;
	s8 =	sld [smem:$0x3FB0]  }
0x2e: {  	s3 =	simm.s32 @!p0 $0x1082;
	s9 =	sld [smem:$0x3FB1]  }
0x2f: {  	lr =	sadd.s32 s0, s3;
	s0 =	sld [smem:$0x3FA8]  }
0x30: {  	s3 =	sld [smem:$0x3FAB]  }
0x31: {  	[smem:$0x3FB4] =	sst s10  }
0x32: {  	s10 =	sld [smem:$0x3FB2];
	_ =	sdelay $0x3  }
0x33: {  	p0 =	seq.s32 s10, $0x1;
	s10 =	sld [smem:$0x3FB4];
	_ =	sdelay $0x3  }
0x34: {  	[smem:$0x3FB4] =	sst s10  }
0x35: {  	s10 =	sld [smem:$0x3FB3];
	_ =	sdelay $0x3  }
0x36: {  	p1 =	seq.s32 s10, $0x1;
	s10 =	sld [smem:$0x3FB4];
	_ =	sdelay $0x3  }
0x37: {  	[smem:$0x3FB4] =	sst s10  }
0x38: {  	s10 =	sld [smem:$0x3FB5]  }
0x39: {  	_ = 	snop;
	(pc) =	sbr.ind lr, $3  }
0x3a: {  	_ = 	snop  }
0x3b: {  	_ = 	snop  }
0x3c: {  	p2 =	seq.s32 s10, $0x1;
	s10 =	sld [smem:$0x3FB4]  }
0x3d: {  	_ =	shalt  }
0x3e: {  	_ =	shalt  }
0x3f: {  	_ =	shalt  }
0x40: {  	_ =	shalt  }
0x41: {  	_ =	shalt  }
0x42: {  	_ =	shalt  }
0x43: {  	_ =	shalt  }
0x44: {  	_ =	shalt  }
0x45: {  	_ =	shalt  }
0x46: {  	_ =	shalt  }
0x47: {  	_ =	shalt  }
0x48: {  	_ =	shalt  }
0x49: {  	_ =	shalt  }
0x4a: {  	_ =	shalt  }
0x4b: {  	_ =	shalt  }
0x4c: {  	_ =	shalt  }
0x4d: {  	_ =	shalt  }
0x4e: {  	_ =	shalt  }
0x4f: {  	_ =	shalt  }
0x50: {  	_ =	shalt  }
0x51: {  	_ =	shalt  }
0x52: {  	_ =	shalt  }
0x53: {  	_ =	shalt  }
0x54: {  	_ =	shalt  }
0x55: {  	_ =	shalt  }
0x56: {  	_ =	shalt  }
0x57: {  	_ =	shalt  }
0x58: {  	_ =	shalt  }
0x59: {  	_ =	shalt  }
0x5a: {  	_ =	shalt  }
0x5b: {  	_ =	shalt  }
0x5c: {  	_ =	shalt  }
0x5d: {  	_ =	shalt  }
0x5e: {  	_ =	shalt  }
0x5f: {  	_ =	shalt  }
0x60: {  	_ =	shalt  }
0x61: {  	_ =	shalt  }
0x62: {  	_ =	shalt  }
0x63: {  	_ =	shalt  }
0x64: {  	_ =	shalt  }
0x65: {  	_ =	shalt  }
0x66: {  	_ =	shalt  }
0x67: {  	_ =	shalt  }
0x68: {  	_ =	shalt  }
0x69: {  	_ =	shalt  }
0x6a: {  	_ =	shalt  }
0x6b: {  	_ =	shalt  }
0x6c: {  	_ =	shalt  }
0x6d: {  	_ =	shalt  }
0x6e: {  	_ =	shalt  }
0x6f: {  	_ =	shalt  }
0x70: {  	_ =	shalt  }
0x71: {  	_ =	shalt  }
0x72: {  	_ =	shalt  }
0x73: {  	_ =	shalt  }
0x74: {  	_ =	shalt  }
0x75: {  	_ =	shalt  }
0x76: {  	_ =	shalt  }
0x77: {  	_ =	shalt  }
0x78: {  	_ =	shalt  }
0x79: {  	_ =	shalt  }
0x7a: {  	_ =	shalt  }
0x7b: {  	_ =	shalt  }
0x7c: {  	_ =	shalt  }
0x7d: {  	_ =	shalt  }
0x7e: {  	_ =	shalt  }
0x7f: {  	_ =	shalt  }
0x80: {  	_ =	shalt  }
0x81: {  	_ =	shalt  }
0x82: {  	_ =	shalt  }
0x83: {  	_ =	shalt  }
0x84: {  	_ =	shalt  }
0x85: {  	_ =	shalt  }
0x86: {  	_ =	shalt  }
0x87: {  	_ =	shalt  }
.Lfunc_end0:
.L_simem_size_0:
called_computation.1_lowered:
.L_overlay_start_0:
0x88: {  	s2 =	sld [smem:$0x3FD9]  }
0x89: {  	s3 =	sld [smem:$0x3FFE];
	_ =	sdelay $0x1  }
0x8a: {  	s1 =	srdreg.scid  }
0x8b: {  	s0 =	sand.u32 $0x1, s1  }
0x8c: {  	s17 =	sshll.u32 s0, $0xA;
	s2 =	sadd.s32 s3, s2  }
0x8d: {  	s2 =	sadd.s32 s2, s17  }
0x8e: {  	[smem:$0x3FC0] =	sst s2  }
0x8f: {  	_ = 	snop  }
0x90: {  	s2 =	sld [smem:$0x3FD0];
	(tm) =	ssettm $0x1  }
0x91: {  	s18 =	sld [smem:$0x3FFB];
	_ =	sdelay $0x3  }
0x92: {  	_ =	strace s18  }
0x93: {  	s3 =	sld [smem:$0x3FFC];
	_ =	sdelay $0x3  }
0x94: {  	_ =	strace s3  }
0x95: {  	s3 =	sld [smem:$0x3FFD];
	_ =	sdelay $0x3  }
0x96: {  	_ =	strace s3  }
0x97: {  	_ =	strace $0x8FFFFFFF  }
0x98: {  	s19 =	sld [smem:$0x3FDB];
	_ =	sdelay $0x1  }
0x99: {  	s4 =	simm.s32 $_scs_section_size  }
0x9a: {  	s5 =	simm.s32 $_size__tile_overlayer_lowered;
	s6 =	simm.s32 $_tile_overlayer_lowered  }
0x9b: {  	s22 =	simm.s32 $0x1BFF;
	s21 =	sshll.u32 s6, $0x1;
	s3 =	sadd.s32 s4, s19  }
0x9c: {  	s7 =	simm.s32 $0x0;
	s20 =	sshll.u32 s5, $0x1;
	s5 =	sadd.s32 s21, s3  }
0x9d: {  	[timem:s7], [sflag:s22] =	dma.local [hbm:s5], s20  }
0x9e: {  	_ =	swait.ge [sflag:s22], s20  }
0x9f: {  	s4 =	ssub.s32 $0x0, s20;
	[sflag:s22] =	ssyncset.done $0x0  }
0xa0: {  	[sflag:s22] =	ssyncadd.s32 s4;
	_ =	sdelay $0x1  }
0xa1: {  	s23 =	simm.s32 $0x1B8B  }
0xa2: {  	_ =	swait.ge [sflag:s23], $0x1  }
0xa3: {  	[sflag:s23] =	ssyncset.done $0x0  }
0xa4: {  	s25 =	simm.s32 $0x1B8E;
	s24 =	sld [smem:$0x3FFE];
	[sflag:s23] =	ssyncadd.s32 $0xFFFFFFFF  }
0xa5: {  	s26 =	simm.s32 $execute0_lowered;
	[smem:$0x3FD2] =	sst s25  }
0xa6: {  	s5 =	sshll.u32 s26, $0x1;
	_ =	strace $0x80000049;
	[dreg:$0x1] =	wrdreg $0xFFFFFFFF  }
0xa7: {  	s28 =	simm.s32 $_size_execute0_lowered;
	s3 =	sadd.s32 s3, s5;
	[dreg:$0x0] =	wrdreg $0x0  }
0xa8: {  	s5 =	sshll.u32 s28, $0x1;
	[dreg:$0x2] =	wrdreg s3  }
0xa9: {  	[dreg:$0x3] =	wrdreg s5  }
0xaa: {  	[dreg:$0x4] =	wrdreg $0xC0  }
0xab: {  	_ =	task [dreg:s7], $0x5FFFF  }
0xac: {  	[dreg:$0x1] =	wrdreg $0xFFFFFFFF  }
0xad: {  	[dreg:$0x0] =	wrdreg $0x60  }
0xae: {  	[dreg:$0x2] =	wrdreg s24  }
0xaf: {  	[dreg:$0x3] =	wrdreg s2  }
0xb0: {  	[dreg:$0x4] =	wrdreg $0x108000  }
0xb1: {  	[dreg:$0x5] =	wrdreg $0x9  }
0xb2: {  	_ =	task.clear_ibuf [dreg:s7], $0x6FFFF;
	_ =	strace $0x90000049  }
0xb3: {  	s29 =	simm.s32 $0x9;
	_ =	strace $0x8000004B  }
0xb4: {  	_ =	swait.ge [sflag:s29], $0x1  }
0xb5: {  	[sflag:s29] =	ssyncadd.s32 $0xFFFFFFFF  }
0xb6: {  	_ =	strace $0x9000004B  }
0xb7: {  	_ =	sfence  }
0xb8: {  	s30 =	sld [smem:$0x0];
	_ =	sdelay $0x2  }
0xb9: {  	s31 =	sshll.u32 s1, $0xD;
	s1 =	sshrl.u32 s1, $0x2  }
0xba: {  	s3 =	sand.u32 $0x4000, s31;
	s1 =	sadd.s32 s1, s30  }
0xbb: {  	s0 =	sor.u32 s3, s0;
	s1 =	sshll.u32 s1, $0x11  }
0xbc: {  	s0 =	sor.u32 s1, s0  }
0xbd: {  	s0 =	sadd.s32 $0x8F2B, s0  }
0xbe: {  	[sflag:s0] =	ssyncadd.remote.s32 $0x1  }
0xbf: {  	_ =	sfence.sel $0xFFFF  }
0xc0: {  	[dreg:$0x0] =	wrdreg $0xFFFFFFFF;
	(pc) =	sbr.abs _section_cstart, $3  }
0xc1: {  	[dreg:$0x1] =	wrdreg $0xFFFFFFFF  }
0xc2: {  	_ =	task.clear_ibuf [dreg:s7], $0x2FFFF;
	_ =	strace $0x9FFFFFFF  }
0xc3: {  	(tm) =	ssettm $0x7FFFFFFF  }
tec
execute0_lowered:
.L_overlay_start_1:
0x0: {  	(tag) =	ssettag $0x1  }
0x1: {  	s0 =	rddreg [dreg:$0x0]  }
0x2: {  	s1 =	rddreg [dreg:$0x1]  }
0x3: {  	s2 =	rddreg [dreg:$0x2];
	s12 =	stileid.u32;
	s3 =	simm.s32 $0x0  }
0x4: {  	s4 =	srdreg.scid;
	s15 =	simm.s32 $0x15;
	s16 =	simm.s32 $0x80  }
0x5: {  	s30 =	simm.s32 $0xC800;
	s31 =	simm.s32 $0x8;
	s13 =	simm.s32 $0xE800  }
0x6: {  	s17 =	simm.s32 $0x600;
	s19 =	simm.s32 $0x4;
	s20 =	simm.s32 $0x9  }
0x7: {  	s21 =	simm.s32 $0xD;
	s14 =	simm.s32 $0x14;
	s5 =	smul.u32 $0xA00, s12  }
0x8: {  	s18 =	simm.s32 $0x0;
	s6 =	smul.u32 $0x9E00, s12;
	[smem:$0x7FF] =	sst s3  }
0x9: {  	s7 =	sand.u32 $0x1, s4;
	s8 =	smul.u32 $0x13C0, s12;
	s4 =	sadd.s32 $0xD600, s0  }
0xa: {  	s25 =	sshll.u32 s12, $0x6;
	_ =	strace $0x8000004A;
	s9 =	smul.u32 $0x13C00, s7  }
0xb: {  	s23 =	ssub.s32 $0x2, s7;
	s7 =	smul.u32 $0xA000, s7;
	s10 =	sadd.s32 s5, s0  }
0xc: {  	s11 =	sshrl.u32 s6, $0x3;
	s24 =	sshrl.u32 s23, $0x1;
	s6 =	sadd.s32 s6, s2  }
0xd: {  	s11 =	sadd.s32 s11, s0;
	s8 =	sadd.s32 s8, s9;
	s1 =	sadd.s32 s1, s7  }
0xe: {  	s7 =	sadd.s32 $0x3600, s10;
	s10 =	sshrl.u32 s6, $0x3;
	s9 =	simm.s32 $0xF  }
0xf: {  	s0 =	sadd.s32 s8, s0;
	s8 =	ssub.s32 s23, s24;
	s11 =	sadd.s32 $0x34E00, s11  }
0x10: {  	s12 =	sadd.s32 s5, s1;
	s29 =	sadd.s32 $0x9C0, s7;
	[dreg:$0x8] =	wrdreg s10  }
0x11: {  	s24 =	sadd.s32 $0x40, s7;
	s1 =	simm.s32 $0x380;
	[dreg:$0x4] =	wrdreg s11  }
.Ltmp0:
0x12: {  	s0 =	sadd.s32 $0x48A00, s0;
	[dreg:$0xa] =	wrdreg s29;
	(pc) =	sbr.rel .LBB2_1-.Ltmp0, $4  }
0x13: {  	s5 =	simm.s32 $0xB;
	s26 =	smax.u32 s8, $0x1;
	[dreg:$0x6] =	wrdreg s0  }
0x14: {  	s11 =	sor.u32 $0x1C15, s25;
	s28 =	sadd.s32 $0x40, s12;
	[dreg:$0x7] =	wrdreg s26  }
0x15: {  	s25 =	simm.s32 $0x8800;
	s8 =	simm.s32 $0x700;
	[dreg:$0x9] =	wrdreg s28  }
0x16: {  	s26 =	simm.s32 $0x6;
	s0 =	simm.s32 $0x580;
	[dreg:$0x5] =	wrdreg s11  }
.LBB2_8:
0x17: {  	s6 =	simm.s32 $0x11  }
0x18: {  	_ =	swait.ge [sflag:s6], $0x2000  }
0x19: {  	[sflag:s6] =	ssyncset.done $0x0  }
0x1a: {  	s22 =	simm.s32 $0x12;
	[sflag:s6] =	ssyncadd.s32 $0xFFFFE000  }
0x1b: {  	_ =	swait.ge [sflag:s22], $0x2000  }
0x1c: {  	[sflag:s22] =	ssyncset.done $0x0  }
0x1d: {  	s23 =	simm.s32 $0x13;
	[sflag:s22] =	ssyncadd.s32 $0xFFFFE000  }
0x1e: {  	_ =	swait.ge [sflag:s23], $0x2000  }
0x1f: {  	[sflag:s23] =	ssyncset.done $0x0  }
0x20: {  	[sflag:s23] =	ssyncadd.s32 $0xFFFFE000  }
0x21: {  	_ =	swait.ge [sflag:s14], $0x2000  }
0x22: {  	[sflag:s14] =	ssyncset.done $0x0  }
0x23: {  	[sflag:s14] =	ssyncadd.s32 $0xFFFFE000  }
0x24: {  	[bflag:$0x0] =	sbarrier.arrive $0xFFFF  }
0x25: {  	s11 =	rddreg [dreg:$0x5]  }
0x26: {  	s28 =	rddreg [dreg:$0x6]  }
0x27: {  	s15 =	simm.s32 $0x15;
	s10 =	rddreg [dreg:$0x8]  }
0x28: {  	[hbm:s28], [sflag:s11] =	dma.local [spmem:s10], $0x13C0  }
0x29: {  	_ =	swait.ge [sflag:s15], $0x13C0  }
0x2a: {  	s18 =	rddreg [dreg:$0xb]  }
0x2b: {  	s29 =	rddreg [dreg:$0x7];
	s18 =	sadd.s32 $0x1, s18  }
0x2c: {  	p0 =	sne.s32 s18, s29  }
.Ltmp1:
0x2d: {  	_ = 	snop;
	(pc) =	sbr.rel @!p0 .LBB2_9-.Ltmp1, $3  }
0x2e: {  	_ =	sdelay $0x1  }
0x2f: {  	[sflag:s15] =	ssyncset.done $0x0  }
0x30: {  	[sflag:s15] =	ssyncadd.s32 $0xFFFFEC40  }
.LBB2_1:
0x31: {  	[dreg:$0xb] =	wrdreg s18  }
0x32: {  	s6 =	rddreg [dreg:$0x4]  }
0x33: {  	[spmem:s10], [sflag:s11] =	dma.local [hbm:s6], $0x13C0  }
0x34: {  	_ =	swait.ge [sflag:s15], $0x13C0  }
0x35: {  	[sflag:s15] =	ssyncset.done $0x0  }
0x36: {  	[sflag:s15] =	ssyncadd.s32 $0xFFFFEC40  }
0x37: {  	[tilespmem:s3], [sflag:$0x15] =	stream.linear.gather [hbm4b:s12+s3], $0x200, $0x38;
	[tilespmem:$0x1A600] =	vst v63  }
0x38: {  	_ =	swait.ge [sflag:s15], $0x200  }
0x39: {  	[sflag:s15] =	ssyncset.done $0x0  }
0x3a: {  	s29 =	simm.s32 $0x400;
	[sflag:s15] =	ssyncadd.s32 $0xFFFFFE00  }
0x3b: {  	[tilespmem:s29], [sflag:$0x15] =	stream.linear.gather [hbm4b:s7+s3], $0x200, $0x38;
	[tilespmem:$0x1A600] =	vst v63  }
0x3c: {  	_ =	swait.ge [sflag:s15], $0x200  }
0x3d: {  	[sflag:s15] =	ssyncset.done $0x0  }
0x3e: {  	s11 =	simm.s32 $0x200;
	s10 =	rddreg [dreg:$0x9];
	[sflag:s15] =	ssyncadd.s32 $0xFFFFFE00  }
0x3f: {  	[tilespmem:s11], [sflag:$0x2] =	stream.linear.gather [hbm4b:s10+s3], $0x200, $0x38;
	[tilespmem:$0x1A600] =	vst v63  }
0x40: {  	s15 =	simm.s32 $0x800;
	[bflag:$0x0] =	sbarrier.arrive $0xFFFF  }
0x41: {  	[tilespmem:s15], [sflag:$0x5] =	stream.indirect.gather [hbm4b:s4+s16], $0x40, s3, s16, $0xb8;
	[tilespmem:$0x1A600] =	vst v63  }
0x42: {  	s18 =	simm.s32 $0x2800  }
0x43: {  	[tilespmem:s18], [sflag:$0x6] =	stream.indirect.gather [hbm4b:s4+s16], $0x40, s16, s16, $0xb8;
	[tilespmem:$0x1A600] =	vst v63  }
.Ltmp2:
0x44: {  	s22 =	simm.s32 $0x100;
	(pc) =	sbr.rel .LBB2_2-.Ltmp2, $4  }
0x45: {  	s23 =	simm.s32 $0x4800;
	s28 =	simm.s32 $0x180;
	s6 =	simm.s32 $0x0  }
0x46: {  	[tilespmem:s23], [sflag:$0x7] =	stream.indirect.gather [hbm4b:s4+s16], $0x40, s22, s16, $0xb8;
	[tilespmem:$0x1A600] =	vst v63  }
0x47: {  	s29 =	simm.s32 $0x6800;
	s10 =	sadd.s32 $0xC0, s12;
	s11 =	simm.s32 $0x2  }
0x48: {  	[tilespmem:s29], [sflag:$0x8] =	stream.indirect.gather [hbm4b:s4+s16], $0x40, s28, s16, $0xb8;
	[tilespmem:$0x1A600] =	vst v63  }
.LBB2_6:
0x49: {  	s15 =	rddreg [dreg:$0xa]  }
0x4a: {  	[tilespmem:s17], [sflag:$0x4] =	stream.linear.gather [hbm4b:s15+s3], $0x200, $0x38;
	[tilespmem:$0x1A600] =	vst v63  }
0x4b: {  	p0 =	por $0x1, $0x1;
	s23 =	smov.u32 s11;
	s15 =	simm.s32 $0x4  }
.LBB2_7:
0x4c: {  	_ =	swait.ge [sflag:s15], $0x200  }
0x4d: {  	[sflag:s15] =	ssyncset.done $0x0  }
0x4e: {  	[sflag:s15] =	ssyncadd.s32 $0xFFFFFE00  }
0x4f: {  	_ =	swait.ge [sflag:s20], $0x2000  }
0x50: {  	[sflag:s20] =	ssyncset.done $0x0  }
0x51: {  	[sflag:s20] =	ssyncadd.s32 $0xFFFFE000  }
0x52: {  	[spmem:s2] =	stream.indirect.scatter.add.f32 [tilespmem:s25], [sflag:$0x11], $0x40, s17, s16, $0xb8;
	[tilespmem:$0x1A600] =	vst v63  }
0x53: {  	_ =	swait.ge [sflag:s21], $0x2000  }
0x54: {  	[sflag:s21] =	ssyncset.done $0x0  }
0x55: {  	s15 =	simm.s32 @p0 $0xA;
	[sflag:s21] =	ssyncadd.s32 $0xFFFFE000  }
0x56: {  	_ =	swait.ge @p0 [sflag:s15], $0x2000  }
0x57: {  	s18 =	simm.s32 @p0 $0x680;
	[sflag:s15] =	ssyncset.done @p0 $0x0  }
0x58: {  	s28 =	simm.s32 @p0 $0xA800;
	[sflag:s15] =	ssyncadd.s32 @p0 $0xFFFFE000;
	s15 =	simm.s32 @p0 $0x80  }
0x59: {  	[spmem:s2] =	stream.indirect.scatter.add.f32 @p0 [tilespmem:s28], [sflag:$0x12], $0x40, s18, s15, $0xb8;
	[tilespmem:$0x1A600] =	vst v63  }
0x5a: {  	s18 =	simm.s32 @p0 $0xE  }
0x5b: {  	_ =	swait.ge @p0 [sflag:s18], $0x2000  }
0x5c: {  	s29 =	simm.s32 @!p0 $0x800;
	[sflag:s18] =	ssyncset.done @p0 $0x0  }
0x5d: {  	s28 =	simm.s32 @!p0 $0x0;
	[sflag:s18] =	ssyncadd.s32 @p0 $0xFFFFE000;
	s18 =	simm.s32 @!p0 $0x80  }
0x5e: {  	[tilespmem:s29], [sflag:$0x5] =	stream.indirect.gather @!p0 [hbm4b:s4+s18], $0x40, s28, s18, $0xb8;
	[tilespmem:$0x1A600] =	vst v63  }
0x5f: {  	s29 =	simm.s32 @!p0 $0xA  }
0x60: {  	_ =	swait.ge @!p0 [sflag:s29], $0x2000  }
0x61: {  	[sflag:s29] =	ssyncset.done @!p0 $0x0  }
0x62: {  	s22 =	simm.s32 @!p0 $0xA800;
	[sflag:s29] =	ssyncadd.s32 @!p0 $0xFFFFE000;
	s29 =	simm.s32 @!p0 $0x680  }
0x63: {  	[spmem:s2] =	stream.indirect.scatter.add.f32 @!p0 [tilespmem:s22], [sflag:$0x12], $0x40, s29, s18, $0xb8;
	[tilespmem:$0x1A600] =	vst v63  }
0x64: {  	s22 =	simm.s32 @!p0 $0xE  }
0x65: {  	_ =	swait.ge @!p0 [sflag:s22], $0x2000  }
0x66: {  	[sflag:s22] =	ssyncset.done @!p0 $0x0  }
0x67: {  	[sflag:s22] =	ssyncadd.s32 @!p0 $0xFFFFE000;
	s22 =	simm.s32 @!p0 $0x2800  }
0x68: {  	[tilespmem:s22], [sflag:$0x6] =	stream.indirect.gather @!p0 [hbm4b:s4+s18], $0x40, s18, s18, $0xb8;
	[tilespmem:$0x1A600] =	vst v63  }
0x69: {  	_ =	swait.ge [sflag:s5], $0x2000  }
0x6a: {  	[sflag:s5] =	ssyncset.done $0x0  }
0x6b: {  	[sflag:s5] =	ssyncadd.s32 $0xFFFFE000  }
0x6c: {  	[spmem:s2] =	stream.indirect.scatter.add.f32 [tilespmem:s30], [sflag:$0x13], $0x40, s8, s16, $0xb8;
	[tilespmem:$0x1A600] =	vst v63  }
0x6d: {  	_ =	swait.ge [sflag:s9], $0x2000  }
0x6e: {  	[sflag:s9] =	ssyncset.done $0x0  }
0x6f: {  	s29 =	simm.s32 @!p0 $0x4800;
	s22 =	simm.s32 @!p0 $0x100;
	[sflag:s9] =	ssyncadd.s32 $0xFFFFE000  }
0x70: {  	[tilespmem:s29], [sflag:$0x7] =	stream.indirect.gather @!p0 [hbm4b:s4+s18], $0x40, s22, s18, $0xb8;
	[tilespmem:$0x1A600] =	vst v63  }
0x71: {  	s22 =	simm.s32 @!p0 $0xC  }
0x72: {  	_ =	swait.ge @!p0 [sflag:s22], $0x2000  }
0x73: {  	[sflag:s22] =	ssyncset.done @!p0 $0x0  }
0x74: {  	s29 =	simm.s32 @!p0 $0xE800;
	[sflag:s22] =	ssyncadd.s32 @!p0 $0xFFFFE000;
	s22 =	simm.s32 @!p0 $0x780  }
0x75: {  	[spmem:s2] =	stream.indirect.scatter.add.f32 @!p0 [tilespmem:s29], [sflag:$0x14], $0x40, s22, s18, $0xb8;
	[tilespmem:$0x1A600] =	vst v63  }
0x76: {  	s22 =	simm.s32 @!p0 $0x10  }
0x77: {  	_ =	swait.ge @!p0 [sflag:s22], $0x2000  }
0x78: {  	[sflag:s22] =	ssyncset.done @!p0 $0x0  }
0x79: {  	s29 =	simm.s32 @!p0 $0x6800;
	[sflag:s22] =	ssyncadd.s32 @!p0 $0xFFFFE000;
	s22 =	simm.s32 @!p0 $0x180  }
0x7a: {  	[tilespmem:s29], [sflag:$0x8] =	stream.indirect.gather @!p0 [hbm4b:s4+s18], $0x40, s22, s18, $0xb8;
	[tilespmem:$0x1A600] =	vst v63  }
0x7b: {  	s18 =	sadd.s32 @!p0 s6, s10;
	s22 =	simm.s32 @!p0 $0x200  }
0x7c: {  	[tilespmem:s22], [sflag:$0x2] =	stream.linear.gather @!p0 [hbm4b:s18+s28], $0x200, $0x38;
	[tilespmem:$0x1A600] =	vst v63  }
0x7d: {  	s18 =	sshll.u32 @!p0 s23, $0x6  }
0x7e: {  	s22 =	simm.s32 @!p0 $0x400;
	s18 =	sadd.s32 @!p0 s7, s18  }
0x7f: {  	[tilespmem:s22], [sflag:$0x3] =	stream.linear.gather @!p0 [hbm4b:s18+s28], $0x200, $0x38;
	[tilespmem:$0x1A600] =	vst v63  }
0x80: {  	s18 =	simm.s32 @p0 $0xC  }
0x81: {  	s6 =	sadd.s32 $0x80, s6;
	_ =	swait.ge @p0 [sflag:s18], $0x2000  }
0x82: {  	p1 =	sne.s32 s6, $0xA00;
	[sflag:s18] =	ssyncset.done @p0 $0x0  }
0x83: {  	s22 =	simm.s32 @p0 $0xE800;
	[sflag:s18] =	ssyncadd.s32 @p0 $0xFFFFE000;
	s18 =	simm.s32 @p0 $0x780  }
0x84: {  	[spmem:s2] =	stream.indirect.scatter.add.f32 @p0 [tilespmem:s22], [sflag:$0x14], $0x40, s18, s15, $0xb8;
	[tilespmem:$0x1A600] =	vst v63  }
.Ltmp3:
0x85: {  	_ = 	snop;
	(pc) =	sbr.rel @!p1 .LBB2_8-.Ltmp3, $4  }
0x86: {  	s15 =	simm.s32 @p0 $0x10  }
0x87: {  	_ =	swait.ge @p0 [sflag:s15], $0x2000  }
0x88: {  	[sflag:s15] =	ssyncset.done @p0 $0x0  }
0x89: {  	s11 =	sadd.s32 $0x2, s11;
	[sflag:s15] =	ssyncadd.s32 @p0 $0xFFFFE000  }
.LBB2_2:
0x8a: {  	p0 =	seq.s32 s6, $0x0  }
0x8b: {  	s15 =	simm.s32 @p0 $0x2  }
0x8c: {  	_ =	swait.ge @p0 [sflag:s15], $0x200  }
0x8d: {  	[sflag:s15] =	ssyncset.done @p0 $0x0  }
0x8e: {  	[sflag:s15] =	ssyncadd.s32 @p0 $0xFFFFFE00;
	s15 =	simm.s32 @p0 $0x5  }
0x8f: {  	_ =	swait.ge @p0 [sflag:s15], $0x2000  }
0x90: {  	s23 =	simm.s32 @p0 $0x400;
	[sflag:s15] =	ssyncset.done @p0 $0x0  }
0x91: {  	s18 =	simm.s32 @p0 $0x800;
	[sflag:s15] =	ssyncadd.s32 @p0 $0xFFFFE000;
	s15 =	simm.s32 @p0 $0x80  }
0x92: {  	[spmem:s2] =	stream.indirect.scatter.add.f32 @p0 [tilespmem:s18], [sflag:$0xD], $0x40, s23, s15, $0xb8;
	[tilespmem:$0x1A600] =	vst v63  }
0x93: {  	s18 =	simm.s32 @!p0 $0x3  }
0x94: {  	_ =	swait.ge @!p0 [sflag:s18], $0x200  }
0x95: {  	[sflag:s18] =	ssyncset.done @!p0 $0x0  }
0x96: {  	[sflag:s18] =	ssyncadd.s32 @!p0 $0xFFFFFE00;
	s18 =	simm.s32 @!p0 $0x2  }
0x97: {  	_ =	swait.ge @!p0 [sflag:s18], $0x200  }
0x98: {  	[sflag:s18] =	ssyncset.done @!p0 $0x0  }
0x99: {  	[sflag:s18] =	ssyncadd.s32 @!p0 $0xFFFFFE00;
	s18 =	simm.s32 @!p0 $0x5  }
0x9a: {  	_ =	swait.ge @!p0 [sflag:s18], $0x2000  }
0x9b: {  	s28 =	simm.s32 @!p0 $0x800;
	[sflag:s18] =	ssyncset.done @!p0 $0x0  }
0x9c: {  	s23 =	simm.s32 @!p0 $0x400;
	[sflag:s18] =	ssyncadd.s32 @!p0 $0xFFFFE000;
	s18 =	simm.s32 @!p0 $0x80  }
0x9d: {  	[spmem:s2] =	stream.indirect.scatter.add.f32 @!p0 [tilespmem:s28], [sflag:$0xD], $0x40, s23, s18, $0xb8;
	[tilespmem:$0x1A600] =	vst v63  }
0x9e: {  	s23 =	simm.s32 @!p0 $0x11  }
0x9f: {  	_ =	swait.ge @!p0 [sflag:s23], $0x2000  }
0xa0: {  	[sflag:s23] =	ssyncset.done @!p0 $0x0  }
0xa1: {  	s22 =	simm.s32 $0x200;
	[sflag:s23] =	ssyncadd.s32 @!p0 $0xFFFFE000  }
0xa2: {  	[tilespmem:s25], [sflag:$0x9] =	stream.indirect.gather [hbm4b:s4+s16], $0x40, s22, s16, $0xb8;
	[tilespmem:$0x1A600] =	vst v63  }
0xa3: {  	_ =	swait.ge [sflag:s26], $0x2000  }
0xa4: {  	[sflag:s26] =	ssyncset.done $0x0  }
0xa5: {  	s29 =	simm.s32 $0x480;
	s28 =	simm.s32 $0x2800;
	[sflag:s26] =	ssyncadd.s32 $0xFFFFE000  }
0xa6: {  	[spmem:s2] =	stream.indirect.scatter.add.f32 [tilespmem:s28], [sflag:$0xE], $0x40, s29, s16, $0xb8;
	[tilespmem:$0x1A600] =	vst v63  }
0xa7: {  	s23 =	simm.s32 @p0 $0x280;
	s28 =	simm.s32 @p0 $0xA800  }
0xa8: {  	[tilespmem:s28], [sflag:$0xA] =	stream.indirect.gather @p0 [hbm4b:s4+s15], $0x40, s23, s15, $0xb8;
	[tilespmem:$0x1A600] =	vst v63  }
0xa9: {  	s23 =	simm.s32 @p0 $0x7  }
0xaa: {  	_ =	swait.ge @p0 [sflag:s23], $0x2000  }
0xab: {  	[sflag:s23] =	ssyncset.done @p0 $0x0  }
0xac: {  	s28 =	simm.s32 @p0 $0x4800;
	[sflag:s23] =	ssyncadd.s32 @p0 $0xFFFFE000;
	s23 =	simm.s32 @p0 $0x500  }
0xad: {  	[spmem:s2] =	stream.indirect.scatter.add.f32 @p0 [tilespmem:s28], [sflag:$0xF], $0x40, s23, s15, $0xb8;
	[tilespmem:$0x1A600] =	vst v63  }
0xae: {  	s15 =	simm.s32 @!p0 $0x12  }
0xaf: {  	_ =	swait.ge @!p0 [sflag:s15], $0x2000  }
0xb0: {  	[sflag:s15] =	ssyncset.done @!p0 $0x0  }
0xb1: {  	s23 =	simm.s32 @!p0 $0xA800;
	[sflag:s15] =	ssyncadd.s32 @!p0 $0xFFFFE000;
	s15 =	simm.s32 @!p0 $0x280  }
0xb2: {  	[tilespmem:s23], [sflag:$0xA] =	stream.indirect.gather @!p0 [hbm4b:s4+s18], $0x40, s15, s18, $0xb8;
	[tilespmem:$0x1A600] =	vst v63  }
0xb3: {  	s15 =	simm.s32 @!p0 $0x7  }
0xb4: {  	_ =	swait.ge @!p0 [sflag:s15], $0x2000  }
0xb5: {  	[sflag:s15] =	ssyncset.done @!p0 $0x0  }
0xb6: {  	s23 =	simm.s32 @!p0 $0x4800;
	[sflag:s15] =	ssyncadd.s32 @!p0 $0xFFFFE000;
	s15 =	simm.s32 @!p0 $0x500  }
0xb7: {  	[spmem:s2] =	stream.indirect.scatter.add.f32 @!p0 [tilespmem:s23], [sflag:$0xF], $0x40, s15, s18, $0xb8;
	[tilespmem:$0x1A600] =	vst v63  }
0xb8: {  	s15 =	simm.s32 @!p0 $0x13  }
0xb9: {  	_ =	swait.ge @!p0 [sflag:s15], $0x2000  }
0xba: {  	[sflag:s15] =	ssyncset.done @!p0 $0x0  }
0xbb: {  	s28 =	simm.s32 $0x300;
	[sflag:s15] =	ssyncadd.s32 @!p0 $0xFFFFE000;
	p0 =	sne.s32 s6, $0x0  }
0xbc: {  	[tilespmem:s30], [sflag:$0xB] =	stream.indirect.gather [hbm4b:s4+s16], $0x40, s28, s16, $0xb8;
	[tilespmem:$0x1A600] =	vst v63  }
.Ltmp4:
0xbd: {  	_ = 	snop;
	(pc) =	sbr.rel @!p0 .LBB2_3-.Ltmp4, $4  }
0xbe: {  	_ =	swait.ge [sflag:s31], $0x2000  }
0xbf: {  	[sflag:s31] =	ssyncset.done $0x0  }
0xc0: {  	s29 =	simm.s32 $0x6800;
	[sflag:s31] =	ssyncadd.s32 $0xFFFFE000  }
0xc1: {  	[spmem:s2] =	stream.indirect.scatter.add.f32 [tilespmem:s29], [sflag:$0x10], $0x40, s0, s16, $0xb8;
	[tilespmem:$0x1A600] =	vst v63  }
0xc2: {  	p0 =	seq.s32 s6, $0x980  }
.Ltmp5:
0xc3: {  	_ = 	snop;
	(pc) =	sbr.rel @p0 .LBB2_6-.Ltmp5, $4  }
.Ltmp6:
0xc4: {  	_ =	swait.ge [sflag:s14], $0x2000;
	(pc) =	sbr.rel @!p0 .LBB2_5-.Ltmp6, $4  }
0xc5: {  	[sflag:s14] =	ssyncset.done $0x0  }
0xc6: {  	s23 =	smov.u32 s11;
	[sflag:s14] =	ssyncadd.s32 $0xFFFFE000  }
0xc7: {  	[tilespmem:s13], [sflag:$0xC] =	stream.indirect.gather [hbm4b:s4+s16], $0x40, s1, s16, $0xb8;
	[tilespmem:$0x1A600] =	vst v63  }
0xc8: {  	_ = 	snop  }
.LBB2_3:
0xc9: {  	[tilespmem:s13], [sflag:$0xC] =	stream.indirect.gather [hbm4b:s4+s16], $0x40, s1, s16, $0xb8;
	[tilespmem:$0x1A600] =	vst v63  }
0xca: {  	s23 =	simm.s32 $0x2  }
.LBB2_5:
0xcb: {  	s15 =	sshll.u32 s23, $0x6  }
0xcc: {  	s15 =	sadd.s32 s12, s15  }
0xcd: {  	[tilespmem:s3], [sflag:$0x1] =	stream.linear.gather [hbm4b:s15+s3], $0x200, $0x38;
	[tilespmem:$0x1A600] =	vst v63  }
.Ltmp7:
0xce: {  	s29 =	sadd.s32 s6, s24;
	(pc) =	sbr.rel .LBB2_7-.Ltmp7, $4  }
0xcf: {  	[tilespmem:s17], [sflag:$0x4] =	stream.linear.gather [hbm4b:s29+s3], $0x200, $0x38;
	[tilespmem:$0x1A600] =	vst v63  }
0xd0: {  	_ =	swait.ge [sflag:s19], $0x200  }
0xd1: {  	[sflag:s19] =	ssyncset.done $0x0  }
0xd2: {  	p0 =	por $0x0, $0x0;
	s15 =	simm.s32 $0x1;
	[sflag:s19] =	ssyncadd.s32 $0xFFFFFE00  }
.LBB2_9:
0xd3: {  	_ =	sfence.sel $0x180000  }
0xd4: {  	[bflag:$0x0] =	sbarrier.arrive $0xFFFF  }
0xd5: {  	_ =	strace $0x9000004A  }
0xd6: {  	s0 =	stileid.u32;
	[bflag:$0x2] =	sbarrier.arrive $0xFFFF  }
0xd7: {  	p0 =	sne.s32 s0, $0x0;
	s0 =	rddreg [dreg:$0x3]  }
0xd8: {  	s0 =	sadd.s32 @!p0 $0x100000, s0  }
0xd9: {  	[sflag:s0] =	ssyncadd.tile.s32 @!p0 $0x1;
	_ =	shalt  }
.Lfunc_end2:
_tile_overlayer_lowered:
.L_overlay_start_2:
0xda: {  	(tag) =	ssettag $0x2  }
0xdb: {  	s0 =	rddreg [dreg:$0x0];
	s2 =	stileid.u32  }
0xdc: {  	s1 =	rddreg [dreg:$0x1];
	p0 =	sne.s32 s2, $0x0  }
0xdd: {  	s3 =	rddreg [dreg:$0x2];
	[bflag:$0x3] =	sbarrier.arrive $0xFFFF;
	s2 =	simm.s32 @!p0 $0x1C15  }
0xde: {  	[timem:s3], [sflag:s2] =	dma.local @!p0 [hbm:s0], s1  }
0xdf: {  	s0 =	simm.s32 @!p0 $0x15  }
0xe0: {  	_ =	swait.ge @!p0 [sflag:s0], s1  }
0xe1: {  	s1 =	ssub.s32 @!p0 $0x0, s1;
	[sflag:s0] =	ssyncset.done @!p0 $0x0  }
0xe2: {  	[sflag:s0] =	ssyncadd.s32 @!p0 s1  }
0xe3: {  	[bflag:$0x3] =	sbarrier.arrive $0xFFFF  }
0xe4: {  	_ =	shalt  }

// kernel: kernel.16.cloned.1.call-start
scs
__scs_entry_jumppad:
0x0: {  	(pc) =	sbr.rel $0x88, $3  }
0x1: {  	(tag) =	ssettag $0x0;
	lr =	simm.s32 $0x1  }
0x2: {  	[smem:$0x3F99] =	sst lr;
	_ =	strace $0xD0000000  }
0x3: {  	_ = 	snop  }
0x4: {  	_ = 	snop  }
0x5: {  	_ = 	snop  }
0x6: {  	_ = 	snop  }
0x7: {  	_ = 	snop  }
__scs_overlays_trampoline_lowered:
0x8: {  	[smem:$0x3FA8] =	sst s0  }
0x9: {  	[smem:$0x3FA9] =	sst s1  }
0xa: {  	[smem:$0x3FAA] =	sst s2  }
0xb: {  	[smem:$0x3FAB] =	sst s3  }
0xc: {  	[smem:$0x3FAC] =	sst s4  }
0xd: {  	[smem:$0x3FAD] =	sst s5  }
0xe: {  	[smem:$0x3FAE] =	sst s6  }
0xf: {  	[smem:$0x3FAF] =	sst s7  }
0x10: {  	[smem:$0x3FB0] =	sst s8  }
0x11: {  	[smem:$0x3FB1] =	sst s9;
	s0 =	simm.s32 @!p0 $0x0  }
0x12: {  	s1 =	sld [smem:$0x3F97];
	s0 =	simm.s32 @p0 $0x1  }
0x13: {  	[smem:$0x3FB2] =	sst s0;
	s0 =	simm.s32 @!p1 $0x0  }
0x14: {  	s2 =	sld [smem:$0x3F96];
	s0 =	simm.s32 @p1 $0x1  }
0x15: {  	[smem:$0x3FB3] =	sst s0;
	s0 =	simm.s32 @!p2 $0x0  }
0x16: {  	s3 =	sld [smem:$0x3FDB];
	s0 =	simm.s32 @p2 $0x1  }
0x17: {  	s4 =	simm.s32 $0x1BF5;
	[smem:$0x3FB5] =	sst s0  }
0x18: {  	s0 =	sld [smem:$0x3F98];
	_ =	swait.ge [sflag:s4], $0x0  }
0x19: {  	s7 =	sld [smem:$0x3F99]  }
0x1a: {  	s8 =	sadd.s32 $0xFFFFE003, lr  }
0x1b: {  	s9 =	sadd.s32 $0xFFFFFEF7, lr;
	s5 =	simm.s32 $0xFFFFFFFF;
	p2 =	slt.u32 s8, $0xFFFFF086  }
0x1c: {  	p1 =	slt.u32 s9, $0xF7A;
	s5 =	simm.s32 @!p2 $0x0  }
0x1d: {  	s5 =	simm.s32 @p1 $0x1;
	p0 =	seq.s32 s7, s2  }
0x1e: {  	s7 =	smul.u32 @!p0 $0xF7A, s2;
	p2 =	seq.s32 @!p0 s5, $0x0  }
0x1f: {  	s9 =	smul.u32 $0xF7A, s1;
	s8 =	simm.s32 @!p0 $0x1BF5;
	p2 =	por !p2, p0  }
0x20: {  	[sflag:s8] =	ssyncset.s32 @!p0 $0xFFFFF086;
	s6 =	sadd.s32 @!p0 s3, s7;
	s7 =	simm.s32 @!p0 $0x108  }
0x21: {  	s3 =	sadd.s32 s3, s9;
	s6 =	sadd.s32 @!p0 $0x88, s6;
	s7 =	simm.s32 @p2 $0x1082  }
0x22: {  	[simem:s7], [sflag:s8] =	dma.local @!p0 [hbm:s6], $0xF7A  }
0x23: {  	s9 =	sor.u32 $0xD0000000, s2;
	s6 =	simm.s32 $0x108;
	_ =	swait.ge @!p0 [sflag:s8], $0x0  }
0x24: {  	s3 =	sadd.s32 $0x88, s3;
	s6 =	simm.s32 @!p1 $0x1082;
	[sflag:s4] =	ssyncset.s32 $0xFFFFF086  }
0x25: {  	[simem:s6], [sflag:s4] =	dma.local [hbm:s3], $0xF7A  }
0x26: {  	[smem:$0x3F99] =	sst s1;
	(tag) =	ssettag s2;
	_ =	strace s9  }
0x27: {  	s1 =	sld [smem:$0x3FA9]  }
0x28: {  	s2 =	sld [smem:$0x3FAA]  }
0x29: {  	s4 =	sld [smem:$0x3FAC]  }
0x2a: {  	p0 =	seq.s32 s5, $0x0;
	s5 =	sld [smem:$0x3FAD]  }
0x2b: {  	s6 =	sld [smem:$0x3FAE]  }
0x2c: {  	s7 =	sld [smem:$0x3FAF]  }
0x2d: {  	s3 =	simm.s32 $0x108;
	s8 =	sld [smem:$0x3FB0]  }
0x2e: {  	s3 =	simm.s32 @!p0 $0x1082;
	s9 =	sld [smem:$0x3FB1]  }
0x2f: {  	lr =	sadd.s32 s0, s3;
	s0 =	sld [smem:$0x3FA8]  }
0x30: {  	s3 =	sld [smem:$0x3FAB]  }
0x31: {  	[smem:$0x3FB4] =	sst s10  }
0x32: {  	s10 =	sld [smem:$0x3FB2];
	_ =	sdelay $0x3  }
0x33: {  	p0 =	seq.s32 s10, $0x1;
	s10 =	sld [smem:$0x3FB4];
	_ =	sdelay $0x3  }
0x34: {  	[smem:$0x3FB4] =	sst s10  }
0x35: {  	s10 =	sld [smem:$0x3FB3];
	_ =	sdelay $0x3  }
0x36: {  	p1 =	seq.s32 s10, $0x1;
	s10 =	sld [smem:$0x3FB4];
	_ =	sdelay $0x3  }
0x37: {  	[smem:$0x3FB4] =	sst s10  }
0x38: {  	s10 =	sld [smem:$0x3FB5]  }
0x39: {  	_ = 	snop;
	(pc) =	sbr.ind lr, $3  }
0x3a: {  	_ = 	snop  }
0x3b: {  	_ = 	snop  }
0x3c: {  	p2 =	seq.s32 s10, $0x1;
	s10 =	sld [smem:$0x3FB4]  }
0x3d: {  	_ =	shalt  }
0x3e: {  	_ =	shalt  }
0x3f: {  	_ =	shalt  }
0x40: {  	_ =	shalt  }
0x41: {  	_ =	shalt  }
0x42: {  	_ =	shalt  }
0x43: {  	_ =	shalt  }
0x44: {  	_ =	shalt  }
0x45: {  	_ =	shalt  }
0x46: {  	_ =	shalt  }
0x47: {  	_ =	shalt  }
0x48: {  	_ =	shalt  }
0x49: {  	_ =	shalt  }
0x4a: {  	_ =	shalt  }
0x4b: {  	_ =	shalt  }
0x4c: {  	_ =	shalt  }
0x4d: {  	_ =	shalt  }
0x4e: {  	_ =	shalt  }
0x4f: {  	_ =	shalt  }
0x50: {  	_ =	shalt  }
0x51: {  	_ =	shalt  }
0x52: {  	_ =	shalt  }
0x53: {  	_ =	shalt  }
0x54: {  	_ =	shalt  }
0x55: {  	_ =	shalt  }
0x56: {  	_ =	shalt  }
0x57: {  	_ =	shalt  }
0x58: {  	_ =	shalt  }
0x59: {  	_ =	shalt  }
0x5a: {  	_ =	shalt  }
0x5b: {  	_ =	shalt  }
0x5c: {  	_ =	shalt  }
0x5d: {  	_ =	shalt  }
0x5e: {  	_ =	shalt  }
0x5f: {  	_ =	shalt  }
0x60: {  	_ =	shalt  }
0x61: {  	_ =	shalt  }
0x62: {  	_ =	shalt  }
0x63: {  	_ =	shalt  }
0x64: {  	_ =	shalt  }
0x65: {  	_ =	shalt  }
0x66: {  	_ =	shalt  }
0x67: {  	_ =	shalt  }
0x68: {  	_ =	shalt  }
0x69: {  	_ =	shalt  }
0x6a: {  	_ =	shalt  }
0x6b: {  	_ =	shalt  }
0x6c: {  	_ =	shalt  }
0x6d: {  	_ =	shalt  }
0x6e: {  	_ =	shalt  }
0x6f: {  	_ =	shalt  }
0x70: {  	_ =	shalt  }
0x71: {  	_ =	shalt  }
0x72: {  	_ =	shalt  }
0x73: {  	_ =	shalt  }
0x74: {  	_ =	shalt  }
0x75: {  	_ =	shalt  }
0x76: {  	_ =	shalt  }
0x77: {  	_ =	shalt  }
0x78: {  	_ =	shalt  }
0x79: {  	_ =	shalt  }
0x7a: {  	_ =	shalt  }
0x7b: {  	_ =	shalt  }
0x7c: {  	_ =	shalt  }
0x7d: {  	_ =	shalt  }
0x7e: {  	_ =	shalt  }
0x7f: {  	_ =	shalt  }
0x80: {  	_ =	shalt  }
0x81: {  	_ =	shalt  }
0x82: {  	_ =	shalt  }
0x83: {  	_ =	shalt  }
0x84: {  	_ =	shalt  }
0x85: {  	_ =	shalt  }
0x86: {  	_ =	shalt  }
0x87: {  	_ =	shalt  }
.Lfunc_end0:
.L_simem_size_0:
called_computation.2_lowered:
.L_overlay_start_0:
0x88: {  	s2 =	sld [smem:$0x3FD9]  }
0x89: {  	s3 =	sld [smem:$0x3FFE];
	_ =	sdelay $0x1  }
0x8a: {  	s1 =	srdreg.scid  }
0x8b: {  	s0 =	sand.u32 $0x1, s1  }
0x8c: {  	s17 =	sshll.u32 s0, $0xA;
	s2 =	sadd.s32 s3, s2  }
0x8d: {  	s2 =	sadd.s32 s2, s17  }
0x8e: {  	[smem:$0x3FC0] =	sst s2  }
0x8f: {  	_ = 	snop  }
0x90: {  	s2 =	sld [smem:$0x3FD0];
	(tm) =	ssettm $0x1  }
0x91: {  	s18 =	sld [smem:$0x3FFB];
	_ =	sdelay $0x3  }
0x92: {  	_ =	strace s18  }
0x93: {  	s3 =	sld [smem:$0x3FFC];
	_ =	sdelay $0x3  }
0x94: {  	_ =	strace s3  }
0x95: {  	s3 =	sld [smem:$0x3FFD];
	_ =	sdelay $0x3  }
0x96: {  	_ =	strace s3  }
0x97: {  	_ =	strace $0x8FFFFFFF  }
0x98: {  	s19 =	sld [smem:$0x3FDB];
	_ =	sdelay $0x1  }
0x99: {  	s4 =	simm.s32 $_scs_section_size  }
0x9a: {  	s5 =	simm.s32 $_size__tile_overlayer_lowered;
	s6 =	simm.s32 $_tile_overlayer_lowered  }
0x9b: {  	s22 =	simm.s32 $0x1BFF;
	s21 =	sshll.u32 s6, $0x1;
	s3 =	sadd.s32 s4, s19  }
0x9c: {  	s7 =	simm.s32 $0x0;
	s20 =	sshll.u32 s5, $0x1;
	s5 =	sadd.s32 s21, s3  }
0x9d: {  	[timem:s7], [sflag:s22] =	dma.local [hbm:s5], s20  }
0x9e: {  	_ =	swait.ge [sflag:s22], s20  }
0x9f: {  	s4 =	ssub.s32 $0x0, s20;
	[sflag:s22] =	ssyncset.done $0x0  }
0xa0: {  	[sflag:s22] =	ssyncadd.s32 s4;
	_ =	sdelay $0x1  }
0xa1: {  	s23 =	simm.s32 $0x1B8B  }
0xa2: {  	_ =	swait.ge [sflag:s23], $0x1  }
0xa3: {  	[sflag:s23] =	ssyncset.done $0x0  }
0xa4: {  	s25 =	simm.s32 $0x1B8E;
	s24 =	sld [smem:$0x3FFE];
	[sflag:s23] =	ssyncadd.s32 $0xFFFFFFFF  }
0xa5: {  	s26 =	simm.s32 $execute0_lowered;
	[smem:$0x3FD2] =	sst s25  }
0xa6: {  	s5 =	sshll.u32 s26, $0x1;
	_ =	strace $0x8000004C;
	[dreg:$0x1] =	wrdreg $0xFFFFFFFF  }
0xa7: {  	s28 =	simm.s32 $_size_execute0_lowered;
	s3 =	sadd.s32 s3, s5;
	[dreg:$0x0] =	wrdreg $0x0  }
0xa8: {  	s5 =	sshll.u32 s28, $0x1;
	[dreg:$0x2] =	wrdreg s3  }
0xa9: {  	[dreg:$0x3] =	wrdreg s5  }
0xaa: {  	[dreg:$0x4] =	wrdreg $0xC0  }
0xab: {  	_ =	task [dreg:s7], $0x5FFFF  }
0xac: {  	[dreg:$0x1] =	wrdreg $0xFFFFFFFF  }
0xad: {  	[dreg:$0x0] =	wrdreg $0x60  }
0xae: {  	[dreg:$0x2] =	wrdreg s24  }
0xaf: {  	[dreg:$0x3] =	wrdreg s2  }
0xb0: {  	[dreg:$0x4] =	wrdreg $0x108000  }
0xb1: {  	[dreg:$0x5] =	wrdreg $0x9  }
0xb2: {  	_ =	task.clear_ibuf [dreg:s7], $0x6FFFF;
	_ =	strace $0x9000004C  }
0xb3: {  	s29 =	simm.s32 $0x9;
	_ =	strace $0x8000004E  }
0xb4: {  	_ =	swait.ge [sflag:s29], $0x1  }
0xb5: {  	[sflag:s29] =	ssyncadd.s32 $0xFFFFFFFF  }
0xb6: {  	_ =	strace $0x9000004E  }
0xb7: {  	_ =	sfence  }
0xb8: {  	s30 =	sld [smem:$0x0];
	_ =	sdelay $0x2  }
0xb9: {  	s31 =	sshll.u32 s1, $0xD;
	s1 =	sshrl.u32 s1, $0x2  }
0xba: {  	s3 =	sand.u32 $0x4000, s31;
	s1 =	sadd.s32 s1, s30  }
0xbb: {  	s0 =	sor.u32 s3, s0;
	s1 =	sshll.u32 s1, $0x11  }
0xbc: {  	s0 =	sor.u32 s1, s0  }
0xbd: {  	s0 =	sadd.s32 $0x8F2B, s0  }
0xbe: {  	[sflag:s0] =	ssyncadd.remote.s32 $0x1  }
0xbf: {  	_ =	sfence.sel $0xFFFF  }
0xc0: {  	[dreg:$0x0] =	wrdreg $0xFFFFFFFF;
	(pc) =	sbr.abs _section_cstart, $3  }
0xc1: {  	[dreg:$0x1] =	wrdreg $0xFFFFFFFF  }
0xc2: {  	_ =	task.clear_ibuf [dreg:s7], $0x2FFFF;
	_ =	strace $0x9FFFFFFF  }
0xc3: {  	(tm) =	ssettm $0x7FFFFFFF  }
tec
execute0_lowered:
.L_overlay_start_1:
0x0: {  	(tag) =	ssettag $0x1  }
0x1: {  	s0 =	rddreg [dreg:$0x0]  }
0x2: {  	s1 =	rddreg [dreg:$0x1]  }
0x3: {  	s2 =	rddreg [dreg:$0x2];
	s12 =	stileid.u32;
	s3 =	simm.s32 $0x0  }
0x4: {  	s4 =	srdreg.scid;
	s15 =	simm.s32 $0x15;
	s16 =	simm.s32 $0x80  }
0x5: {  	s30 =	simm.s32 $0xC800;
	s31 =	simm.s32 $0x8;
	s13 =	simm.s32 $0xE800  }
0x6: {  	s17 =	simm.s32 $0x600;
	s19 =	simm.s32 $0x4;
	s20 =	simm.s32 $0x9  }
0x7: {  	s21 =	simm.s32 $0xD;
	s14 =	simm.s32 $0x14;
	s5 =	smul.u32 $0xA00, s12  }
0x8: {  	s18 =	simm.s32 $0x0;
	s6 =	smul.u32 $0x9E00, s12;
	[smem:$0x7FF] =	sst s3  }
0x9: {  	s7 =	sand.u32 $0x1, s4;
	s8 =	smul.u32 $0x13C0, s12;
	s4 =	sadd.s32 $0xD600, s0  }
0xa: {  	s25 =	sshll.u32 s12, $0x6;
	_ =	strace $0x8000004D;
	s9 =	smul.u32 $0x13C00, s7  }
0xb: {  	s23 =	ssub.s32 $0x2, s7;
	s7 =	smul.u32 $0xA000, s7;
	s10 =	sadd.s32 s5, s0  }
0xc: {  	s11 =	sshrl.u32 s6, $0x3;
	s24 =	sshrl.u32 s23, $0x1;
	s6 =	sadd.s32 s6, s2  }
0xd: {  	s11 =	sadd.s32 s11, s0;
	s8 =	sadd.s32 s8, s9;
	s1 =	sadd.s32 s1, s7  }
0xe: {  	s7 =	sadd.s32 $0x3600, s10;
	s10 =	sshrl.u32 s6, $0x3;
	s9 =	simm.s32 $0xF  }
0xf: {  	s0 =	sadd.s32 s8, s0;
	s8 =	ssub.s32 s23, s24;
	s11 =	sadd.s32 $0x34E00, s11  }
0x10: {  	s12 =	sadd.s32 s5, s1;
	s29 =	sadd.s32 $0x9C0, s7;
	[dreg:$0x8] =	wrdreg s10  }
0x11: {  	s24 =	sadd.s32 $0x40, s7;
	s1 =	simm.s32 $0x380;
	[dreg:$0x4] =	wrdreg s11  }
.Ltmp0:
0x12: {  	s0 =	sadd.s32 $0x48A00, s0;
	[dreg:$0xa] =	wrdreg s29;
	(pc) =	sbr.rel .LBB2_1-.Ltmp0, $4  }
0x13: {  	s5 =	simm.s32 $0xB;
	s26 =	smax.u32 s8, $0x1;
	[dreg:$0x6] =	wrdreg s0  }
0x14: {  	s11 =	sor.u32 $0x1C15, s25;
	s28 =	sadd.s32 $0x40, s12;
	[dreg:$0x7] =	wrdreg s26  }
0x15: {  	s25 =	simm.s32 $0x8800;
	s8 =	simm.s32 $0x700;
	[dreg:$0x9] =	wrdreg s28  }
0x16: {  	s26 =	simm.s32 $0x6;
	s0 =	simm.s32 $0x580;
	[dreg:$0x5] =	wrdreg s11  }
.LBB2_8:
0x17: {  	s6 =	simm.s32 $0x11  }
0x18: {  	_ =	swait.ge [sflag:s6], $0x2000  }
0x19: {  	[sflag:s6] =	ssyncset.done $0x0  }
0x1a: {  	s22 =	simm.s32 $0x12;
	[sflag:s6] =	ssyncadd.s32 $0xFFFFE000  }
0x1b: {  	_ =	swait.ge [sflag:s22], $0x2000  }
0x1c: {  	[sflag:s22] =	ssyncset.done $0x0  }
0x1d: {  	s23 =	simm.s32 $0x13;
	[sflag:s22] =	ssyncadd.s32 $0xFFFFE000  }
0x1e: {  	_ =	swait.ge [sflag:s23], $0x2000  }
0x1f: {  	[sflag:s23] =	ssyncset.done $0x0  }
0x20: {  	[sflag:s23] =	ssyncadd.s32 $0xFFFFE000  }
0x21: {  	_ =	swait.ge [sflag:s14], $0x2000  }
0x22: {  	[sflag:s14] =	ssyncset.done $0x0  }
0x23: {  	[sflag:s14] =	ssyncadd.s32 $0xFFFFE000  }
0x24: {  	[bflag:$0x0] =	sbarrier.arrive $0xFFFF  }
0x25: {  	s11 =	rddreg [dreg:$0x5]  }
0x26: {  	s28 =	rddreg [dreg:$0x6]  }
0x27: {  	s15 =	simm.s32 $0x15;
	s10 =	rddreg [dreg:$0x8]  }
0x28: {  	[hbm:s28], [sflag:s11] =	dma.local [spmem:s10], $0x13C0  }
0x29: {  	_ =	swait.ge [sflag:s15], $0x13C0  }
0x2a: {  	s18 =	rddreg [dreg:$0xb]  }
0x2b: {  	s29 =	rddreg [dreg:$0x7];
	s18 =	sadd.s32 $0x1, s18  }
0x2c: {  	p0 =	sne.s32 s18, s29  }
.Ltmp1:
0x2d: {  	_ = 	snop;
	(pc) =	sbr.rel @!p0 .LBB2_9-.Ltmp1, $3  }
0x2e: {  	_ =	sdelay $0x1  }
0x2f: {  	[sflag:s15] =	ssyncset.done $0x0  }
0x30: {  	[sflag:s15] =	ssyncadd.s32 $0xFFFFEC40  }
.LBB2_1:
0x31: {  	[dreg:$0xb] =	wrdreg s18  }
0x32: {  	s6 =	rddreg [dreg:$0x4]  }
0x33: {  	[spmem:s10], [sflag:s11] =	dma.local [hbm:s6], $0x13C0  }
0x34: {  	_ =	swait.ge [sflag:s15], $0x13C0  }
0x35: {  	[sflag:s15] =	ssyncset.done $0x0  }
0x36: {  	[sflag:s15] =	ssyncadd.s32 $0xFFFFEC40  }
0x37: {  	[tilespmem:s3], [sflag:$0x15] =	stream.linear.gather [hbm4b:s12+s3], $0x200, $0x38;
	[tilespmem:$0x1A600] =	vst v63  }
0x38: {  	_ =	swait.ge [sflag:s15], $0x200  }
0x39: {  	[sflag:s15] =	ssyncset.done $0x0  }
0x3a: {  	s29 =	simm.s32 $0x400;
	[sflag:s15] =	ssyncadd.s32 $0xFFFFFE00  }
0x3b: {  	[tilespmem:s29], [sflag:$0x15] =	stream.linear.gather [hbm4b:s7+s3], $0x200, $0x38;
	[tilespmem:$0x1A600] =	vst v63  }
0x3c: {  	_ =	swait.ge [sflag:s15], $0x200  }
0x3d: {  	[sflag:s15] =	ssyncset.done $0x0  }
0x3e: {  	s11 =	simm.s32 $0x200;
	s10 =	rddreg [dreg:$0x9];
	[sflag:s15] =	ssyncadd.s32 $0xFFFFFE00  }
0x3f: {  	[tilespmem:s11], [sflag:$0x2] =	stream.linear.gather [hbm4b:s10+s3], $0x200, $0x38;
	[tilespmem:$0x1A600] =	vst v63  }
0x40: {  	s15 =	simm.s32 $0x800;
	[bflag:$0x0] =	sbarrier.arrive $0xFFFF  }
0x41: {  	[tilespmem:s15], [sflag:$0x5] =	stream.indirect.gather [hbm4b:s4+s16], $0x40, s3, s16, $0xb8;
	[tilespmem:$0x1A600] =	vst v63  }
0x42: {  	s18 =	simm.s32 $0x2800  }
0x43: {  	[tilespmem:s18], [sflag:$0x6] =	stream.indirect.gather [hbm4b:s4+s16], $0x40, s16, s16, $0xb8;
	[tilespmem:$0x1A600] =	vst v63  }
.Ltmp2:
0x44: {  	s22 =	simm.s32 $0x100;
	(pc) =	sbr.rel .LBB2_2-.Ltmp2, $4  }
0x45: {  	s23 =	simm.s32 $0x4800;
	s28 =	simm.s32 $0x180;
	s6 =	simm.s32 $0x0  }
0x46: {  	[tilespmem:s23], [sflag:$0x7] =	stream.indirect.gather [hbm4b:s4+s16], $0x40, s22, s16, $0xb8;
	[tilespmem:$0x1A600] =	vst v63  }
0x47: {  	s29 =	simm.s32 $0x6800;
	s10 =	sadd.s32 $0xC0, s12;
	s11 =	simm.s32 $0x2  }
0x48: {  	[tilespmem:s29], [sflag:$0x8] =	stream.indirect.gather [hbm4b:s4+s16], $0x40, s28, s16, $0xb8;
	[tilespmem:$0x1A600] =	vst v63  }
.LBB2_6:
0x49: {  	s15 =	rddreg [dreg:$0xa]  }
0x4a: {  	[tilespmem:s17], [sflag:$0x4] =	stream.linear.gather [hbm4b:s15+s3], $0x200, $0x38;
	[tilespmem:$0x1A600] =	vst v63  }
0x4b: {  	p0 =	por $0x1, $0x1;
	s23 =	smov.u32 s11;
	s15 =	simm.s32 $0x4  }
.LBB2_7:
0x4c: {  	_ =	swait.ge [sflag:s15], $0x200  }
0x4d: {  	[sflag:s15] =	ssyncset.done $0x0  }
0x4e: {  	[sflag:s15] =	ssyncadd.s32 $0xFFFFFE00  }
0x4f: {  	_ =	swait.ge [sflag:s20], $0x2000  }
0x50: {  	[sflag:s20] =	ssyncset.done $0x0  }
0x51: {  	[sflag:s20] =	ssyncadd.s32 $0xFFFFE000  }
0x52: {  	[spmem:s2] =	stream.indirect.scatter.add.f32 [tilespmem:s25], [sflag:$0x11], $0x40, s17, s16, $0xb8;
	[tilespmem:$0x1A600] =	vst v63  }
0x53: {  	_ =	swait.ge [sflag:s21], $0x2000  }
0x54: {  	[sflag:s21] =	ssyncset.done $0x0  }
0x55: {  	s15 =	simm.s32 @p0 $0xA;
	[sflag:s21] =	ssyncadd.s32 $0xFFFFE000  }
0x56: {  	_ =	swait.ge @p0 [sflag:s15], $0x2000  }
0x57: {  	s18 =	simm.s32 @p0 $0x680;
	[sflag:s15] =	ssyncset.done @p0 $0x0  }
0x58: {  	s28 =	simm.s32 @p0 $0xA800;
	[sflag:s15] =	ssyncadd.s32 @p0 $0xFFFFE000;
	s15 =	simm.s32 @p0 $0x80  }
0x59: {  	[spmem:s2] =	stream.indirect.scatter.add.f32 @p0 [tilespmem:s28], [sflag:$0x12], $0x40, s18, s15, $0xb8;
	[tilespmem:$0x1A600] =	vst v63  }
0x5a: {  	s18 =	simm.s32 @p0 $0xE  }
0x5b: {  	_ =	swait.ge @p0 [sflag:s18], $0x2000  }
0x5c: {  	s29 =	simm.s32 @!p0 $0x800;
	[sflag:s18] =	ssyncset.done @p0 $0x0  }
0x5d: {  	s28 =	simm.s32 @!p0 $0x0;
	[sflag:s18] =	ssyncadd.s32 @p0 $0xFFFFE000;
	s18 =	simm.s32 @!p0 $0x80  }
0x5e: {  	[tilespmem:s29], [sflag:$0x5] =	stream.indirect.gather @!p0 [hbm4b:s4+s18], $0x40, s28, s18, $0xb8;
	[tilespmem:$0x1A600] =	vst v63  }
0x5f: {  	s29 =	simm.s32 @!p0 $0xA  }
0x60: {  	_ =	swait.ge @!p0 [sflag:s29], $0x2000  }
0x61: {  	[sflag:s29] =	ssyncset.done @!p0 $0x0  }
0x62: {  	s22 =	simm.s32 @!p0 $0xA800;
	[sflag:s29] =	ssyncadd.s32 @!p0 $0xFFFFE000;
	s29 =	simm.s32 @!p0 $0x680  }
0x63: {  	[spmem:s2] =	stream.indirect.scatter.add.f32 @!p0 [tilespmem:s22], [sflag:$0x12], $0x40, s29, s18, $0xb8;
	[tilespmem:$0x1A600] =	vst v63  }
0x64: {  	s22 =	simm.s32 @!p0 $0xE  }
0x65: {  	_ =	swait.ge @!p0 [sflag:s22], $0x2000  }
0x66: {  	[sflag:s22] =	ssyncset.done @!p0 $0x0  }
0x67: {  	[sflag:s22] =	ssyncadd.s32 @!p0 $0xFFFFE000;
	s22 =	simm.s32 @!p0 $0x2800  }
0x68: {  	[tilespmem:s22], [sflag:$0x6] =	stream.indirect.gather @!p0 [hbm4b:s4+s18], $0x40, s18, s18, $0xb8;
	[tilespmem:$0x1A600] =	vst v63  }
0x69: {  	_ =	swait.ge [sflag:s5], $0x2000  }
0x6a: {  	[sflag:s5] =	ssyncset.done $0x0  }
0x6b: {  	[sflag:s5] =	ssyncadd.s32 $0xFFFFE000  }
0x6c: {  	[spmem:s2] =	stream.indirect.scatter.add.f32 [tilespmem:s30], [sflag:$0x13], $0x40, s8, s16, $0xb8;
	[tilespmem:$0x1A600] =	vst v63  }
0x6d: {  	_ =	swait.ge [sflag:s9], $0x2000  }
0x6e: {  	[sflag:s9] =	ssyncset.done $0x0  }
0x6f: {  	s29 =	simm.s32 @!p0 $0x4800;
	s22 =	simm.s32 @!p0 $0x100;
	[sflag:s9] =	ssyncadd.s32 $0xFFFFE000  }
0x70: {  	[tilespmem:s29], [sflag:$0x7] =	stream.indirect.gather @!p0 [hbm4b:s4+s18], $0x40, s22, s18, $0xb8;
	[tilespmem:$0x1A600] =	vst v63  }
0x71: {  	s22 =	simm.s32 @!p0 $0xC  }
0x72: {  	_ =	swait.ge @!p0 [sflag:s22], $0x2000  }
0x73: {  	[sflag:s22] =	ssyncset.done @!p0 $0x0  }
0x74: {  	s29 =	simm.s32 @!p0 $0xE800;
	[sflag:s22] =	ssyncadd.s32 @!p0 $0xFFFFE000;
	s22 =	simm.s32 @!p0 $0x780  }
0x75: {  	[spmem:s2] =	stream.indirect.scatter.add.f32 @!p0 [tilespmem:s29], [sflag:$0x14], $0x40, s22, s18, $0xb8;
	[tilespmem:$0x1A600] =	vst v63  }
0x76: {  	s22 =	simm.s32 @!p0 $0x10  }
0x77: {  	_ =	swait.ge @!p0 [sflag:s22], $0x2000  }
0x78: {  	[sflag:s22] =	ssyncset.done @!p0 $0x0  }
0x79: {  	s29 =	simm.s32 @!p0 $0x6800;
	[sflag:s22] =	ssyncadd.s32 @!p0 $0xFFFFE000;
	s22 =	simm.s32 @!p0 $0x180  }
0x7a: {  	[tilespmem:s29], [sflag:$0x8] =	stream.indirect.gather @!p0 [hbm4b:s4+s18], $0x40, s22, s18, $0xb8;
	[tilespmem:$0x1A600] =	vst v63  }
0x7b: {  	s18 =	sadd.s32 @!p0 s6, s10;
	s22 =	simm.s32 @!p0 $0x200  }
0x7c: {  	[tilespmem:s22], [sflag:$0x2] =	stream.linear.gather @!p0 [hbm4b:s18+s28], $0x200, $0x38;
	[tilespmem:$0x1A600] =	vst v63  }
0x7d: {  	s18 =	sshll.u32 @!p0 s23, $0x6  }
0x7e: {  	s22 =	simm.s32 @!p0 $0x400;
	s18 =	sadd.s32 @!p0 s7, s18  }
0x7f: {  	[tilespmem:s22], [sflag:$0x3] =	stream.linear.gather @!p0 [hbm4b:s18+s28], $0x200, $0x38;
	[tilespmem:$0x1A600] =	vst v63  }
0x80: {  	s18 =	simm.s32 @p0 $0xC  }
0x81: {  	s6 =	sadd.s32 $0x80, s6;
	_ =	swait.ge @p0 [sflag:s18], $0x2000  }
0x82: {  	p1 =	sne.s32 s6, $0xA00;
	[sflag:s18] =	ssyncset.done @p0 $0x0  }
0x83: {  	s22 =	simm.s32 @p0 $0xE800;
	[sflag:s18] =	ssyncadd.s32 @p0 $0xFFFFE000;
	s18 =	simm.s32 @p0 $0x780  }
0x84: {  	[spmem:s2] =	stream.indirect.scatter.add.f32 @p0 [tilespmem:s22], [sflag:$0x14], $0x40, s18, s15, $0xb8;
	[tilespmem:$0x1A600] =	vst v63  }
.Ltmp3:
0x85: {  	_ = 	snop;
	(pc) =	sbr.rel @!p1 .LBB2_8-.Ltmp3, $4  }
0x86: {  	s15 =	simm.s32 @p0 $0x10  }
0x87: {  	_ =	swait.ge @p0 [sflag:s15], $0x2000  }
0x88: {  	[sflag:s15] =	ssyncset.done @p0 $0x0  }
0x89: {  	s11 =	sadd.s32 $0x2, s11;
	[sflag:s15] =	ssyncadd.s32 @p0 $0xFFFFE000  }
.LBB2_2:
0x8a: {  	p0 =	seq.s32 s6, $0x0  }
0x8b: {  	s15 =	simm.s32 @p0 $0x2  }
0x8c: {  	_ =	swait.ge @p0 [sflag:s15], $0x200  }
0x8d: {  	[sflag:s15] =	ssyncset.done @p0 $0x0  }
0x8e: {  	[sflag:s15] =	ssyncadd.s32 @p0 $0xFFFFFE00;
	s15 =	simm.s32 @p0 $0x5  }
0x8f: {  	_ =	swait.ge @p0 [sflag:s15], $0x2000  }
0x90: {  	s23 =	simm.s32 @p0 $0x400;
	[sflag:s15] =	ssyncset.done @p0 $0x0  }
0x91: {  	s18 =	simm.s32 @p0 $0x800;
	[sflag:s15] =	ssyncadd.s32 @p0 $0xFFFFE000;
	s15 =	simm.s32 @p0 $0x80  }
0x92: {  	[spmem:s2] =	stream.indirect.scatter.add.f32 @p0 [tilespmem:s18], [sflag:$0xD], $0x40, s23, s15, $0xb8;
	[tilespmem:$0x1A600] =	vst v63  }
0x93: {  	s18 =	simm.s32 @!p0 $0x3  }
0x94: {  	_ =	swait.ge @!p0 [sflag:s18], $0x200  }
0x95: {  	[sflag:s18] =	ssyncset.done @!p0 $0x0  }
0x96: {  	[sflag:s18] =	ssyncadd.s32 @!p0 $0xFFFFFE00;
	s18 =	simm.s32 @!p0 $0x2  }
0x97: {  	_ =	swait.ge @!p0 [sflag:s18], $0x200  }
0x98: {  	[sflag:s18] =	ssyncset.done @!p0 $0x0  }
0x99: {  	[sflag:s18] =	ssyncadd.s32 @!p0 $0xFFFFFE00;
	s18 =	simm.s32 @!p0 $0x5  }
0x9a: {  	_ =	swait.ge @!p0 [sflag:s18], $0x2000  }
0x9b: {  	s28 =	simm.s32 @!p0 $0x800;
	[sflag:s18] =	ssyncset.done @!p0 $0x0  }
0x9c: {  	s23 =	simm.s32 @!p0 $0x400;
	[sflag:s18] =	ssyncadd.s32 @!p0 $0xFFFFE000;
	s18 =	simm.s32 @!p0 $0x80  }
0x9d: {  	[spmem:s2] =	stream.indirect.scatter.add.f32 @!p0 [tilespmem:s28], [sflag:$0xD], $0x40, s23, s18, $0xb8;
	[tilespmem:$0x1A600] =	vst v63  }
0x9e: {  	s23 =	simm.s32 @!p0 $0x11  }
0x9f: {  	_ =	swait.ge @!p0 [sflag:s23], $0x2000  }
0xa0: {  	[sflag:s23] =	ssyncset.done @!p0 $0x0  }
0xa1: {  	s22 =	simm.s32 $0x200;
	[sflag:s23] =	ssyncadd.s32 @!p0 $0xFFFFE000  }
0xa2: {  	[tilespmem:s25], [sflag:$0x9] =	stream.indirect.gather [hbm4b:s4+s16], $0x40, s22, s16, $0xb8;
	[tilespmem:$0x1A600] =	vst v63  }
0xa3: {  	_ =	swait.ge [sflag:s26], $0x2000  }
0xa4: {  	[sflag:s26] =	ssyncset.done $0x0  }
0xa5: {  	s29 =	simm.s32 $0x480;
	s28 =	simm.s32 $0x2800;
	[sflag:s26] =	ssyncadd.s32 $0xFFFFE000  }
0xa6: {  	[spmem:s2] =	stream.indirect.scatter.add.f32 [tilespmem:s28], [sflag:$0xE], $0x40, s29, s16, $0xb8;
	[tilespmem:$0x1A600] =	vst v63  }
0xa7: {  	s23 =	simm.s32 @p0 $0x280;
	s28 =	simm.s32 @p0 $0xA800  }
0xa8: {  	[tilespmem:s28], [sflag:$0xA] =	stream.indirect.gather @p0 [hbm4b:s4+s15], $0x40, s23, s15, $0xb8;
	[tilespmem:$0x1A600] =	vst v63  }
0xa9: {  	s23 =	simm.s32 @p0 $0x7  }
0xaa: {  	_ =	swait.ge @p0 [sflag:s23], $0x2000  }
0xab: {  	[sflag:s23] =	ssyncset.done @p0 $0x0  }
0xac: {  	s28 =	simm.s32 @p0 $0x4800;
	[sflag:s23] =	ssyncadd.s32 @p0 $0xFFFFE000;
	s23 =	simm.s32 @p0 $0x500  }
0xad: {  	[spmem:s2] =	stream.indirect.scatter.add.f32 @p0 [tilespmem:s28], [sflag:$0xF], $0x40, s23, s15, $0xb8;
	[tilespmem:$0x1A600] =	vst v63  }
0xae: {  	s15 =	simm.s32 @!p0 $0x12  }
0xaf: {  	_ =	swait.ge @!p0 [sflag:s15], $0x2000  }
0xb0: {  	[sflag:s15] =	ssyncset.done @!p0 $0x0  }
0xb1: {  	s23 =	simm.s32 @!p0 $0xA800;
	[sflag:s15] =	ssyncadd.s32 @!p0 $0xFFFFE000;
	s15 =	simm.s32 @!p0 $0x280  }
0xb2: {  	[tilespmem:s23], [sflag:$0xA] =	stream.indirect.gather @!p0 [hbm4b:s4+s18], $0x40, s15, s18, $0xb8;
	[tilespmem:$0x1A600] =	vst v63  }
0xb3: {  	s15 =	simm.s32 @!p0 $0x7  }
0xb4: {  	_ =	swait.ge @!p0 [sflag:s15], $0x2000  }
0xb5: {  	[sflag:s15] =	ssyncset.done @!p0 $0x0  }
0xb6: {  	s23 =	simm.s32 @!p0 $0x4800;
	[sflag:s15] =	ssyncadd.s32 @!p0 $0xFFFFE000;
	s15 =	simm.s32 @!p0 $0x500  }
0xb7: {  	[spmem:s2] =	stream.indirect.scatter.add.f32 @!p0 [tilespmem:s23], [sflag:$0xF], $0x40, s15, s18, $0xb8;
	[tilespmem:$0x1A600] =	vst v63  }
0xb8: {  	s15 =	simm.s32 @!p0 $0x13  }
0xb9: {  	_ =	swait.ge @!p0 [sflag:s15], $0x2000  }
0xba: {  	[sflag:s15] =	ssyncset.done @!p0 $0x0  }
0xbb: {  	s28 =	simm.s32 $0x300;
	[sflag:s15] =	ssyncadd.s32 @!p0 $0xFFFFE000;
	p0 =	sne.s32 s6, $0x0  }
0xbc: {  	[tilespmem:s30], [sflag:$0xB] =	stream.indirect.gather [hbm4b:s4+s16], $0x40, s28, s16, $0xb8;
	[tilespmem:$0x1A600] =	vst v63  }
.Ltmp4:
0xbd: {  	_ = 	snop;
	(pc) =	sbr.rel @!p0 .LBB2_3-.Ltmp4, $4  }
0xbe: {  	_ =	swait.ge [sflag:s31], $0x2000  }
0xbf: {  	[sflag:s31] =	ssyncset.done $0x0  }
0xc0: {  	s29 =	simm.s32 $0x6800;
	[sflag:s31] =	ssyncadd.s32 $0xFFFFE000  }
0xc1: {  	[spmem:s2] =	stream.indirect.scatter.add.f32 [tilespmem:s29], [sflag:$0x10], $0x40, s0, s16, $0xb8;
	[tilespmem:$0x1A600] =	vst v63  }
0xc2: {  	p0 =	seq.s32 s6, $0x980  }
.Ltmp5:
0xc3: {  	_ = 	snop;
	(pc) =	sbr.rel @p0 .LBB2_6-.Ltmp5, $4  }
.Ltmp6:
0xc4: {  	_ =	swait.ge [sflag:s14], $0x2000;
	(pc) =	sbr.rel @!p0 .LBB2_5-.Ltmp6, $4  }
0xc5: {  	[sflag:s14] =	ssyncset.done $0x0  }
0xc6: {  	s23 =	smov.u32 s11;
	[sflag:s14] =	ssyncadd.s32 $0xFFFFE000  }
0xc7: {  	[tilespmem:s13], [sflag:$0xC] =	stream.indirect.gather [hbm4b:s4+s16], $0x40, s1, s16, $0xb8;
	[tilespmem:$0x1A600] =	vst v63  }
0xc8: {  	_ = 	snop  }
.LBB2_3:
0xc9: {  	[tilespmem:s13], [sflag:$0xC] =	stream.indirect.gather [hbm4b:s4+s16], $0x40, s1, s16, $0xb8;
	[tilespmem:$0x1A600] =	vst v63  }
0xca: {  	s23 =	simm.s32 $0x2  }
.LBB2_5:
0xcb: {  	s15 =	sshll.u32 s23, $0x6  }
0xcc: {  	s15 =	sadd.s32 s12, s15  }
0xcd: {  	[tilespmem:s3], [sflag:$0x1] =	stream.linear.gather [hbm4b:s15+s3], $0x200, $0x38;
	[tilespmem:$0x1A600] =	vst v63  }
.Ltmp7:
0xce: {  	s29 =	sadd.s32 s6, s24;
	(pc) =	sbr.rel .LBB2_7-.Ltmp7, $4  }
0xcf: {  	[tilespmem:s17], [sflag:$0x4] =	stream.linear.gather [hbm4b:s29+s3], $0x200, $0x38;
	[tilespmem:$0x1A600] =	vst v63  }
0xd0: {  	_ =	swait.ge [sflag:s19], $0x200  }
0xd1: {  	[sflag:s19] =	ssyncset.done $0x0  }
0xd2: {  	p0 =	por $0x0, $0x0;
	s15 =	simm.s32 $0x1;
	[sflag:s19] =	ssyncadd.s32 $0xFFFFFE00  }
.LBB2_9:
0xd3: {  	_ =	sfence.sel $0x180000  }
0xd4: {  	[bflag:$0x0] =	sbarrier.arrive $0xFFFF  }
0xd5: {  	_ =	strace $0x9000004D  }
0xd6: {  	s0 =	stileid.u32;
	[bflag:$0x2] =	sbarrier.arrive $0xFFFF  }
0xd7: {  	p0 =	sne.s32 s0, $0x0;
	s0 =	rddreg [dreg:$0x3]  }
0xd8: {  	s0 =	sadd.s32 @!p0 $0x100000, s0  }
0xd9: {  	[sflag:s0] =	ssyncadd.tile.s32 @!p0 $0x1;
	_ =	shalt  }
.Lfunc_end2:
_tile_overlayer_lowered:
.L_overlay_start_2:
0xda: {  	(tag) =	ssettag $0x2  }
0xdb: {  	s0 =	rddreg [dreg:$0x0];
	s2 =	stileid.u32  }
0xdc: {  	s1 =	rddreg [dreg:$0x1];
	p0 =	sne.s32 s2, $0x0  }
0xdd: {  	s3 =	rddreg [dreg:$0x2];
	[bflag:$0x3] =	sbarrier.arrive $0xFFFF;
	s2 =	simm.s32 @!p0 $0x1C15  }
0xde: {  	[timem:s3], [sflag:s2] =	dma.local @!p0 [hbm:s0], s1  }
0xdf: {  	s0 =	simm.s32 @!p0 $0x15  }
0xe0: {  	_ =	swait.ge @!p0 [sflag:s0], s1  }
0xe1: {  	s1 =	ssub.s32 @!p0 $0x0, s1;
	[sflag:s0] =	ssyncset.done @!p0 $0x0  }
0xe2: {  	[sflag:s0] =	ssyncadd.s32 @!p0 s1  }
0xe3: {  	[bflag:$0x3] =	sbarrier.arrive $0xFFFF  }
0xe4: {  	_ =	shalt  }

// kernel: kernel.19.cloned.1.call-start
scs
__scs_entry_jumppad:
0x0: {  	(pc) =	sbr.rel $0x88, $3  }
0x1: {  	(tag) =	ssettag $0x0;
	lr =	simm.s32 $0x1  }
0x2: {  	[smem:$0x3F99] =	sst lr;
	_ =	strace $0xD0000000  }
0x3: {  	_ = 	snop  }
0x4: {  	_ = 	snop  }
0x5: {  	_ = 	snop  }
0x6: {  	_ = 	snop  }
0x7: {  	_ = 	snop  }
__scs_overlays_trampoline_lowered:
0x8: {  	[smem:$0x3FA8] =	sst s0  }
0x9: {  	[smem:$0x3FA9] =	sst s1  }
0xa: {  	[smem:$0x3FAA] =	sst s2  }
0xb: {  	[smem:$0x3FAB] =	sst s3  }
0xc: {  	[smem:$0x3FAC] =	sst s4  }
0xd: {  	[smem:$0x3FAD] =	sst s5  }
0xe: {  	[smem:$0x3FAE] =	sst s6  }
0xf: {  	[smem:$0x3FAF] =	sst s7  }
0x10: {  	[smem:$0x3FB0] =	sst s8  }
0x11: {  	[smem:$0x3FB1] =	sst s9;
	s0 =	simm.s32 @!p0 $0x0  }
0x12: {  	s1 =	sld [smem:$0x3F97];
	s0 =	simm.s32 @p0 $0x1  }
0x13: {  	[smem:$0x3FB2] =	sst s0;
	s0 =	simm.s32 @!p1 $0x0  }
0x14: {  	s2 =	sld [smem:$0x3F96];
	s0 =	simm.s32 @p1 $0x1  }
0x15: {  	[smem:$0x3FB3] =	sst s0;
	s0 =	simm.s32 @!p2 $0x0  }
0x16: {  	s3 =	sld [smem:$0x3FDB];
	s0 =	simm.s32 @p2 $0x1  }
0x17: {  	s4 =	simm.s32 $0x1BF5;
	[smem:$0x3FB5] =	sst s0  }
0x18: {  	s0 =	sld [smem:$0x3F98];
	_ =	swait.ge [sflag:s4], $0x0  }
0x19: {  	s7 =	sld [smem:$0x3F99]  }
0x1a: {  	s8 =	sadd.s32 $0xFFFFE003, lr  }
0x1b: {  	s9 =	sadd.s32 $0xFFFFFEF7, lr;
	s5 =	simm.s32 $0xFFFFFFFF;
	p2 =	slt.u32 s8, $0xFFFFF086  }
0x1c: {  	p1 =	slt.u32 s9, $0xF7A;
	s5 =	simm.s32 @!p2 $0x0  }
0x1d: {  	s5 =	simm.s32 @p1 $0x1;
	p0 =	seq.s32 s7, s2  }
0x1e: {  	s7 =	smul.u32 @!p0 $0xF7A, s2;
	p2 =	seq.s32 @!p0 s5, $0x0  }
0x1f: {  	s9 =	smul.u32 $0xF7A, s1;
	s8 =	simm.s32 @!p0 $0x1BF5;
	p2 =	por !p2, p0  }
0x20: {  	[sflag:s8] =	ssyncset.s32 @!p0 $0xFFFFF086;
	s6 =	sadd.s32 @!p0 s3, s7;
	s7 =	simm.s32 @!p0 $0x108  }
0x21: {  	s3 =	sadd.s32 s3, s9;
	s6 =	sadd.s32 @!p0 $0x88, s6;
	s7 =	simm.s32 @p2 $0x1082  }
0x22: {  	[simem:s7], [sflag:s8] =	dma.local @!p0 [hbm:s6], $0xF7A  }
0x23: {  	s9 =	sor.u32 $0xD0000000, s2;
	s6 =	simm.s32 $0x108;
	_ =	swait.ge @!p0 [sflag:s8], $0x0  }
0x24: {  	s3 =	sadd.s32 $0x88, s3;
	s6 =	simm.s32 @!p1 $0x1082;
	[sflag:s4] =	ssyncset.s32 $0xFFFFF086  }
0x25: {  	[simem:s6], [sflag:s4] =	dma.local [hbm:s3], $0xF7A  }
0x26: {  	[smem:$0x3F99] =	sst s1;
	(tag) =	ssettag s2;
	_ =	strace s9  }
0x27: {  	s1 =	sld [smem:$0x3FA9]  }
0x28: {  	s2 =	sld [smem:$0x3FAA]  }
0x29: {  	s4 =	sld [smem:$0x3FAC]  }
0x2a: {  	p0 =	seq.s32 s5, $0x0;
	s5 =	sld [smem:$0x3FAD]  }
0x2b: {  	s6 =	sld [smem:$0x3FAE]  }
0x2c: {  	s7 =	sld [smem:$0x3FAF]  }
0x2d: {  	s3 =	simm.s32 $0x108;
	s8 =	sld [smem:$0x3FB0]  }
0x2e: {  	s3 =	simm.s32 @!p0 $0x1082;
	s9 =	sld [smem:$0x3FB1]  }
0x2f: {  	lr =	sadd.s32 s0, s3;
	s0 =	sld [smem:$0x3FA8]  }
0x30: {  	s3 =	sld [smem:$0x3FAB]  }
0x31: {  	[smem:$0x3FB4] =	sst s10  }
0x32: {  	s10 =	sld [smem:$0x3FB2];
	_ =	sdelay $0x3  }
0x33: {  	p0 =	seq.s32 s10, $0x1;
	s10 =	sld [smem:$0x3FB4];
	_ =	sdelay $0x3  }
0x34: {  	[smem:$0x3FB4] =	sst s10  }
0x35: {  	s10 =	sld [smem:$0x3FB3];
	_ =	sdelay $0x3  }
0x36: {  	p1 =	seq.s32 s10, $0x1;
	s10 =	sld [smem:$0x3FB4];
	_ =	sdelay $0x3  }
0x37: {  	[smem:$0x3FB4] =	sst s10  }
0x38: {  	s10 =	sld [smem:$0x3FB5]  }
0x39: {  	_ = 	snop;
	(pc) =	sbr.ind lr, $3  }
0x3a: {  	_ = 	snop  }
0x3b: {  	_ = 	snop  }
0x3c: {  	p2 =	seq.s32 s10, $0x1;
	s10 =	sld [smem:$0x3FB4]  }
0x3d: {  	_ =	shalt  }
0x3e: {  	_ =	shalt  }
0x3f: {  	_ =	shalt  }
0x40: {  	_ =	shalt  }
0x41: {  	_ =	shalt  }
0x42: {  	_ =	shalt  }
0x43: {  	_ =	shalt  }
0x44: {  	_ =	shalt  }
0x45: {  	_ =	shalt  }
0x46: {  	_ =	shalt  }
0x47: {  	_ =	shalt  }
0x48: {  	_ =	shalt  }
0x49: {  	_ =	shalt  }
0x4a: {  	_ =	shalt  }
0x4b: {  	_ =	shalt  }
0x4c: {  	_ =	shalt  }
0x4d: {  	_ =	shalt  }
0x4e: {  	_ =	shalt  }
0x4f: {  	_ =	shalt  }
0x50: {  	_ =	shalt  }
0x51: {  	_ =	shalt  }
0x52: {  	_ =	shalt  }
0x53: {  	_ =	shalt  }
0x54: {  	_ =	shalt  }
0x55: {  	_ =	shalt  }
0x56: {  	_ =	shalt  }
0x57: {  	_ =	shalt  }
0x58: {  	_ =	shalt  }
0x59: {  	_ =	shalt  }
0x5a: {  	_ =	shalt  }
0x5b: {  	_ =	shalt  }
0x5c: {  	_ =	shalt  }
0x5d: {  	_ =	shalt  }
0x5e: {  	_ =	shalt  }
0x5f: {  	_ =	shalt  }
0x60: {  	_ =	shalt  }
0x61: {  	_ =	shalt  }
0x62: {  	_ =	shalt  }
0x63: {  	_ =	shalt  }
0x64: {  	_ =	shalt  }
0x65: {  	_ =	shalt  }
0x66: {  	_ =	shalt  }
0x67: {  	_ =	shalt  }
0x68: {  	_ =	shalt  }
0x69: {  	_ =	shalt  }
0x6a: {  	_ =	shalt  }
0x6b: {  	_ =	shalt  }
0x6c: {  	_ =	shalt  }
0x6d: {  	_ =	shalt  }
0x6e: {  	_ =	shalt  }
0x6f: {  	_ =	shalt  }
0x70: {  	_ =	shalt  }
0x71: {  	_ =	shalt  }
0x72: {  	_ =	shalt  }
0x73: {  	_ =	shalt  }
0x74: {  	_ =	shalt  }
0x75: {  	_ =	shalt  }
0x76: {  	_ =	shalt  }
0x77: {  	_ =	shalt  }
0x78: {  	_ =	shalt  }
0x79: {  	_ =	shalt  }
0x7a: {  	_ =	shalt  }
0x7b: {  	_ =	shalt  }
0x7c: {  	_ =	shalt  }
0x7d: {  	_ =	shalt  }
0x7e: {  	_ =	shalt  }
0x7f: {  	_ =	shalt  }
0x80: {  	_ =	shalt  }
0x81: {  	_ =	shalt  }
0x82: {  	_ =	shalt  }
0x83: {  	_ =	shalt  }
0x84: {  	_ =	shalt  }
0x85: {  	_ =	shalt  }
0x86: {  	_ =	shalt  }
0x87: {  	_ =	shalt  }
.Lfunc_end0:
.L_simem_size_0:
called_computation.3_lowered:
.L_overlay_start_0:
0x88: {  	s2 =	sld [smem:$0x3FD9]  }
0x89: {  	s3 =	sld [smem:$0x3FFE];
	_ =	sdelay $0x1  }
0x8a: {  	s1 =	srdreg.scid  }
0x8b: {  	s0 =	sand.u32 $0x1, s1  }
0x8c: {  	s17 =	sshll.u32 s0, $0xA;
	s2 =	sadd.s32 s3, s2  }
0x8d: {  	s2 =	sadd.s32 s2, s17  }
0x8e: {  	[smem:$0x3FC0] =	sst s2  }
0x8f: {  	_ = 	snop  }
0x90: {  	s2 =	sld [smem:$0x3FD0];
	(tm) =	ssettm $0x1  }
0x91: {  	s18 =	sld [smem:$0x3FFB];
	_ =	sdelay $0x3  }
0x92: {  	_ =	strace s18  }
0x93: {  	s3 =	sld [smem:$0x3FFC];
	_ =	sdelay $0x3  }
0x94: {  	_ =	strace s3  }
0x95: {  	s3 =	sld [smem:$0x3FFD];
	_ =	sdelay $0x3  }
0x96: {  	_ =	strace s3  }
0x97: {  	_ =	strace $0x8FFFFFFF  }
0x98: {  	s19 =	sld [smem:$0x3FDB];
	_ =	sdelay $0x1  }
0x99: {  	s4 =	simm.s32 $_scs_section_size  }
0x9a: {  	s5 =	simm.s32 $_size__tile_overlayer_lowered;
	s6 =	simm.s32 $_tile_overlayer_lowered  }
0x9b: {  	s22 =	simm.s32 $0x1BFF;
	s21 =	sshll.u32 s6, $0x1;
	s3 =	sadd.s32 s4, s19  }
0x9c: {  	s7 =	simm.s32 $0x0;
	s20 =	sshll.u32 s5, $0x1;
	s5 =	sadd.s32 s21, s3  }
0x9d: {  	[timem:s7], [sflag:s22] =	dma.local [hbm:s5], s20  }
0x9e: {  	_ =	swait.ge [sflag:s22], s20  }
0x9f: {  	s4 =	ssub.s32 $0x0, s20;
	[sflag:s22] =	ssyncset.done $0x0  }
0xa0: {  	[sflag:s22] =	ssyncadd.s32 s4;
	_ =	sdelay $0x1  }
0xa1: {  	s23 =	simm.s32 $0x1B8B  }
0xa2: {  	_ =	swait.ge [sflag:s23], $0x1  }
0xa3: {  	[sflag:s23] =	ssyncset.done $0x0  }
0xa4: {  	s25 =	simm.s32 $0x1B8E;
	s24 =	sld [smem:$0x3FFE];
	[sflag:s23] =	ssyncadd.s32 $0xFFFFFFFF  }
0xa5: {  	s26 =	simm.s32 $execute0_lowered;
	[smem:$0x3FD2] =	sst s25  }
0xa6: {  	s5 =	sshll.u32 s26, $0x1;
	_ =	strace $0x8000004F;
	[dreg:$0x1] =	wrdreg $0xFFFFFFFF  }
0xa7: {  	s28 =	simm.s32 $_size_execute0_lowered;
	s3 =	sadd.s32 s3, s5;
	[dreg:$0x0] =	wrdreg $0x0  }
0xa8: {  	s5 =	sshll.u32 s28, $0x1;
	[dreg:$0x2] =	wrdreg s3  }
0xa9: {  	[dreg:$0x3] =	wrdreg s5  }
0xaa: {  	[dreg:$0x4] =	wrdreg $0xC0  }
0xab: {  	_ =	task [dreg:s7], $0x5FFFF  }
0xac: {  	[dreg:$0x1] =	wrdreg $0xFFFFFFFF  }
0xad: {  	[dreg:$0x0] =	wrdreg $0x60  }
0xae: {  	[dreg:$0x2] =	wrdreg s24  }
0xaf: {  	[dreg:$0x3] =	wrdreg s2  }
0xb0: {  	[dreg:$0x4] =	wrdreg $0x108000  }
0xb1: {  	[dreg:$0x5] =	wrdreg $0x9  }
0xb2: {  	_ =	task.clear_ibuf [dreg:s7], $0x6FFFF;
	_ =	strace $0x9000004F  }
0xb3: {  	s29 =	simm.s32 $0x9;
	_ =	strace $0x80000051  }
0xb4: {  	_ =	swait.ge [sflag:s29], $0x1  }
0xb5: {  	[sflag:s29] =	ssyncadd.s32 $0xFFFFFFFF  }
0xb6: {  	_ =	strace $0x90000051  }
0xb7: {  	_ =	sfence  }
0xb8: {  	s30 =	sld [smem:$0x0];
	_ =	sdelay $0x2  }
0xb9: {  	s31 =	sshll.u32 s1, $0xD;
	s1 =	sshrl.u32 s1, $0x2  }
0xba: {  	s3 =	sand.u32 $0x4000, s31;
	s1 =	sadd.s32 s1, s30  }
0xbb: {  	s0 =	sor.u32 s3, s0;
	s1 =	sshll.u32 s1, $0x11  }
0xbc: {  	s0 =	sor.u32 s1, s0  }
0xbd: {  	s0 =	sadd.s32 $0x8F2B, s0  }
0xbe: {  	[sflag:s0] =	ssyncadd.remote.s32 $0x1  }
0xbf: {  	_ =	sfence.sel $0xFFFF  }
0xc0: {  	[dreg:$0x0] =	wrdreg $0xFFFFFFFF;
	(pc) =	sbr.abs _section_cstart, $3  }
0xc1: {  	[dreg:$0x1] =	wrdreg $0xFFFFFFFF  }
0xc2: {  	_ =	task.clear_ibuf [dreg:s7], $0x2FFFF;
	_ =	strace $0x9FFFFFFF  }
0xc3: {  	(tm) =	ssettm $0x7FFFFFFF  }
tec
execute0_lowered:
.L_overlay_start_1:
0x0: {  	(tag) =	ssettag $0x1  }
0x1: {  	s0 =	rddreg [dreg:$0x0]  }
0x2: {  	s1 =	rddreg [dreg:$0x1]  }
0x3: {  	s2 =	rddreg [dreg:$0x2];
	s12 =	stileid.u32;
	s3 =	simm.s32 $0x0  }
0x4: {  	s4 =	srdreg.scid;
	s15 =	simm.s32 $0x15;
	s16 =	simm.s32 $0x80  }
0x5: {  	s30 =	simm.s32 $0xC800;
	s31 =	simm.s32 $0x8;
	s13 =	simm.s32 $0xE800  }
0x6: {  	s17 =	simm.s32 $0x600;
	s19 =	simm.s32 $0x4;
	s20 =	simm.s32 $0x9  }
0x7: {  	s21 =	simm.s32 $0xD;
	s14 =	simm.s32 $0x14;
	s5 =	smul.u32 $0xA00, s12  }
0x8: {  	s18 =	simm.s32 $0x0;
	s6 =	smul.u32 $0x9E00, s12;
	[smem:$0x7FF] =	sst s3  }
0x9: {  	s7 =	sand.u32 $0x1, s4;
	s8 =	smul.u32 $0x13C0, s12;
	s4 =	sadd.s32 $0xD600, s0  }
0xa: {  	s25 =	sshll.u32 s12, $0x6;
	_ =	strace $0x80000050;
	s9 =	smul.u32 $0x13C00, s7  }
0xb: {  	s23 =	ssub.s32 $0x2, s7;
	s7 =	smul.u32 $0xA000, s7;
	s10 =	sadd.s32 s5, s0  }
0xc: {  	s11 =	sshrl.u32 s6, $0x3;
	s24 =	sshrl.u32 s23, $0x1;
	s6 =	sadd.s32 s6, s2  }
0xd: {  	s11 =	sadd.s32 s11, s0;
	s8 =	sadd.s32 s8, s9;
	s1 =	sadd.s32 s1, s7  }
0xe: {  	s7 =	sadd.s32 $0x3600, s10;
	s10 =	sshrl.u32 s6, $0x3;
	s9 =	simm.s32 $0xF  }
0xf: {  	s0 =	sadd.s32 s8, s0;
	s8 =	ssub.s32 s23, s24;
	s11 =	sadd.s32 $0x34E00, s11  }
0x10: {  	s12 =	sadd.s32 s5, s1;
	s29 =	sadd.s32 $0x9C0, s7;
	[dreg:$0x8] =	wrdreg s10  }
0x11: {  	s24 =	sadd.s32 $0x40, s7;
	s1 =	simm.s32 $0x380;
	[dreg:$0x4] =	wrdreg s11  }
.Ltmp0:
0x12: {  	s0 =	sadd.s32 $0x48A00, s0;
	[dreg:$0xa] =	wrdreg s29;
	(pc) =	sbr.rel .LBB2_1-.Ltmp0, $4  }
0x13: {  	s5 =	simm.s32 $0xB;
	s26 =	smax.u32 s8, $0x1;
	[dreg:$0x6] =	wrdreg s0  }
0x14: {  	s11 =	sor.u32 $0x1C15, s25;
	s28 =	sadd.s32 $0x40, s12;
	[dreg:$0x7] =	wrdreg s26  }
0x15: {  	s25 =	simm.s32 $0x8800;
	s8 =	simm.s32 $0x700;
	[dreg:$0x9] =	wrdreg s28  }
0x16: {  	s26 =	simm.s32 $0x6;
	s0 =	simm.s32 $0x580;
	[dreg:$0x5] =	wrdreg s11  }
.LBB2_8:
0x17: {  	s6 =	simm.s32 $0x11  }
0x18: {  	_ =	swait.ge [sflag:s6], $0x2000  }
0x19: {  	[sflag:s6] =	ssyncset.done $0x0  }
0x1a: {  	s22 =	simm.s32 $0x12;
	[sflag:s6] =	ssyncadd.s32 $0xFFFFE000  }
0x1b: {  	_ =	swait.ge [sflag:s22], $0x2000  }
0x1c: {  	[sflag:s22] =	ssyncset.done $0x0  }
0x1d: {  	s23 =	simm.s32 $0x13;
	[sflag:s22] =	ssyncadd.s32 $0xFFFFE000  }
0x1e: {  	_ =	swait.ge [sflag:s23], $0x2000  }
0x1f: {  	[sflag:s23] =	ssyncset.done $0x0  }
0x20: {  	[sflag:s23] =	ssyncadd.s32 $0xFFFFE000  }
0x21: {  	_ =	swait.ge [sflag:s14], $0x2000  }
0x22: {  	[sflag:s14] =	ssyncset.done $0x0  }
0x23: {  	[sflag:s14] =	ssyncadd.s32 $0xFFFFE000  }
0x24: {  	[bflag:$0x0] =	sbarrier.arrive $0xFFFF  }
0x25: {  	s11 =	rddreg [dreg:$0x5]  }
0x26: {  	s28 =	rddreg [dreg:$0x6]  }
0x27: {  	s15 =	simm.s32 $0x15;
	s10 =	rddreg [dreg:$0x8]  }
0x28: {  	[hbm:s28], [sflag:s11] =	dma.local [spmem:s10], $0x13C0  }
0x29: {  	_ =	swait.ge [sflag:s15], $0x13C0  }
0x2a: {  	s18 =	rddreg [dreg:$0xb]  }
0x2b: {  	s29 =	rddreg [dreg:$0x7];
	s18 =	sadd.s32 $0x1, s18  }
0x2c: {  	p0 =	sne.s32 s18, s29  }
.Ltmp1:
0x2d: {  	_ = 	snop;
	(pc) =	sbr.rel @!p0 .LBB2_9-.Ltmp1, $3  }
0x2e: {  	_ =	sdelay $0x1  }
0x2f: {  	[sflag:s15] =	ssyncset.done $0x0  }
0x30: {  	[sflag:s15] =	ssyncadd.s32 $0xFFFFEC40  }
.LBB2_1:
0x31: {  	[dreg:$0xb] =	wrdreg s18  }
0x32: {  	s6 =	rddreg [dreg:$0x4]  }
0x33: {  	[spmem:s10], [sflag:s11] =	dma.local [hbm:s6], $0x13C0  }
0x34: {  	_ =	swait.ge [sflag:s15], $0x13C0  }
0x35: {  	[sflag:s15] =	ssyncset.done $0x0  }
0x36: {  	[sflag:s15] =	ssyncadd.s32 $0xFFFFEC40  }
0x37: {  	[tilespmem:s3], [sflag:$0x15] =	stream.linear.gather [hbm4b:s12+s3], $0x200, $0x38;
	[tilespmem:$0x1A600] =	vst v63  }
0x38: {  	_ =	swait.ge [sflag:s15], $0x200  }
0x39: {  	[sflag:s15] =	ssyncset.done $0x0  }
0x3a: {  	s29 =	simm.s32 $0x400;
	[sflag:s15] =	ssyncadd.s32 $0xFFFFFE00  }
0x3b: {  	[tilespmem:s29], [sflag:$0x15] =	stream.linear.gather [hbm4b:s7+s3], $0x200, $0x38;
	[tilespmem:$0x1A600] =	vst v63  }
0x3c: {  	_ =	swait.ge [sflag:s15], $0x200  }
0x3d: {  	[sflag:s15] =	ssyncset.done $0x0  }
0x3e: {  	s11 =	simm.s32 $0x200;
	s10 =	rddreg [dreg:$0x9];
	[sflag:s15] =	ssyncadd.s32 $0xFFFFFE00  }
0x3f: {  	[tilespmem:s11], [sflag:$0x2] =	stream.linear.gather [hbm4b:s10+s3], $0x200, $0x38;
	[tilespmem:$0x1A600] =	vst v63  }
0x40: {  	s15 =	simm.s32 $0x800;
	[bflag:$0x0] =	sbarrier.arrive $0xFFFF  }
0x41: {  	[tilespmem:s15], [sflag:$0x5] =	stream.indirect.gather [hbm4b:s4+s16], $0x40, s3, s16, $0xb8;
	[tilespmem:$0x1A600] =	vst v63  }
0x42: {  	s18 =	simm.s32 $0x2800  }
0x43: {  	[tilespmem:s18], [sflag:$0x6] =	stream.indirect.gather [hbm4b:s4+s16], $0x40, s16, s16, $0xb8;
	[tilespmem:$0x1A600] =	vst v63  }
.Ltmp2:
0x44: {  	s22 =	simm.s32 $0x100;
	(pc) =	sbr.rel .LBB2_2-.Ltmp2, $4  }
0x45: {  	s23 =	simm.s32 $0x4800;
	s28 =	simm.s32 $0x180;
	s6 =	simm.s32 $0x0  }
0x46: {  	[tilespmem:s23], [sflag:$0x7] =	stream.indirect.gather [hbm4b:s4+s16], $0x40, s22, s16, $0xb8;
	[tilespmem:$0x1A600] =	vst v63  }
0x47: {  	s29 =	simm.s32 $0x6800;
	s10 =	sadd.s32 $0xC0, s12;
	s11 =	simm.s32 $0x2  }
0x48: {  	[tilespmem:s29], [sflag:$0x8] =	stream.indirect.gather [hbm4b:s4+s16], $0x40, s28, s16, $0xb8;
	[tilespmem:$0x1A600] =	vst v63  }
.LBB2_6:
0x49: {  	s15 =	rddreg [dreg:$0xa]  }
0x4a: {  	[tilespmem:s17], [sflag:$0x4] =	stream.linear.gather [hbm4b:s15+s3], $0x200, $0x38;
	[tilespmem:$0x1A600] =	vst v63  }
0x4b: {  	p0 =	por $0x1, $0x1;
	s23 =	smov.u32 s11;
	s15 =	simm.s32 $0x4  }
.LBB2_7:
0x4c: {  	_ =	swait.ge [sflag:s15], $0x200  }
0x4d: {  	[sflag:s15] =	ssyncset.done $0x0  }
0x4e: {  	[sflag:s15] =	ssyncadd.s32 $0xFFFFFE00  }
0x4f: {  	_ =	swait.ge [sflag:s20], $0x2000  }
0x50: {  	[sflag:s20] =	ssyncset.done $0x0  }
0x51: {  	[sflag:s20] =	ssyncadd.s32 $0xFFFFE000  }
0x52: {  	[spmem:s2] =	stream.indirect.scatter.add.f32 [tilespmem:s25], [sflag:$0x11], $0x40, s17, s16, $0xb8;
	[tilespmem:$0x1A600] =	vst v63  }
0x53: {  	_ =	swait.ge [sflag:s21], $0x2000  }
0x54: {  	[sflag:s21] =	ssyncset.done $0x0  }
0x55: {  	s15 =	simm.s32 @p0 $0xA;
	[sflag:s21] =	ssyncadd.s32 $0xFFFFE000  }
0x56: {  	_ =	swait.ge @p0 [sflag:s15], $0x2000  }
0x57: {  	s18 =	simm.s32 @p0 $0x680;
	[sflag:s15] =	ssyncset.done @p0 $0x0  }
0x58: {  	s28 =	simm.s32 @p0 $0xA800;
	[sflag:s15] =	ssyncadd.s32 @p0 $0xFFFFE000;
	s15 =	simm.s32 @p0 $0x80  }
0x59: {  	[spmem:s2] =	stream.indirect.scatter.add.f32 @p0 [tilespmem:s28], [sflag:$0x12], $0x40, s18, s15, $0xb8;
	[tilespmem:$0x1A600] =	vst v63  }
0x5a: {  	s18 =	simm.s32 @p0 $0xE  }
0x5b: {  	_ =	swait.ge @p0 [sflag:s18], $0x2000  }
0x5c: {  	s29 =	simm.s32 @!p0 $0x800;
	[sflag:s18] =	ssyncset.done @p0 $0x0  }
0x5d: {  	s28 =	simm.s32 @!p0 $0x0;
	[sflag:s18] =	ssyncadd.s32 @p0 $0xFFFFE000;
	s18 =	simm.s32 @!p0 $0x80  }
0x5e: {  	[tilespmem:s29], [sflag:$0x5] =	stream.indirect.gather @!p0 [hbm4b:s4+s18], $0x40, s28, s18, $0xb8;
	[tilespmem:$0x1A600] =	vst v63  }
0x5f: {  	s29 =	simm.s32 @!p0 $0xA  }
0x60: {  	_ =	swait.ge @!p0 [sflag:s29], $0x2000  }
0x61: {  	[sflag:s29] =	ssyncset.done @!p0 $0x0  }
0x62: {  	s22 =	simm.s32 @!p0 $0xA800;
	[sflag:s29] =	ssyncadd.s32 @!p0 $0xFFFFE000;
	s29 =	simm.s32 @!p0 $0x680  }
0x63: {  	[spmem:s2] =	stream.indirect.scatter.add.f32 @!p0 [tilespmem:s22], [sflag:$0x12], $0x40, s29, s18, $0xb8;
	[tilespmem:$0x1A600] =	vst v63  }
0x64: {  	s22 =	simm.s32 @!p0 $0xE  }
0x65: {  	_ =	swait.ge @!p0 [sflag:s22], $0x2000  }
0x66: {  	[sflag:s22] =	ssyncset.done @!p0 $0x0  }
0x67: {  	[sflag:s22] =	ssyncadd.s32 @!p0 $0xFFFFE000;
	s22 =	simm.s32 @!p0 $0x2800  }
0x68: {  	[tilespmem:s22], [sflag:$0x6] =	stream.indirect.gather @!p0 [hbm4b:s4+s18], $0x40, s18, s18, $0xb8;
	[tilespmem:$0x1A600] =	vst v63  }
0x69: {  	_ =	swait.ge [sflag:s5], $0x2000  }
0x6a: {  	[sflag:s5] =	ssyncset.done $0x0  }
0x6b: {  	[sflag:s5] =	ssyncadd.s32 $0xFFFFE000  }
0x6c: {  	[spmem:s2] =	stream.indirect.scatter.add.f32 [tilespmem:s30], [sflag:$0x13], $0x40, s8, s16, $0xb8;
	[tilespmem:$0x1A600] =	vst v63  }
0x6d: {  	_ =	swait.ge [sflag:s9], $0x2000  }
0x6e: {  	[sflag:s9] =	ssyncset.done $0x0  }
0x6f: {  	s29 =	simm.s32 @!p0 $0x4800;
	s22 =	simm.s32 @!p0 $0x100;
	[sflag:s9] =	ssyncadd.s32 $0xFFFFE000  }
0x70: {  	[tilespmem:s29], [sflag:$0x7] =	stream.indirect.gather @!p0 [hbm4b:s4+s18], $0x40, s22, s18, $0xb8;
	[tilespmem:$0x1A600] =	vst v63  }
0x71: {  	s22 =	simm.s32 @!p0 $0xC  }
0x72: {  	_ =	swait.ge @!p0 [sflag:s22], $0x2000  }
0x73: {  	[sflag:s22] =	ssyncset.done @!p0 $0x0  }
0x74: {  	s29 =	simm.s32 @!p0 $0xE800;
	[sflag:s22] =	ssyncadd.s32 @!p0 $0xFFFFE000;
	s22 =	simm.s32 @!p0 $0x780  }
0x75: {  	[spmem:s2] =	stream.indirect.scatter.add.f32 @!p0 [tilespmem:s29], [sflag:$0x14], $0x40, s22, s18, $0xb8;
	[tilespmem:$0x1A600] =	vst v63  }
0x76: {  	s22 =	simm.s32 @!p0 $0x10  }
0x77: {  	_ =	swait.ge @!p0 [sflag:s22], $0x2000  }
0x78: {  	[sflag:s22] =	ssyncset.done @!p0 $0x0  }
0x79: {  	s29 =	simm.s32 @!p0 $0x6800;
	[sflag:s22] =	ssyncadd.s32 @!p0 $0xFFFFE000;
	s22 =	simm.s32 @!p0 $0x180  }
0x7a: {  	[tilespmem:s29], [sflag:$0x8] =	stream.indirect.gather @!p0 [hbm4b:s4+s18], $0x40, s22, s18, $0xb8;
	[tilespmem:$0x1A600] =	vst v63  }
0x7b: {  	s18 =	sadd.s32 @!p0 s6, s10;
	s22 =	simm.s32 @!p0 $0x200  }
0x7c: {  	[tilespmem:s22], [sflag:$0x2] =	stream.linear.gather @!p0 [hbm4b:s18+s28], $0x200, $0x38;
	[tilespmem:$0x1A600] =	vst v63  }
0x7d: {  	s18 =	sshll.u32 @!p0 s23, $0x6  }
0x7e: {  	s22 =	simm.s32 @!p0 $0x400;
	s18 =	sadd.s32 @!p0 s7, s18  }
0x7f: {  	[tilespmem:s22], [sflag:$0x3] =	stream.linear.gather @!p0 [hbm4b:s18+s28], $0x200, $0x38;
	[tilespmem:$0x1A600] =	vst v63  }
0x80: {  	s18 =	simm.s32 @p0 $0xC  }
0x81: {  	s6 =	sadd.s32 $0x80, s6;
	_ =	swait.ge @p0 [sflag:s18], $0x2000  }
0x82: {  	p1 =	sne.s32 s6, $0xA00;
	[sflag:s18] =	ssyncset.done @p0 $0x0  }
0x83: {  	s22 =	simm.s32 @p0 $0xE800;
	[sflag:s18] =	ssyncadd.s32 @p0 $0xFFFFE000;
	s18 =	simm.s32 @p0 $0x780  }
0x84: {  	[spmem:s2] =	stream.indirect.scatter.add.f32 @p0 [tilespmem:s22], [sflag:$0x14], $0x40, s18, s15, $0xb8;
	[tilespmem:$0x1A600] =	vst v63  }
.Ltmp3:
0x85: {  	_ = 	snop;
	(pc) =	sbr.rel @!p1 .LBB2_8-.Ltmp3, $4  }
0x86: {  	s15 =	simm.s32 @p0 $0x10  }
0x87: {  	_ =	swait.ge @p0 [sflag:s15], $0x2000  }
0x88: {  	[sflag:s15] =	ssyncset.done @p0 $0x0  }
0x89: {  	s11 =	sadd.s32 $0x2, s11;
	[sflag:s15] =	ssyncadd.s32 @p0 $0xFFFFE000  }
.LBB2_2:
0x8a: {  	p0 =	seq.s32 s6, $0x0  }
0x8b: {  	s15 =	simm.s32 @p0 $0x2  }
0x8c: {  	_ =	swait.ge @p0 [sflag:s15], $0x200  }
0x8d: {  	[sflag:s15] =	ssyncset.done @p0 $0x0  }
0x8e: {  	[sflag:s15] =	ssyncadd.s32 @p0 $0xFFFFFE00;
	s15 =	simm.s32 @p0 $0x5  }
0x8f: {  	_ =	swait.ge @p0 [sflag:s15], $0x2000  }
0x90: {  	s23 =	simm.s32 @p0 $0x400;
	[sflag:s15] =	ssyncset.done @p0 $0x0  }
0x91: {  	s18 =	simm.s32 @p0 $0x800;
	[sflag:s15] =	ssyncadd.s32 @p0 $0xFFFFE000;
	s15 =	simm.s32 @p0 $0x80  }
0x92: {  	[spmem:s2] =	stream.indirect.scatter.add.f32 @p0 [tilespmem:s18], [sflag:$0xD], $0x40, s23, s15, $0xb8;
	[tilespmem:$0x1A600] =	vst v63  }
0x93: {  	s18 =	simm.s32 @!p0 $0x3  }
0x94: {  	_ =	swait.ge @!p0 [sflag:s18], $0x200  }
0x95: {  	[sflag:s18] =	ssyncset.done @!p0 $0x0  }
0x96: {  	[sflag:s18] =	ssyncadd.s32 @!p0 $0xFFFFFE00;
	s18 =	simm.s32 @!p0 $0x2  }
0x97: {  	_ =	swait.ge @!p0 [sflag:s18], $0x200  }
0x98: {  	[sflag:s18] =	ssyncset.done @!p0 $0x0  }
0x99: {  	[sflag:s18] =	ssyncadd.s32 @!p0 $0xFFFFFE00;
	s18 =	simm.s32 @!p0 $0x5  }
0x9a: {  	_ =	swait.ge @!p0 [sflag:s18], $0x2000  }
0x9b: {  	s28 =	simm.s32 @!p0 $0x800;
	[sflag:s18] =	ssyncset.done @!p0 $0x0  }
0x9c: {  	s23 =	simm.s32 @!p0 $0x400;
	[sflag:s18] =	ssyncadd.s32 @!p0 $0xFFFFE000;
	s18 =	simm.s32 @!p0 $0x80  }
0x9d: {  	[spmem:s2] =	stream.indirect.scatter.add.f32 @!p0 [tilespmem:s28], [sflag:$0xD], $0x40, s23, s18, $0xb8;
	[tilespmem:$0x1A600] =	vst v63  }
0x9e: {  	s23 =	simm.s32 @!p0 $0x11  }
0x9f: {  	_ =	swait.ge @!p0 [sflag:s23], $0x2000  }
0xa0: {  	[sflag:s23] =	ssyncset.done @!p0 $0x0  }
0xa1: {  	s22 =	simm.s32 $0x200;
	[sflag:s23] =	ssyncadd.s32 @!p0 $0xFFFFE000  }
0xa2: {  	[tilespmem:s25], [sflag:$0x9] =	stream.indirect.gather [hbm4b:s4+s16], $0x40, s22, s16, $0xb8;
	[tilespmem:$0x1A600] =	vst v63  }
0xa3: {  	_ =	swait.ge [sflag:s26], $0x2000  }
0xa4: {  	[sflag:s26] =	ssyncset.done $0x0  }
0xa5: {  	s29 =	simm.s32 $0x480;
	s28 =	simm.s32 $0x2800;
	[sflag:s26] =	ssyncadd.s32 $0xFFFFE000  }
0xa6: {  	[spmem:s2] =	stream.indirect.scatter.add.f32 [tilespmem:s28], [sflag:$0xE], $0x40, s29, s16, $0xb8;
	[tilespmem:$0x1A600] =	vst v63  }
0xa7: {  	s23 =	simm.s32 @p0 $0x280;
	s28 =	simm.s32 @p0 $0xA800  }
0xa8: {  	[tilespmem:s28], [sflag:$0xA] =	stream.indirect.gather @p0 [hbm4b:s4+s15], $0x40, s23, s15, $0xb8;
	[tilespmem:$0x1A600] =	vst v63  }
0xa9: {  	s23 =	simm.s32 @p0 $0x7  }
0xaa: {  	_ =	swait.ge @p0 [sflag:s23], $0x2000  }
0xab: {  	[sflag:s23] =	ssyncset.done @p0 $0x0  }
0xac: {  	s28 =	simm.s32 @p0 $0x4800;
	[sflag:s23] =	ssyncadd.s32 @p0 $0xFFFFE000;
	s23 =	simm.s32 @p0 $0x500  }
0xad: {  	[spmem:s2] =	stream.indirect.scatter.add.f32 @p0 [tilespmem:s28], [sflag:$0xF], $0x40, s23, s15, $0xb8;
	[tilespmem:$0x1A600] =	vst v63  }
0xae: {  	s15 =	simm.s32 @!p0 $0x12  }
0xaf: {  	_ =	swait.ge @!p0 [sflag:s15], $0x2000  }
0xb0: {  	[sflag:s15] =	ssyncset.done @!p0 $0x0  }
0xb1: {  	s23 =	simm.s32 @!p0 $0xA800;
	[sflag:s15] =	ssyncadd.s32 @!p0 $0xFFFFE000;
	s15 =	simm.s32 @!p0 $0x280  }
0xb2: {  	[tilespmem:s23], [sflag:$0xA] =	stream.indirect.gather @!p0 [hbm4b:s4+s18], $0x40, s15, s18, $0xb8;
	[tilespmem:$0x1A600] =	vst v63  }
0xb3: {  	s15 =	simm.s32 @!p0 $0x7  }
0xb4: {  	_ =	swait.ge @!p0 [sflag:s15], $0x2000  }
0xb5: {  	[sflag:s15] =	ssyncset.done @!p0 $0x0  }
0xb6: {  	s23 =	simm.s32 @!p0 $0x4800;
	[sflag:s15] =	ssyncadd.s32 @!p0 $0xFFFFE000;
	s15 =	simm.s32 @!p0 $0x500  }
0xb7: {  	[spmem:s2] =	stream.indirect.scatter.add.f32 @!p0 [tilespmem:s23], [sflag:$0xF], $0x40, s15, s18, $0xb8;
	[tilespmem:$0x1A600] =	vst v63  }
0xb8: {  	s15 =	simm.s32 @!p0 $0x13  }
0xb9: {  	_ =	swait.ge @!p0 [sflag:s15], $0x2000  }
0xba: {  	[sflag:s15] =	ssyncset.done @!p0 $0x0  }
0xbb: {  	s28 =	simm.s32 $0x300;
	[sflag:s15] =	ssyncadd.s32 @!p0 $0xFFFFE000;
	p0 =	sne.s32 s6, $0x0  }
0xbc: {  	[tilespmem:s30], [sflag:$0xB] =	stream.indirect.gather [hbm4b:s4+s16], $0x40, s28, s16, $0xb8;
	[tilespmem:$0x1A600] =	vst v63  }
.Ltmp4:
0xbd: {  	_ = 	snop;
	(pc) =	sbr.rel @!p0 .LBB2_3-.Ltmp4, $4  }
0xbe: {  	_ =	swait.ge [sflag:s31], $0x2000  }
0xbf: {  	[sflag:s31] =	ssyncset.done $0x0  }
0xc0: {  	s29 =	simm.s32 $0x6800;
	[sflag:s31] =	ssyncadd.s32 $0xFFFFE000  }
0xc1: {  	[spmem:s2] =	stream.indirect.scatter.add.f32 [tilespmem:s29], [sflag:$0x10], $0x40, s0, s16, $0xb8;
	[tilespmem:$0x1A600] =	vst v63  }
0xc2: {  	p0 =	seq.s32 s6, $0x980  }
.Ltmp5:
0xc3: {  	_ = 	snop;
	(pc) =	sbr.rel @p0 .LBB2_6-.Ltmp5, $4  }
.Ltmp6:
0xc4: {  	_ =	swait.ge [sflag:s14], $0x2000;
	(pc) =	sbr.rel @!p0 .LBB2_5-.Ltmp6, $4  }
0xc5: {  	[sflag:s14] =	ssyncset.done $0x0  }
0xc6: {  	s23 =	smov.u32 s11;
	[sflag:s14] =	ssyncadd.s32 $0xFFFFE000  }
0xc7: {  	[tilespmem:s13], [sflag:$0xC] =	stream.indirect.gather [hbm4b:s4+s16], $0x40, s1, s16, $0xb8;
	[tilespmem:$0x1A600] =	vst v63  }
0xc8: {  	_ = 	snop  }
.LBB2_3:
0xc9: {  	[tilespmem:s13], [sflag:$0xC] =	stream.indirect.gather [hbm4b:s4+s16], $0x40, s1, s16, $0xb8;
	[tilespmem:$0x1A600] =	vst v63  }
0xca: {  	s23 =	simm.s32 $0x2  }
.LBB2_5:
0xcb: {  	s15 =	sshll.u32 s23, $0x6  }
0xcc: {  	s15 =	sadd.s32 s12, s15  }
0xcd: {  	[tilespmem:s3], [sflag:$0x1] =	stream.linear.gather [hbm4b:s15+s3], $0x200, $0x38;
	[tilespmem:$0x1A600] =	vst v63  }
.Ltmp7:
0xce: {  	s29 =	sadd.s32 s6, s24;
	(pc) =	sbr.rel .LBB2_7-.Ltmp7, $4  }
0xcf: {  	[tilespmem:s17], [sflag:$0x4] =	stream.linear.gather [hbm4b:s29+s3], $0x200, $0x38;
	[tilespmem:$0x1A600] =	vst v63  }
0xd0: {  	_ =	swait.ge [sflag:s19], $0x200  }
0xd1: {  	[sflag:s19] =	ssyncset.done $0x0  }
0xd2: {  	p0 =	por $0x0, $0x0;
	s15 =	simm.s32 $0x1;
	[sflag:s19] =	ssyncadd.s32 $0xFFFFFE00  }
.LBB2_9:
0xd3: {  	_ =	sfence.sel $0x180000  }
0xd4: {  	[bflag:$0x0] =	sbarrier.arrive $0xFFFF  }
0xd5: {  	_ =	strace $0x90000050  }
0xd6: {  	s0 =	stileid.u32;
	[bflag:$0x2] =	sbarrier.arrive $0xFFFF  }
0xd7: {  	p0 =	sne.s32 s0, $0x0;
	s0 =	rddreg [dreg:$0x3]  }
0xd8: {  	s0 =	sadd.s32 @!p0 $0x100000, s0  }
0xd9: {  	[sflag:s0] =	ssyncadd.tile.s32 @!p0 $0x1;
	_ =	shalt  }
.Lfunc_end2:
_tile_overlayer_lowered:
.L_overlay_start_2:
0xda: {  	(tag) =	ssettag $0x2  }
0xdb: {  	s0 =	rddreg [dreg:$0x0];
	s2 =	stileid.u32  }
0xdc: {  	s1 =	rddreg [dreg:$0x1];
	p0 =	sne.s32 s2, $0x0  }
0xdd: {  	s3 =	rddreg [dreg:$0x2];
	[bflag:$0x3] =	sbarrier.arrive $0xFFFF;
	s2 =	simm.s32 @!p0 $0x1C15  }
0xde: {  	[timem:s3], [sflag:s2] =	dma.local @!p0 [hbm:s0], s1  }
0xdf: {  	s0 =	simm.s32 @!p0 $0x15  }
0xe0: {  	_ =	swait.ge @!p0 [sflag:s0], s1  }
0xe1: {  	s1 =	ssub.s32 @!p0 $0x0, s1;
	[sflag:s0] =	ssyncset.done @!p0 $0x0  }
0xe2: {  	[sflag:s0] =	ssyncadd.s32 @!p0 s1  }
0xe3: {  	[bflag:$0x3] =	sbarrier.arrive $0xFFFF  }
0xe4: {  	_ =	shalt  }

</sc_bundles>
